<compile_context>
chip_gen: v7x
topology: tpu7x:2x2x1
jax: 0.10.2.dev20260603
libtpu: 0.0.44.dev20260713+nightly
codegen_flags: <defaults>
</compile_context>

<pallas_src>
import functools

import jax
import jax.numpy as jnp
from jax import lax
from jax.experimental import pallas as pl
from jax.experimental.pallas import tpu as pltpu
from jax.experimental.pallas import tpu_sc as plsc

NN = 50000
EE = 800000
HH = 128
GG = 512

NC, NS = 2, 16
CH = 512
KG = 2
CPT = 100
E_PAD1 = NS * CPT * CH
CPT0 = 52
E_PAD0 = 2 * NS * CPT0 * CH
NPART = 8
PW = HH // NPART
RPT = NN // NS
NBLK = 50
BN = NN // NBLK

_f32 = jnp.float32


def _sc_mesh():
    return plsc.VectorSubcoreMesh(
        core_axis_name="c", subcore_axis_name="s", num_cores=NC, num_subcores=NS)


def _edge_pipeline(hqr, srow, drow, acc, bufs, sidx, didx, sems, n_chunks):
    gs0, gs1, ss0, ss1 = sems[:4]
    npairs = n_chunks // (2 * KG)

    def grp(gp, carry):
        ga = gp * 2
        isem = sems[4]
        dix = [pltpu.async_copy(srow.at[pl.ds(ga * KG, KG)], sidx.at[0], isem),
               pltpu.async_copy(srow.at[pl.ds((ga + 1) * KG, KG)], sidx.at[1], isem),
               pltpu.async_copy(drow.at[pl.ds(ga * KG, KG)], didx.at[0], isem),
               pltpu.async_copy(drow.at[pl.ds((ga + 1) * KG, KG)], didx.at[1], isem)]
        for d in dix:
            d.wait()
        dga = [pltpu.async_copy(hqr.at[sidx.at[0, b]], bufs.at[0, b], gs0)
               for b in range(KG)]
        dgb = [pltpu.async_copy(hqr.at[sidx.at[1, b]], bufs.at[1, b], gs1)
               for b in range(KG)]
        for d in dga:
            d.wait()
        dsa = [pltpu.async_copy(bufs.at[0, b], acc.at[didx.at[0, b]], ss0,
                                add=True) for b in range(KG)]
        for d in dgb:
            d.wait()
        dsb = [pltpu.async_copy(bufs.at[1, b], acc.at[didx.at[1, b]], ss1,
                                add=True) for b in range(KG)]
        for d in dsa:
            d.wait()
        for d in dsb:
            d.wait()
        return carry

    lax.fori_loop(0, npairs, grp, 0)


def _sc_agg_parts(h_all, src_h, dst_h):
    @functools.partial(
        pl.kernel,
        out_type=jax.ShapeDtypeStruct((NPART, NN, PW), _f32),
        mesh=_sc_mesh(),
        compiler_params=pltpu.CompilerParams(use_tc_tiling_on_sc=False),
        scratch_types=[
            pltpu.VMEM((2, KG, CH, PW), _f32),
            pltpu.VMEM((2, KG, CH), jnp.int32),
            pltpu.VMEM((2, KG, CH), jnp.int32),
            pltpu.VMEM_SHARED((NN + 8, PW), _f32),
        ] + [pltpu.SemaphoreType.DMA] * 8,
    )
    def k(hr, srcr, dstr, outr, bufs, sidx, didx, acc, *sems):
        c = lax.axis_index("c")
        s = lax.axis_index("s")
        srow = srcr.at[s]
        drow = dstr.at[s]
        r0 = s * RPT

        def one_pass(p, carry):
            q = 2 * p + c
            hqr = hr.at[q]
            oqr = outr.at[q]
            pltpu.sync_copy(hqr.at[pl.ds(r0, RPT)], acc.at[pl.ds(r0, RPT)])
            plsc.subcore_barrier()
            _edge_pipeline(hqr, srow, drow, acc, bufs, sidx, didx, sems, CPT)
            plsc.subcore_barrier()
            pltpu.sync_copy(acc.at[pl.ds(r0, RPT)], oqr.at[pl.ds(r0, RPT)])
            plsc.subcore_barrier()
            return carry

        lax.fori_loop(0, NPART // 2, one_pass, 0)

    return k(h_all, src_h, dst_h)


def _sc_agg_l0(x, z2, src_h, dst_h):
    @functools.partial(
        pl.kernel,
        out_type=[jax.ShapeDtypeStruct((NN, 16), _f32)] * 2,
        mesh=_sc_mesh(),
        compiler_params=pltpu.CompilerParams(use_tc_tiling_on_sc=False),
        scratch_types=[
            pltpu.VMEM((2, KG, CH, 16), _f32),
            pltpu.VMEM((2, KG, CH), jnp.int32),
            pltpu.VMEM((2, KG, CH), jnp.int32),
            pltpu.VMEM_SHARED((NN + 8, 16), _f32),
        ] + [pltpu.SemaphoreType.DMA] * 8,
    )
    def k(xr, zr, srcr, dstr, o0, o1, bufs, sidx, didx, acc, *sems):
        c = lax.axis_index("c")
        s = lax.axis_index("s")
        w = c * NS + s
        srow = srcr.at[w]
        drow = dstr.at[w]
        r0 = s * RPT
        for cc in range(2):
            init = (xr, zr)[cc]
            out = (o0, o1)[cc]

            @pl.when(c == cc)
            def _(init=init, out=out):
                pltpu.sync_copy(init.at[pl.ds(r0, RPT)], acc.at[pl.ds(r0, RPT)])
                plsc.subcore_barrier()
                _edge_pipeline(xr, srow, drow, acc, bufs, sidx, didx, sems, CPT0)
                plsc.subcore_barrier()
                pltpu.sync_copy(acc.at[pl.ds(r0, RPT)], out.at[pl.ds(r0, RPT)])

    return k(x, z2, src_h, dst_h)


def _full(shape):
    return pl.BlockSpec(shape, lambda i: tuple(0 for _ in shape))


def _sparts_specs(sparts):
    if isinstance(sparts, (list, tuple)):
        n = len(sparts)
        fin = sparts[0].shape[1]
        specs = [pl.BlockSpec((BN, fin), lambda i: (i, 0))] * n

        def read(refs):
            s = refs[0][...]
            for r in refs[1:]:
                s = s + r[...]
            return s

        return list(sparts), specs, n, read
    specs = [pl.BlockSpec((NPART, BN, PW), lambda i: (0, i, 0))]

    def read(refs):
        return jnp.concatenate([refs[0][qi] for qi in range(NPART)], axis=1)

    return [sparts], specs, 1, read


def _tc_stats(sparts, w1, b1):
    arrs, specs, n, read = _sparts_specs(sparts)

    def body(*refs):
        s = read(refs[:n])
        h1 = jnp.dot(s, refs[n][...], preferred_element_type=_f32) + refs[n + 1][...]
        ps = jnp.sum(h1, axis=0, keepdims=True)
        pq = jnp.sum(h1 * h1, axis=0, keepdims=True)
        stats = refs[n + 2]

        @pl.when(pl.program_id(0) == 0)
        def _():
            stats[...] = jnp.zeros_like(stats)

        stats[...] += jnp.concatenate([ps, pq, jnp.zeros((6, HH), _f32)], axis=0)

    return pl.pallas_call(
        body,
        grid=(NBLK,),
        in_specs=specs + [_full(w1.shape), _full((1, HH))],
        out_specs=_full((8, HH)),
        out_shape=jax.ShapeDtypeStruct((8, HH), _f32),
        compiler_params=pltpu.CompilerParams(dimension_semantics=("arbitrary",)),
    )(*arrs, w1, b1.reshape(1, HH))


def _bn_coeffs(statsr, gr, ber):
    st = statsr[...]
    mu = st[0:1, :] * (1.0 / NN)
    ex2 = st[1:2, :] * (1.0 / NN)
    var = ex2 - mu * mu
    sc = gr[...] * lax.rsqrt(var + 1e-5)
    sh = ber[...] - mu * sc
    return sc, sh


def _tc_mlp(sparts, stats, w1, b1, g, be, w2, b2):
    arrs, specs, n, read = _sparts_specs(sparts)

    def body(*refs):
        s = read(refs[:n])
        statsr, w1r, b1r, gr, ber, w2r, b2r, outr = refs[n:]
        sc, sh = _bn_coeffs(statsr, gr, ber)
        h1 = jnp.dot(s, w1r[...], preferred_element_type=_f32) + b1r[...]
        h = jnp.maximum(h1 * sc + sh, 0.0)
        h2 = jnp.maximum(jnp.dot(h, w2r[...], preferred_element_type=_f32) + b2r[...], 0.0)
        for qi in range(NPART):
            outr[qi] = h2[:, qi * PW:(qi + 1) * PW]

    return pl.pallas_call(
        body,
        grid=(NBLK,),
        in_specs=specs + [_full((8, HH)), _full(w1.shape), _full((1, HH)),
                          _full((1, HH)), _full((1, HH)), _full((HH, HH)),
                          _full((1, HH))],
        out_specs=pl.BlockSpec((NPART, BN, PW), lambda i: (0, i, 0)),
        out_shape=jax.ShapeDtypeStruct((NPART, NN, PW), _f32),
        compiler_params=pltpu.CompilerParams(dimension_semantics=("arbitrary",)),
    )(*arrs, stats, w1, b1.reshape(1, HH), g.reshape(1, HH), be.reshape(1, HH),
      w2, b2.reshape(1, HH))


def _tc_mlp_pool(sparts, stats, w1, b1, g, be, w2, b2, batch3, cls_w, cls_b):
    arrs, specs, n, read = _sparts_specs(sparts)

    def body(*refs):
        s = read(refs[:n])
        statsr, w1r, b1r, gr, ber, w2r, b2r, batchr, cwr, cbr, outv, pool = refs[n:]
        i = pl.program_id(0)
        sc, sh = _bn_coeffs(statsr, gr, ber)
        h1 = jnp.dot(s, w1r[...], preferred_element_type=_f32) + b1r[...]
        h = jnp.maximum(h1 * sc + sh, 0.0)
        h2 = jnp.maximum(jnp.dot(h, w2r[...], preferred_element_type=_f32) + b2r[...], 0.0)
        b = batchr[0, 0, :]
        onehot = (b[:, None] == lax.broadcasted_iota(jnp.int32, (BN, GG), 1)).astype(_f32)
        pblk = lax.dot_general(onehot, h2, (((0,), (0,)), ((), ())),
                               preferred_element_type=_f32)

        @pl.when(i == 0)
        def _():
            pool[...] = jnp.zeros_like(pool)

        pool[...] += pblk
        outv[...] = jnp.dot(pool[...], cwr[...], preferred_element_type=_f32) + cbr[...]

    return pl.pallas_call(
        body,
        grid=(NBLK,),
        in_specs=specs + [_full((8, HH)), _full((HH, HH)), _full((1, HH)),
                          _full((1, HH)), _full((1, HH)), _full((HH, HH)),
                          _full((1, HH)),
                          pl.BlockSpec((1, 1, BN), lambda i: (i, 0, 0)),
                          _full((HH, 1)), _full((1, 1))],
        out_specs=_full((GG, 1)),
        out_shape=jax.ShapeDtypeStruct((GG, 1), _f32),
        scratch_shapes=[pltpu.VMEM((GG, HH), _f32)],
        compiler_params=pltpu.CompilerParams(dimension_semantics=("arbitrary",)),
    )(*arrs, stats, w1, b1.reshape(1, HH), g.reshape(1, HH), be.reshape(1, HH),
      w2, b2.reshape(1, HH), batch3, cls_w, cls_b.reshape(1, 1))


def kernel(x, edge_index, batch, l0_w1, l0_b1, l0_g, l0_be, l0_w2, l0_b2,
           l1_w1, l1_b1, l1_g, l1_be, l1_w2, l1_b2,
           l2_w1, l2_b1, l2_g, l2_be, l2_w2, l2_b2, cls_w, cls_b):
    src = edge_index[0]
    dst = edge_index[1]
    i32 = jnp.int32
    src1 = jnp.concatenate([src, jnp.zeros((E_PAD1 - EE,), i32)]).reshape(NS, CPT, CH)
    dst1 = jnp.concatenate([dst, jnp.full((E_PAD1 - EE,), NN, i32)]).reshape(NS, CPT, CH)
    src0 = jnp.concatenate([src, jnp.zeros((E_PAD0 - EE,), i32)]).reshape(2 * NS, CPT0, CH)
    dst0 = jnp.concatenate([dst, jnp.full((E_PAD0 - EE,), NN, i32)]).reshape(2 * NS, CPT0, CH)
    x16 = jnp.pad(x, ((0, 0), (0, 14)))
    z16 = jnp.zeros((NN, 16), _f32)
    w1p = jnp.pad(l0_w1, ((0, 14), (0, 0)))
    batch3 = batch.reshape(NBLK, 1, BN)

    part0, part1 = _sc_agg_l0(x16, z16, src0, dst0)
    st0 = _tc_stats([part0, part1], w1p, l0_b1)
    h_all = _tc_mlp([part0, part1], st0, w1p, l0_b1, l0_g, l0_be, l0_w2, l0_b2)

    s_all = _sc_agg_parts(h_all, src1, dst1)
    st1 = _tc_stats(s_all, l1_w1, l1_b1)
    h_all = _tc_mlp(s_all, st1, l1_w1, l1_b1, l1_g, l1_be, l1_w2, l1_b2)

    s_all = _sc_agg_parts(h_all, src1, dst1)
    st2 = _tc_stats(s_all, l2_w1, l2_b1)
    outv = _tc_mlp_pool(s_all, st2, l2_w1, l2_b1, l2_g, l2_be, l2_w2, l2_b2,
                        batch3, cls_w, cls_b)
    return outv.reshape(-1)

# --- scband reference (transcript-rebuilt; emitter-appended) ---
"""Pipeline reference for scband-gin-62620623176279 (READ-ONLY COPY).

The authoritative reference and input builder live on the scoring server;
editing this copy changes nothing except your own understanding.
"""

import jax, jax.numpy as jnp
import numpy as np

N = 50000
E = 800000
H = 128
G = 512

def setup_inputs(seed: int = 0):
    key = jax.random.key(seed)
    ks = jax.random.split(key, 16)
    inp = {}
    inp['x'] = jax.random.normal(ks[0], (N, 2), dtype=jnp.float32)
    inp['edge_index'] = jax.random.randint(ks[1], (2, E), 0, N, dtype=jnp.int32)
    inp['batch'] = jnp.sort(jax.random.randint(ks[2], (N,), 0, G, dtype=jnp.int32))
    def lin(k, fi, fo):
        return jax.random.normal(k, (fi, fo), dtype=jnp.float32) * (1.0 / np.sqrt(fi))
    dims = [2, H, H]
    for i in range(3):
        k1, k2 = jax.random.split(ks[3 + i])
        inp['l%d_w1' % i] = lin(k1, dims[i], H)
        inp['l%d_b1' % i] = jnp.zeros((H,), jnp.float32)
        inp['l%d_g' % i] = jnp.ones((H,), jnp.float32)
        inp['l%d_be' % i] = jnp.zeros((H,), jnp.float32)
        inp['l%d_w2' % i] = lin(k2, H, H)
        inp['l%d_b2' % i] = jnp.zeros((H,), jnp.float32)
    inp['cls_w'] = lin(ks[10], H, 1)
    inp['cls_b'] = jnp.zeros((1,), jnp.float32)
    return inp

def _gin_conv(x, edge_index, w1, b1, g, be, w2, b2):
    # GINConv with eps=0: MLP((1+eps)*x + sum_{j in N(i)} x_j)
    src = edge_index[0]
    dst = edge_index[1]
    agg = jax.ops.segment_sum(x[src], dst, num_segments=x.shape[0])
    h = x + agg
    h = h @ w1 + b1
    # BatchNorm1d (training-mode batch statistics, biased variance)
    mu = jnp.mean(h, axis=0)
    var = jnp.var(h, axis=0)
    h = (h - mu) * jax.lax.rsqrt(var + 1e-5) * g + be
    h = jax.nn.relu(h)
    h = h @ w2 + b2
    return h

def reference(x, edge_index, batch, l0_w1, l0_b1, l0_g, l0_be, l0_w2, l0_b2, l1_w1, l1_b1, l1_g, l1_be, l1_w2, l1_b2, l2_w1, l2_b1, l2_g, l2_be, l2_w2, l2_b2, cls_w, cls_b):
    params = [
        (l0_w1, l0_b1, l0_g, l0_be, l0_w2, l0_b2),
        (l1_w1, l1_b1, l1_g, l1_be, l1_w2, l1_b2),
        (l2_w1, l2_b1, l2_g, l2_be, l2_w2, l2_b2),
    ]
    h = x
    for p in params:
        h = jax.nn.relu(_gin_conv(h, edge_index, *p))
    pooled = jax.ops.segment_sum(h, batch, num_segments=G)  # global_add_pool
    out = pooled @ cls_w + cls_b
    return out.reshape(-1)

if __name__ == "__main__":
    import jax
    _d = setup_inputs()
    print(jax.jit(kernel)(*tuple(_d.values())))

</pallas_src>

<mosaic_0001>
#map = affine_map<(d0, d1) -> (0, 0, 0)>
module attributes {stable_mosaic.version = 14 : i64} {
  func.func @k(%arg0: i32, %arg1: i32, %arg2: memref<8x50000x16xf32, #tpu.memory_space<hbm>>, %arg3: memref<16x100x512xi32, #tpu.memory_space<hbm>>, %arg4: memref<16x100x512xi32, #tpu.memory_space<hbm>>, %arg5: memref<8x50000x16xf32, #tpu.memory_space<hbm>>, %arg6: memref<2x2x512x16xf32, #tpu.memory_space<vmem>>, %arg7: memref<2x2x512xi32, #tpu.memory_space<vmem>>, %arg8: memref<2x2x512xi32, #tpu.memory_space<vmem>>, %arg9: memref<50008x16xf32, #tpu.memory_space<vmem_shared>>, %arg10: memref<!tpu.dma_semaphore, #tpu.memory_space<semaphore_mem>>, %arg11: memref<!tpu.dma_semaphore, #tpu.memory_space<semaphore_mem>>, %arg12: memref<!tpu.dma_semaphore, #tpu.memory_space<semaphore_mem>>, %arg13: memref<!tpu.dma_semaphore, #tpu.memory_space<semaphore_mem>>, %arg14: memref<!tpu.dma_semaphore, #tpu.memory_space<semaphore_mem>>, %arg15: memref<!tpu.dma_semaphore, #tpu.memory_space<semaphore_mem>>, %arg16: memref<!tpu.dma_semaphore, #tpu.memory_space<semaphore_mem>>, %arg17: memref<!tpu.dma_semaphore, #tpu.memory_space<semaphore_mem>>) attributes {dimension_semantics = [#tpu.dimension_semantics<core_parallel>, #tpu.dimension_semantics<subcore_parallel>], iteration_bounds = array<i64: 2, 16>, scalar_prefetch = 0 : i64, scratch_operands = 12 : i64, tpu.core_type = #tpu.core_type<sc_vector_subcore>, window_params = [{transform_indices = #map}, {transform_indices = #map}, {transform_indices = #map}, {transform_indices = #map}]} {
    %mul3A = arith.constant 3125 : i32
    %mul3A_0 = arith.muli %arg1, %mul3A : i32
    %scan3A = arith.constant 0 : i32
    %scan3A_1 = arith.constant 0 : i32
    %scan3A_2 = arith.constant 4 : i32
    %scan3A_3 = arith.addi %scan3A_1, %scan3A_2 : i32
    %scan3A_4 = arith.constant 1 : i32
    scf.for %scan3A_6 = %scan3A_1 to %scan3A_3 step %scan3A_4  : i32 {
      %mul3A_7 = arith.constant 2 : i32
      %mul3A_8 = arith.muli %mul3A_7, %scan3A_6 : i32
      %add3A = arith.addi %mul3A_8, %arg0 : i32
      "tpu.region"() ({
        %run_scoped3A = tpu.sem_alloc : memref<!tpu.dma_semaphore, #tpu.memory_space<semaphore_mem>>
        %dma_start3A = arith.constant 0 : i32
        %dma_start3A_17 = tpu.memref_slice %arg9[%mul3A_0, %dma_start3A] : memref<50008x16xf32, #tpu.memory_space<vmem_shared>> -> memref<3125x16xf32, #tpu.memory_space<vmem_shared>>
        %dma_start3A_18 = arith.constant 0 : i32
        %dma_start3A_19 = arith.constant 0 : i32
        %dma_start3A_20 = tpu.memref_slice %arg2[%add3A, %dma_start3A_18, %dma_start3A_19] : memref<8x50000x16xf32, #tpu.memory_space<hbm>> -> memref<1x50000x16xf32, #tpu.memory_space<hbm>>
        %dma_start3A_21 = tpu.memref_squeeze %dma_start3A_20 : memref<1x50000x16xf32, #tpu.memory_space<hbm>> -> memref<50000x16xf32, #tpu.memory_space<hbm>>
        %dma_start3A_22 = arith.constant 0 : i32
        %dma_start3A_23 = tpu.memref_slice %dma_start3A_21[%mul3A_0, %dma_start3A_22] : memref<50000x16xf32, #tpu.memory_space<hbm>> -> memref<3125x16xf32, #tpu.memory_space<hbm>>
        tpu.enqueue_dma source(%dma_start3A_23 : memref<3125x16xf32, #tpu.memory_space<hbm>>) target(%dma_start3A_17 : memref<3125x16xf32, #tpu.memory_space<vmem_shared>>) target_semaphore(%run_scoped3A : memref<!tpu.dma_semaphore, #tpu.memory_space<semaphore_mem>>)
        %dma_wait3A = arith.constant 0 : i32
        %dma_wait3A_24 = tpu.memref_slice %arg9[%mul3A_0, %dma_wait3A] : memref<50008x16xf32, #tpu.memory_space<vmem_shared>> -> memref<3125x16xf32, #tpu.memory_space<vmem_shared>>
        %dma_wait3A_25 = arith.constant 0 : i32
        %dma_wait3A_26 = arith.constant 0 : i32
        %dma_wait3A_27 = tpu.memref_slice %arg2[%add3A, %dma_wait3A_25, %dma_wait3A_26] : memref<8x50000x16xf32, #tpu.memory_space<hbm>> -> memref<1x50000x16xf32, #tpu.memory_space<hbm>>
        %dma_wait3A_28 = tpu.memref_squeeze %dma_wait3A_27 : memref<1x50000x16xf32, #tpu.memory_space<hbm>> -> memref<50000x16xf32, #tpu.memory_space<hbm>>
        %dma_wait3A_29 = arith.constant 0 : i32
        %dma_wait3A_30 = tpu.memref_slice %dma_wait3A_28[%mul3A_0, %dma_wait3A_29] : memref<50000x16xf32, #tpu.memory_space<hbm>> -> memref<3125x16xf32, #tpu.memory_space<hbm>>
        tpu.wait_dma2 semaphore(%run_scoped3A : memref<!tpu.dma_semaphore, #tpu.memory_space<semaphore_mem>>) src(%dma_wait3A_30 : memref<3125x16xf32, #tpu.memory_space<hbm>>) dst(%dma_wait3A_24 : memref<3125x16xf32, #tpu.memory_space<vmem_shared>>)
        tpu.yield
      }) : () -> ()
      %barrier3A = arith.constant 0 : index
      tpu.barrier barrier_id(%barrier3A)
      %scan3A_9 = arith.constant 0 : i32
      %scan3A_10 = arith.constant 0 : i32
      %scan3A_11 = arith.constant 25 : i32
      %scan3A_12 = arith.addi %scan3A_10, %scan3A_11 : i32
      %scan3A_13 = arith.constant 1 : i32
      scf.for %scan3A_17 = %scan3A_10 to %scan3A_12 step %scan3A_13  : i32 {
        %mul3A_18 = arith.constant 2 : i32
        %mul3A_19 = arith.muli %scan3A_17, %mul3A_18 : i32
        %mul3A_20 = arith.constant 2 : i32
        %mul3A_21 = arith.muli %mul3A_19, %mul3A_20 : i32
        %dma_start3A = arith.constant 0 : i32
        %dma_start3A_22 = arith.constant 0 : i32
        %dma_start3A_23 = arith.constant 0 : i32
        %dma_start3A_24 = tpu.memref_slice %arg7[%dma_start3A, %dma_start3A_22, %dma_start3A_23] : memref<2x2x512xi32, #tpu.memory_space<vmem>> -> memref<1x2x512xi32, #tpu.memory_space<vmem>>
        %dma_start3A_25 = tpu.memref_squeeze %dma_start3A_24 : memref<1x2x512xi32, #tpu.memory_space<vmem>> -> memref<2x512xi32, #tpu.memory_space<vmem>>
        %dma_start3A_26 = arith.constant 0 : i32
        %dma_start3A_27 = arith.constant 0 : i32
        %dma_start3A_28 = tpu.memref_slice %arg3[%arg1, %dma_start3A_26, %dma_start3A_27] : memref<16x100x512xi32, #tpu.memory_space<hbm>> -> memref<1x100x512xi32, #tpu.memory_space<hbm>>
        %dma_start3A_29 = tpu.memref_squeeze %dma_start3A_28 : memref<1x100x512xi32, #tpu.memory_space<hbm>> -> memref<100x512xi32, #tpu.memory_space<hbm>>
        %dma_start3A_30 = arith.constant 0 : i32
        %dma_start3A_31 = tpu.memref_slice %dma_start3A_29[%mul3A_21, %dma_start3A_30] : memref<100x512xi32, #tpu.memory_space<hbm>> -> memref<2x512xi32, #tpu.memory_space<hbm>>
        %dma_start3A_32 = arith.constant 0 : i32
        %dma_start3A_33 = arith.constant 0 : i32
        %dma_start3A_34 = tpu.memref_slice %arg7[%dma_start3A, %dma_start3A_32, %dma_start3A_33] : memref<2x2x512xi32, #tpu.memory_space<vmem>> -> memref<1x2x512xi32, #tpu.memory_space<vmem>>
        %dma_start3A_35 = tpu.memref_squeeze %dma_start3A_34 : memref<1x2x512xi32, #tpu.memory_space<vmem>> -> memref<2x512xi32, #tpu.memory_space<vmem>>
        %dma_start3A_36 = arith.constant 0 : i32
        %dma_start3A_37 = arith.constant 0 : i32
        %dma_start3A_38 = tpu.memref_slice %arg3[%arg1, %dma_start3A_36, %dma_start3A_37] : memref<16x100x512xi32, #tpu.memory_space<hbm>> -> memref<1x100x512xi32, #tpu.memory_space<hbm>>
        %dma_start3A_39 = tpu.memref_squeeze %dma_start3A_38 : memref<1x100x512xi32, #tpu.memory_space<hbm>> -> memref<100x512xi32, #tpu.memory_space<hbm>>
        %dma_start3A_40 = arith.constant 0 : i32
        %dma_start3A_41 = tpu.memref_slice %dma_start3A_39[%mul3A_21, %dma_start3A_40] : memref<100x512xi32, #tpu.memory_space<hbm>> -> memref<2x512xi32, #tpu.memory_space<hbm>>
        tpu.enqueue_dma source(%dma_start3A_41 : memref<2x512xi32, #tpu.memory_space<hbm>>) target(%dma_start3A_35 : memref<2x512xi32, #tpu.memory_space<vmem>>) target_semaphore(%arg14 : memref<!tpu.dma_semaphore, #tpu.memory_space<semaphore_mem>>)
        %add3A_42 = arith.constant 1 : i32
        %add3A_43 = arith.addi %mul3A_19, %add3A_42 : i32
        %mul3A_44 = arith.constant 2 : i32
        %mul3A_45 = arith.muli %add3A_43, %mul3A_44 : i32
        %dma_start3A_46 = arith.constant 1 : i32
        %dma_start3A_47 = arith.constant 0 : i32
        %dma_start3A_48 = arith.constant 0 : i32
        %dma_start3A_49 = tpu.memref_slice %arg7[%dma_start3A_46, %dma_start3A_47, %dma_start3A_48] : memref<2x2x512xi32, #tpu.memory_space<vmem>> -> memref<1x2x512xi32, #tpu.memory_space<vmem>>
        %dma_start3A_50 = tpu.memref_squeeze %dma_start3A_49 : memref<1x2x512xi32, #tpu.memory_space<vmem>> -> memref<2x512xi32, #tpu.memory_space<vmem>>
        %dma_start3A_51 = arith.constant 0 : i32
        %dma_start3A_52 = arith.constant 0 : i32
        %dma_start3A_53 = tpu.memref_slice %arg3[%arg1, %dma_start3A_51, %dma_start3A_52] : memref<16x100x512xi32, #tpu.memory_space<hbm>> -> memref<1x100x512xi32, #tpu.memory_space<hbm>>
        %dma_start3A_54 = tpu.memref_squeeze %dma_start3A_53 : memref<1x100x512xi32, #tpu.memory_space<hbm>> -> memref<100x512xi32, #tpu.memory_space<hbm>>
        %dma_start3A_55 = arith.constant 0 : i32
        %dma_start3A_56 = tpu.memref_slice %dma_start3A_54[%mul3A_45, %dma_start3A_55] : memref<100x512xi32, #tpu.memory_space<hbm>> -> memref<2x512xi32, #tpu.memory_space<hbm>>
        %dma_start3A_57 = arith.constant 0 : i32
        %dma_start3A_58 = arith.constant 0 : i32
        %dma_start3A_59 = tpu.memref_slice %arg7[%dma_start3A_46, %dma_start3A_57, %dma_start3A_58] : memref<2x2x512xi32, #tpu.memory_space<vmem>> -> memref<1x2x512xi32, #tpu.memory_space<vmem>>
        %dma_start3A_60 = tpu.memref_squeeze %dma_start3A_59 : memref<1x2x512xi32, #tpu.memory_space<vmem>> -> memref<2x512xi32, #tpu.memory_space<vmem>>
        %dma_start3A_61 = arith.constant 0 : i32
        %dma_start3A_62 = arith.constant 0 : i32
        %dma_start3A_63 = tpu.memref_slice %arg3[%arg1, %dma_start3A_61, %dma_start3A_62] : memref<16x100x512xi32, #tpu.memory_space<hbm>> -> memref<1x100x512xi32, #tpu.memory_space<hbm>>
        %dma_start3A_64 = tpu.memref_squeeze %dma_start3A_63 : memref<1x100x512xi32, #tpu.memory_space<hbm>> -> memref<100x512xi32, #tpu.memory_space<hbm>>
        %dma_start3A_65 = arith.constant 0 : i32
        %dma_start3A_66 = tpu.memref_slice %dma_start3A_64[%mul3A_45, %dma_start3A_65] : memref<100x512xi32, #tpu.memory_space<hbm>> -> memref<2x512xi32, #tpu.memory_space<hbm>>
        tpu.enqueue_dma source(%dma_start3A_66 : memref<2x512xi32, #tpu.memory_space<hbm>>) target(%dma_start3A_60 : memref<2x512xi32, #tpu.memory_space<vmem>>) target_semaphore(%arg14 : memref<!tpu.dma_semaphore, #tpu.memory_space<semaphore_mem>>)
        %mul3A_67 = arith.constant 2 : i32
        %mul3A_68 = arith.muli %mul3A_19, %mul3A_67 : i32
        %dma_start3A_69 = arith.constant 0 : i32
        %dma_start3A_70 = arith.constant 0 : i32
        %dma_start3A_71 = arith.constant 0 : i32
        %dma_start3A_72 = tpu.memref_slice %arg8[%dma_start3A_69, %dma_start3A_70, %dma_start3A_71] : memref<2x2x512xi32, #tpu.memory_space<vmem>> -> memref<1x2x512xi32, #tpu.memory_space<vmem>>
        %dma_start3A_73 = tpu.memref_squeeze %dma_start3A_72 : memref<1x2x512xi32, #tpu.memory_space<vmem>> -> memref<2x512xi32, #tpu.memory_space<vmem>>
        %dma_start3A_74 = arith.constant 0 : i32
        %dma_start3A_75 = arith.constant 0 : i32
        %dma_start3A_76 = tpu.memref_slice %arg4[%arg1, %dma_start3A_74, %dma_start3A_75] : memref<16x100x512xi32, #tpu.memory_space<hbm>> -> memref<1x100x512xi32, #tpu.memory_space<hbm>>
        %dma_start3A_77 = tpu.memref_squeeze %dma_start3A_76 : memref<1x100x512xi32, #tpu.memory_space<hbm>> -> memref<100x512xi32, #tpu.memory_space<hbm>>
        %dma_start3A_78 = arith.constant 0 : i32
        %dma_start3A_79 = tpu.memref_slice %dma_start3A_77[%mul3A_68, %dma_start3A_78] : memref<100x512xi32, #tpu.memory_space<hbm>> -> memref<2x512xi32, #tpu.memory_space<hbm>>
        %dma_start3A_80 = arith.constant 0 : i32
        %dma_start3A_81 = arith.constant 0 : i32
        %dma_start3A_82 = tpu.memref_slice %arg8[%dma_start3A_69, %dma_start3A_80, %dma_start3A_81] : memref<2x2x512xi32, #tpu.memory_space<vmem>> -> memref<1x2x512xi32, #tpu.memory_space<vmem>>
        %dma_start3A_83 = tpu.memref_squeeze %dma_start3A_82 : memref<1x2x512xi32, #tpu.memory_space<vmem>> -> memref<2x512xi32, #tpu.memory_space<vmem>>
        %dma_start3A_84 = arith.constant 0 : i32
        %dma_start3A_85 = arith.constant 0 : i32
        %dma_start3A_86 = tpu.memref_slice %arg4[%arg1, %dma_start3A_84, %dma_start3A_85] : memref<16x100x512xi32, #tpu.memory_space<hbm>> -> memref<1x100x512xi32, #tpu.memory_space<hbm>>
        %dma_start3A_87 = tpu.memref_squeeze %dma_start3A_86 : memref<1x100x512xi32, #tpu.memory_space<hbm>> -> memref<100x512xi32, #tpu.memory_space<hbm>>
        %dma_start3A_88 = arith.constant 0 : i32
        %dma_start3A_89 = tpu.memref_slice %dma_start3A_87[%mul3A_68, %dma_start3A_88] : memref<100x512xi32, #tpu.memory_space<hbm>> -> memref<2x512xi32, #tpu.memory_space<hbm>>
        tpu.enqueue_dma source(%dma_start3A_89 : memref<2x512xi32, #tpu.memory_space<hbm>>) target(%dma_start3A_83 : memref<2x512xi32, #tpu.memory_space<vmem>>) target_semaphore(%arg14 : memref<!tpu.dma_semaphore, #tpu.memory_space<semaphore_mem>>)
        %add3A_90 = arith.constant 1 : i32
        %add3A_91 = arith.addi %mul3A_19, %add3A_90 : i32
        %mul3A_92 = arith.constant 2 : i32
        %mul3A_93 = arith.muli %add3A_91, %mul3A_92 : i32
        %dma_start3A_94 = arith.constant 1 : i32
        %dma_start3A_95 = arith.constant 0 : i32
        %dma_start3A_96 = arith.constant 0 : i32
        %dma_start3A_97 = tpu.memref_slice %arg8[%dma_start3A_94, %dma_start3A_95, %dma_start3A_96] : memref<2x2x512xi32, #tpu.memory_space<vmem>> -> memref<1x2x512xi32, #tpu.memory_space<vmem>>
        %dma_start3A_98 = tpu.memref_squeeze %dma_start3A_97 : memref<1x2x512xi32, #tpu.memory_space<vmem>> -> memref<2x512xi32, #tpu.memory_space<vmem>>
        %dma_start3A_99 = arith.constant 0 : i32
        %dma_start3A_100 = arith.constant 0 : i32
        %dma_start3A_101 = tpu.memref_slice %arg4[%arg1, %dma_start3A_99, %dma_start3A_100] : memref<16x100x512xi32, #tpu.memory_space<hbm>> -> memref<1x100x512xi32, #tpu.memory_space<hbm>>
        %dma_start3A_102 = tpu.memref_squeeze %dma_start3A_101 : memref<1x100x512xi32, #tpu.memory_space<hbm>> -> memref<100x512xi32, #tpu.memory_space<hbm>>
        %dma_start3A_103 = arith.constant 0 : i32
        %dma_start3A_104 = tpu.memref_slice %dma_start3A_102[%mul3A_93, %dma_start3A_103] : memref<100x512xi32, #tpu.memory_space<hbm>> -> memref<2x512xi32, #tpu.memory_space<hbm>>
        %dma_start3A_105 = arith.constant 0 : i32
        %dma_start3A_106 = arith.constant 0 : i32
        %dma_start3A_107 = tpu.memref_slice %arg8[%dma_start3A_94, %dma_start3A_105, %dma_start3A_106] : memref<2x2x512xi32, #tpu.memory_space<vmem>> -> memref<1x2x512xi32, #tpu.memory_space<vmem>>
        %dma_start3A_108 = tpu.memref_squeeze %dma_start3A_107 : memref<1x2x512xi32, #tpu.memory_space<vmem>> -> memref<2x512xi32, #tpu.memory_space<vmem>>
        %dma_start3A_109 = arith.constant 0 : i32
        %dma_start3A_110 = arith.constant 0 : i32
        %dma_start3A_111 = tpu.memref_slice %arg4[%arg1, %dma_start3A_109, %dma_start3A_110] : memref<16x100x512xi32, #tpu.memory_space<hbm>> -> memref<1x100x512xi32, #tpu.memory_space<hbm>>
        %dma_start3A_112 = tpu.memref_squeeze %dma_start3A_111 : memref<1x100x512xi32, #tpu.memory_space<hbm>> -> memref<100x512xi32, #tpu.memory_space<hbm>>
        %dma_start3A_113 = arith.constant 0 : i32
        %dma_start3A_114 = tpu.memref_slice %dma_start3A_112[%mul3A_93, %dma_start3A_113] : memref<100x512xi32, #tpu.memory_space<hbm>> -> memref<2x512xi32, #tpu.memory_space<hbm>>
        tpu.enqueue_dma source(%dma_start3A_114 : memref<2x512xi32, #tpu.memory_space<hbm>>) target(%dma_start3A_108 : memref<2x512xi32, #tpu.memory_space<vmem>>) target_semaphore(%arg14 : memref<!tpu.dma_semaphore, #tpu.memory_space<semaphore_mem>>)
        %dma_wait3A = arith.constant 0 : i32
        %dma_wait3A_115 = arith.constant 0 : i32
        %dma_wait3A_116 = arith.constant 0 : i32
        %dma_wait3A_117 = tpu.memref_slice %arg7[%dma_wait3A, %dma_wait3A_115, %dma_wait3A_116] : memref<2x2x512xi32, #tpu.memory_space<vmem>> -> memref<1x2x512xi32, #tpu.memory_space<vmem>>
        %dma_wait3A_118 = tpu.memref_squeeze %dma_wait3A_117 : memref<1x2x512xi32, #tpu.memory_space<vmem>> -> memref<2x512xi32, #tpu.memory_space<vmem>>
        %dma_wait3A_119 = arith.constant 0 : i32
        %dma_wait3A_120 = arith.constant 0 : i32
        %dma_wait3A_121 = tpu.memref_slice %arg3[%arg1, %dma_wait3A_119, %dma_wait3A_120] : memref<16x100x512xi32, #tpu.memory_space<hbm>> -> memref<1x100x512xi32, #tpu.memory_space<hbm>>
        %dma_wait3A_122 = tpu.memref_squeeze %dma_wait3A_121 : memref<1x100x512xi32, #tpu.memory_space<hbm>> -> memref<100x512xi32, #tpu.memory_space<hbm>>
        %dma_wait3A_123 = arith.constant 0 : i32
        %dma_wait3A_124 = tpu.memref_slice %dma_wait3A_122[%mul3A_21, %dma_wait3A_123] : memref<100x512xi32, #tpu.memory_space<hbm>> -> memref<2x512xi32, #tpu.memory_space<hbm>>
        %dma_wait3A_125 = arith.constant 0 : i32
        %dma_wait3A_126 = arith.constant 0 : i32
        %dma_wait3A_127 = tpu.memref_slice %arg7[%dma_wait3A, %dma_wait3A_125, %dma_wait3A_126] : memref<2x2x512xi32, #tpu.memory_space<vmem>> -> memref<1x2x512xi32, #tpu.memory_space<vmem>>
        %dma_wait3A_128 = tpu.memref_squeeze %dma_wait3A_127 : memref<1x2x512xi32, #tpu.memory_space<vmem>> -> memref<2x512xi32, #tpu.memory_space<vmem>>
        %dma_wait3A_129 = arith.constant 0 : i32
        %dma_wait3A_130 = arith.constant 0 : i32
        %dma_wait3A_131 = tpu.memref_slice %arg3[%arg1, %dma_wait3A_129, %dma_wait3A_130] : memref<16x100x512xi32, #tpu.memory_space<hbm>> -> memref<1x100x512xi32, #tpu.memory_space<hbm>>
        %dma_wait3A_132 = tpu.memref_squeeze %dma_wait3A_131 : memref<1x100x512xi32, #tpu.memory_space<hbm>> -> memref<100x512xi32, #tpu.memory_space<hbm>>
        %dma_wait3A_133 = arith.constant 0 : i32
        %dma_wait3A_134 = tpu.memref_slice %dma_wait3A_132[%mul3A_21, %dma_wait3A_133] : memref<100x512xi32, #tpu.memory_space<hbm>> -> memref<2x512xi32, #tpu.memory_space<hbm>>
        tpu.wait_dma2 semaphore(%arg14 : memref<!tpu.dma_semaphore, #tpu.memory_space<semaphore_mem>>) src(%dma_wait3A_134 : memref<2x512xi32, #tpu.memory_space<hbm>>) dst(%dma_wait3A_128 : memref<2x512xi32, #tpu.memory_space<vmem>>)
        %dma_wait3A_135 = arith.constant 1 : i32
        %dma_wait3A_136 = arith.constant 0 : i32
        %dma_wait3A_137 = arith.constant 0 : i32
        %dma_wait3A_138 = tpu.memref_slice %arg7[%dma_wait3A_135, %dma_wait3A_136, %dma_wait3A_137] : memref<2x2x512xi32, #tpu.memory_space<vmem>> -> memref<1x2x512xi32, #tpu.memory_space<vmem>>
        %dma_wait3A_139 = tpu.memref_squeeze %dma_wait3A_138 : memref<1x2x512xi32, #tpu.memory_space<vmem>> -> memref<2x512xi32, #tpu.memory_space<vmem>>
        %dma_wait3A_140 = arith.constant 0 : i32
        %dma_wait3A_141 = arith.constant 0 : i32
        %dma_wait3A_142 = tpu.memref_slice %arg3[%arg1, %dma_wait3A_140, %dma_wait3A_141] : memref<16x100x512xi32, #tpu.memory_space<hbm>> -> memref<1x100x512xi32, #tpu.memory_space<hbm>>
        %dma_wait3A_143 = tpu.memref_squeeze %dma_wait3A_142 : memref<1x100x512xi32, #tpu.memory_space<hbm>> -> memref<100x512xi32, #tpu.memory_space<hbm>>
        %dma_wait3A_144 = arith.constant 0 : i32
        %dma_wait3A_145 = tpu.memref_slice %dma_wait3A_143[%mul3A_45, %dma_wait3A_144] : memref<100x512xi32, #tpu.memory_space<hbm>> -> memref<2x512xi32, #tpu.memory_space<hbm>>
        %dma_wait3A_146 = arith.constant 0 : i32
        %dma_wait3A_147 = arith.constant 0 : i32
        %dma_wait3A_148 = tpu.memref_slice %arg7[%dma_wait3A_135, %dma_wait3A_146, %dma_wait3A_147] : memref<2x2x512xi32, #tpu.memory_space<vmem>> -> memref<1x2x512xi32, #tpu.memory_space<vmem>>
        %dma_wait3A_149 = tpu.memref_squeeze %dma_wait3A_148 : memref<1x2x512xi32, #tpu.memory_space<vmem>> -> memref<2x512xi32, #tpu.memory_space<vmem>>
        %dma_wait3A_150 = arith.constant 0 : i32
        %dma_wait3A_151 = arith.constant 0 : i32
        %dma_wait3A_152 = tpu.memref_slice %arg3[%arg1, %dma_wait3A_150, %dma_wait3A_151] : memref<16x100x512xi32, #tpu.memory_space<hbm>> -> memref<1x100x512xi32, #tpu.memory_space<hbm>>
        %dma_wait3A_153 = tpu.memref_squeeze %dma_wait3A_152 : memref<1x100x512xi32, #tpu.memory_space<hbm>> -> memref<100x512xi32, #tpu.memory_space<hbm>>
        %dma_wait3A_154 = arith.constant 0 : i32
        %dma_wait3A_155 = tpu.memref_slice %dma_wait3A_153[%mul3A_45, %dma_wait3A_154] : memref<100x512xi32, #tpu.memory_space<hbm>> -> memref<2x512xi32, #tpu.memory_space<hbm>>
        tpu.wait_dma2 semaphore(%arg14 : memref<!tpu.dma_semaphore, #tpu.memory_space<semaphore_mem>>) src(%dma_wait3A_155 : memref<2x512xi32, #tpu.memory_space<hbm>>) dst(%dma_wait3A_149 : memref<2x512xi32, #tpu.memory_space<vmem>>)
        %dma_wait3A_156 = arith.constant 0 : i32
        %dma_wait3A_157 = arith.constant 0 : i32
        %dma_wait3A_158 = arith.constant 0 : i32
        %dma_wait3A_159 = tpu.memref_slice %arg8[%dma_wait3A_156, %dma_wait3A_157, %dma_wait3A_158] : memref<2x2x512xi32, #tpu.memory_space<vmem>> -> memref<1x2x512xi32, #tpu.memory_space<vmem>>
        %dma_wait3A_160 = tpu.memref_squeeze %dma_wait3A_159 : memref<1x2x512xi32, #tpu.memory_space<vmem>> -> memref<2x512xi32, #tpu.memory_space<vmem>>
        %dma_wait3A_161 = arith.constant 0 : i32
        %dma_wait3A_162 = arith.constant 0 : i32
        %dma_wait3A_163 = tpu.memref_slice %arg4[%arg1, %dma_wait3A_161, %dma_wait3A_162] : memref<16x100x512xi32, #tpu.memory_space<hbm>> -> memref<1x100x512xi32, #tpu.memory_space<hbm>>
        %dma_wait3A_164 = tpu.memref_squeeze %dma_wait3A_163 : memref<1x100x512xi32, #tpu.memory_space<hbm>> -> memref<100x512xi32, #tpu.memory_space<hbm>>
        %dma_wait3A_165 = arith.constant 0 : i32
        %dma_wait3A_166 = tpu.memref_slice %dma_wait3A_164[%mul3A_68, %dma_wait3A_165] : memref<100x512xi32, #tpu.memory_space<hbm>> -> memref<2x512xi32, #tpu.memory_space<hbm>>
        %dma_wait3A_167 = arith.constant 0 : i32
        %dma_wait3A_168 = arith.constant 0 : i32
        %dma_wait3A_169 = tpu.memref_slice %arg8[%dma_wait3A_156, %dma_wait3A_167, %dma_wait3A_168] : memref<2x2x512xi32, #tpu.memory_space<vmem>> -> memref<1x2x512xi32, #tpu.memory_space<vmem>>
        %dma_wait3A_170 = tpu.memref_squeeze %dma_wait3A_169 : memref<1x2x512xi32, #tpu.memory_space<vmem>> -> memref<2x512xi32, #tpu.memory_space<vmem>>
        %dma_wait3A_171 = arith.constant 0 : i32
        %dma_wait3A_172 = arith.constant 0 : i32
        %dma_wait3A_173 = tpu.memref_slice %arg4[%arg1, %dma_wait3A_171, %dma_wait3A_172] : memref<16x100x512xi32, #tpu.memory_space<hbm>> -> memref<1x100x512xi32, #tpu.memory_space<hbm>>
        %dma_wait3A_174 = tpu.memref_squeeze %dma_wait3A_173 : memref<1x100x512xi32, #tpu.memory_space<hbm>> -> memref<100x512xi32, #tpu.memory_space<hbm>>
        %dma_wait3A_175 = arith.constant 0 : i32
        %dma_wait3A_176 = tpu.memref_slice %dma_wait3A_174[%mul3A_68, %dma_wait3A_175] : memref<100x512xi32, #tpu.memory_space<hbm>> -> memref<2x512xi32, #tpu.memory_space<hbm>>
        tpu.wait_dma2 semaphore(%arg14 : memref<!tpu.dma_semaphore, #tpu.memory_space<semaphore_mem>>) src(%dma_wait3A_176 : memref<2x512xi32, #tpu.memory_space<hbm>>) dst(%dma_wait3A_170 : memref<2x512xi32, #tpu.memory_space<vmem>>)
        %dma_wait3A_177 = arith.constant 1 : i32
        %dma_wait3A_178 = arith.constant 0 : i32
        %dma_wait3A_179 = arith.constant 0 : i32
        %dma_wait3A_180 = tpu.memref_slice %arg8[%dma_wait3A_177, %dma_wait3A_178, %dma_wait3A_179] : memref<2x2x512xi32, #tpu.memory_space<vmem>> -> memref<1x2x512xi32, #tpu.memory_space<vmem>>
        %dma_wait3A_181 = tpu.memref_squeeze %dma_wait3A_180 : memref<1x2x512xi32, #tpu.memory_space<vmem>> -> memref<2x512xi32, #tpu.memory_space<vmem>>
        %dma_wait3A_182 = arith.constant 0 : i32
        %dma_wait3A_183 = arith.constant 0 : i32
        %dma_wait3A_184 = tpu.memref_slice %arg4[%arg1, %dma_wait3A_182, %dma_wait3A_183] : memref<16x100x512xi32, #tpu.memory_space<hbm>> -> memref<1x100x512xi32, #tpu.memory_space<hbm>>
        %dma_wait3A_185 = tpu.memref_squeeze %dma_wait3A_184 : memref<1x100x512xi32, #tpu.memory_space<hbm>> -> memref<100x512xi32, #tpu.memory_space<hbm>>
        %dma_wait3A_186 = arith.constant 0 : i32
        %dma_wait3A_187 = tpu.memref_slice %dma_wait3A_185[%mul3A_93, %dma_wait3A_186] : memref<100x512xi32, #tpu.memory_space<hbm>> -> memref<2x512xi32, #tpu.memory_space<hbm>>
        %dma_wait3A_188 = arith.constant 0 : i32
        %dma_wait3A_189 = arith.constant 0 : i32
        %dma_wait3A_190 = tpu.memref_slice %arg8[%dma_wait3A_177, %dma_wait3A_188, %dma_wait3A_189] : memref<2x2x512xi32, #tpu.memory_space<vmem>> -> memref<1x2x512xi32, #tpu.memory_space<vmem>>
        %dma_wait3A_191 = tpu.memref_squeeze %dma_wait3A_190 : memref<1x2x512xi32, #tpu.memory_space<vmem>> -> memref<2x512xi32, #tpu.memory_space<vmem>>
        %dma_wait3A_192 = arith.constant 0 : i32
        %dma_wait3A_193 = arith.constant 0 : i32
        %dma_wait3A_194 = tpu.memref_slice %arg4[%arg1, %dma_wait3A_192, %dma_wait3A_193] : memref<16x100x512xi32, #tpu.memory_space<hbm>> -> memref<1x100x512xi32, #tpu.memory_space<hbm>>
        %dma_wait3A_195 = tpu.memref_squeeze %dma_wait3A_194 : memref<1x100x512xi32, #tpu.memory_space<hbm>> -> memref<100x512xi32, #tpu.memory_space<hbm>>
        %dma_wait3A_196 = arith.constant 0 : i32
        %dma_wait3A_197 = tpu.memref_slice %dma_wait3A_195[%mul3A_93, %dma_wait3A_196] : memref<100x512xi32, #tpu.memory_space<hbm>> -> memref<2x512xi32, #tpu.memory_space<hbm>>
        tpu.wait_dma2 semaphore(%arg14 : memref<!tpu.dma_semaphore, #tpu.memory_space<semaphore_mem>>) src(%dma_wait3A_197 : memref<2x512xi32, #tpu.memory_space<hbm>>) dst(%dma_wait3A_191 : memref<2x512xi32, #tpu.memory_space<vmem>>)
        %dma_start3A_198 = arith.constant 0 : i32
        %dma_start3A_199 = arith.constant 0 : i32
        %dma_start3A_200 = arith.constant 0 : i32
        %dma_start3A_201 = arith.constant 0 : i32
        %dma_start3A_202 = arith.constant 0 : i32
        %dma_start3A_203 = arith.constant 0 : i32
        %dma_start3A_204 = tpu.memref_slice %arg6[%dma_start3A_200, %dma_start3A_201, %dma_start3A_202, %dma_start3A_203] : memref<2x2x512x16xf32, #tpu.memory_space<vmem>> -> memref<1x1x512x16xf32, #tpu.memory_space<vmem>>
        %dma_start3A_205 = tpu.memref_squeeze %dma_start3A_204 : memref<1x1x512x16xf32, #tpu.memory_space<vmem>> -> memref<512x16xf32, #tpu.memory_space<vmem>>
        %dma_start3A_206 = arith.constant 0 : i32
        %dma_start3A_207 = tpu.memref_slice %arg7[%dma_start3A_198, %dma_start3A_199, %dma_start3A_206] : memref<2x2x512xi32, #tpu.memory_space<vmem>> -> memref<1x1x512xi32, #tpu.memory_space<vmem>>
        %dma_start3A_208 = tpu.memref_squeeze %dma_start3A_207 : memref<1x1x512xi32, #tpu.memory_space<vmem>> -> memref<512xi32, #tpu.memory_space<vmem>>
        %dma_start3A_209 = arith.constant 0 : i32
        %dma_start3A_210 = arith.constant 0 : i32
        %dma_start3A_211 = tpu.memref_slice %arg2[%add3A, %dma_start3A_209, %dma_start3A_210] : memref<8x50000x16xf32, #tpu.memory_space<hbm>> -> memref<1x50000x16xf32, #tpu.memory_space<hbm>>
        %dma_start3A_212 = tpu.memref_squeeze %dma_start3A_211 : memref<1x50000x16xf32, #tpu.memory_space<hbm>> -> memref<50000x16xf32, #tpu.memory_space<hbm>>
        %dma_start3A_213 = arith.constant 0 : i32
        %dma_start3A_214 = arith.constant 0 : i32
        %dma_start3A_215 = tpu.memref_slice %dma_start3A_212[%dma_start3A_213, %dma_start3A_214] : memref<50000x16xf32, #tpu.memory_space<hbm>> -> memref<50000x16xf32, #tpu.memory_space<hbm>>
        tpu.enqueue_indirect_dma source(%dma_start3A_215 : memref<50000x16xf32, #tpu.memory_space<hbm>>) target(%dma_start3A_205 : memref<512x16xf32, #tpu.memory_space<vmem>>) offsets(%dma_start3A_208 : memref<512xi32, #tpu.memory_space<vmem>>) semaphore(%arg10 : memref<!tpu.dma_semaphore, #tpu.memory_space<semaphore_mem>>)
        %dma_start3A_216 = arith.constant 0 : i32
        %dma_start3A_217 = arith.constant 1 : i32
        %dma_start3A_218 = arith.constant 0 : i32
        %dma_start3A_219 = arith.constant 1 : i32
        %dma_start3A_220 = arith.constant 0 : i32
        %dma_start3A_221 = arith.constant 0 : i32
        %dma_start3A_222 = tpu.memref_slice %arg6[%dma_start3A_218, %dma_start3A_219, %dma_start3A_220, %dma_start3A_221] : memref<2x2x512x16xf32, #tpu.memory_space<vmem>> -> memref<1x1x512x16xf32, #tpu.memory_space<vmem>>
        %dma_start3A_223 = tpu.memref_squeeze %dma_start3A_222 : memref<1x1x512x16xf32, #tpu.memory_space<vmem>> -> memref<512x16xf32, #tpu.memory_space<vmem>>
        %dma_start3A_224 = arith.constant 0 : i32
        %dma_start3A_225 = tpu.memref_slice %arg7[%dma_start3A_216, %dma_start3A_217, %dma_start3A_224] : memref<2x2x512xi32, #tpu.memory_space<vmem>> -> memref<1x1x512xi32, #tpu.memory_space<vmem>>
        %dma_start3A_226 = tpu.memref_squeeze %dma_start3A_225 : memref<1x1x512xi32, #tpu.memory_space<vmem>> -> memref<512xi32, #tpu.memory_space<vmem>>
        %dma_start3A_227 = arith.constant 0 : i32
        %dma_start3A_228 = arith.constant 0 : i32
        %dma_start3A_229 = tpu.memref_slice %arg2[%add3A, %dma_start3A_227, %dma_start3A_228] : memref<8x50000x16xf32, #tpu.memory_space<hbm>> -> memref<1x50000x16xf32, #tpu.memory_space<hbm>>
        %dma_start3A_230 = tpu.memref_squeeze %dma_start3A_229 : memref<1x50000x16xf32, #tpu.memory_space<hbm>> -> memref<50000x16xf32, #tpu.memory_space<hbm>>
        %dma_start3A_231 = arith.constant 0 : i32
        %dma_start3A_232 = arith.constant 0 : i32
        %dma_start3A_233 = tpu.memref_slice %dma_start3A_230[%dma_start3A_231, %dma_start3A_232] : memref<50000x16xf32, #tpu.memory_space<hbm>> -> memref<50000x16xf32, #tpu.memory_space<hbm>>
        tpu.enqueue_indirect_dma source(%dma_start3A_233 : memref<50000x16xf32, #tpu.memory_space<hbm>>) target(%dma_start3A_223 : memref<512x16xf32, #tpu.memory_space<vmem>>) offsets(%dma_start3A_226 : memref<512xi32, #tpu.memory_space<vmem>>) semaphore(%arg10 : memref<!tpu.dma_semaphore, #tpu.memory_space<semaphore_mem>>)
        %dma_start3A_234 = arith.constant 1 : i32
        %dma_start3A_235 = arith.constant 0 : i32
        %dma_start3A_236 = arith.constant 1 : i32
        %dma_start3A_237 = arith.constant 0 : i32
        %dma_start3A_238 = arith.constant 0 : i32
        %dma_start3A_239 = arith.constant 0 : i32
        %dma_start3A_240 = tpu.memref_slice %arg6[%dma_start3A_236, %dma_start3A_237, %dma_start3A_238, %dma_start3A_239] : memref<2x2x512x16xf32, #tpu.memory_space<vmem>> -> memref<1x1x512x16xf32, #tpu.memory_space<vmem>>
        %dma_start3A_241 = tpu.memref_squeeze %dma_start3A_240 : memref<1x1x512x16xf32, #tpu.memory_space<vmem>> -> memref<512x16xf32, #tpu.memory_space<vmem>>
        %dma_start3A_242 = arith.constant 0 : i32
        %dma_start3A_243 = tpu.memref_slice %arg7[%dma_start3A_234, %dma_start3A_235, %dma_start3A_242] : memref<2x2x512xi32, #tpu.memory_space<vmem>> -> memref<1x1x512xi32, #tpu.memory_space<vmem>>
        %dma_start3A_244 = tpu.memref_squeeze %dma_start3A_243 : memref<1x1x512xi32, #tpu.memory_space<vmem>> -> memref<512xi32, #tpu.memory_space<vmem>>
        %dma_start3A_245 = arith.constant 0 : i32
        %dma_start3A_246 = arith.constant 0 : i32
        %dma_start3A_247 = tpu.memref_slice %arg2[%add3A, %dma_start3A_245, %dma_start3A_246] : memref<8x50000x16xf32, #tpu.memory_space<hbm>> -> memref<1x50000x16xf32, #tpu.memory_space<hbm>>
        %dma_start3A_248 = tpu.memref_squeeze %dma_start3A_247 : memref<1x50000x16xf32, #tpu.memory_space<hbm>> -> memref<50000x16xf32, #tpu.memory_space<hbm>>
        %dma_start3A_249 = arith.constant 0 : i32
        %dma_start3A_250 = arith.constant 0 : i32
        %dma_start3A_251 = tpu.memref_slice %dma_start3A_248[%dma_start3A_249, %dma_start3A_250] : memref<50000x16xf32, #tpu.memory_space<hbm>> -> memref<50000x16xf32, #tpu.memory_space<hbm>>
        tpu.enqueue_indirect_dma source(%dma_start3A_251 : memref<50000x16xf32, #tpu.memory_space<hbm>>) target(%dma_start3A_241 : memref<512x16xf32, #tpu.memory_space<vmem>>) offsets(%dma_start3A_244 : memref<512xi32, #tpu.memory_space<vmem>>) semaphore(%arg11 : memref<!tpu.dma_semaphore, #tpu.memory_space<semaphore_mem>>)
        %dma_start3A_252 = arith.constant 1 : i32
        %dma_start3A_253 = arith.constant 1 : i32
        %dma_start3A_254 = arith.constant 1 : i32
        %dma_start3A_255 = arith.constant 1 : i32
        %dma_start3A_256 = arith.constant 0 : i32
        %dma_start3A_257 = arith.constant 0 : i32
        %dma_start3A_258 = tpu.memref_slice %arg6[%dma_start3A_254, %dma_start3A_255, %dma_start3A_256, %dma_start3A_257] : memref<2x2x512x16xf32, #tpu.memory_space<vmem>> -> memref<1x1x512x16xf32, #tpu.memory_space<vmem>>
        %dma_start3A_259 = tpu.memref_squeeze %dma_start3A_258 : memref<1x1x512x16xf32, #tpu.memory_space<vmem>> -> memref<512x16xf32, #tpu.memory_space<vmem>>
        %dma_start3A_260 = arith.constant 0 : i32
        %dma_start3A_261 = tpu.memref_slice %arg7[%dma_start3A_252, %dma_start3A_253, %dma_start3A_260] : memref<2x2x512xi32, #tpu.memory_space<vmem>> -> memref<1x1x512xi32, #tpu.memory_space<vmem>>
        %dma_start3A_262 = tpu.memref_squeeze %dma_start3A_261 : memref<1x1x512xi32, #tpu.memory_space<vmem>> -> memref<512xi32, #tpu.memory_space<vmem>>
        %dma_start3A_263 = arith.constant 0 : i32
        %dma_start3A_264 = arith.constant 0 : i32
        %dma_start3A_265 = tpu.memref_slice %arg2[%add3A, %dma_start3A_263, %dma_start3A_264] : memref<8x50000x16xf32, #tpu.memory_space<hbm>> -> memref<1x50000x16xf32, #tpu.memory_space<hbm>>
        %dma_start3A_266 = tpu.memref_squeeze %dma_start3A_265 : memref<1x50000x16xf32, #tpu.memory_space<hbm>> -> memref<50000x16xf32, #tpu.memory_space<hbm>>
        %dma_start3A_267 = arith.constant 0 : i32
        %dma_start3A_268 = arith.constant 0 : i32
        %dma_start3A_269 = tpu.memref_slice %dma_start3A_266[%dma_start3A_267, %dma_start3A_268] : memref<50000x16xf32, #tpu.memory_space<hbm>> -> memref<50000x16xf32, #tpu.memory_space<hbm>>
        tpu.enqueue_indirect_dma source(%dma_start3A_269 : memref<50000x16xf32, #tpu.memory_space<hbm>>) target(%dma_start3A_259 : memref<512x16xf32, #tpu.memory_space<vmem>>) offsets(%dma_start3A_262 : memref<512xi32, #tpu.memory_space<vmem>>) semaphore(%arg11 : memref<!tpu.dma_semaphore, #tpu.memory_space<semaphore_mem>>)
        %dma_wait3A_270 = arith.constant 0 : i32
        %dma_wait3A_271 = arith.constant 0 : i32
        %dma_wait3A_272 = arith.constant 0 : i32
        %dma_wait3A_273 = arith.constant 0 : i32
        %dma_wait3A_274 = arith.constant 0 : i32
        %dma_wait3A_275 = arith.constant 0 : i32
        %dma_wait3A_276 = tpu.memref_slice %arg6[%dma_wait3A_272, %dma_wait3A_273, %dma_wait3A_274, %dma_wait3A_275] : memref<2x2x512x16xf32, #tpu.memory_space<vmem>> -> memref<1x1x512x16xf32, #tpu.memory_space<vmem>>
        %dma_wait3A_277 = tpu.memref_squeeze %dma_wait3A_276 : memref<1x1x512x16xf32, #tpu.memory_space<vmem>> -> memref<512x16xf32, #tpu.memory_space<vmem>>
        %dma_wait3A_278 = arith.constant 0 : i32
        %dma_wait3A_279 = tpu.memref_slice %arg7[%dma_wait3A_270, %dma_wait3A_271, %dma_wait3A_278] : memref<2x2x512xi32, #tpu.memory_space<vmem>> -> memref<1x1x512xi32, #tpu.memory_space<vmem>>
        %dma_wait3A_280 = tpu.memref_squeeze %dma_wait3A_279 : memref<1x1x512xi32, #tpu.memory_space<vmem>> -> memref<512xi32, #tpu.memory_space<vmem>>
        %dma_wait3A_281 = arith.constant 0 : i32
        %dma_wait3A_282 = arith.constant 0 : i32
        %dma_wait3A_283 = tpu.memref_slice %arg2[%add3A, %dma_wait3A_281, %dma_wait3A_282] : memref<8x50000x16xf32, #tpu.memory_space<hbm>> -> memref<1x50000x16xf32, #tpu.memory_space<hbm>>
        %dma_wait3A_284 = tpu.memref_squeeze %dma_wait3A_283 : memref<1x50000x16xf32, #tpu.memory_space<hbm>> -> memref<50000x16xf32, #tpu.memory_space<hbm>>
        %dma_wait3A_285 = arith.constant 0 : i32
        %dma_wait3A_286 = arith.constant 0 : i32
        %dma_wait3A_287 = tpu.memref_slice %dma_wait3A_284[%dma_wait3A_285, %dma_wait3A_286] : memref<50000x16xf32, #tpu.memory_space<hbm>> -> memref<50000x16xf32, #tpu.memory_space<hbm>>
        tpu.wait_indirect_dma semaphore(%arg10 : memref<!tpu.dma_semaphore, #tpu.memory_space<semaphore_mem>>) src(%dma_wait3A_287 : memref<50000x16xf32, #tpu.memory_space<hbm>>) dst(%dma_wait3A_277 : memref<512x16xf32, #tpu.memory_space<vmem>>)
        %dma_wait3A_288 = arith.constant 0 : i32
        %dma_wait3A_289 = arith.constant 1 : i32
        %dma_wait3A_290 = arith.constant 0 : i32
        %dma_wait3A_291 = arith.constant 1 : i32
        %dma_wait3A_292 = arith.constant 0 : i32
        %dma_wait3A_293 = arith.constant 0 : i32
        %dma_wait3A_294 = tpu.memref_slice %arg6[%dma_wait3A_290, %dma_wait3A_291, %dma_wait3A_292, %dma_wait3A_293] : memref<2x2x512x16xf32, #tpu.memory_space<vmem>> -> memref<1x1x512x16xf32, #tpu.memory_space<vmem>>
        %dma_wait3A_295 = tpu.memref_squeeze %dma_wait3A_294 : memref<1x1x512x16xf32, #tpu.memory_space<vmem>> -> memref<512x16xf32, #tpu.memory_space<vmem>>
        %dma_wait3A_296 = arith.constant 0 : i32
        %dma_wait3A_297 = tpu.memref_slice %arg7[%dma_wait3A_288, %dma_wait3A_289, %dma_wait3A_296] : memref<2x2x512xi32, #tpu.memory_space<vmem>> -> memref<1x1x512xi32, #tpu.memory_space<vmem>>
        %dma_wait3A_298 = tpu.memref_squeeze %dma_wait3A_297 : memref<1x1x512xi32, #tpu.memory_space<vmem>> -> memref<512xi32, #tpu.memory_space<vmem>>
        %dma_wait3A_299 = arith.constant 0 : i32
        %dma_wait3A_300 = arith.constant 0 : i32
        %dma_wait3A_301 = tpu.memref_slice %arg2[%add3A, %dma_wait3A_299, %dma_wait3A_300] : memref<8x50000x16xf32, #tpu.memory_space<hbm>> -> memref<1x50000x16xf32, #tpu.memory_space<hbm>>
        %dma_wait3A_302 = tpu.memref_squeeze %dma_wait3A_301 : memref<1x50000x16xf32, #tpu.memory_space<hbm>> -> memref<50000x16xf32, #tpu.memory_space<hbm>>
        %dma_wait3A_303 = arith.constant 0 : i32
        %dma_wait3A_304 = arith.constant 0 : i32
        %dma_wait3A_305 = tpu.memref_slice %dma_wait3A_302[%dma_wait3A_303, %dma_wait3A_304] : memref<50000x16xf32, #tpu.memory_space<hbm>> -> memref<50000x16xf32, #tpu.memory_space<hbm>>
        tpu.wait_indirect_dma semaphore(%arg10 : memref<!tpu.dma_semaphore, #tpu.memory_space<semaphore_mem>>) src(%dma_wait3A_305 : memref<50000x16xf32, #tpu.memory_space<hbm>>) dst(%dma_wait3A_295 : memref<512x16xf32, #tpu.memory_space<vmem>>)
        %dma_start3A_306 = arith.constant 0 : i32
        %dma_start3A_307 = arith.constant 0 : i32
        %dma_start3A_308 = arith.constant 0 : i32
        %dma_start3A_309 = arith.constant 0 : i32
        %dma_start3A_310 = arith.constant 0 : i32
        %dma_start3A_311 = arith.constant 0 : i32
        %dma_start3A_312 = tpu.memref_slice %arg6[%dma_start3A_306, %dma_start3A_307, %dma_start3A_310, %dma_start3A_311] : memref<2x2x512x16xf32, #tpu.memory_space<vmem>> -> memref<1x1x512x16xf32, #tpu.memory_space<vmem>>
        %dma_start3A_313 = tpu.memref_squeeze %dma_start3A_312 : memref<1x1x512x16xf32, #tpu.memory_space<vmem>> -> memref<512x16xf32, #tpu.memory_space<vmem>>
        %dma_start3A_314 = arith.constant 0 : i32
        %dma_start3A_315 = tpu.memref_slice %arg8[%dma_start3A_308, %dma_start3A_309, %dma_start3A_314] : memref<2x2x512xi32, #tpu.memory_space<vmem>> -> memref<1x1x512xi32, #tpu.memory_space<vmem>>
        %dma_start3A_316 = tpu.memref_squeeze %dma_start3A_315 : memref<1x1x512xi32, #tpu.memory_space<vmem>> -> memref<512xi32, #tpu.memory_space<vmem>>
        %dma_start3A_317 = arith.constant 0 : i32
        %dma_start3A_318 = arith.constant 0 : i32
        %dma_start3A_319 = tpu.memref_slice %arg9[%dma_start3A_317, %dma_start3A_318] : memref<50008x16xf32, #tpu.memory_space<vmem_shared>> -> memref<50008x16xf32, #tpu.memory_space<vmem_shared>>
        tpu.enqueue_indirect_dma source(%dma_start3A_313 : memref<512x16xf32, #tpu.memory_space<vmem>>) target(%dma_start3A_319 : memref<50008x16xf32, #tpu.memory_space<vmem_shared>>) offsets(%dma_start3A_316 : memref<512xi32, #tpu.memory_space<vmem>>) semaphore(%arg12 : memref<!tpu.dma_semaphore, #tpu.memory_space<semaphore_mem>>) {add = true}
        %dma_start3A_320 = arith.constant 0 : i32
        %dma_start3A_321 = arith.constant 1 : i32
        %dma_start3A_322 = arith.constant 0 : i32
        %dma_start3A_323 = arith.constant 1 : i32
        %dma_start3A_324 = arith.constant 0 : i32
        %dma_start3A_325 = arith.constant 0 : i32
        %dma_start3A_326 = tpu.memref_slice %arg6[%dma_start3A_320, %dma_start3A_321, %dma_start3A_324, %dma_start3A_325] : memref<2x2x512x16xf32, #tpu.memory_space<vmem>> -> memref<1x1x512x16xf32, #tpu.memory_space<vmem>>
        %dma_start3A_327 = tpu.memref_squeeze %dma_start3A_326 : memref<1x1x512x16xf32, #tpu.memory_space<vmem>> -> memref<512x16xf32, #tpu.memory_space<vmem>>
        %dma_start3A_328 = arith.constant 0 : i32
        %dma_start3A_329 = tpu.memref_slice %arg8[%dma_start3A_322, %dma_start3A_323, %dma_start3A_328] : memref<2x2x512xi32, #tpu.memory_space<vmem>> -> memref<1x1x512xi32, #tpu.memory_space<vmem>>
        %dma_start3A_330 = tpu.memref_squeeze %dma_start3A_329 : memref<1x1x512xi32, #tpu.memory_space<vmem>> -> memref<512xi32, #tpu.memory_space<vmem>>
        %dma_start3A_331 = arith.constant 0 : i32
        %dma_start3A_332 = arith.constant 0 : i32
        %dma_start3A_333 = tpu.memref_slice %arg9[%dma_start3A_331, %dma_start3A_332] : memref<50008x16xf32, #tpu.memory_space<vmem_shared>> -> memref<50008x16xf32, #tpu.memory_space<vmem_shared>>
        tpu.enqueue_indirect_dma source(%dma_start3A_327 : memref<512x16xf32, #tpu.memory_space<vmem>>) target(%dma_start3A_333 : memref<50008x16xf32, #tpu.memory_space<vmem_shared>>) offsets(%dma_start3A_330 : memref<512xi32, #tpu.memory_space<vmem>>) semaphore(%arg12 : memref<!tpu.dma_semaphore, #tpu.memory_space<semaphore_mem>>) {add = true}
        %dma_wait3A_334 = arith.constant 1 : i32
        %dma_wait3A_335 = arith.constant 0 : i32
        %dma_wait3A_336 = arith.constant 1 : i32
        %dma_wait3A_337 = arith.constant 0 : i32
        %dma_wait3A_338 = arith.constant 0 : i32
        %dma_wait3A_339 = arith.constant 0 : i32
        %dma_wait3A_340 = tpu.memref_slice %arg6[%dma_wait3A_336, %dma_wait3A_337, %dma_wait3A_338, %dma_wait3A_339] : memref<2x2x512x16xf32, #tpu.memory_space<vmem>> -> memref<1x1x512x16xf32, #tpu.memory_space<vmem>>
        %dma_wait3A_341 = tpu.memref_squeeze %dma_wait3A_340 : memref<1x1x512x16xf32, #tpu.memory_space<vmem>> -> memref<512x16xf32, #tpu.memory_space<vmem>>
        %dma_wait3A_342 = arith.constant 0 : i32
        %dma_wait3A_343 = tpu.memref_slice %arg7[%dma_wait3A_334, %dma_wait3A_335, %dma_wait3A_342] : memref<2x2x512xi32, #tpu.memory_space<vmem>> -> memref<1x1x512xi32, #tpu.memory_space<vmem>>
        %dma_wait3A_344 = tpu.memref_squeeze %dma_wait3A_343 : memref<1x1x512xi32, #tpu.memory_space<vmem>> -> memref<512xi32, #tpu.memory_space<vmem>>
        %dma_wait3A_345 = arith.constant 0 : i32
        %dma_wait3A_346 = arith.constant 0 : i32
        %dma_wait3A_347 = tpu.memref_slice %arg2[%add3A, %dma_wait3A_345, %dma_wait3A_346] : memref<8x50000x16xf32, #tpu.memory_space<hbm>> -> memref<1x50000x16xf32, #tpu.memory_space<hbm>>
        %dma_wait3A_348 = tpu.memref_squeeze %dma_wait3A_347 : memref<1x50000x16xf32, #tpu.memory_space<hbm>> -> memref<50000x16xf32, #tpu.memory_space<hbm>>
        %dma_wait3A_349 = arith.constant 0 : i32
        %dma_wait3A_350 = arith.constant 0 : i32
        %dma_wait3A_351 = tpu.memref_slice %dma_wait3A_348[%dma_wait3A_349, %dma_wait3A_350] : memref<50000x16xf32, #tpu.memory_space<hbm>> -> memref<50000x16xf32, #tpu.memory_space<hbm>>
        tpu.wait_indirect_dma semaphore(%arg11 : memref<!tpu.dma_semaphore, #tpu.memory_space<semaphore_mem>>) src(%dma_wait3A_351 : memref<50000x16xf32, #tpu.memory_space<hbm>>) dst(%dma_wait3A_341 : memref<512x16xf32, #tpu.memory_space<vmem>>)
        %dma_wait3A_352 = arith.constant 1 : i32
        %dma_wait3A_353 = arith.constant 1 : i32
        %dma_wait3A_354 = arith.constant 1 : i32
        %dma_wait3A_355 = arith.constant 1 : i32
        %dma_wait3A_356 = arith.constant 0 : i32
        %dma_wait3A_357 = arith.constant 0 : i32
        %dma_wait3A_358 = tpu.memref_slice %arg6[%dma_wait3A_354, %dma_wait3A_355, %dma_wait3A_356, %dma_wait3A_357] : memref<2x2x512x16xf32, #tpu.memory_space<vmem>> -> memref<1x1x512x16xf32, #tpu.memory_space<vmem>>
        %dma_wait3A_359 = tpu.memref_squeeze %dma_wait3A_358 : memref<1x1x512x16xf32, #tpu.memory_space<vmem>> -> memref<512x16xf32, #tpu.memory_space<vmem>>
        %dma_wait3A_360 = arith.constant 0 : i32
        %dma_wait3A_361 = tpu.memref_slice %arg7[%dma_wait3A_352, %dma_wait3A_353, %dma_wait3A_360] : memref<2x2x512xi32, #tpu.memory_space<vmem>> -> memref<1x1x512xi32, #tpu.memory_space<vmem>>
        %dma_wait3A_362 = tpu.memref_squeeze %dma_wait3A_361 : memref<1x1x512xi32, #tpu.memory_space<vmem>> -> memref<512xi32, #tpu.memory_space<vmem>>
        %dma_wait3A_363 = arith.constant 0 : i32
        %dma_wait3A_364 = arith.constant 0 : i32
        %dma_wait3A_365 = tpu.memref_slice %arg2[%add3A, %dma_wait3A_363, %dma_wait3A_364] : memref<8x50000x16xf32, #tpu.memory_space<hbm>> -> memref<1x50000x16xf32, #tpu.memory_space<hbm>>
        %dma_wait3A_366 = tpu.memref_squeeze %dma_wait3A_365 : memref<1x50000x16xf32, #tpu.memory_space<hbm>> -> memref<50000x16xf32, #tpu.memory_space<hbm>>
        %dma_wait3A_367 = arith.constant 0 : i32
        %dma_wait3A_368 = arith.constant 0 : i32
        %dma_wait3A_369 = tpu.memref_slice %dma_wait3A_366[%dma_wait3A_367, %dma_wait3A_368] : memref<50000x16xf32, #tpu.memory_space<hbm>> -> memref<50000x16xf32, #tpu.memory_space<hbm>>
        tpu.wait_indirect_dma semaphore(%arg11 : memref<!tpu.dma_semaphore, #tpu.memory_space<semaphore_mem>>) src(%dma_wait3A_369 : memref<50000x16xf32, #tpu.memory_space<hbm>>) dst(%dma_wait3A_359 : memref<512x16xf32, #tpu.memory_space<vmem>>)
        %dma_start3A_370 = arith.constant 1 : i32
        %dma_start3A_371 = arith.constant 0 : i32
        %dma_start3A_372 = arith.constant 1 : i32
        %dma_start3A_373 = arith.constant 0 : i32
        %dma_start3A_374 = arith.constant 0 : i32
        %dma_start3A_375 = arith.constant 0 : i32
        %dma_start3A_376 = tpu.memref_slice %arg6[%dma_start3A_370, %dma_start3A_371, %dma_start3A_374, %dma_start3A_375] : memref<2x2x512x16xf32, #tpu.memory_space<vmem>> -> memref<1x1x512x16xf32, #tpu.memory_space<vmem>>
        %dma_start3A_377 = tpu.memref_squeeze %dma_start3A_376 : memref<1x1x512x16xf32, #tpu.memory_space<vmem>> -> memref<512x16xf32, #tpu.memory_space<vmem>>
        %dma_start3A_378 = arith.constant 0 : i32
        %dma_start3A_379 = tpu.memref_slice %arg8[%dma_start3A_372, %dma_start3A_373, %dma_start3A_378] : memref<2x2x512xi32, #tpu.memory_space<vmem>> -> memref<1x1x512xi32, #tpu.memory_space<vmem>>
        %dma_start3A_380 = tpu.memref_squeeze %dma_start3A_379 : memref<1x1x512xi32, #tpu.memory_space<vmem>> -> memref<512xi32, #tpu.memory_space<vmem>>
        %dma_start3A_381 = arith.constant 0 : i32
        %dma_start3A_382 = arith.constant 0 : i32
        %dma_start3A_383 = tpu.memref_slice %arg9[%dma_start3A_381, %dma_start3A_382] : memref<50008x16xf32, #tpu.memory_space<vmem_shared>> -> memref<50008x16xf32, #tpu.memory_space<vmem_shared>>
        tpu.enqueue_indirect_dma source(%dma_start3A_377 : memref<512x16xf32, #tpu.memory_space<vmem>>) target(%dma_start3A_383 : memref<50008x16xf32, #tpu.memory_space<vmem_shared>>) offsets(%dma_start3A_380 : memref<512xi32, #tpu.memory_space<vmem>>) semaphore(%arg13 : memref<!tpu.dma_semaphore, #tpu.memory_space<semaphore_mem>>) {add = true}
        %dma_start3A_384 = arith.constant 1 : i32
        %dma_start3A_385 = arith.constant 1 : i32
        %dma_start3A_386 = arith.constant 1 : i32
        %dma_start3A_387 = arith.constant 1 : i32
        %dma_start3A_388 = arith.constant 0 : i32
        %dma_start3A_389 = arith.constant 0 : i32
        %dma_start3A_390 = tpu.memref_slice %arg6[%dma_start3A_384, %dma_start3A_385, %dma_start3A_388, %dma_start3A_389] : memref<2x2x512x16xf32, #tpu.memory_space<vmem>> -> memref<1x1x512x16xf32, #tpu.memory_space<vmem>>
        %dma_start3A_391 = tpu.memref_squeeze %dma_start3A_390 : memref<1x1x512x16xf32, #tpu.memory_space<vmem>> -> memref<512x16xf32, #tpu.memory_space<vmem>>
        %dma_start3A_392 = arith.constant 0 : i32
        %dma_start3A_393 = tpu.memref_slice %arg8[%dma_start3A_386, %dma_start3A_387, %dma_start3A_392] : memref<2x2x512xi32, #tpu.memory_space<vmem>> -> memref<1x1x512xi32, #tpu.memory_space<vmem>>
        %dma_start3A_394 = tpu.memref_squeeze %dma_start3A_393 : memref<1x1x512xi32, #tpu.memory_space<vmem>> -> memref<512xi32, #tpu.memory_space<vmem>>
        %dma_start3A_395 = arith.constant 0 : i32
        %dma_start3A_396 = arith.constant 0 : i32
        %dma_start3A_397 = tpu.memref_slice %arg9[%dma_start3A_395, %dma_start3A_396] : memref<50008x16xf32, #tpu.memory_space<vmem_shared>> -> memref<50008x16xf32, #tpu.memory_space<vmem_shared>>
        tpu.enqueue_indirect_dma source(%dma_start3A_391 : memref<512x16xf32, #tpu.memory_space<vmem>>) target(%dma_start3A_397 : memref<50008x16xf32, #tpu.memory_space<vmem_shared>>) offsets(%dma_start3A_394 : memref<512xi32, #tpu.memory_space<vmem>>) semaphore(%arg13 : memref<!tpu.dma_semaphore, #tpu.memory_space<semaphore_mem>>) {add = true}
        %dma_wait3A_398 = arith.constant 0 : i32
        %dma_wait3A_399 = arith.constant 0 : i32
        %dma_wait3A_400 = arith.constant 0 : i32
        %dma_wait3A_401 = arith.constant 0 : i32
        %dma_wait3A_402 = arith.constant 0 : i32
        %dma_wait3A_403 = arith.constant 0 : i32
        %dma_wait3A_404 = tpu.memref_slice %arg6[%dma_wait3A_398, %dma_wait3A_399, %dma_wait3A_402, %dma_wait3A_403] : memref<2x2x512x16xf32, #tpu.memory_space<vmem>> -> memref<1x1x512x16xf32, #tpu.memory_space<vmem>>
        %dma_wait3A_405 = tpu.memref_squeeze %dma_wait3A_404 : memref<1x1x512x16xf32, #tpu.memory_space<vmem>> -> memref<512x16xf32, #tpu.memory_space<vmem>>
        %dma_wait3A_406 = arith.constant 0 : i32
        %dma_wait3A_407 = tpu.memref_slice %arg8[%dma_wait3A_400, %dma_wait3A_401, %dma_wait3A_406] : memref<2x2x512xi32, #tpu.memory_space<vmem>> -> memref<1x1x512xi32, #tpu.memory_space<vmem>>
        %dma_wait3A_408 = tpu.memref_squeeze %dma_wait3A_407 : memref<1x1x512xi32, #tpu.memory_space<vmem>> -> memref<512xi32, #tpu.memory_space<vmem>>
        %dma_wait3A_409 = arith.constant 0 : i32
        %dma_wait3A_410 = arith.constant 0 : i32
        %dma_wait3A_411 = tpu.memref_slice %arg9[%dma_wait3A_409, %dma_wait3A_410] : memref<50008x16xf32, #tpu.memory_space<vmem_shared>> -> memref<50008x16xf32, #tpu.memory_space<vmem_shared>>
        tpu.wait_indirect_dma semaphore(%arg12 : memref<!tpu.dma_semaphore, #tpu.memory_space<semaphore_mem>>) src(%dma_wait3A_405 : memref<512x16xf32, #tpu.memory_space<vmem>>) dst(%dma_wait3A_411 : memref<50008x16xf32, #tpu.memory_space<vmem_shared>>)
        %dma_wait3A_412 = arith.constant 0 : i32
        %dma_wait3A_413 = arith.constant 1 : i32
        %dma_wait3A_414 = arith.constant 0 : i32
        %dma_wait3A_415 = arith.constant 1 : i32
        %dma_wait3A_416 = arith.constant 0 : i32
        %dma_wait3A_417 = arith.constant 0 : i32
        %dma_wait3A_418 = tpu.memref_slice %arg6[%dma_wait3A_412, %dma_wait3A_413, %dma_wait3A_416, %dma_wait3A_417] : memref<2x2x512x16xf32, #tpu.memory_space<vmem>> -> memref<1x1x512x16xf32, #tpu.memory_space<vmem>>
        %dma_wait3A_419 = tpu.memref_squeeze %dma_wait3A_418 : memref<1x1x512x16xf32, #tpu.memory_space<vmem>> -> memref<512x16xf32, #tpu.memory_space<vmem>>
        %dma_wait3A_420 = arith.constant 0 : i32
        %dma_wait3A_421 = tpu.memref_slice %arg8[%dma_wait3A_414, %dma_wait3A_415, %dma_wait3A_420] : memref<2x2x512xi32, #tpu.memory_space<vmem>> -> memref<1x1x512xi32, #tpu.memory_space<vmem>>
        %dma_wait3A_422 = tpu.memref_squeeze %dma_wait3A_421 : memref<1x1x512xi32, #tpu.memory_space<vmem>> -> memref<512xi32, #tpu.memory_space<vmem>>
        %dma_wait3A_423 = arith.constant 0 : i32
        %dma_wait3A_424 = arith.constant 0 : i32
        %dma_wait3A_425 = tpu.memref_slice %arg9[%dma_wait3A_423, %dma_wait3A_424] : memref<50008x16xf32, #tpu.memory_space<vmem_shared>> -> memref<50008x16xf32, #tpu.memory_space<vmem_shared>>
        tpu.wait_indirect_dma semaphore(%arg12 : memref<!tpu.dma_semaphore, #tpu.memory_space<semaphore_mem>>) src(%dma_wait3A_419 : memref<512x16xf32, #tpu.memory_space<vmem>>) dst(%dma_wait3A_425 : memref<50008x16xf32, #tpu.memory_space<vmem_shared>>)
        %dma_wait3A_426 = arith.constant 1 : i32
        %dma_wait3A_427 = arith.constant 0 : i32
        %dma_wait3A_428 = arith.constant 1 : i32
        %dma_wait3A_429 = arith.constant 0 : i32
        %dma_wait3A_430 = arith.constant 0 : i32
        %dma_wait3A_431 = arith.constant 0 : i32
        %dma_wait3A_432 = tpu.memref_slice %arg6[%dma_wait3A_426, %dma_wait3A_427, %dma_wait3A_430, %dma_wait3A_431] : memref<2x2x512x16xf32, #tpu.memory_space<vmem>> -> memref<1x1x512x16xf32, #tpu.memory_space<vmem>>
        %dma_wait3A_433 = tpu.memref_squeeze %dma_wait3A_432 : memref<1x1x512x16xf32, #tpu.memory_space<vmem>> -> memref<512x16xf32, #tpu.memory_space<vmem>>
        %dma_wait3A_434 = arith.constant 0 : i32
        %dma_wait3A_435 = tpu.memref_slice %arg8[%dma_wait3A_428, %dma_wait3A_429, %dma_wait3A_434] : memref<2x2x512xi32, #tpu.memory_space<vmem>> -> memref<1x1x512xi32, #tpu.memory_space<vmem>>
        %dma_wait3A_436 = tpu.memref_squeeze %dma_wait3A_435 : memref<1x1x512xi32, #tpu.memory_space<vmem>> -> memref<512xi32, #tpu.memory_space<vmem>>
        %dma_wait3A_437 = arith.constant 0 : i32
        %dma_wait3A_438 = arith.constant 0 : i32
        %dma_wait3A_439 = tpu.memref_slice %arg9[%dma_wait3A_437, %dma_wait3A_438] : memref<50008x16xf32, #tpu.memory_space<vmem_shared>> -> memref<50008x16xf32, #tpu.memory_space<vmem_shared>>
        tpu.wait_indirect_dma semaphore(%arg13 : memref<!tpu.dma_semaphore, #tpu.memory_space<semaphore_mem>>) src(%dma_wait3A_433 : memref<512x16xf32, #tpu.memory_space<vmem>>) dst(%dma_wait3A_439 : memref<50008x16xf32, #tpu.memory_space<vmem_shared>>)
        %dma_wait3A_440 = arith.constant 1 : i32
        %dma_wait3A_441 = arith.constant 1 : i32
        %dma_wait3A_442 = arith.constant 1 : i32
        %dma_wait3A_443 = arith.constant 1 : i32
        %dma_wait3A_444 = arith.constant 0 : i32
        %dma_wait3A_445 = arith.constant 0 : i32
        %dma_wait3A_446 = tpu.memref_slice %arg6[%dma_wait3A_440, %dma_wait3A_441, %dma_wait3A_444, %dma_wait3A_445] : memref<2x2x512x16xf32, #tpu.memory_space<vmem>> -> memref<1x1x512x16xf32, #tpu.memory_space<vmem>>
        %dma_wait3A_447 = tpu.memref_squeeze %dma_wait3A_446 : memref<1x1x512x16xf32, #tpu.memory_space<vmem>> -> memref<512x16xf32, #tpu.memory_space<vmem>>
        %dma_wait3A_448 = arith.constant 0 : i32
        %dma_wait3A_449 = tpu.memref_slice %arg8[%dma_wait3A_442, %dma_wait3A_443, %dma_wait3A_448] : memref<2x2x512xi32, #tpu.memory_space<vmem>> -> memref<1x1x512xi32, #tpu.memory_space<vmem>>
        %dma_wait3A_450 = tpu.memref_squeeze %dma_wait3A_449 : memref<1x1x512xi32, #tpu.memory_space<vmem>> -> memref<512xi32, #tpu.memory_space<vmem>>
        %dma_wait3A_451 = arith.constant 0 : i32
        %dma_wait3A_452 = arith.constant 0 : i32
        %dma_wait3A_453 = tpu.memref_slice %arg9[%dma_wait3A_451, %dma_wait3A_452] : memref<50008x16xf32, #tpu.memory_space<vmem_shared>> -> memref<50008x16xf32, #tpu.memory_space<vmem_shared>>
        tpu.wait_indirect_dma semaphore(%arg13 : memref<!tpu.dma_semaphore, #tpu.memory_space<semaphore_mem>>) src(%dma_wait3A_447 : memref<512x16xf32, #tpu.memory_space<vmem>>) dst(%dma_wait3A_453 : memref<50008x16xf32, #tpu.memory_space<vmem_shared>>)
      }
      %scan3A_14 = arith.constant 25 : i32
      %barrier3A_15 = arith.constant 0 : index
      tpu.barrier barrier_id(%barrier3A_15)
      "tpu.region"() ({
        %run_scoped3A = tpu.sem_alloc : memref<!tpu.dma_semaphore, #tpu.memory_space<semaphore_mem>>
        %dma_start3A = arith.constant 0 : i32
        %dma_start3A_17 = arith.constant 0 : i32
        %dma_start3A_18 = tpu.memref_slice %arg5[%add3A, %dma_start3A, %dma_start3A_17] : memref<8x50000x16xf32, #tpu.memory_space<hbm>> -> memref<1x50000x16xf32, #tpu.memory_space<hbm>>
        %dma_start3A_19 = tpu.memref_squeeze %dma_start3A_18 : memref<1x50000x16xf32, #tpu.memory_space<hbm>> -> memref<50000x16xf32, #tpu.memory_space<hbm>>
        %dma_start3A_20 = arith.constant 0 : i32
        %dma_start3A_21 = tpu.memref_slice %dma_start3A_19[%mul3A_0, %dma_start3A_20] : memref<50000x16xf32, #tpu.memory_space<hbm>> -> memref<3125x16xf32, #tpu.memory_space<hbm>>
        %dma_start3A_22 = arith.constant 0 : i32
        %dma_start3A_23 = tpu.memref_slice %arg9[%mul3A_0, %dma_start3A_22] : memref<50008x16xf32, #tpu.memory_space<vmem_shared>> -> memref<3125x16xf32, #tpu.memory_space<vmem_shared>>
        tpu.enqueue_dma source(%dma_start3A_23 : memref<3125x16xf32, #tpu.memory_space<vmem_shared>>) target(%dma_start3A_21 : memref<3125x16xf32, #tpu.memory_space<hbm>>) target_semaphore(%run_scoped3A : memref<!tpu.dma_semaphore, #tpu.memory_space<semaphore_mem>>)
        %dma_wait3A = arith.constant 0 : i32
        %dma_wait3A_24 = arith.constant 0 : i32
        %dma_wait3A_25 = tpu.memref_slice %arg5[%add3A, %dma_wait3A, %dma_wait3A_24] : memref<8x50000x16xf32, #tpu.memory_space<hbm>> -> memref<1x50000x16xf32, #tpu.memory_space<hbm>>
        %dma_wait3A_26 = tpu.memref_squeeze %dma_wait3A_25 : memref<1x50000x16xf32, #tpu.memory_space<hbm>> -> memref<50000x16xf32, #tpu.memory_space<hbm>>
        %dma_wait3A_27 = arith.constant 0 : i32
        %dma_wait3A_28 = tpu.memref_slice %dma_wait3A_26[%mul3A_0, %dma_wait3A_27] : memref<50000x16xf32, #tpu.memory_space<hbm>> -> memref<3125x16xf32, #tpu.memory_space<hbm>>
        %dma_wait3A_29 = arith.constant 0 : i32
        %dma_wait3A_30 = tpu.memref_slice %arg9[%mul3A_0, %dma_wait3A_29] : memref<50008x16xf32, #tpu.memory_space<vmem_shared>> -> memref<3125x16xf32, #tpu.memory_space<vmem_shared>>
        tpu.wait_dma2 semaphore(%run_scoped3A : memref<!tpu.dma_semaphore, #tpu.memory_space<semaphore_mem>>) src(%dma_wait3A_30 : memref<3125x16xf32, #tpu.memory_space<vmem_shared>>) dst(%dma_wait3A_28 : memref<3125x16xf32, #tpu.memory_space<hbm>>)
        tpu.yield
      }) : () -> ()
      %barrier3A_16 = arith.constant 0 : index
      tpu.barrier barrier_id(%barrier3A_16)
    }
    %scan3A_5 = arith.constant 4 : i32
    return
  }
}

#map = affine_map<(d0, d1) -> (0, 0)>
#map1 = affine_map<(d0, d1) -> (0, 0, 0)>
module attributes {stable_mosaic.version = 14 : i64} {
  func.func @k(%arg0: i32, %arg1: i32, %arg2: memref<50000x16xf32, #tpu.memory_space<hbm>>, %arg3: memref<50000x16xf32, #tpu.memory_space<hbm>>, %arg4: memref<32x52x512xi32, #tpu.memory_space<hbm>>, %arg5: memref<32x52x512xi32, #tpu.memory_space<hbm>>, %arg6: memref<50000x16xf32, #tpu.memory_space<hbm>>, %arg7: memref<50000x16xf32, #tpu.memory_space<hbm>>, %arg8: memref<2x2x512x16xf32, #tpu.memory_space<vmem>>, %arg9: memref<2x2x512xi32, #tpu.memory_space<vmem>>, %arg10: memref<2x2x512xi32, #tpu.memory_space<vmem>>, %arg11: memref<50008x16xf32, #tpu.memory_space<vmem_shared>>, %arg12: memref<!tpu.dma_semaphore, #tpu.memory_space<semaphore_mem>>, %arg13: memref<!tpu.dma_semaphore, #tpu.memory_space<semaphore_mem>>, %arg14: memref<!tpu.dma_semaphore, #tpu.memory_space<semaphore_mem>>, %arg15: memref<!tpu.dma_semaphore, #tpu.memory_space<semaphore_mem>>, %arg16: memref<!tpu.dma_semaphore, #tpu.memory_space<semaphore_mem>>, %arg17: memref<!tpu.dma_semaphore, #tpu.memory_space<semaphore_mem>>, %arg18: memref<!tpu.dma_semaphore, #tpu.memory_space<semaphore_mem>>, %arg19: memref<!tpu.dma_semaphore, #tpu.memory_space<semaphore_mem>>) attributes {dimension_semantics = [#tpu.dimension_semantics<core_parallel>, #tpu.dimension_semantics<subcore_parallel>], iteration_bounds = array<i64: 2, 16>, scalar_prefetch = 0 : i64, scratch_operands = 12 : i64, tpu.core_type = #tpu.core_type<sc_vector_subcore>, window_params = [{transform_indices = #map}, {transform_indices = #map}, {transform_indices = #map1}, {transform_indices = #map1}, {transform_indices = #map}, {transform_indices = #map}]} {
    %mul3A = arith.constant 16 : i32
    %mul3A_0 = arith.muli %arg0, %mul3A : i32
    %add3A = arith.addi %mul3A_0, %arg1 : i32
    %mul3A_1 = arith.constant 3125 : i32
    %mul3A_2 = arith.muli %arg1, %mul3A_1 : i32
    %eq3A = arith.constant 0 : i32
    %eq3A_3 = arith.cmpi eq, %arg0, %eq3A : i32
    %convert_element_type3A = arith.extui %eq3A_3 : i1 to i32
    %cond3A = arith.constant 0 : i32
    %cond3A_4 = arith.cmpi ne, %convert_element_type3A, %cond3A : i32
    scf.if %cond3A_4 {
      "tpu.region"() ({
        %run_scoped3A = tpu.sem_alloc : memref<!tpu.dma_semaphore, #tpu.memory_space<semaphore_mem>>
        %dma_start3A = arith.constant 0 : i32
        %dma_start3A_16 = tpu.memref_slice %arg11[%mul3A_2, %dma_start3A] : memref<50008x16xf32, #tpu.memory_space<vmem_shared>> -> memref<3125x16xf32, #tpu.memory_space<vmem_shared>>
        %dma_start3A_17 = arith.constant 0 : i32
        %dma_start3A_18 = tpu.memref_slice %arg2[%mul3A_2, %dma_start3A_17] : memref<50000x16xf32, #tpu.memory_space<hbm>> -> memref<3125x16xf32, #tpu.memory_space<hbm>>
        tpu.enqueue_dma source(%dma_start3A_18 : memref<3125x16xf32, #tpu.memory_space<hbm>>) target(%dma_start3A_16 : memref<3125x16xf32, #tpu.memory_space<vmem_shared>>) target_semaphore(%run_scoped3A : memref<!tpu.dma_semaphore, #tpu.memory_space<semaphore_mem>>)
        %dma_wait3A = arith.constant 0 : i32
        %dma_wait3A_19 = tpu.memref_slice %arg11[%mul3A_2, %dma_wait3A] : memref<50008x16xf32, #tpu.memory_space<vmem_shared>> -> memref<3125x16xf32, #tpu.memory_space<vmem_shared>>
        %dma_wait3A_20 = arith.constant 0 : i32
        %dma_wait3A_21 = tpu.memref_slice %arg2[%mul3A_2, %dma_wait3A_20] : memref<50000x16xf32, #tpu.memory_space<hbm>> -> memref<3125x16xf32, #tpu.memory_space<hbm>>
        tpu.wait_dma2 semaphore(%run_scoped3A : memref<!tpu.dma_semaphore, #tpu.memory_space<semaphore_mem>>) src(%dma_wait3A_21 : memref<3125x16xf32, #tpu.memory_space<hbm>>) dst(%dma_wait3A_19 : memref<3125x16xf32, #tpu.memory_space<vmem_shared>>)
        tpu.yield
      }) : () -> ()
      %barrier3A = arith.constant 0 : index
      tpu.barrier barrier_id(%barrier3A)
      %scan3A = arith.constant 0 : i32
      %scan3A_10 = arith.constant 0 : i32
      %scan3A_11 = arith.constant 13 : i32
      %scan3A_12 = arith.addi %scan3A_10, %scan3A_11 : i32
      %scan3A_13 = arith.constant 1 : i32
      scf.for %scan3A_16 = %scan3A_10 to %scan3A_12 step %scan3A_13  : i32 {
        %mul3A_17 = arith.constant 2 : i32
        %mul3A_18 = arith.muli %scan3A_16, %mul3A_17 : i32
        %mul3A_19 = arith.constant 2 : i32
        %mul3A_20 = arith.muli %mul3A_18, %mul3A_19 : i32
        %dma_start3A = arith.constant 0 : i32
        %dma_start3A_21 = arith.constant 0 : i32
        %dma_start3A_22 = arith.constant 0 : i32
        %dma_start3A_23 = tpu.memref_slice %arg9[%dma_start3A, %dma_start3A_21, %dma_start3A_22] : memref<2x2x512xi32, #tpu.memory_space<vmem>> -> memref<1x2x512xi32, #tpu.memory_space<vmem>>
        %dma_start3A_24 = tpu.memref_squeeze %dma_start3A_23 : memref<1x2x512xi32, #tpu.memory_space<vmem>> -> memref<2x512xi32, #tpu.memory_space<vmem>>
        %dma_start3A_25 = arith.constant 0 : i32
        %dma_start3A_26 = arith.constant 0 : i32
        %dma_start3A_27 = tpu.memref_slice %arg4[%add3A, %dma_start3A_25, %dma_start3A_26] : memref<32x52x512xi32, #tpu.memory_space<hbm>> -> memref<1x52x512xi32, #tpu.memory_space<hbm>>
        %dma_start3A_28 = tpu.memref_squeeze %dma_start3A_27 : memref<1x52x512xi32, #tpu.memory_space<hbm>> -> memref<52x512xi32, #tpu.memory_space<hbm>>
        %dma_start3A_29 = arith.constant 0 : i32
        %dma_start3A_30 = tpu.memref_slice %dma_start3A_28[%mul3A_20, %dma_start3A_29] : memref<52x512xi32, #tpu.memory_space<hbm>> -> memref<2x512xi32, #tpu.memory_space<hbm>>
        %dma_start3A_31 = arith.constant 0 : i32
        %dma_start3A_32 = arith.constant 0 : i32
        %dma_start3A_33 = tpu.memref_slice %arg9[%dma_start3A, %dma_start3A_31, %dma_start3A_32] : memref<2x2x512xi32, #tpu.memory_space<vmem>> -> memref<1x2x512xi32, #tpu.memory_space<vmem>>
        %dma_start3A_34 = tpu.memref_squeeze %dma_start3A_33 : memref<1x2x512xi32, #tpu.memory_space<vmem>> -> memref<2x512xi32, #tpu.memory_space<vmem>>
        %dma_start3A_35 = arith.constant 0 : i32
        %dma_start3A_36 = arith.constant 0 : i32
        %dma_start3A_37 = tpu.memref_slice %arg4[%add3A, %dma_start3A_35, %dma_start3A_36] : memref<32x52x512xi32, #tpu.memory_space<hbm>> -> memref<1x52x512xi32, #tpu.memory_space<hbm>>
        %dma_start3A_38 = tpu.memref_squeeze %dma_start3A_37 : memref<1x52x512xi32, #tpu.memory_space<hbm>> -> memref<52x512xi32, #tpu.memory_space<hbm>>
        %dma_start3A_39 = arith.constant 0 : i32
        %dma_start3A_40 = tpu.memref_slice %dma_start3A_38[%mul3A_20, %dma_start3A_39] : memref<52x512xi32, #tpu.memory_space<hbm>> -> memref<2x512xi32, #tpu.memory_space<hbm>>
        tpu.enqueue_dma source(%dma_start3A_40 : memref<2x512xi32, #tpu.memory_space<hbm>>) target(%dma_start3A_34 : memref<2x512xi32, #tpu.memory_space<vmem>>) target_semaphore(%arg16 : memref<!tpu.dma_semaphore, #tpu.memory_space<semaphore_mem>>)
        %add3A_41 = arith.constant 1 : i32
        %add3A_42 = arith.addi %mul3A_18, %add3A_41 : i32
        %mul3A_43 = arith.constant 2 : i32
        %mul3A_44 = arith.muli %add3A_42, %mul3A_43 : i32
        %dma_start3A_45 = arith.constant 1 : i32
        %dma_start3A_46 = arith.constant 0 : i32
        %dma_start3A_47 = arith.constant 0 : i32
        %dma_start3A_48 = tpu.memref_slice %arg9[%dma_start3A_45, %dma_start3A_46, %dma_start3A_47] : memref<2x2x512xi32, #tpu.memory_space<vmem>> -> memref<1x2x512xi32, #tpu.memory_space<vmem>>
        %dma_start3A_49 = tpu.memref_squeeze %dma_start3A_48 : memref<1x2x512xi32, #tpu.memory_space<vmem>> -> memref<2x512xi32, #tpu.memory_space<vmem>>
        %dma_start3A_50 = arith.constant 0 : i32
        %dma_start3A_51 = arith.constant 0 : i32
        %dma_start3A_52 = tpu.memref_slice %arg4[%add3A, %dma_start3A_50, %dma_start3A_51] : memref<32x52x512xi32, #tpu.memory_space<hbm>> -> memref<1x52x512xi32, #tpu.memory_space<hbm>>
        %dma_start3A_53 = tpu.memref_squeeze %dma_start3A_52 : memref<1x52x512xi32, #tpu.memory_space<hbm>> -> memref<52x512xi32, #tpu.memory_space<hbm>>
        %dma_start3A_54 = arith.constant 0 : i32
        %dma_start3A_55 = tpu.memref_slice %dma_start3A_53[%mul3A_44, %dma_start3A_54] : memref<52x512xi32, #tpu.memory_space<hbm>> -> memref<2x512xi32, #tpu.memory_space<hbm>>
        %dma_start3A_56 = arith.constant 0 : i32
        %dma_start3A_57 = arith.constant 0 : i32
        %dma_start3A_58 = tpu.memref_slice %arg9[%dma_start3A_45, %dma_start3A_56, %dma_start3A_57] : memref<2x2x512xi32, #tpu.memory_space<vmem>> -> memref<1x2x512xi32, #tpu.memory_space<vmem>>
        %dma_start3A_59 = tpu.memref_squeeze %dma_start3A_58 : memref<1x2x512xi32, #tpu.memory_space<vmem>> -> memref<2x512xi32, #tpu.memory_space<vmem>>
        %dma_start3A_60 = arith.constant 0 : i32
        %dma_start3A_61 = arith.constant 0 : i32
        %dma_start3A_62 = tpu.memref_slice %arg4[%add3A, %dma_start3A_60, %dma_start3A_61] : memref<32x52x512xi32, #tpu.memory_space<hbm>> -> memref<1x52x512xi32, #tpu.memory_space<hbm>>
        %dma_start3A_63 = tpu.memref_squeeze %dma_start3A_62 : memref<1x52x512xi32, #tpu.memory_space<hbm>> -> memref<52x512xi32, #tpu.memory_space<hbm>>
        %dma_start3A_64 = arith.constant 0 : i32
        %dma_start3A_65 = tpu.memref_slice %dma_start3A_63[%mul3A_44, %dma_start3A_64] : memref<52x512xi32, #tpu.memory_space<hbm>> -> memref<2x512xi32, #tpu.memory_space<hbm>>
        tpu.enqueue_dma source(%dma_start3A_65 : memref<2x512xi32, #tpu.memory_space<hbm>>) target(%dma_start3A_59 : memref<2x512xi32, #tpu.memory_space<vmem>>) target_semaphore(%arg16 : memref<!tpu.dma_semaphore, #tpu.memory_space<semaphore_mem>>)
        %mul3A_66 = arith.constant 2 : i32
        %mul3A_67 = arith.muli %mul3A_18, %mul3A_66 : i32
        %dma_start3A_68 = arith.constant 0 : i32
        %dma_start3A_69 = arith.constant 0 : i32
        %dma_start3A_70 = arith.constant 0 : i32
        %dma_start3A_71 = tpu.memref_slice %arg10[%dma_start3A_68, %dma_start3A_69, %dma_start3A_70] : memref<2x2x512xi32, #tpu.memory_space<vmem>> -> memref<1x2x512xi32, #tpu.memory_space<vmem>>
        %dma_start3A_72 = tpu.memref_squeeze %dma_start3A_71 : memref<1x2x512xi32, #tpu.memory_space<vmem>> -> memref<2x512xi32, #tpu.memory_space<vmem>>
        %dma_start3A_73 = arith.constant 0 : i32
        %dma_start3A_74 = arith.constant 0 : i32
        %dma_start3A_75 = tpu.memref_slice %arg5[%add3A, %dma_start3A_73, %dma_start3A_74] : memref<32x52x512xi32, #tpu.memory_space<hbm>> -> memref<1x52x512xi32, #tpu.memory_space<hbm>>
        %dma_start3A_76 = tpu.memref_squeeze %dma_start3A_75 : memref<1x52x512xi32, #tpu.memory_space<hbm>> -> memref<52x512xi32, #tpu.memory_space<hbm>>
        %dma_start3A_77 = arith.constant 0 : i32
        %dma_start3A_78 = tpu.memref_slice %dma_start3A_76[%mul3A_67, %dma_start3A_77] : memref<52x512xi32, #tpu.memory_space<hbm>> -> memref<2x512xi32, #tpu.memory_space<hbm>>
        %dma_start3A_79 = arith.constant 0 : i32
        %dma_start3A_80 = arith.constant 0 : i32
        %dma_start3A_81 = tpu.memref_slice %arg10[%dma_start3A_68, %dma_start3A_79, %dma_start3A_80] : memref<2x2x512xi32, #tpu.memory_space<vmem>> -> memref<1x2x512xi32, #tpu.memory_space<vmem>>
        %dma_start3A_82 = tpu.memref_squeeze %dma_start3A_81 : memref<1x2x512xi32, #tpu.memory_space<vmem>> -> memref<2x512xi32, #tpu.memory_space<vmem>>
        %dma_start3A_83 = arith.constant 0 : i32
        %dma_start3A_84 = arith.constant 0 : i32
        %dma_start3A_85 = tpu.memref_slice %arg5[%add3A, %dma_start3A_83, %dma_start3A_84] : memref<32x52x512xi32, #tpu.memory_space<hbm>> -> memref<1x52x512xi32, #tpu.memory_space<hbm>>
        %dma_start3A_86 = tpu.memref_squeeze %dma_start3A_85 : memref<1x52x512xi32, #tpu.memory_space<hbm>> -> memref<52x512xi32, #tpu.memory_space<hbm>>
        %dma_start3A_87 = arith.constant 0 : i32
        %dma_start3A_88 = tpu.memref_slice %dma_start3A_86[%mul3A_67, %dma_start3A_87] : memref<52x512xi32, #tpu.memory_space<hbm>> -> memref<2x512xi32, #tpu.memory_space<hbm>>
        tpu.enqueue_dma source(%dma_start3A_88 : memref<2x512xi32, #tpu.memory_space<hbm>>) target(%dma_start3A_82 : memref<2x512xi32, #tpu.memory_space<vmem>>) target_semaphore(%arg16 : memref<!tpu.dma_semaphore, #tpu.memory_space<semaphore_mem>>)
        %add3A_89 = arith.constant 1 : i32
        %add3A_90 = arith.addi %mul3A_18, %add3A_89 : i32
        %mul3A_91 = arith.constant 2 : i32
        %mul3A_92 = arith.muli %add3A_90, %mul3A_91 : i32
        %dma_start3A_93 = arith.constant 1 : i32
        %dma_start3A_94 = arith.constant 0 : i32
        %dma_start3A_95 = arith.constant 0 : i32
        %dma_start3A_96 = tpu.memref_slice %arg10[%dma_start3A_93, %dma_start3A_94, %dma_start3A_95] : memref<2x2x512xi32, #tpu.memory_space<vmem>> -> memref<1x2x512xi32, #tpu.memory_space<vmem>>
        %dma_start3A_97 = tpu.memref_squeeze %dma_start3A_96 : memref<1x2x512xi32, #tpu.memory_space<vmem>> -> memref<2x512xi32, #tpu.memory_space<vmem>>
        %dma_start3A_98 = arith.constant 0 : i32
        %dma_start3A_99 = arith.constant 0 : i32
        %dma_start3A_100 = tpu.memref_slice %arg5[%add3A, %dma_start3A_98, %dma_start3A_99] : memref<32x52x512xi32, #tpu.memory_space<hbm>> -> memref<1x52x512xi32, #tpu.memory_space<hbm>>
        %dma_start3A_101 = tpu.memref_squeeze %dma_start3A_100 : memref<1x52x512xi32, #tpu.memory_space<hbm>> -> memref<52x512xi32, #tpu.memory_space<hbm>>
        %dma_start3A_102 = arith.constant 0 : i32
        %dma_start3A_103 = tpu.memref_slice %dma_start3A_101[%mul3A_92, %dma_start3A_102] : memref<52x512xi32, #tpu.memory_space<hbm>> -> memref<2x512xi32, #tpu.memory_space<hbm>>
        %dma_start3A_104 = arith.constant 0 : i32
        %dma_start3A_105 = arith.constant 0 : i32
        %dma_start3A_106 = tpu.memref_slice %arg10[%dma_start3A_93, %dma_start3A_104, %dma_start3A_105] : memref<2x2x512xi32, #tpu.memory_space<vmem>> -> memref<1x2x512xi32, #tpu.memory_space<vmem>>
        %dma_start3A_107 = tpu.memref_squeeze %dma_start3A_106 : memref<1x2x512xi32, #tpu.memory_space<vmem>> -> memref<2x512xi32, #tpu.memory_space<vmem>>
        %dma_start3A_108 = arith.constant 0 : i32
        %dma_start3A_109 = arith.constant 0 : i32
        %dma_start3A_110 = tpu.memref_slice %arg5[%add3A, %dma_start3A_108, %dma_start3A_109] : memref<32x52x512xi32, #tpu.memory_space<hbm>> -> memref<1x52x512xi32, #tpu.memory_space<hbm>>
        %dma_start3A_111 = tpu.memref_squeeze %dma_start3A_110 : memref<1x52x512xi32, #tpu.memory_space<hbm>> -> memref<52x512xi32, #tpu.memory_space<hbm>>
        %dma_start3A_112 = arith.constant 0 : i32
        %dma_start3A_113 = tpu.memref_slice %dma_start3A_111[%mul3A_92, %dma_start3A_112] : memref<52x512xi32, #tpu.memory_space<hbm>> -> memref<2x512xi32, #tpu.memory_space<hbm>>
        tpu.enqueue_dma source(%dma_start3A_113 : memref<2x512xi32, #tpu.memory_space<hbm>>) target(%dma_start3A_107 : memref<2x512xi32, #tpu.memory_space<vmem>>) target_semaphore(%arg16 : memref<!tpu.dma_semaphore, #tpu.memory_space<semaphore_mem>>)
        %dma_wait3A = arith.constant 0 : i32
        %dma_wait3A_114 = arith.constant 0 : i32
        %dma_wait3A_115 = arith.constant 0 : i32
        %dma_wait3A_116 = tpu.memref_slice %arg9[%dma_wait3A, %dma_wait3A_114, %dma_wait3A_115] : memref<2x2x512xi32, #tpu.memory_space<vmem>> -> memref<1x2x512xi32, #tpu.memory_space<vmem>>
        %dma_wait3A_117 = tpu.memref_squeeze %dma_wait3A_116 : memref<1x2x512xi32, #tpu.memory_space<vmem>> -> memref<2x512xi32, #tpu.memory_space<vmem>>
        %dma_wait3A_118 = arith.constant 0 : i32
        %dma_wait3A_119 = arith.constant 0 : i32
        %dma_wait3A_120 = tpu.memref_slice %arg4[%add3A, %dma_wait3A_118, %dma_wait3A_119] : memref<32x52x512xi32, #tpu.memory_space<hbm>> -> memref<1x52x512xi32, #tpu.memory_space<hbm>>
        %dma_wait3A_121 = tpu.memref_squeeze %dma_wait3A_120 : memref<1x52x512xi32, #tpu.memory_space<hbm>> -> memref<52x512xi32, #tpu.memory_space<hbm>>
        %dma_wait3A_122 = arith.constant 0 : i32
        %dma_wait3A_123 = tpu.memref_slice %dma_wait3A_121[%mul3A_20, %dma_wait3A_122] : memref<52x512xi32, #tpu.memory_space<hbm>> -> memref<2x512xi32, #tpu.memory_space<hbm>>
        %dma_wait3A_124 = arith.constant 0 : i32
        %dma_wait3A_125 = arith.constant 0 : i32
        %dma_wait3A_126 = tpu.memref_slice %arg9[%dma_wait3A, %dma_wait3A_124, %dma_wait3A_125] : memref<2x2x512xi32, #tpu.memory_space<vmem>> -> memref<1x2x512xi32, #tpu.memory_space<vmem>>
        %dma_wait3A_127 = tpu.memref_squeeze %dma_wait3A_126 : memref<1x2x512xi32, #tpu.memory_space<vmem>> -> memref<2x512xi32, #tpu.memory_space<vmem>>
        %dma_wait3A_128 = arith.constant 0 : i32
        %dma_wait3A_129 = arith.constant 0 : i32
        %dma_wait3A_130 = tpu.memref_slice %arg4[%add3A, %dma_wait3A_128, %dma_wait3A_129] : memref<32x52x512xi32, #tpu.memory_space<hbm>> -> memref<1x52x512xi32, #tpu.memory_space<hbm>>
        %dma_wait3A_131 = tpu.memref_squeeze %dma_wait3A_130 : memref<1x52x512xi32, #tpu.memory_space<hbm>> -> memref<52x512xi32, #tpu.memory_space<hbm>>
        %dma_wait3A_132 = arith.constant 0 : i32
        %dma_wait3A_133 = tpu.memref_slice %dma_wait3A_131[%mul3A_20, %dma_wait3A_132] : memref<52x512xi32, #tpu.memory_space<hbm>> -> memref<2x512xi32, #tpu.memory_space<hbm>>
        tpu.wait_dma2 semaphore(%arg16 : memref<!tpu.dma_semaphore, #tpu.memory_space<semaphore_mem>>) src(%dma_wait3A_133 : memref<2x512xi32, #tpu.memory_space<hbm>>) dst(%dma_wait3A_127 : memref<2x512xi32, #tpu.memory_space<vmem>>)
        %dma_wait3A_134 = arith.constant 1 : i32
        %dma_wait3A_135 = arith.constant 0 : i32
        %dma_wait3A_136 = arith.constant 0 : i32
        %dma_wait3A_137 = tpu.memref_slice %arg9[%dma_wait3A_134, %dma_wait3A_135, %dma_wait3A_136] : memref<2x2x512xi32, #tpu.memory_space<vmem>> -> memref<1x2x512xi32, #tpu.memory_space<vmem>>
        %dma_wait3A_138 = tpu.memref_squeeze %dma_wait3A_137 : memref<1x2x512xi32, #tpu.memory_space<vmem>> -> memref<2x512xi32, #tpu.memory_space<vmem>>
        %dma_wait3A_139 = arith.constant 0 : i32
        %dma_wait3A_140 = arith.constant 0 : i32
        %dma_wait3A_141 = tpu.memref_slice %arg4[%add3A, %dma_wait3A_139, %dma_wait3A_140] : memref<32x52x512xi32, #tpu.memory_space<hbm>> -> memref<1x52x512xi32, #tpu.memory_space<hbm>>
        %dma_wait3A_142 = tpu.memref_squeeze %dma_wait3A_141 : memref<1x52x512xi32, #tpu.memory_space<hbm>> -> memref<52x512xi32, #tpu.memory_space<hbm>>
        %dma_wait3A_143 = arith.constant 0 : i32
        %dma_wait3A_144 = tpu.memref_slice %dma_wait3A_142[%mul3A_44, %dma_wait3A_143] : memref<52x512xi32, #tpu.memory_space<hbm>> -> memref<2x512xi32, #tpu.memory_space<hbm>>
        %dma_wait3A_145 = arith.constant 0 : i32
        %dma_wait3A_146 = arith.constant 0 : i32
        %dma_wait3A_147 = tpu.memref_slice %arg9[%dma_wait3A_134, %dma_wait3A_145, %dma_wait3A_146] : memref<2x2x512xi32, #tpu.memory_space<vmem>> -> memref<1x2x512xi32, #tpu.memory_space<vmem>>
        %dma_wait3A_148 = tpu.memref_squeeze %dma_wait3A_147 : memref<1x2x512xi32, #tpu.memory_space<vmem>> -> memref<2x512xi32, #tpu.memory_space<vmem>>
        %dma_wait3A_149 = arith.constant 0 : i32
        %dma_wait3A_150 = arith.constant 0 : i32
        %dma_wait3A_151 = tpu.memref_slice %arg4[%add3A, %dma_wait3A_149, %dma_wait3A_150] : memref<32x52x512xi32, #tpu.memory_space<hbm>> -> memref<1x52x512xi32, #tpu.memory_space<hbm>>
        %dma_wait3A_152 = tpu.memref_squeeze %dma_wait3A_151 : memref<1x52x512xi32, #tpu.memory_space<hbm>> -> memref<52x512xi32, #tpu.memory_space<hbm>>
        %dma_wait3A_153 = arith.constant 0 : i32
        %dma_wait3A_154 = tpu.memref_slice %dma_wait3A_152[%mul3A_44, %dma_wait3A_153] : memref<52x512xi32, #tpu.memory_space<hbm>> -> memref<2x512xi32, #tpu.memory_space<hbm>>
        tpu.wait_dma2 semaphore(%arg16 : memref<!tpu.dma_semaphore, #tpu.memory_space<semaphore_mem>>) src(%dma_wait3A_154 : memref<2x512xi32, #tpu.memory_space<hbm>>) dst(%dma_wait3A_148 : memref<2x512xi32, #tpu.memory_space<vmem>>)
        %dma_wait3A_155 = arith.constant 0 : i32
        %dma_wait3A_156 = arith.constant 0 : i32
        %dma_wait3A_157 = arith.constant 0 : i32
        %dma_wait3A_158 = tpu.memref_slice %arg10[%dma_wait3A_155, %dma_wait3A_156, %dma_wait3A_157] : memref<2x2x512xi32, #tpu.memory_space<vmem>> -> memref<1x2x512xi32, #tpu.memory_space<vmem>>
        %dma_wait3A_159 = tpu.memref_squeeze %dma_wait3A_158 : memref<1x2x512xi32, #tpu.memory_space<vmem>> -> memref<2x512xi32, #tpu.memory_space<vmem>>
        %dma_wait3A_160 = arith.constant 0 : i32
        %dma_wait3A_161 = arith.constant 0 : i32
        %dma_wait3A_162 = tpu.memref_slice %arg5[%add3A, %dma_wait3A_160, %dma_wait3A_161] : memref<32x52x512xi32, #tpu.memory_space<hbm>> -> memref<1x52x512xi32, #tpu.memory_space<hbm>>
        %dma_wait3A_163 = tpu.memref_squeeze %dma_wait3A_162 : memref<1x52x512xi32, #tpu.memory_space<hbm>> -> memref<52x512xi32, #tpu.memory_space<hbm>>
        %dma_wait3A_164 = arith.constant 0 : i32
        %dma_wait3A_165 = tpu.memref_slice %dma_wait3A_163[%mul3A_67, %dma_wait3A_164] : memref<52x512xi32, #tpu.memory_space<hbm>> -> memref<2x512xi32, #tpu.memory_space<hbm>>
        %dma_wait3A_166 = arith.constant 0 : i32
        %dma_wait3A_167 = arith.constant 0 : i32
        %dma_wait3A_168 = tpu.memref_slice %arg10[%dma_wait3A_155, %dma_wait3A_166, %dma_wait3A_167] : memref<2x2x512xi32, #tpu.memory_space<vmem>> -> memref<1x2x512xi32, #tpu.memory_space<vmem>>
        %dma_wait3A_169 = tpu.memref_squeeze %dma_wait3A_168 : memref<1x2x512xi32, #tpu.memory_space<vmem>> -> memref<2x512xi32, #tpu.memory_space<vmem>>
        %dma_wait3A_170 = arith.constant 0 : i32
        %dma_wait3A_171 = arith.constant 0 : i32
        %dma_wait3A_172 = tpu.memref_slice %arg5[%add3A, %dma_wait3A_170, %dma_wait3A_171] : memref<32x52x512xi32, #tpu.memory_space<hbm>> -> memref<1x52x512xi32, #tpu.memory_space<hbm>>
        %dma_wait3A_173 = tpu.memref_squeeze %dma_wait3A_172 : memref<1x52x512xi32, #tpu.memory_space<hbm>> -> memref<52x512xi32, #tpu.memory_space<hbm>>
        %dma_wait3A_174 = arith.constant 0 : i32
        %dma_wait3A_175 = tpu.memref_slice %dma_wait3A_173[%mul3A_67, %dma_wait3A_174] : memref<52x512xi32, #tpu.memory_space<hbm>> -> memref<2x512xi32, #tpu.memory_space<hbm>>
        tpu.wait_dma2 semaphore(%arg16 : memref<!tpu.dma_semaphore, #tpu.memory_space<semaphore_mem>>) src(%dma_wait3A_175 : memref<2x512xi32, #tpu.memory_space<hbm>>) dst(%dma_wait3A_169 : memref<2x512xi32, #tpu.memory_space<vmem>>)
        %dma_wait3A_176 = arith.constant 1 : i32
        %dma_wait3A_177 = arith.constant 0 : i32
        %dma_wait3A_178 = arith.constant 0 : i32
        %dma_wait3A_179 = tpu.memref_slice %arg10[%dma_wait3A_176, %dma_wait3A_177, %dma_wait3A_178] : memref<2x2x512xi32, #tpu.memory_space<vmem>> -> memref<1x2x512xi32, #tpu.memory_space<vmem>>
        %dma_wait3A_180 = tpu.memref_squeeze %dma_wait3A_179 : memref<1x2x512xi32, #tpu.memory_space<vmem>> -> memref<2x512xi32, #tpu.memory_space<vmem>>
        %dma_wait3A_181 = arith.constant 0 : i32
        %dma_wait3A_182 = arith.constant 0 : i32
        %dma_wait3A_183 = tpu.memref_slice %arg5[%add3A, %dma_wait3A_181, %dma_wait3A_182] : memref<32x52x512xi32, #tpu.memory_space<hbm>> -> memref<1x52x512xi32, #tpu.memory_space<hbm>>
        %dma_wait3A_184 = tpu.memref_squeeze %dma_wait3A_183 : memref<1x52x512xi32, #tpu.memory_space<hbm>> -> memref<52x512xi32, #tpu.memory_space<hbm>>
        %dma_wait3A_185 = arith.constant 0 : i32
        %dma_wait3A_186 = tpu.memref_slice %dma_wait3A_184[%mul3A_92, %dma_wait3A_185] : memref<52x512xi32, #tpu.memory_space<hbm>> -> memref<2x512xi32, #tpu.memory_space<hbm>>
        %dma_wait3A_187 = arith.constant 0 : i32
        %dma_wait3A_188 = arith.constant 0 : i32
        %dma_wait3A_189 = tpu.memref_slice %arg10[%dma_wait3A_176, %dma_wait3A_187, %dma_wait3A_188] : memref<2x2x512xi32, #tpu.memory_space<vmem>> -> memref<1x2x512xi32, #tpu.memory_space<vmem>>
        %dma_wait3A_190 = tpu.memref_squeeze %dma_wait3A_189 : memref<1x2x512xi32, #tpu.memory_space<vmem>> -> memref<2x512xi32, #tpu.memory_space<vmem>>
        %dma_wait3A_191 = arith.constant 0 : i32
        %dma_wait3A_192 = arith.constant 0 : i32
        %dma_wait3A_193 = tpu.memref_slice %arg5[%add3A, %dma_wait3A_191, %dma_wait3A_192] : memref<32x52x512xi32, #tpu.memory_space<hbm>> -> memref<1x52x512xi32, #tpu.memory_space<hbm>>
        %dma_wait3A_194 = tpu.memref_squeeze %dma_wait3A_193 : memref<1x52x512xi32, #tpu.memory_space<hbm>> -> memref<52x512xi32, #tpu.memory_space<hbm>>
        %dma_wait3A_195 = arith.constant 0 : i32
        %dma_wait3A_196 = tpu.memref_slice %dma_wait3A_194[%mul3A_92, %dma_wait3A_195] : memref<52x512xi32, #tpu.memory_space<hbm>> -> memref<2x512xi32, #tpu.memory_space<hbm>>
        tpu.wait_dma2 semaphore(%arg16 : memref<!tpu.dma_semaphore, #tpu.memory_space<semaphore_mem>>) src(%dma_wait3A_196 : memref<2x512xi32, #tpu.memory_space<hbm>>) dst(%dma_wait3A_190 : memref<2x512xi32, #tpu.memory_space<vmem>>)
        %dma_start3A_197 = arith.constant 0 : i32
        %dma_start3A_198 = arith.constant 0 : i32
        %dma_start3A_199 = arith.constant 0 : i32
        %dma_start3A_200 = arith.constant 0 : i32
        %dma_start3A_201 = arith.constant 0 : i32
        %dma_start3A_202 = arith.constant 0 : i32
        %dma_start3A_203 = tpu.memref_slice %arg8[%dma_start3A_199, %dma_start3A_200, %dma_start3A_201, %dma_start3A_202] : memref<2x2x512x16xf32, #tpu.memory_space<vmem>> -> memref<1x1x512x16xf32, #tpu.memory_space<vmem>>
        %dma_start3A_204 = tpu.memref_squeeze %dma_start3A_203 : memref<1x1x512x16xf32, #tpu.memory_space<vmem>> -> memref<512x16xf32, #tpu.memory_space<vmem>>
        %dma_start3A_205 = arith.constant 0 : i32
        %dma_start3A_206 = tpu.memref_slice %arg9[%dma_start3A_197, %dma_start3A_198, %dma_start3A_205] : memref<2x2x512xi32, #tpu.memory_space<vmem>> -> memref<1x1x512xi32, #tpu.memory_space<vmem>>
        %dma_start3A_207 = tpu.memref_squeeze %dma_start3A_206 : memref<1x1x512xi32, #tpu.memory_space<vmem>> -> memref<512xi32, #tpu.memory_space<vmem>>
        %dma_start3A_208 = arith.constant 0 : i32
        %dma_start3A_209 = arith.constant 0 : i32
        %dma_start3A_210 = tpu.memref_slice %arg2[%dma_start3A_208, %dma_start3A_209] : memref<50000x16xf32, #tpu.memory_space<hbm>> -> memref<50000x16xf32, #tpu.memory_space<hbm>>
        tpu.enqueue_indirect_dma source(%dma_start3A_210 : memref<50000x16xf32, #tpu.memory_space<hbm>>) target(%dma_start3A_204 : memref<512x16xf32, #tpu.memory_space<vmem>>) offsets(%dma_start3A_207 : memref<512xi32, #tpu.memory_space<vmem>>) semaphore(%arg12 : memref<!tpu.dma_semaphore, #tpu.memory_space<semaphore_mem>>)
        %dma_start3A_211 = arith.constant 0 : i32
        %dma_start3A_212 = arith.constant 1 : i32
        %dma_start3A_213 = arith.constant 0 : i32
        %dma_start3A_214 = arith.constant 1 : i32
        %dma_start3A_215 = arith.constant 0 : i32
        %dma_start3A_216 = arith.constant 0 : i32
        %dma_start3A_217 = tpu.memref_slice %arg8[%dma_start3A_213, %dma_start3A_214, %dma_start3A_215, %dma_start3A_216] : memref<2x2x512x16xf32, #tpu.memory_space<vmem>> -> memref<1x1x512x16xf32, #tpu.memory_space<vmem>>
        %dma_start3A_218 = tpu.memref_squeeze %dma_start3A_217 : memref<1x1x512x16xf32, #tpu.memory_space<vmem>> -> memref<512x16xf32, #tpu.memory_space<vmem>>
        %dma_start3A_219 = arith.constant 0 : i32
        %dma_start3A_220 = tpu.memref_slice %arg9[%dma_start3A_211, %dma_start3A_212, %dma_start3A_219] : memref<2x2x512xi32, #tpu.memory_space<vmem>> -> memref<1x1x512xi32, #tpu.memory_space<vmem>>
        %dma_start3A_221 = tpu.memref_squeeze %dma_start3A_220 : memref<1x1x512xi32, #tpu.memory_space<vmem>> -> memref<512xi32, #tpu.memory_space<vmem>>
        %dma_start3A_222 = arith.constant 0 : i32
        %dma_start3A_223 = arith.constant 0 : i32
        %dma_start3A_224 = tpu.memref_slice %arg2[%dma_start3A_222, %dma_start3A_223] : memref<50000x16xf32, #tpu.memory_space<hbm>> -> memref<50000x16xf32, #tpu.memory_space<hbm>>
        tpu.enqueue_indirect_dma source(%dma_start3A_224 : memref<50000x16xf32, #tpu.memory_space<hbm>>) target(%dma_start3A_218 : memref<512x16xf32, #tpu.memory_space<vmem>>) offsets(%dma_start3A_221 : memref<512xi32, #tpu.memory_space<vmem>>) semaphore(%arg12 : memref<!tpu.dma_semaphore, #tpu.memory_space<semaphore_mem>>)
        %dma_start3A_225 = arith.constant 1 : i32
        %dma_start3A_226 = arith.constant 0 : i32
        %dma_start3A_227 = arith.constant 1 : i32
        %dma_start3A_228 = arith.constant 0 : i32
        %dma_start3A_229 = arith.constant 0 : i32
        %dma_start3A_230 = arith.constant 0 : i32
        %dma_start3A_231 = tpu.memref_slice %arg8[%dma_start3A_227, %dma_start3A_228, %dma_start3A_229, %dma_start3A_230] : memref<2x2x512x16xf32, #tpu.memory_space<vmem>> -> memref<1x1x512x16xf32, #tpu.memory_space<vmem>>
        %dma_start3A_232 = tpu.memref_squeeze %dma_start3A_231 : memref<1x1x512x16xf32, #tpu.memory_space<vmem>> -> memref<512x16xf32, #tpu.memory_space<vmem>>
        %dma_start3A_233 = arith.constant 0 : i32
        %dma_start3A_234 = tpu.memref_slice %arg9[%dma_start3A_225, %dma_start3A_226, %dma_start3A_233] : memref<2x2x512xi32, #tpu.memory_space<vmem>> -> memref<1x1x512xi32, #tpu.memory_space<vmem>>
        %dma_start3A_235 = tpu.memref_squeeze %dma_start3A_234 : memref<1x1x512xi32, #tpu.memory_space<vmem>> -> memref<512xi32, #tpu.memory_space<vmem>>
        %dma_start3A_236 = arith.constant 0 : i32
        %dma_start3A_237 = arith.constant 0 : i32
        %dma_start3A_238 = tpu.memref_slice %arg2[%dma_start3A_236, %dma_start3A_237] : memref<50000x16xf32, #tpu.memory_space<hbm>> -> memref<50000x16xf32, #tpu.memory_space<hbm>>
        tpu.enqueue_indirect_dma source(%dma_start3A_238 : memref<50000x16xf32, #tpu.memory_space<hbm>>) target(%dma_start3A_232 : memref<512x16xf32, #tpu.memory_space<vmem>>) offsets(%dma_start3A_235 : memref<512xi32, #tpu.memory_space<vmem>>) semaphore(%arg13 : memref<!tpu.dma_semaphore, #tpu.memory_space<semaphore_mem>>)
        %dma_start3A_239 = arith.constant 1 : i32
        %dma_start3A_240 = arith.constant 1 : i32
        %dma_start3A_241 = arith.constant 1 : i32
        %dma_start3A_242 = arith.constant 1 : i32
        %dma_start3A_243 = arith.constant 0 : i32
        %dma_start3A_244 = arith.constant 0 : i32
        %dma_start3A_245 = tpu.memref_slice %arg8[%dma_start3A_241, %dma_start3A_242, %dma_start3A_243, %dma_start3A_244] : memref<2x2x512x16xf32, #tpu.memory_space<vmem>> -> memref<1x1x512x16xf32, #tpu.memory_space<vmem>>
        %dma_start3A_246 = tpu.memref_squeeze %dma_start3A_245 : memref<1x1x512x16xf32, #tpu.memory_space<vmem>> -> memref<512x16xf32, #tpu.memory_space<vmem>>
        %dma_start3A_247 = arith.constant 0 : i32
        %dma_start3A_248 = tpu.memref_slice %arg9[%dma_start3A_239, %dma_start3A_240, %dma_start3A_247] : memref<2x2x512xi32, #tpu.memory_space<vmem>> -> memref<1x1x512xi32, #tpu.memory_space<vmem>>
        %dma_start3A_249 = tpu.memref_squeeze %dma_start3A_248 : memref<1x1x512xi32, #tpu.memory_space<vmem>> -> memref<512xi32, #tpu.memory_space<vmem>>
        %dma_start3A_250 = arith.constant 0 : i32
        %dma_start3A_251 = arith.constant 0 : i32
        %dma_start3A_252 = tpu.memref_slice %arg2[%dma_start3A_250, %dma_start3A_251] : memref<50000x16xf32, #tpu.memory_space<hbm>> -> memref<50000x16xf32, #tpu.memory_space<hbm>>
        tpu.enqueue_indirect_dma source(%dma_start3A_252 : memref<50000x16xf32, #tpu.memory_space<hbm>>) target(%dma_start3A_246 : memref<512x16xf32, #tpu.memory_space<vmem>>) offsets(%dma_start3A_249 : memref<512xi32, #tpu.memory_space<vmem>>) semaphore(%arg13 : memref<!tpu.dma_semaphore, #tpu.memory_space<semaphore_mem>>)
        %dma_wait3A_253 = arith.constant 0 : i32
        %dma_wait3A_254 = arith.constant 0 : i32
        %dma_wait3A_255 = arith.constant 0 : i32
        %dma_wait3A_256 = arith.constant 0 : i32
        %dma_wait3A_257 = arith.constant 0 : i32
        %dma_wait3A_258 = arith.constant 0 : i32
        %dma_wait3A_259 = tpu.memref_slice %arg8[%dma_wait3A_255, %dma_wait3A_256, %dma_wait3A_257, %dma_wait3A_258] : memref<2x2x512x16xf32, #tpu.memory_space<vmem>> -> memref<1x1x512x16xf32, #tpu.memory_space<vmem>>
        %dma_wait3A_260 = tpu.memref_squeeze %dma_wait3A_259 : memref<1x1x512x16xf32, #tpu.memory_space<vmem>> -> memref<512x16xf32, #tpu.memory_space<vmem>>
        %dma_wait3A_261 = arith.constant 0 : i32
        %dma_wait3A_262 = tpu.memref_slice %arg9[%dma_wait3A_253, %dma_wait3A_254, %dma_wait3A_261] : memref<2x2x512xi32, #tpu.memory_space<vmem>> -> memref<1x1x512xi32, #tpu.memory_space<vmem>>
        %dma_wait3A_263 = tpu.memref_squeeze %dma_wait3A_262 : memref<1x1x512xi32, #tpu.memory_space<vmem>> -> memref<512xi32, #tpu.memory_space<vmem>>
        %dma_wait3A_264 = arith.constant 0 : i32
        %dma_wait3A_265 = arith.constant 0 : i32
        %dma_wait3A_266 = tpu.memref_slice %arg2[%dma_wait3A_264, %dma_wait3A_265] : memref<50000x16xf32, #tpu.memory_space<hbm>> -> memref<50000x16xf32, #tpu.memory_space<hbm>>
        tpu.wait_indirect_dma semaphore(%arg12 : memref<!tpu.dma_semaphore, #tpu.memory_space<semaphore_mem>>) src(%dma_wait3A_266 : memref<50000x16xf32, #tpu.memory_space<hbm>>) dst(%dma_wait3A_260 : memref<512x16xf32, #tpu.memory_space<vmem>>)
        %dma_wait3A_267 = arith.constant 0 : i32
        %dma_wait3A_268 = arith.constant 1 : i32
        %dma_wait3A_269 = arith.constant 0 : i32
        %dma_wait3A_270 = arith.constant 1 : i32
        %dma_wait3A_271 = arith.constant 0 : i32
        %dma_wait3A_272 = arith.constant 0 : i32
        %dma_wait3A_273 = tpu.memref_slice %arg8[%dma_wait3A_269, %dma_wait3A_270, %dma_wait3A_271, %dma_wait3A_272] : memref<2x2x512x16xf32, #tpu.memory_space<vmem>> -> memref<1x1x512x16xf32, #tpu.memory_space<vmem>>
        %dma_wait3A_274 = tpu.memref_squeeze %dma_wait3A_273 : memref<1x1x512x16xf32, #tpu.memory_space<vmem>> -> memref<512x16xf32, #tpu.memory_space<vmem>>
        %dma_wait3A_275 = arith.constant 0 : i32
        %dma_wait3A_276 = tpu.memref_slice %arg9[%dma_wait3A_267, %dma_wait3A_268, %dma_wait3A_275] : memref<2x2x512xi32, #tpu.memory_space<vmem>> -> memref<1x1x512xi32, #tpu.memory_space<vmem>>
        %dma_wait3A_277 = tpu.memref_squeeze %dma_wait3A_276 : memref<1x1x512xi32, #tpu.memory_space<vmem>> -> memref<512xi32, #tpu.memory_space<vmem>>
        %dma_wait3A_278 = arith.constant 0 : i32
        %dma_wait3A_279 = arith.constant 0 : i32
        %dma_wait3A_280 = tpu.memref_slice %arg2[%dma_wait3A_278, %dma_wait3A_279] : memref<50000x16xf32, #tpu.memory_space<hbm>> -> memref<50000x16xf32, #tpu.memory_space<hbm>>
        tpu.wait_indirect_dma semaphore(%arg12 : memref<!tpu.dma_semaphore, #tpu.memory_space<semaphore_mem>>) src(%dma_wait3A_280 : memref<50000x16xf32, #tpu.memory_space<hbm>>) dst(%dma_wait3A_274 : memref<512x16xf32, #tpu.memory_space<vmem>>)
        %dma_start3A_281 = arith.constant 0 : i32
        %dma_start3A_282 = arith.constant 0 : i32
        %dma_start3A_283 = arith.constant 0 : i32
        %dma_start3A_284 = arith.constant 0 : i32
        %dma_start3A_285 = arith.constant 0 : i32
        %dma_start3A_286 = arith.constant 0 : i32
        %dma_start3A_287 = tpu.memref_slice %arg8[%dma_start3A_281, %dma_start3A_282, %dma_start3A_285, %dma_start3A_286] : memref<2x2x512x16xf32, #tpu.memory_space<vmem>> -> memref<1x1x512x16xf32, #tpu.memory_space<vmem>>
        %dma_start3A_288 = tpu.memref_squeeze %dma_start3A_287 : memref<1x1x512x16xf32, #tpu.memory_space<vmem>> -> memref<512x16xf32, #tpu.memory_space<vmem>>
        %dma_start3A_289 = arith.constant 0 : i32
        %dma_start3A_290 = tpu.memref_slice %arg10[%dma_start3A_283, %dma_start3A_284, %dma_start3A_289] : memref<2x2x512xi32, #tpu.memory_space<vmem>> -> memref<1x1x512xi32, #tpu.memory_space<vmem>>
        %dma_start3A_291 = tpu.memref_squeeze %dma_start3A_290 : memref<1x1x512xi32, #tpu.memory_space<vmem>> -> memref<512xi32, #tpu.memory_space<vmem>>
        %dma_start3A_292 = arith.constant 0 : i32
        %dma_start3A_293 = arith.constant 0 : i32
        %dma_start3A_294 = tpu.memref_slice %arg11[%dma_start3A_292, %dma_start3A_293] : memref<50008x16xf32, #tpu.memory_space<vmem_shared>> -> memref<50008x16xf32, #tpu.memory_space<vmem_shared>>
        tpu.enqueue_indirect_dma source(%dma_start3A_288 : memref<512x16xf32, #tpu.memory_space<vmem>>) target(%dma_start3A_294 : memref<50008x16xf32, #tpu.memory_space<vmem_shared>>) offsets(%dma_start3A_291 : memref<512xi32, #tpu.memory_space<vmem>>) semaphore(%arg14 : memref<!tpu.dma_semaphore, #tpu.memory_space<semaphore_mem>>) {add = true}
        %dma_start3A_295 = arith.constant 0 : i32
        %dma_start3A_296 = arith.constant 1 : i32
        %dma_start3A_297 = arith.constant 0 : i32
        %dma_start3A_298 = arith.constant 1 : i32
        %dma_start3A_299 = arith.constant 0 : i32
        %dma_start3A_300 = arith.constant 0 : i32
        %dma_start3A_301 = tpu.memref_slice %arg8[%dma_start3A_295, %dma_start3A_296, %dma_start3A_299, %dma_start3A_300] : memref<2x2x512x16xf32, #tpu.memory_space<vmem>> -> memref<1x1x512x16xf32, #tpu.memory_space<vmem>>
        %dma_start3A_302 = tpu.memref_squeeze %dma_start3A_301 : memref<1x1x512x16xf32, #tpu.memory_space<vmem>> -> memref<512x16xf32, #tpu.memory_space<vmem>>
        %dma_start3A_303 = arith.constant 0 : i32
        %dma_start3A_304 = tpu.memref_slice %arg10[%dma_start3A_297, %dma_start3A_298, %dma_start3A_303] : memref<2x2x512xi32, #tpu.memory_space<vmem>> -> memref<1x1x512xi32, #tpu.memory_space<vmem>>
        %dma_start3A_305 = tpu.memref_squeeze %dma_start3A_304 : memref<1x1x512xi32, #tpu.memory_space<vmem>> -> memref<512xi32, #tpu.memory_space<vmem>>
        %dma_start3A_306 = arith.constant 0 : i32
        %dma_start3A_307 = arith.constant 0 : i32
        %dma_start3A_308 = tpu.memref_slice %arg11[%dma_start3A_306, %dma_start3A_307] : memref<50008x16xf32, #tpu.memory_space<vmem_shared>> -> memref<50008x16xf32, #tpu.memory_space<vmem_shared>>
        tpu.enqueue_indirect_dma source(%dma_start3A_302 : memref<512x16xf32, #tpu.memory_space<vmem>>) target(%dma_start3A_308 : memref<50008x16xf32, #tpu.memory_space<vmem_shared>>) offsets(%dma_start3A_305 : memref<512xi32, #tpu.memory_space<vmem>>) semaphore(%arg14 : memref<!tpu.dma_semaphore, #tpu.memory_space<semaphore_mem>>) {add = true}
        %dma_wait3A_309 = arith.constant 1 : i32
        %dma_wait3A_310 = arith.constant 0 : i32
        %dma_wait3A_311 = arith.constant 1 : i32
        %dma_wait3A_312 = arith.constant 0 : i32
        %dma_wait3A_313 = arith.constant 0 : i32
        %dma_wait3A_314 = arith.constant 0 : i32
        %dma_wait3A_315 = tpu.memref_slice %arg8[%dma_wait3A_311, %dma_wait3A_312, %dma_wait3A_313, %dma_wait3A_314] : memref<2x2x512x16xf32, #tpu.memory_space<vmem>> -> memref<1x1x512x16xf32, #tpu.memory_space<vmem>>
        %dma_wait3A_316 = tpu.memref_squeeze %dma_wait3A_315 : memref<1x1x512x16xf32, #tpu.memory_space<vmem>> -> memref<512x16xf32, #tpu.memory_space<vmem>>
        %dma_wait3A_317 = arith.constant 0 : i32
        %dma_wait3A_318 = tpu.memref_slice %arg9[%dma_wait3A_309, %dma_wait3A_310, %dma_wait3A_317] : memref<2x2x512xi32, #tpu.memory_space<vmem>> -> memref<1x1x512xi32, #tpu.memory_space<vmem>>
        %dma_wait3A_319 = tpu.memref_squeeze %dma_wait3A_318 : memref<1x1x512xi32, #tpu.memory_space<vmem>> -> memref<512xi32, #tpu.memory_space<vmem>>
        %dma_wait3A_320 = arith.constant 0 : i32
        %dma_wait3A_321 = arith.constant 0 : i32
        %dma_wait3A_322 = tpu.memref_slice %arg2[%dma_wait3A_320, %dma_wait3A_321] : memref<50000x16xf32, #tpu.memory_space<hbm>> -> memref<50000x16xf32, #tpu.memory_space<hbm>>
        tpu.wait_indirect_dma semaphore(%arg13 : memref<!tpu.dma_semaphore, #tpu.memory_space<semaphore_mem>>) src(%dma_wait3A_322 : memref<50000x16xf32, #tpu.memory_space<hbm>>) dst(%dma_wait3A_316 : memref<512x16xf32, #tpu.memory_space<vmem>>)
        %dma_wait3A_323 = arith.constant 1 : i32
        %dma_wait3A_324 = arith.constant 1 : i32
        %dma_wait3A_325 = arith.constant 1 : i32
        %dma_wait3A_326 = arith.constant 1 : i32
        %dma_wait3A_327 = arith.constant 0 : i32
        %dma_wait3A_328 = arith.constant 0 : i32
        %dma_wait3A_329 = tpu.memref_slice %arg8[%dma_wait3A_325, %dma_wait3A_326, %dma_wait3A_327, %dma_wait3A_328] : memref<2x2x512x16xf32, #tpu.memory_space<vmem>> -> memref<1x1x512x16xf32, #tpu.memory_space<vmem>>
        %dma_wait3A_330 = tpu.memref_squeeze %dma_wait3A_329 : memref<1x1x512x16xf32, #tpu.memory_space<vmem>> -> memref<512x16xf32, #tpu.memory_space<vmem>>
        %dma_wait3A_331 = arith.constant 0 : i32
        %dma_wait3A_332 = tpu.memref_slice %arg9[%dma_wait3A_323, %dma_wait3A_324, %dma_wait3A_331] : memref<2x2x512xi32, #tpu.memory_space<vmem>> -> memref<1x1x512xi32, #tpu.memory_space<vmem>>
        %dma_wait3A_333 = tpu.memref_squeeze %dma_wait3A_332 : memref<1x1x512xi32, #tpu.memory_space<vmem>> -> memref<512xi32, #tpu.memory_space<vmem>>
        %dma_wait3A_334 = arith.constant 0 : i32
        %dma_wait3A_335 = arith.constant 0 : i32
        %dma_wait3A_336 = tpu.memref_slice %arg2[%dma_wait3A_334, %dma_wait3A_335] : memref<50000x16xf32, #tpu.memory_space<hbm>> -> memref<50000x16xf32, #tpu.memory_space<hbm>>
        tpu.wait_indirect_dma semaphore(%arg13 : memref<!tpu.dma_semaphore, #tpu.memory_space<semaphore_mem>>) src(%dma_wait3A_336 : memref<50000x16xf32, #tpu.memory_space<hbm>>) dst(%dma_wait3A_330 : memref<512x16xf32, #tpu.memory_space<vmem>>)
        %dma_start3A_337 = arith.constant 1 : i32
        %dma_start3A_338 = arith.constant 0 : i32
        %dma_start3A_339 = arith.constant 1 : i32
        %dma_start3A_340 = arith.constant 0 : i32
        %dma_start3A_341 = arith.constant 0 : i32
        %dma_start3A_342 = arith.constant 0 : i32
        %dma_start3A_343 = tpu.memref_slice %arg8[%dma_start3A_337, %dma_start3A_338, %dma_start3A_341, %dma_start3A_342] : memref<2x2x512x16xf32, #tpu.memory_space<vmem>> -> memref<1x1x512x16xf32, #tpu.memory_space<vmem>>
        %dma_start3A_344 = tpu.memref_squeeze %dma_start3A_343 : memref<1x1x512x16xf32, #tpu.memory_space<vmem>> -> memref<512x16xf32, #tpu.memory_space<vmem>>
        %dma_start3A_345 = arith.constant 0 : i32
        %dma_start3A_346 = tpu.memref_slice %arg10[%dma_start3A_339, %dma_start3A_340, %dma_start3A_345] : memref<2x2x512xi32, #tpu.memory_space<vmem>> -> memref<1x1x512xi32, #tpu.memory_space<vmem>>
        %dma_start3A_347 = tpu.memref_squeeze %dma_start3A_346 : memref<1x1x512xi32, #tpu.memory_space<vmem>> -> memref<512xi32, #tpu.memory_space<vmem>>
        %dma_start3A_348 = arith.constant 0 : i32
        %dma_start3A_349 = arith.constant 0 : i32
        %dma_start3A_350 = tpu.memref_slice %arg11[%dma_start3A_348, %dma_start3A_349] : memref<50008x16xf32, #tpu.memory_space<vmem_shared>> -> memref<50008x16xf32, #tpu.memory_space<vmem_shared>>
        tpu.enqueue_indirect_dma source(%dma_start3A_344 : memref<512x16xf32, #tpu.memory_space<vmem>>) target(%dma_start3A_350 : memref<50008x16xf32, #tpu.memory_space<vmem_shared>>) offsets(%dma_start3A_347 : memref<512xi32, #tpu.memory_space<vmem>>) semaphore(%arg15 : memref<!tpu.dma_semaphore, #tpu.memory_space<semaphore_mem>>) {add = true}
        %dma_start3A_351 = arith.constant 1 : i32
        %dma_start3A_352 = arith.constant 1 : i32
        %dma_start3A_353 = arith.constant 1 : i32
        %dma_start3A_354 = arith.constant 1 : i32
        %dma_start3A_355 = arith.constant 0 : i32
        %dma_start3A_356 = arith.constant 0 : i32
        %dma_start3A_357 = tpu.memref_slice %arg8[%dma_start3A_351, %dma_start3A_352, %dma_start3A_355, %dma_start3A_356] : memref<2x2x512x16xf32, #tpu.memory_space<vmem>> -> memref<1x1x512x16xf32, #tpu.memory_space<vmem>>
        %dma_start3A_358 = tpu.memref_squeeze %dma_start3A_357 : memref<1x1x512x16xf32, #tpu.memory_space<vmem>> -> memref<512x16xf32, #tpu.memory_space<vmem>>
        %dma_start3A_359 = arith.constant 0 : i32
        %dma_start3A_360 = tpu.memref_slice %arg10[%dma_start3A_353, %dma_start3A_354, %dma_start3A_359] : memref<2x2x512xi32, #tpu.memory_space<vmem>> -> memref<1x1x512xi32, #tpu.memory_space<vmem>>
        %dma_start3A_361 = tpu.memref_squeeze %dma_start3A_360 : memref<1x1x512xi32, #tpu.memory_space<vmem>> -> memref<512xi32, #tpu.memory_space<vmem>>
        %dma_start3A_362 = arith.constant 0 : i32
        %dma_start3A_363 = arith.constant 0 : i32
        %dma_start3A_364 = tpu.memref_slice %arg11[%dma_start3A_362, %dma_start3A_363] : memref<50008x16xf32, #tpu.memory_space<vmem_shared>> -> memref<50008x16xf32, #tpu.memory_space<vmem_shared>>
        tpu.enqueue_indirect_dma source(%dma_start3A_358 : memref<512x16xf32, #tpu.memory_space<vmem>>) target(%dma_start3A_364 : memref<50008x16xf32, #tpu.memory_space<vmem_shared>>) offsets(%dma_start3A_361 : memref<512xi32, #tpu.memory_space<vmem>>) semaphore(%arg15 : memref<!tpu.dma_semaphore, #tpu.memory_space<semaphore_mem>>) {add = true}
        %dma_wait3A_365 = arith.constant 0 : i32
        %dma_wait3A_366 = arith.constant 0 : i32
        %dma_wait3A_367 = arith.constant 0 : i32
        %dma_wait3A_368 = arith.constant 0 : i32
        %dma_wait3A_369 = arith.constant 0 : i32
        %dma_wait3A_370 = arith.constant 0 : i32
        %dma_wait3A_371 = tpu.memref_slice %arg8[%dma_wait3A_365, %dma_wait3A_366, %dma_wait3A_369, %dma_wait3A_370] : memref<2x2x512x16xf32, #tpu.memory_space<vmem>> -> memref<1x1x512x16xf32, #tpu.memory_space<vmem>>
        %dma_wait3A_372 = tpu.memref_squeeze %dma_wait3A_371 : memref<1x1x512x16xf32, #tpu.memory_space<vmem>> -> memref<512x16xf32, #tpu.memory_space<vmem>>
        %dma_wait3A_373 = arith.constant 0 : i32
        %dma_wait3A_374 = tpu.memref_slice %arg10[%dma_wait3A_367, %dma_wait3A_368, %dma_wait3A_373] : memref<2x2x512xi32, #tpu.memory_space<vmem>> -> memref<1x1x512xi32, #tpu.memory_space<vmem>>
        %dma_wait3A_375 = tpu.memref_squeeze %dma_wait3A_374 : memref<1x1x512xi32, #tpu.memory_space<vmem>> -> memref<512xi32, #tpu.memory_space<vmem>>
        %dma_wait3A_376 = arith.constant 0 : i32
        %dma_wait3A_377 = arith.constant 0 : i32
        %dma_wait3A_378 = tpu.memref_slice %arg11[%dma_wait3A_376, %dma_wait3A_377] : memref<50008x16xf32, #tpu.memory_space<vmem_shared>> -> memref<50008x16xf32, #tpu.memory_space<vmem_shared>>
        tpu.wait_indirect_dma semaphore(%arg14 : memref<!tpu.dma_semaphore, #tpu.memory_space<semaphore_mem>>) src(%dma_wait3A_372 : memref<512x16xf32, #tpu.memory_space<vmem>>) dst(%dma_wait3A_378 : memref<50008x16xf32, #tpu.memory_space<vmem_shared>>)
        %dma_wait3A_379 = arith.constant 0 : i32
        %dma_wait3A_380 = arith.constant 1 : i32
        %dma_wait3A_381 = arith.constant 0 : i32
        %dma_wait3A_382 = arith.constant 1 : i32
        %dma_wait3A_383 = arith.constant 0 : i32
        %dma_wait3A_384 = arith.constant 0 : i32
        %dma_wait3A_385 = tpu.memref_slice %arg8[%dma_wait3A_379, %dma_wait3A_380, %dma_wait3A_383, %dma_wait3A_384] : memref<2x2x512x16xf32, #tpu.memory_space<vmem>> -> memref<1x1x512x16xf32, #tpu.memory_space<vmem>>
        %dma_wait3A_386 = tpu.memref_squeeze %dma_wait3A_385 : memref<1x1x512x16xf32, #tpu.memory_space<vmem>> -> memref<512x16xf32, #tpu.memory_space<vmem>>
        %dma_wait3A_387 = arith.constant 0 : i32
        %dma_wait3A_388 = tpu.memref_slice %arg10[%dma_wait3A_381, %dma_wait3A_382, %dma_wait3A_387] : memref<2x2x512xi32, #tpu.memory_space<vmem>> -> memref<1x1x512xi32, #tpu.memory_space<vmem>>
        %dma_wait3A_389 = tpu.memref_squeeze %dma_wait3A_388 : memref<1x1x512xi32, #tpu.memory_space<vmem>> -> memref<512xi32, #tpu.memory_space<vmem>>
        %dma_wait3A_390 = arith.constant 0 : i32
        %dma_wait3A_391 = arith.constant 0 : i32
        %dma_wait3A_392 = tpu.memref_slice %arg11[%dma_wait3A_390, %dma_wait3A_391] : memref<50008x16xf32, #tpu.memory_space<vmem_shared>> -> memref<50008x16xf32, #tpu.memory_space<vmem_shared>>
        tpu.wait_indirect_dma semaphore(%arg14 : memref<!tpu.dma_semaphore, #tpu.memory_space<semaphore_mem>>) src(%dma_wait3A_386 : memref<512x16xf32, #tpu.memory_space<vmem>>) dst(%dma_wait3A_392 : memref<50008x16xf32, #tpu.memory_space<vmem_shared>>)
        %dma_wait3A_393 = arith.constant 1 : i32
        %dma_wait3A_394 = arith.constant 0 : i32
        %dma_wait3A_395 = arith.constant 1 : i32
        %dma_wait3A_396 = arith.constant 0 : i32
        %dma_wait3A_397 = arith.constant 0 : i32
        %dma_wait3A_398 = arith.constant 0 : i32
        %dma_wait3A_399 = tpu.memref_slice %arg8[%dma_wait3A_393, %dma_wait3A_394, %dma_wait3A_397, %dma_wait3A_398] : memref<2x2x512x16xf32, #tpu.memory_space<vmem>> -> memref<1x1x512x16xf32, #tpu.memory_space<vmem>>
        %dma_wait3A_400 = tpu.memref_squeeze %dma_wait3A_399 : memref<1x1x512x16xf32, #tpu.memory_space<vmem>> -> memref<512x16xf32, #tpu.memory_space<vmem>>
        %dma_wait3A_401 = arith.constant 0 : i32
        %dma_wait3A_402 = tpu.memref_slice %arg10[%dma_wait3A_395, %dma_wait3A_396, %dma_wait3A_401] : memref<2x2x512xi32, #tpu.memory_space<vmem>> -> memref<1x1x512xi32, #tpu.memory_space<vmem>>
        %dma_wait3A_403 = tpu.memref_squeeze %dma_wait3A_402 : memref<1x1x512xi32, #tpu.memory_space<vmem>> -> memref<512xi32, #tpu.memory_space<vmem>>
        %dma_wait3A_404 = arith.constant 0 : i32
        %dma_wait3A_405 = arith.constant 0 : i32
        %dma_wait3A_406 = tpu.memref_slice %arg11[%dma_wait3A_404, %dma_wait3A_405] : memref<50008x16xf32, #tpu.memory_space<vmem_shared>> -> memref<50008x16xf32, #tpu.memory_space<vmem_shared>>
        tpu.wait_indirect_dma semaphore(%arg15 : memref<!tpu.dma_semaphore, #tpu.memory_space<semaphore_mem>>) src(%dma_wait3A_400 : memref<512x16xf32, #tpu.memory_space<vmem>>) dst(%dma_wait3A_406 : memref<50008x16xf32, #tpu.memory_space<vmem_shared>>)
        %dma_wait3A_407 = arith.constant 1 : i32
        %dma_wait3A_408 = arith.constant 1 : i32
        %dma_wait3A_409 = arith.constant 1 : i32
        %dma_wait3A_410 = arith.constant 1 : i32
        %dma_wait3A_411 = arith.constant 0 : i32
        %dma_wait3A_412 = arith.constant 0 : i32
        %dma_wait3A_413 = tpu.memref_slice %arg8[%dma_wait3A_407, %dma_wait3A_408, %dma_wait3A_411, %dma_wait3A_412] : memref<2x2x512x16xf32, #tpu.memory_space<vmem>> -> memref<1x1x512x16xf32, #tpu.memory_space<vmem>>
        %dma_wait3A_414 = tpu.memref_squeeze %dma_wait3A_413 : memref<1x1x512x16xf32, #tpu.memory_space<vmem>> -> memref<512x16xf32, #tpu.memory_space<vmem>>
        %dma_wait3A_415 = arith.constant 0 : i32
        %dma_wait3A_416 = tpu.memref_slice %arg10[%dma_wait3A_409, %dma_wait3A_410, %dma_wait3A_415] : memref<2x2x512xi32, #tpu.memory_space<vmem>> -> memref<1x1x512xi32, #tpu.memory_space<vmem>>
        %dma_wait3A_417 = tpu.memref_squeeze %dma_wait3A_416 : memref<1x1x512xi32, #tpu.memory_space<vmem>> -> memref<512xi32, #tpu.memory_space<vmem>>
        %dma_wait3A_418 = arith.constant 0 : i32
        %dma_wait3A_419 = arith.constant 0 : i32
        %dma_wait3A_420 = tpu.memref_slice %arg11[%dma_wait3A_418, %dma_wait3A_419] : memref<50008x16xf32, #tpu.memory_space<vmem_shared>> -> memref<50008x16xf32, #tpu.memory_space<vmem_shared>>
        tpu.wait_indirect_dma semaphore(%arg15 : memref<!tpu.dma_semaphore, #tpu.memory_space<semaphore_mem>>) src(%dma_wait3A_414 : memref<512x16xf32, #tpu.memory_space<vmem>>) dst(%dma_wait3A_420 : memref<50008x16xf32, #tpu.memory_space<vmem_shared>>)
      }
      %scan3A_14 = arith.constant 13 : i32
      %barrier3A_15 = arith.constant 0 : index
      tpu.barrier barrier_id(%barrier3A_15)
      "tpu.region"() ({
        %run_scoped3A = tpu.sem_alloc : memref<!tpu.dma_semaphore, #tpu.memory_space<semaphore_mem>>
        %dma_start3A = arith.constant 0 : i32
        %dma_start3A_16 = tpu.memref_slice %arg6[%mul3A_2, %dma_start3A] : memref<50000x16xf32, #tpu.memory_space<hbm>> -> memref<3125x16xf32, #tpu.memory_space<hbm>>
        %dma_start3A_17 = arith.constant 0 : i32
        %dma_start3A_18 = tpu.memref_slice %arg11[%mul3A_2, %dma_start3A_17] : memref<50008x16xf32, #tpu.memory_space<vmem_shared>> -> memref<3125x16xf32, #tpu.memory_space<vmem_shared>>
        tpu.enqueue_dma source(%dma_start3A_18 : memref<3125x16xf32, #tpu.memory_space<vmem_shared>>) target(%dma_start3A_16 : memref<3125x16xf32, #tpu.memory_space<hbm>>) target_semaphore(%run_scoped3A : memref<!tpu.dma_semaphore, #tpu.memory_space<semaphore_mem>>)
        %dma_wait3A = arith.constant 0 : i32
        %dma_wait3A_19 = tpu.memref_slice %arg6[%mul3A_2, %dma_wait3A] : memref<50000x16xf32, #tpu.memory_space<hbm>> -> memref<3125x16xf32, #tpu.memory_space<hbm>>
        %dma_wait3A_20 = arith.constant 0 : i32
        %dma_wait3A_21 = tpu.memref_slice %arg11[%mul3A_2, %dma_wait3A_20] : memref<50008x16xf32, #tpu.memory_space<vmem_shared>> -> memref<3125x16xf32, #tpu.memory_space<vmem_shared>>
        tpu.wait_dma2 semaphore(%run_scoped3A : memref<!tpu.dma_semaphore, #tpu.memory_space<semaphore_mem>>) src(%dma_wait3A_21 : memref<3125x16xf32, #tpu.memory_space<vmem_shared>>) dst(%dma_wait3A_19 : memref<3125x16xf32, #tpu.memory_space<hbm>>)
        tpu.yield
      }) : () -> ()
    } else {
    }
    %eq3A_5 = arith.constant 1 : i32
    %eq3A_6 = arith.cmpi eq, %arg0, %eq3A_5 : i32
    %convert_element_type3A_7 = arith.extui %eq3A_6 : i1 to i32
    %cond3A_8 = arith.constant 0 : i32
    %cond3A_9 = arith.cmpi ne, %convert_element_type3A_7, %cond3A_8 : i32
    scf.if %cond3A_9 {
      "tpu.region"() ({
        %run_scoped3A = tpu.sem_alloc : memref<!tpu.dma_semaphore, #tpu.memory_space<semaphore_mem>>
        %dma_start3A = arith.constant 0 : i32
        %dma_start3A_16 = tpu.memref_slice %arg11[%mul3A_2, %dma_start3A] : memref<50008x16xf32, #tpu.memory_space<vmem_shared>> -> memref<3125x16xf32, #tpu.memory_space<vmem_shared>>
        %dma_start3A_17 = arith.constant 0 : i32
        %dma_start3A_18 = tpu.memref_slice %arg3[%mul3A_2, %dma_start3A_17] : memref<50000x16xf32, #tpu.memory_space<hbm>> -> memref<3125x16xf32, #tpu.memory_space<hbm>>
        tpu.enqueue_dma source(%dma_start3A_18 : memref<3125x16xf32, #tpu.memory_space<hbm>>) target(%dma_start3A_16 : memref<3125x16xf32, #tpu.memory_space<vmem_shared>>) target_semaphore(%run_scoped3A : memref<!tpu.dma_semaphore, #tpu.memory_space<semaphore_mem>>)
        %dma_wait3A = arith.constant 0 : i32
        %dma_wait3A_19 = tpu.memref_slice %arg11[%mul3A_2, %dma_wait3A] : memref<50008x16xf32, #tpu.memory_space<vmem_shared>> -> memref<3125x16xf32, #tpu.memory_space<vmem_shared>>
        %dma_wait3A_20 = arith.constant 0 : i32
        %dma_wait3A_21 = tpu.memref_slice %arg3[%mul3A_2, %dma_wait3A_20] : memref<50000x16xf32, #tpu.memory_space<hbm>> -> memref<3125x16xf32, #tpu.memory_space<hbm>>
        tpu.wait_dma2 semaphore(%run_scoped3A : memref<!tpu.dma_semaphore, #tpu.memory_space<semaphore_mem>>) src(%dma_wait3A_21 : memref<3125x16xf32, #tpu.memory_space<hbm>>) dst(%dma_wait3A_19 : memref<3125x16xf32, #tpu.memory_space<vmem_shared>>)
        tpu.yield
      }) : () -> ()
      %barrier3A = arith.constant 0 : index
      tpu.barrier barrier_id(%barrier3A)
      %scan3A = arith.constant 0 : i32
      %scan3A_10 = arith.constant 0 : i32
      %scan3A_11 = arith.constant 13 : i32
      %scan3A_12 = arith.addi %scan3A_10, %scan3A_11 : i32
      %scan3A_13 = arith.constant 1 : i32
      scf.for %scan3A_16 = %scan3A_10 to %scan3A_12 step %scan3A_13  : i32 {
        %mul3A_17 = arith.constant 2 : i32
        %mul3A_18 = arith.muli %scan3A_16, %mul3A_17 : i32
        %mul3A_19 = arith.constant 2 : i32
        %mul3A_20 = arith.muli %mul3A_18, %mul3A_19 : i32
        %dma_start3A = arith.constant 0 : i32
        %dma_start3A_21 = arith.constant 0 : i32
        %dma_start3A_22 = arith.constant 0 : i32
        %dma_start3A_23 = tpu.memref_slice %arg9[%dma_start3A, %dma_start3A_21, %dma_start3A_22] : memref<2x2x512xi32, #tpu.memory_space<vmem>> -> memref<1x2x512xi32, #tpu.memory_space<vmem>>
        %dma_start3A_24 = tpu.memref_squeeze %dma_start3A_23 : memref<1x2x512xi32, #tpu.memory_space<vmem>> -> memref<2x512xi32, #tpu.memory_space<vmem>>
        %dma_start3A_25 = arith.constant 0 : i32
        %dma_start3A_26 = arith.constant 0 : i32
        %dma_start3A_27 = tpu.memref_slice %arg4[%add3A, %dma_start3A_25, %dma_start3A_26] : memref<32x52x512xi32, #tpu.memory_space<hbm>> -> memref<1x52x512xi32, #tpu.memory_space<hbm>>
        %dma_start3A_28 = tpu.memref_squeeze %dma_start3A_27 : memref<1x52x512xi32, #tpu.memory_space<hbm>> -> memref<52x512xi32, #tpu.memory_space<hbm>>
        %dma_start3A_29 = arith.constant 0 : i32
        %dma_start3A_30 = tpu.memref_slice %dma_start3A_28[%mul3A_20, %dma_start3A_29] : memref<52x512xi32, #tpu.memory_space<hbm>> -> memref<2x512xi32, #tpu.memory_space<hbm>>
        %dma_start3A_31 = arith.constant 0 : i32
        %dma_start3A_32 = arith.constant 0 : i32
        %dma_start3A_33 = tpu.memref_slice %arg9[%dma_start3A, %dma_start3A_31, %dma_start3A_32] : memref<2x2x512xi32, #tpu.memory_space<vmem>> -> memref<1x2x512xi32, #tpu.memory_space<vmem>>
        %dma_start3A_34 = tpu.memref_squeeze %dma_start3A_33 : memref<1x2x512xi32, #tpu.memory_space<vmem>> -> memref<2x512xi32, #tpu.memory_space<vmem>>
        %dma_start3A_35 = arith.constant 0 : i32
        %dma_start3A_36 = arith.constant 0 : i32
        %dma_start3A_37 = tpu.memref_slice %arg4[%add3A, %dma_start3A_35, %dma_start3A_36] : memref<32x52x512xi32, #tpu.memory_space<hbm>> -> memref<1x52x512xi32, #tpu.memory_space<hbm>>
        %dma_start3A_38 = tpu.memref_squeeze %dma_start3A_37 : memref<1x52x512xi32, #tpu.memory_space<hbm>> -> memref<52x512xi32, #tpu.memory_space<hbm>>
        %dma_start3A_39 = arith.constant 0 : i32
        %dma_start3A_40 = tpu.memref_slice %dma_start3A_38[%mul3A_20, %dma_start3A_39] : memref<52x512xi32, #tpu.memory_space<hbm>> -> memref<2x512xi32, #tpu.memory_space<hbm>>
        tpu.enqueue_dma source(%dma_start3A_40 : memref<2x512xi32, #tpu.memory_space<hbm>>) target(%dma_start3A_34 : memref<2x512xi32, #tpu.memory_space<vmem>>) target_semaphore(%arg16 : memref<!tpu.dma_semaphore, #tpu.memory_space<semaphore_mem>>)
        %add3A_41 = arith.constant 1 : i32
        %add3A_42 = arith.addi %mul3A_18, %add3A_41 : i32
        %mul3A_43 = arith.constant 2 : i32
        %mul3A_44 = arith.muli %add3A_42, %mul3A_43 : i32
        %dma_start3A_45 = arith.constant 1 : i32
        %dma_start3A_46 = arith.constant 0 : i32
        %dma_start3A_47 = arith.constant 0 : i32
        %dma_start3A_48 = tpu.memref_slice %arg9[%dma_start3A_45, %dma_start3A_46, %dma_start3A_47] : memref<2x2x512xi32, #tpu.memory_space<vmem>> -> memref<1x2x512xi32, #tpu.memory_space<vmem>>
        %dma_start3A_49 = tpu.memref_squeeze %dma_start3A_48 : memref<1x2x512xi32, #tpu.memory_space<vmem>> -> memref<2x512xi32, #tpu.memory_space<vmem>>
        %dma_start3A_50 = arith.constant 0 : i32
        %dma_start3A_51 = arith.constant 0 : i32
        %dma_start3A_52 = tpu.memref_slice %arg4[%add3A, %dma_start3A_50, %dma_start3A_51] : memref<32x52x512xi32, #tpu.memory_space<hbm>> -> memref<1x52x512xi32, #tpu.memory_space<hbm>>
        %dma_start3A_53 = tpu.memref_squeeze %dma_start3A_52 : memref<1x52x512xi32, #tpu.memory_space<hbm>> -> memref<52x512xi32, #tpu.memory_space<hbm>>
        %dma_start3A_54 = arith.constant 0 : i32
        %dma_start3A_55 = tpu.memref_slice %dma_start3A_53[%mul3A_44, %dma_start3A_54] : memref<52x512xi32, #tpu.memory_space<hbm>> -> memref<2x512xi32, #tpu.memory_space<hbm>>
        %dma_start3A_56 = arith.constant 0 : i32
        %dma_start3A_57 = arith.constant 0 : i32
        %dma_start3A_58 = tpu.memref_slice %arg9[%dma_start3A_45, %dma_start3A_56, %dma_start3A_57] : memref<2x2x512xi32, #tpu.memory_space<vmem>> -> memref<1x2x512xi32, #tpu.memory_space<vmem>>
        %dma_start3A_59 = tpu.memref_squeeze %dma_start3A_58 : memref<1x2x512xi32, #tpu.memory_space<vmem>> -> memref<2x512xi32, #tpu.memory_space<vmem>>
        %dma_start3A_60 = arith.constant 0 : i32
        %dma_start3A_61 = arith.constant 0 : i32
        %dma_start3A_62 = tpu.memref_slice %arg4[%add3A, %dma_start3A_60, %dma_start3A_61] : memref<32x52x512xi32, #tpu.memory_space<hbm>> -> memref<1x52x512xi32, #tpu.memory_space<hbm>>
        %dma_start3A_63 = tpu.memref_squeeze %dma_start3A_62 : memref<1x52x512xi32, #tpu.memory_space<hbm>> -> memref<52x512xi32, #tpu.memory_space<hbm>>
        %dma_start3A_64 = arith.constant 0 : i32
        %dma_start3A_65 = tpu.memref_slice %dma_start3A_63[%mul3A_44, %dma_start3A_64] : memref<52x512xi32, #tpu.memory_space<hbm>> -> memref<2x512xi32, #tpu.memory_space<hbm>>
        tpu.enqueue_dma source(%dma_start3A_65 : memref<2x512xi32, #tpu.memory_space<hbm>>) target(%dma_start3A_59 : memref<2x512xi32, #tpu.memory_space<vmem>>) target_semaphore(%arg16 : memref<!tpu.dma_semaphore, #tpu.memory_space<semaphore_mem>>)
        %mul3A_66 = arith.constant 2 : i32
        %mul3A_67 = arith.muli %mul3A_18, %mul3A_66 : i32
        %dma_start3A_68 = arith.constant 0 : i32
        %dma_start3A_69 = arith.constant 0 : i32
        %dma_start3A_70 = arith.constant 0 : i32
        %dma_start3A_71 = tpu.memref_slice %arg10[%dma_start3A_68, %dma_start3A_69, %dma_start3A_70] : memref<2x2x512xi32, #tpu.memory_space<vmem>> -> memref<1x2x512xi32, #tpu.memory_space<vmem>>
        %dma_start3A_72 = tpu.memref_squeeze %dma_start3A_71 : memref<1x2x512xi32, #tpu.memory_space<vmem>> -> memref<2x512xi32, #tpu.memory_space<vmem>>
        %dma_start3A_73 = arith.constant 0 : i32
        %dma_start3A_74 = arith.constant 0 : i32
        %dma_start3A_75 = tpu.memref_slice %arg5[%add3A, %dma_start3A_73, %dma_start3A_74] : memref<32x52x512xi32, #tpu.memory_space<hbm>> -> memref<1x52x512xi32, #tpu.memory_space<hbm>>
        %dma_start3A_76 = tpu.memref_squeeze %dma_start3A_75 : memref<1x52x512xi32, #tpu.memory_space<hbm>> -> memref<52x512xi32, #tpu.memory_space<hbm>>
        %dma_start3A_77 = arith.constant 0 : i32
        %dma_start3A_78 = tpu.memref_slice %dma_start3A_76[%mul3A_67, %dma_start3A_77] : memref<52x512xi32, #tpu.memory_space<hbm>> -> memref<2x512xi32, #tpu.memory_space<hbm>>
        %dma_start3A_79 = arith.constant 0 : i32
        %dma_start3A_80 = arith.constant 0 : i32
        %dma_start3A_81 = tpu.memref_slice %arg10[%dma_start3A_68, %dma_start3A_79, %dma_start3A_80] : memref<2x2x512xi32, #tpu.memory_space<vmem>> -> memref<1x2x512xi32, #tpu.memory_space<vmem>>
        %dma_start3A_82 = tpu.memref_squeeze %dma_start3A_81 : memref<1x2x512xi32, #tpu.memory_space<vmem>> -> memref<2x512xi32, #tpu.memory_space<vmem>>
        %dma_start3A_83 = arith.constant 0 : i32
        %dma_start3A_84 = arith.constant 0 : i32
        %dma_start3A_85 = tpu.memref_slice %arg5[%add3A, %dma_start3A_83, %dma_start3A_84] : memref<32x52x512xi32, #tpu.memory_space<hbm>> -> memref<1x52x512xi32, #tpu.memory_space<hbm>>
        %dma_start3A_86 = tpu.memref_squeeze %dma_start3A_85 : memref<1x52x512xi32, #tpu.memory_space<hbm>> -> memref<52x512xi32, #tpu.memory_space<hbm>>
        %dma_start3A_87 = arith.constant 0 : i32
        %dma_start3A_88 = tpu.memref_slice %dma_start3A_86[%mul3A_67, %dma_start3A_87] : memref<52x512xi32, #tpu.memory_space<hbm>> -> memref<2x512xi32, #tpu.memory_space<hbm>>
        tpu.enqueue_dma source(%dma_start3A_88 : memref<2x512xi32, #tpu.memory_space<hbm>>) target(%dma_start3A_82 : memref<2x512xi32, #tpu.memory_space<vmem>>) target_semaphore(%arg16 : memref<!tpu.dma_semaphore, #tpu.memory_space<semaphore_mem>>)
        %add3A_89 = arith.constant 1 : i32
        %add3A_90 = arith.addi %mul3A_18, %add3A_89 : i32
        %mul3A_91 = arith.constant 2 : i32
        %mul3A_92 = arith.muli %add3A_90, %mul3A_91 : i32
        %dma_start3A_93 = arith.constant 1 : i32
        %dma_start3A_94 = arith.constant 0 : i32
        %dma_start3A_95 = arith.constant 0 : i32
        %dma_start3A_96 = tpu.memref_slice %arg10[%dma_start3A_93, %dma_start3A_94, %dma_start3A_95] : memref<2x2x512xi32, #tpu.memory_space<vmem>> -> memref<1x2x512xi32, #tpu.memory_space<vmem>>
        %dma_start3A_97 = tpu.memref_squeeze %dma_start3A_96 : memref<1x2x512xi32, #tpu.memory_space<vmem>> -> memref<2x512xi32, #tpu.memory_space<vmem>>
        %dma_start3A_98 = arith.constant 0 : i32
        %dma_start3A_99 = arith.constant 0 : i32
        %dma_start3A_100 = tpu.memref_slice %arg5[%add3A, %dma_start3A_98, %dma_start3A_99] : memref<32x52x512xi32, #tpu.memory_space<hbm>> -> memref<1x52x512xi32, #tpu.memory_space<hbm>>
        %dma_start3A_101 = tpu.memref_squeeze %dma_start3A_100 : memref<1x52x512xi32, #tpu.memory_space<hbm>> -> memref<52x512xi32, #tpu.memory_space<hbm>>
        %dma_start3A_102 = arith.constant 0 : i32
        %dma_start3A_103 = tpu.memref_slice %dma_start3A_101[%mul3A_92, %dma_start3A_102] : memref<52x512xi32, #tpu.memory_space<hbm>> -> memref<2x512xi32, #tpu.memory_space<hbm>>
        %dma_start3A_104 = arith.constant 0 : i32
        %dma_start3A_105 = arith.constant 0 : i32
        %dma_start3A_106 = tpu.memref_slice %arg10[%dma_start3A_93, %dma_start3A_104, %dma_start3A_105] : memref<2x2x512xi32, #tpu.memory_space<vmem>> -> memref<1x2x512xi32, #tpu.memory_space<vmem>>
        %dma_start3A_107 = tpu.memref_squeeze %dma_start3A_106 : memref<1x2x512xi32, #tpu.memory_space<vmem>> -> memref<2x512xi32, #tpu.memory_space<vmem>>
        %dma_start3A_108 = arith.constant 0 : i32
        %dma_start3A_109 = arith.constant 0 : i32
        %dma_start3A_110 = tpu.memref_slice %arg5[%add3A, %dma_start3A_108, %dma_start3A_109] : memref<32x52x512xi32, #tpu.memory_space<hbm>> -> memref<1x52x512xi32, #tpu.memory_space<hbm>>
        %dma_start3A_111 = tpu.memref_squeeze %dma_start3A_110 : memref<1x52x512xi32, #tpu.memory_space<hbm>> -> memref<52x512xi32, #tpu.memory_space<hbm>>
        %dma_start3A_112 = arith.constant 0 : i32
        %dma_start3A_113 = tpu.memref_slice %dma_start3A_111[%mul3A_92, %dma_start3A_112] : memref<52x512xi32, #tpu.memory_space<hbm>> -> memref<2x512xi32, #tpu.memory_space<hbm>>
        tpu.enqueue_dma source(%dma_start3A_113 : memref<2x512xi32, #tpu.memory_space<hbm>>) target(%dma_start3A_107 : memref<2x512xi32, #tpu.memory_space<vmem>>) target_semaphore(%arg16 : memref<!tpu.dma_semaphore, #tpu.memory_space<semaphore_mem>>)
        %dma_wait3A = arith.constant 0 : i32
        %dma_wait3A_114 = arith.constant 0 : i32
        %dma_wait3A_115 = arith.constant 0 : i32
        %dma_wait3A_116 = tpu.memref_slice %arg9[%dma_wait3A, %dma_wait3A_114, %dma_wait3A_115] : memref<2x2x512xi32, #tpu.memory_space<vmem>> -> memref<1x2x512xi32, #tpu.memory_space<vmem>>
        %dma_wait3A_117 = tpu.memref_squeeze %dma_wait3A_116 : memref<1x2x512xi32, #tpu.memory_space<vmem>> -> memref<2x512xi32, #tpu.memory_space<vmem>>
        %dma_wait3A_118 = arith.constant 0 : i32
        %dma_wait3A_119 = arith.constant 0 : i32
        %dma_wait3A_120 = tpu.memref_slice %arg4[%add3A, %dma_wait3A_118, %dma_wait3A_119] : memref<32x52x512xi32, #tpu.memory_space<hbm>> -> memref<1x52x512xi32, #tpu.memory_space<hbm>>
        %dma_wait3A_121 = tpu.memref_squeeze %dma_wait3A_120 : memref<1x52x512xi32, #tpu.memory_space<hbm>> -> memref<52x512xi32, #tpu.memory_space<hbm>>
        %dma_wait3A_122 = arith.constant 0 : i32
        %dma_wait3A_123 = tpu.memref_slice %dma_wait3A_121[%mul3A_20, %dma_wait3A_122] : memref<52x512xi32, #tpu.memory_space<hbm>> -> memref<2x512xi32, #tpu.memory_space<hbm>>
        %dma_wait3A_124 = arith.constant 0 : i32
        %dma_wait3A_125 = arith.constant 0 : i32
        %dma_wait3A_126 = tpu.memref_slice %arg9[%dma_wait3A, %dma_wait3A_124, %dma_wait3A_125] : memref<2x2x512xi32, #tpu.memory_space<vmem>> -> memref<1x2x512xi32, #tpu.memory_space<vmem>>
        %dma_wait3A_127 = tpu.memref_squeeze %dma_wait3A_126 : memref<1x2x512xi32, #tpu.memory_space<vmem>> -> memref<2x512xi32, #tpu.memory_space<vmem>>
        %dma_wait3A_128 = arith.constant 0 : i32
        %dma_wait3A_129 = arith.constant 0 : i32
        %dma_wait3A_130 = tpu.memref_slice %arg4[%add3A, %dma_wait3A_128, %dma_wait3A_129] : memref<32x52x512xi32, #tpu.memory_space<hbm>> -> memref<1x52x512xi32, #tpu.memory_space<hbm>>
        %dma_wait3A_131 = tpu.memref_squeeze %dma_wait3A_130 : memref<1x52x512xi32, #tpu.memory_space<hbm>> -> memref<52x512xi32, #tpu.memory_space<hbm>>
        %dma_wait3A_132 = arith.constant 0 : i32
        %dma_wait3A_133 = tpu.memref_slice %dma_wait3A_131[%mul3A_20, %dma_wait3A_132] : memref<52x512xi32, #tpu.memory_space<hbm>> -> memref<2x512xi32, #tpu.memory_space<hbm>>
        tpu.wait_dma2 semaphore(%arg16 : memref<!tpu.dma_semaphore, #tpu.memory_space<semaphore_mem>>) src(%dma_wait3A_133 : memref<2x512xi32, #tpu.memory_space<hbm>>) dst(%dma_wait3A_127 : memref<2x512xi32, #tpu.memory_space<vmem>>)
        %dma_wait3A_134 = arith.constant 1 : i32
        %dma_wait3A_135 = arith.constant 0 : i32
        %dma_wait3A_136 = arith.constant 0 : i32
        %dma_wait3A_137 = tpu.memref_slice %arg9[%dma_wait3A_134, %dma_wait3A_135, %dma_wait3A_136] : memref<2x2x512xi32, #tpu.memory_space<vmem>> -> memref<1x2x512xi32, #tpu.memory_space<vmem>>
        %dma_wait3A_138 = tpu.memref_squeeze %dma_wait3A_137 : memref<1x2x512xi32, #tpu.memory_space<vmem>> -> memref<2x512xi32, #tpu.memory_space<vmem>>
        %dma_wait3A_139 = arith.constant 0 : i32
        %dma_wait3A_140 = arith.constant 0 : i32
        %dma_wait3A_141 = tpu.memref_slice %arg4[%add3A, %dma_wait3A_139, %dma_wait3A_140] : memref<32x52x512xi32, #tpu.memory_space<hbm>> -> memref<1x52x512xi32, #tpu.memory_space<hbm>>
        %dma_wait3A_142 = tpu.memref_squeeze %dma_wait3A_141 : memref<1x52x512xi32, #tpu.memory_space<hbm>> -> memref<52x512xi32, #tpu.memory_space<hbm>>
        %dma_wait3A_143 = arith.constant 0 : i32
        %dma_wait3A_144 = tpu.memref_slice %dma_wait3A_142[%mul3A_44, %dma_wait3A_143] : memref<52x512xi32, #tpu.memory_space<hbm>> -> memref<2x512xi32, #tpu.memory_space<hbm>>
        %dma_wait3A_145 = arith.constant 0 : i32
        %dma_wait3A_146 = arith.constant 0 : i32
        %dma_wait3A_147 = tpu.memref_slice %arg9[%dma_wait3A_134, %dma_wait3A_145, %dma_wait3A_146] : memref<2x2x512xi32, #tpu.memory_space<vmem>> -> memref<1x2x512xi32, #tpu.memory_space<vmem>>
        %dma_wait3A_148 = tpu.memref_squeeze %dma_wait3A_147 : memref<1x2x512xi32, #tpu.memory_space<vmem>> -> memref<2x512xi32, #tpu.memory_space<vmem>>
        %dma_wait3A_149 = arith.constant 0 : i32
        %dma_wait3A_150 = arith.constant 0 : i32
        %dma_wait3A_151 = tpu.memref_slice %arg4[%add3A, %dma_wait3A_149, %dma_wait3A_150] : memref<32x52x512xi32, #tpu.memory_space<hbm>> -> memref<1x52x512xi32, #tpu.memory_space<hbm>>
        %dma_wait3A_152 = tpu.memref_squeeze %dma_wait3A_151 : memref<1x52x512xi32, #tpu.memory_space<hbm>> -> memref<52x512xi32, #tpu.memory_space<hbm>>
        %dma_wait3A_153 = arith.constant 0 : i32
        %dma_wait3A_154 = tpu.memref_slice %dma_wait3A_152[%mul3A_44, %dma_wait3A_153] : memref<52x512xi32, #tpu.memory_space<hbm>> -> memref<2x512xi32, #tpu.memory_space<hbm>>
        tpu.wait_dma2 semaphore(%arg16 : memref<!tpu.dma_semaphore, #tpu.memory_space<semaphore_mem>>) src(%dma_wait3A_154 : memref<2x512xi32, #tpu.memory_space<hbm>>) dst(%dma_wait3A_148 : memref<2x512xi32, #tpu.memory_space<vmem>>)
        %dma_wait3A_155 = arith.constant 0 : i32
        %dma_wait3A_156 = arith.constant 0 : i32
        %dma_wait3A_157 = arith.constant 0 : i32
        %dma_wait3A_158 = tpu.memref_slice %arg10[%dma_wait3A_155, %dma_wait3A_156, %dma_wait3A_157] : memref<2x2x512xi32, #tpu.memory_space<vmem>> -> memref<1x2x512xi32, #tpu.memory_space<vmem>>
        %dma_wait3A_159 = tpu.memref_squeeze %dma_wait3A_158 : memref<1x2x512xi32, #tpu.memory_space<vmem>> -> memref<2x512xi32, #tpu.memory_space<vmem>>
        %dma_wait3A_160 = arith.constant 0 : i32
        %dma_wait3A_161 = arith.constant 0 : i32
        %dma_wait3A_162 = tpu.memref_slice %arg5[%add3A, %dma_wait3A_160, %dma_wait3A_161] : memref<32x52x512xi32, #tpu.memory_space<hbm>> -> memref<1x52x512xi32, #tpu.memory_space<hbm>>
        %dma_wait3A_163 = tpu.memref_squeeze %dma_wait3A_162 : memref<1x52x512xi32, #tpu.memory_space<hbm>> -> memref<52x512xi32, #tpu.memory_space<hbm>>
        %dma_wait3A_164 = arith.constant 0 : i32
        %dma_wait3A_165 = tpu.memref_slice %dma_wait3A_163[%mul3A_67, %dma_wait3A_164] : memref<52x512xi32, #tpu.memory_space<hbm>> -> memref<2x512xi32, #tpu.memory_space<hbm>>
        %dma_wait3A_166 = arith.constant 0 : i32
        %dma_wait3A_167 = arith.constant 0 : i32
        %dma_wait3A_168 = tpu.memref_slice %arg10[%dma_wait3A_155, %dma_wait3A_166, %dma_wait3A_167] : memref<2x2x512xi32, #tpu.memory_space<vmem>> -> memref<1x2x512xi32, #tpu.memory_space<vmem>>
        %dma_wait3A_169 = tpu.memref_squeeze %dma_wait3A_168 : memref<1x2x512xi32, #tpu.memory_space<vmem>> -> memref<2x512xi32, #tpu.memory_space<vmem>>
        %dma_wait3A_170 = arith.constant 0 : i32
        %dma_wait3A_171 = arith.constant 0 : i32
        %dma_wait3A_172 = tpu.memref_slice %arg5[%add3A, %dma_wait3A_170, %dma_wait3A_171] : memref<32x52x512xi32, #tpu.memory_space<hbm>> -> memref<1x52x512xi32, #tpu.memory_space<hbm>>
        %dma_wait3A_173 = tpu.memref_squeeze %dma_wait3A_172 : memref<1x52x512xi32, #tpu.memory_space<hbm>> -> memref<52x512xi32, #tpu.memory_space<hbm>>
        %dma_wait3A_174 = arith.constant 0 : i32
        %dma_wait3A_175 = tpu.memref_slice %dma_wait3A_173[%mul3A_67, %dma_wait3A_174] : memref<52x512xi32, #tpu.memory_space<hbm>> -> memref<2x512xi32, #tpu.memory_space<hbm>>
        tpu.wait_dma2 semaphore(%arg16 : memref<!tpu.dma_semaphore, #tpu.memory_space<semaphore_mem>>) src(%dma_wait3A_175 : memref<2x512xi32, #tpu.memory_space<hbm>>) dst(%dma_wait3A_169 : memref<2x512xi32, #tpu.memory_space<vmem>>)
        %dma_wait3A_176 = arith.constant 1 : i32
        %dma_wait3A_177 = arith.constant 0 : i32
        %dma_wait3A_178 = arith.constant 0 : i32
        %dma_wait3A_179 = tpu.memref_slice %arg10[%dma_wait3A_176, %dma_wait3A_177, %dma_wait3A_178] : memref<2x2x512xi32, #tpu.memory_space<vmem>> -> memref<1x2x512xi32, #tpu.memory_space<vmem>>
        %dma_wait3A_180 = tpu.memref_squeeze %dma_wait3A_179 : memref<1x2x512xi32, #tpu.memory_space<vmem>> -> memref<2x512xi32, #tpu.memory_space<vmem>>
        %dma_wait3A_181 = arith.constant 0 : i32
        %dma_wait3A_182 = arith.constant 0 : i32
        %dma_wait3A_183 = tpu.memref_slice %arg5[%add3A, %dma_wait3A_181, %dma_wait3A_182] : memref<32x52x512xi32, #tpu.memory_space<hbm>> -> memref<1x52x512xi32, #tpu.memory_space<hbm>>
        %dma_wait3A_184 = tpu.memref_squeeze %dma_wait3A_183 : memref<1x52x512xi32, #tpu.memory_space<hbm>> -> memref<52x512xi32, #tpu.memory_space<hbm>>
        %dma_wait3A_185 = arith.constant 0 : i32
        %dma_wait3A_186 = tpu.memref_slice %dma_wait3A_184[%mul3A_92, %dma_wait3A_185] : memref<52x512xi32, #tpu.memory_space<hbm>> -> memref<2x512xi32, #tpu.memory_space<hbm>>
        %dma_wait3A_187 = arith.constant 0 : i32
        %dma_wait3A_188 = arith.constant 0 : i32
        %dma_wait3A_189 = tpu.memref_slice %arg10[%dma_wait3A_176, %dma_wait3A_187, %dma_wait3A_188] : memref<2x2x512xi32, #tpu.memory_space<vmem>> -> memref<1x2x512xi32, #tpu.memory_space<vmem>>
        %dma_wait3A_190 = tpu.memref_squeeze %dma_wait3A_189 : memref<1x2x512xi32, #tpu.memory_space<vmem>> -> memref<2x512xi32, #tpu.memory_space<vmem>>
        %dma_wait3A_191 = arith.constant 0 : i32
        %dma_wait3A_192 = arith.constant 0 : i32
        %dma_wait3A_193 = tpu.memref_slice %arg5[%add3A, %dma_wait3A_191, %dma_wait3A_192] : memref<32x52x512xi32, #tpu.memory_space<hbm>> -> memref<1x52x512xi32, #tpu.memory_space<hbm>>
        %dma_wait3A_194 = tpu.memref_squeeze %dma_wait3A_193 : memref<1x52x512xi32, #tpu.memory_space<hbm>> -> memref<52x512xi32, #tpu.memory_space<hbm>>
        %dma_wait3A_195 = arith.constant 0 : i32
        %dma_wait3A_196 = tpu.memref_slice %dma_wait3A_194[%mul3A_92, %dma_wait3A_195] : memref<52x512xi32, #tpu.memory_space<hbm>> -> memref<2x512xi32, #tpu.memory_space<hbm>>
        tpu.wait_dma2 semaphore(%arg16 : memref<!tpu.dma_semaphore, #tpu.memory_space<semaphore_mem>>) src(%dma_wait3A_196 : memref<2x512xi32, #tpu.memory_space<hbm>>) dst(%dma_wait3A_190 : memref<2x512xi32, #tpu.memory_space<vmem>>)
        %dma_start3A_197 = arith.constant 0 : i32
        %dma_start3A_198 = arith.constant 0 : i32
        %dma_start3A_199 = arith.constant 0 : i32
        %dma_start3A_200 = arith.constant 0 : i32
        %dma_start3A_201 = arith.constant 0 : i32
        %dma_start3A_202 = arith.constant 0 : i32
        %dma_start3A_203 = tpu.memref_slice %arg8[%dma_start3A_199, %dma_start3A_200, %dma_start3A_201, %dma_start3A_202] : memref<2x2x512x16xf32, #tpu.memory_space<vmem>> -> memref<1x1x512x16xf32, #tpu.memory_space<vmem>>
        %dma_start3A_204 = tpu.memref_squeeze %dma_start3A_203 : memref<1x1x512x16xf32, #tpu.memory_space<vmem>> -> memref<512x16xf32, #tpu.memory_space<vmem>>
        %dma_start3A_205 = arith.constant 0 : i32
        %dma_start3A_206 = tpu.memref_slice %arg9[%dma_start3A_197, %dma_start3A_198, %dma_start3A_205] : memref<2x2x512xi32, #tpu.memory_space<vmem>> -> memref<1x1x512xi32, #tpu.memory_space<vmem>>
        %dma_start3A_207 = tpu.memref_squeeze %dma_start3A_206 : memref<1x1x512xi32, #tpu.memory_space<vmem>> -> memref<512xi32, #tpu.memory_space<vmem>>
        %dma_start3A_208 = arith.constant 0 : i32
        %dma_start3A_209 = arith.constant 0 : i32
        %dma_start3A_210 = tpu.memref_slice %arg2[%dma_start3A_208, %dma_start3A_209] : memref<50000x16xf32, #tpu.memory_space<hbm>> -> memref<50000x16xf32, #tpu.memory_space<hbm>>
        tpu.enqueue_indirect_dma source(%dma_start3A_210 : memref<50000x16xf32, #tpu.memory_space<hbm>>) target(%dma_start3A_204 : memref<512x16xf32, #tpu.memory_space<vmem>>) offsets(%dma_start3A_207 : memref<512xi32, #tpu.memory_space<vmem>>) semaphore(%arg12 : memref<!tpu.dma_semaphore, #tpu.memory_space<semaphore_mem>>)
        %dma_start3A_211 = arith.constant 0 : i32
        %dma_start3A_212 = arith.constant 1 : i32
        %dma_start3A_213 = arith.constant 0 : i32
        %dma_start3A_214 = arith.constant 1 : i32
        %dma_start3A_215 = arith.constant 0 : i32
        %dma_start3A_216 = arith.constant 0 : i32
        %dma_start3A_217 = tpu.memref_slice %arg8[%dma_start3A_213, %dma_start3A_214, %dma_start3A_215, %dma_start3A_216] : memref<2x2x512x16xf32, #tpu.memory_space<vmem>> -> memref<1x1x512x16xf32, #tpu.memory_space<vmem>>
        %dma_start3A_218 = tpu.memref_squeeze %dma_start3A_217 : memref<1x1x512x16xf32, #tpu.memory_space<vmem>> -> memref<512x16xf32, #tpu.memory_space<vmem>>
        %dma_start3A_219 = arith.constant 0 : i32
        %dma_start3A_220 = tpu.memref_slice %arg9[%dma_start3A_211, %dma_start3A_212, %dma_start3A_219] : memref<2x2x512xi32, #tpu.memory_space<vmem>> -> memref<1x1x512xi32, #tpu.memory_space<vmem>>
        %dma_start3A_221 = tpu.memref_squeeze %dma_start3A_220 : memref<1x1x512xi32, #tpu.memory_space<vmem>> -> memref<512xi32, #tpu.memory_space<vmem>>
        %dma_start3A_222 = arith.constant 0 : i32
        %dma_start3A_223 = arith.constant 0 : i32
        %dma_start3A_224 = tpu.memref_slice %arg2[%dma_start3A_222, %dma_start3A_223] : memref<50000x16xf32, #tpu.memory_space<hbm>> -> memref<50000x16xf32, #tpu.memory_space<hbm>>
        tpu.enqueue_indirect_dma source(%dma_start3A_224 : memref<50000x16xf32, #tpu.memory_space<hbm>>) target(%dma_start3A_218 : memref<512x16xf32, #tpu.memory_space<vmem>>) offsets(%dma_start3A_221 : memref<512xi32, #tpu.memory_space<vmem>>) semaphore(%arg12 : memref<!tpu.dma_semaphore, #tpu.memory_space<semaphore_mem>>)
        %dma_start3A_225 = arith.constant 1 : i32
        %dma_start3A_226 = arith.constant 0 : i32
        %dma_start3A_227 = arith.constant 1 : i32
        %dma_start3A_228 = arith.constant 0 : i32
        %dma_start3A_229 = arith.constant 0 : i32
        %dma_start3A_230 = arith.constant 0 : i32
        %dma_start3A_231 = tpu.memref_slice %arg8[%dma_start3A_227, %dma_start3A_228, %dma_start3A_229, %dma_start3A_230] : memref<2x2x512x16xf32, #tpu.memory_space<vmem>> -> memref<1x1x512x16xf32, #tpu.memory_space<vmem>>
        %dma_start3A_232 = tpu.memref_squeeze %dma_start3A_231 : memref<1x1x512x16xf32, #tpu.memory_space<vmem>> -> memref<512x16xf32, #tpu.memory_space<vmem>>
        %dma_start3A_233 = arith.constant 0 : i32
        %dma_start3A_234 = tpu.memref_slice %arg9[%dma_start3A_225, %dma_start3A_226, %dma_start3A_233] : memref<2x2x512xi32, #tpu.memory_space<vmem>> -> memref<1x1x512xi32, #tpu.memory_space<vmem>>
        %dma_start3A_235 = tpu.memref_squeeze %dma_start3A_234 : memref<1x1x512xi32, #tpu.memory_space<vmem>> -> memref<512xi32, #tpu.memory_space<vmem>>
        %dma_start3A_236 = arith.constant 0 : i32
        %dma_start3A_237 = arith.constant 0 : i32
        %dma_start3A_238 = tpu.memref_slice %arg2[%dma_start3A_236, %dma_start3A_237] : memref<50000x16xf32, #tpu.memory_space<hbm>> -> memref<50000x16xf32, #tpu.memory_space<hbm>>
        tpu.enqueue_indirect_dma source(%dma_start3A_238 : memref<50000x16xf32, #tpu.memory_space<hbm>>) target(%dma_start3A_232 : memref<512x16xf32, #tpu.memory_space<vmem>>) offsets(%dma_start3A_235 : memref<512xi32, #tpu.memory_space<vmem>>) semaphore(%arg13 : memref<!tpu.dma_semaphore, #tpu.memory_space<semaphore_mem>>)
        %dma_start3A_239 = arith.constant 1 : i32
        %dma_start3A_240 = arith.constant 1 : i32
        %dma_start3A_241 = arith.constant 1 : i32
        %dma_start3A_242 = arith.constant 1 : i32
        %dma_start3A_243 = arith.constant 0 : i32
        %dma_start3A_244 = arith.constant 0 : i32
        %dma_start3A_245 = tpu.memref_slice %arg8[%dma_start3A_241, %dma_start3A_242, %dma_start3A_243, %dma_start3A_244] : memref<2x2x512x16xf32, #tpu.memory_space<vmem>> -> memref<1x1x512x16xf32, #tpu.memory_space<vmem>>
        %dma_start3A_246 = tpu.memref_squeeze %dma_start3A_245 : memref<1x1x512x16xf32, #tpu.memory_space<vmem>> -> memref<512x16xf32, #tpu.memory_space<vmem>>
        %dma_start3A_247 = arith.constant 0 : i32
        %dma_start3A_248 = tpu.memref_slice %arg9[%dma_start3A_239, %dma_start3A_240, %dma_start3A_247] : memref<2x2x512xi32, #tpu.memory_space<vmem>> -> memref<1x1x512xi32, #tpu.memory_space<vmem>>
        %dma_start3A_249 = tpu.memref_squeeze %dma_start3A_248 : memref<1x1x512xi32, #tpu.memory_space<vmem>> -> memref<512xi32, #tpu.memory_space<vmem>>
        %dma_start3A_250 = arith.constant 0 : i32
        %dma_start3A_251 = arith.constant 0 : i32
        %dma_start3A_252 = tpu.memref_slice %arg2[%dma_start3A_250, %dma_start3A_251] : memref<50000x16xf32, #tpu.memory_space<hbm>> -> memref<50000x16xf32, #tpu.memory_space<hbm>>
        tpu.enqueue_indirect_dma source(%dma_start3A_252 : memref<50000x16xf32, #tpu.memory_space<hbm>>) target(%dma_start3A_246 : memref<512x16xf32, #tpu.memory_space<vmem>>) offsets(%dma_start3A_249 : memref<512xi32, #tpu.memory_space<vmem>>) semaphore(%arg13 : memref<!tpu.dma_semaphore, #tpu.memory_space<semaphore_mem>>)
        %dma_wait3A_253 = arith.constant 0 : i32
        %dma_wait3A_254 = arith.constant 0 : i32
        %dma_wait3A_255 = arith.constant 0 : i32
        %dma_wait3A_256 = arith.constant 0 : i32
        %dma_wait3A_257 = arith.constant 0 : i32
        %dma_wait3A_258 = arith.constant 0 : i32
        %dma_wait3A_259 = tpu.memref_slice %arg8[%dma_wait3A_255, %dma_wait3A_256, %dma_wait3A_257, %dma_wait3A_258] : memref<2x2x512x16xf32, #tpu.memory_space<vmem>> -> memref<1x1x512x16xf32, #tpu.memory_space<vmem>>
        %dma_wait3A_260 = tpu.memref_squeeze %dma_wait3A_259 : memref<1x1x512x16xf32, #tpu.memory_space<vmem>> -> memref<512x16xf32, #tpu.memory_space<vmem>>
        %dma_wait3A_261 = arith.constant 0 : i32
        %dma_wait3A_262 = tpu.memref_slice %arg9[%dma_wait3A_253, %dma_wait3A_254, %dma_wait3A_261] : memref<2x2x512xi32, #tpu.memory_space<vmem>> -> memref<1x1x512xi32, #tpu.memory_space<vmem>>
        %dma_wait3A_263 = tpu.memref_squeeze %dma_wait3A_262 : memref<1x1x512xi32, #tpu.memory_space<vmem>> -> memref<512xi32, #tpu.memory_space<vmem>>
        %dma_wait3A_264 = arith.constant 0 : i32
        %dma_wait3A_265 = arith.constant 0 : i32
        %dma_wait3A_266 = tpu.memref_slice %arg2[%dma_wait3A_264, %dma_wait3A_265] : memref<50000x16xf32, #tpu.memory_space<hbm>> -> memref<50000x16xf32, #tpu.memory_space<hbm>>
        tpu.wait_indirect_dma semaphore(%arg12 : memref<!tpu.dma_semaphore, #tpu.memory_space<semaphore_mem>>) src(%dma_wait3A_266 : memref<50000x16xf32, #tpu.memory_space<hbm>>) dst(%dma_wait3A_260 : memref<512x16xf32, #tpu.memory_space<vmem>>)
        %dma_wait3A_267 = arith.constant 0 : i32
        %dma_wait3A_268 = arith.constant 1 : i32
        %dma_wait3A_269 = arith.constant 0 : i32
        %dma_wait3A_270 = arith.constant 1 : i32
        %dma_wait3A_271 = arith.constant 0 : i32
        %dma_wait3A_272 = arith.constant 0 : i32
        %dma_wait3A_273 = tpu.memref_slice %arg8[%dma_wait3A_269, %dma_wait3A_270, %dma_wait3A_271, %dma_wait3A_272] : memref<2x2x512x16xf32, #tpu.memory_space<vmem>> -> memref<1x1x512x16xf32, #tpu.memory_space<vmem>>
        %dma_wait3A_274 = tpu.memref_squeeze %dma_wait3A_273 : memref<1x1x512x16xf32, #tpu.memory_space<vmem>> -> memref<512x16xf32, #tpu.memory_space<vmem>>
        %dma_wait3A_275 = arith.constant 0 : i32
        %dma_wait3A_276 = tpu.memref_slice %arg9[%dma_wait3A_267, %dma_wait3A_268, %dma_wait3A_275] : memref<2x2x512xi32, #tpu.memory_space<vmem>> -> memref<1x1x512xi32, #tpu.memory_space<vmem>>
        %dma_wait3A_277 = tpu.memref_squeeze %dma_wait3A_276 : memref<1x1x512xi32, #tpu.memory_space<vmem>> -> memref<512xi32, #tpu.memory_space<vmem>>
        %dma_wait3A_278 = arith.constant 0 : i32
        %dma_wait3A_279 = arith.constant 0 : i32
        %dma_wait3A_280 = tpu.memref_slice %arg2[%dma_wait3A_278, %dma_wait3A_279] : memref<50000x16xf32, #tpu.memory_space<hbm>> -> memref<50000x16xf32, #tpu.memory_space<hbm>>
        tpu.wait_indirect_dma semaphore(%arg12 : memref<!tpu.dma_semaphore, #tpu.memory_space<semaphore_mem>>) src(%dma_wait3A_280 : memref<50000x16xf32, #tpu.memory_space<hbm>>) dst(%dma_wait3A_274 : memref<512x16xf32, #tpu.memory_space<vmem>>)
        %dma_start3A_281 = arith.constant 0 : i32
        %dma_start3A_282 = arith.constant 0 : i32
        %dma_start3A_283 = arith.constant 0 : i32
        %dma_start3A_284 = arith.constant 0 : i32
        %dma_start3A_285 = arith.constant 0 : i32
        %dma_start3A_286 = arith.constant 0 : i32
        %dma_start3A_287 = tpu.memref_slice %arg8[%dma_start3A_281, %dma_start3A_282, %dma_start3A_285, %dma_start3A_286] : memref<2x2x512x16xf32, #tpu.memory_space<vmem>> -> memref<1x1x512x16xf32, #tpu.memory_space<vmem>>
        %dma_start3A_288 = tpu.memref_squeeze %dma_start3A_287 : memref<1x1x512x16xf32, #tpu.memory_space<vmem>> -> memref<512x16xf32, #tpu.memory_space<vmem>>
        %dma_start3A_289 = arith.constant 0 : i32
        %dma_start3A_290 = tpu.memref_slice %arg10[%dma_start3A_283, %dma_start3A_284, %dma_start3A_289] : memref<2x2x512xi32, #tpu.memory_space<vmem>> -> memref<1x1x512xi32, #tpu.memory_space<vmem>>
        %dma_start3A_291 = tpu.memref_squeeze %dma_start3A_290 : memref<1x1x512xi32, #tpu.memory_space<vmem>> -> memref<512xi32, #tpu.memory_space<vmem>>
        %dma_start3A_292 = arith.constant 0 : i32
        %dma_start3A_293 = arith.constant 0 : i32
        %dma_start3A_294 = tpu.memref_slice %arg11[%dma_start3A_292, %dma_start3A_293] : memref<50008x16xf32, #tpu.memory_space<vmem_shared>> -> memref<50008x16xf32, #tpu.memory_space<vmem_shared>>
        tpu.enqueue_indirect_dma source(%dma_start3A_288 : memref<512x16xf32, #tpu.memory_space<vmem>>) target(%dma_start3A_294 : memref<50008x16xf32, #tpu.memory_space<vmem_shared>>) offsets(%dma_start3A_291 : memref<512xi32, #tpu.memory_space<vmem>>) semaphore(%arg14 : memref<!tpu.dma_semaphore, #tpu.memory_space<semaphore_mem>>) {add = true}
        %dma_start3A_295 = arith.constant 0 : i32
        %dma_start3A_296 = arith.constant 1 : i32
        %dma_start3A_297 = arith.constant 0 : i32
        %dma_start3A_298 = arith.constant 1 : i32
        %dma_start3A_299 = arith.constant 0 : i32
        %dma_start3A_300 = arith.constant 0 : i32
        %dma_start3A_301 = tpu.memref_slice %arg8[%dma_start3A_295, %dma_start3A_296, %dma_start3A_299, %dma_start3A_300] : memref<2x2x512x16xf32, #tpu.memory_space<vmem>> -> memref<1x1x512x16xf32, #tpu.memory_space<vmem>>
        %dma_start3A_302 = tpu.memref_squeeze %dma_start3A_301 : memref<1x1x512x16xf32, #tpu.memory_space<vmem>> -> memref<512x16xf32, #tpu.memory_space<vmem>>
        %dma_start3A_303 = arith.constant 0 : i32
        %dma_start3A_304 = tpu.memref_slice %arg10[%dma_start3A_297, %dma_start3A_298, %dma_start3A_303] : memref<2x2x512xi32, #tpu.memory_space<vmem>> -> memref<1x1x512xi32, #tpu.memory_space<vmem>>
        %dma_start3A_305 = tpu.memref_squeeze %dma_start3A_304 : memref<1x1x512xi32, #tpu.memory_space<vmem>> -> memref<512xi32, #tpu.memory_space<vmem>>
        %dma_start3A_306 = arith.constant 0 : i32
        %dma_start3A_307 = arith.constant 0 : i32
        %dma_start3A_308 = tpu.memref_slice %arg11[%dma_start3A_306, %dma_start3A_307] : memref<50008x16xf32, #tpu.memory_space<vmem_shared>> -> memref<50008x16xf32, #tpu.memory_space<vmem_shared>>
        tpu.enqueue_indirect_dma source(%dma_start3A_302 : memref<512x16xf32, #tpu.memory_space<vmem>>) target(%dma_start3A_308 : memref<50008x16xf32, #tpu.memory_space<vmem_shared>>) offsets(%dma_start3A_305 : memref<512xi32, #tpu.memory_space<vmem>>) semaphore(%arg14 : memref<!tpu.dma_semaphore, #tpu.memory_space<semaphore_mem>>) {add = true}
        %dma_wait3A_309 = arith.constant 1 : i32
        %dma_wait3A_310 = arith.constant 0 : i32
        %dma_wait3A_311 = arith.constant 1 : i32
        %dma_wait3A_312 = arith.constant 0 : i32
        %dma_wait3A_313 = arith.constant 0 : i32
        %dma_wait3A_314 = arith.constant 0 : i32
        %dma_wait3A_315 = tpu.memref_slice %arg8[%dma_wait3A_311, %dma_wait3A_312, %dma_wait3A_313, %dma_wait3A_314] : memref<2x2x512x16xf32, #tpu.memory_space<vmem>> -> memref<1x1x512x16xf32, #tpu.memory_space<vmem>>
        %dma_wait3A_316 = tpu.memref_squeeze %dma_wait3A_315 : memref<1x1x512x16xf32, #tpu.memory_space<vmem>> -> memref<512x16xf32, #tpu.memory_space<vmem>>
        %dma_wait3A_317 = arith.constant 0 : i32
        %dma_wait3A_318 = tpu.memref_slice %arg9[%dma_wait3A_309, %dma_wait3A_310, %dma_wait3A_317] : memref<2x2x512xi32, #tpu.memory_space<vmem>> -> memref<1x1x512xi32, #tpu.memory_space<vmem>>
        %dma_wait3A_319 = tpu.memref_squeeze %dma_wait3A_318 : memref<1x1x512xi32, #tpu.memory_space<vmem>> -> memref<512xi32, #tpu.memory_space<vmem>>
        %dma_wait3A_320 = arith.constant 0 : i32
        %dma_wait3A_321 = arith.constant 0 : i32
        %dma_wait3A_322 = tpu.memref_slice %arg2[%dma_wait3A_320, %dma_wait3A_321] : memref<50000x16xf32, #tpu.memory_space<hbm>> -> memref<50000x16xf32, #tpu.memory_space<hbm>>
        tpu.wait_indirect_dma semaphore(%arg13 : memref<!tpu.dma_semaphore, #tpu.memory_space<semaphore_mem>>) src(%dma_wait3A_322 : memref<50000x16xf32, #tpu.memory_space<hbm>>) dst(%dma_wait3A_316 : memref<512x16xf32, #tpu.memory_space<vmem>>)
        %dma_wait3A_323 = arith.constant 1 : i32
        %dma_wait3A_324 = arith.constant 1 : i32
        %dma_wait3A_325 = arith.constant 1 : i32
        %dma_wait3A_326 = arith.constant 1 : i32
        %dma_wait3A_327 = arith.constant 0 : i32
        %dma_wait3A_328 = arith.constant 0 : i32
        %dma_wait3A_329 = tpu.memref_slice %arg8[%dma_wait3A_325, %dma_wait3A_326, %dma_wait3A_327, %dma_wait3A_328] : memref<2x2x512x16xf32, #tpu.memory_space<vmem>> -> memref<1x1x512x16xf32, #tpu.memory_space<vmem>>
        %dma_wait3A_330 = tpu.memref_squeeze %dma_wait3A_329 : memref<1x1x512x16xf32, #tpu.memory_space<vmem>> -> memref<512x16xf32, #tpu.memory_space<vmem>>
        %dma_wait3A_331 = arith.constant 0 : i32
        %dma_wait3A_332 = tpu.memref_slice %arg9[%dma_wait3A_323, %dma_wait3A_324, %dma_wait3A_331] : memref<2x2x512xi32, #tpu.memory_space<vmem>> -> memref<1x1x512xi32, #tpu.memory_space<vmem>>
        %dma_wait3A_333 = tpu.memref_squeeze %dma_wait3A_332 : memref<1x1x512xi32, #tpu.memory_space<vmem>> -> memref<512xi32, #tpu.memory_space<vmem>>
        %dma_wait3A_334 = arith.constant 0 : i32
        %dma_wait3A_335 = arith.constant 0 : i32
        %dma_wait3A_336 = tpu.memref_slice %arg2[%dma_wait3A_334, %dma_wait3A_335] : memref<50000x16xf32, #tpu.memory_space<hbm>> -> memref<50000x16xf32, #tpu.memory_space<hbm>>
        tpu.wait_indirect_dma semaphore(%arg13 : memref<!tpu.dma_semaphore, #tpu.memory_space<semaphore_mem>>) src(%dma_wait3A_336 : memref<50000x16xf32, #tpu.memory_space<hbm>>) dst(%dma_wait3A_330 : memref<512x16xf32, #tpu.memory_space<vmem>>)
        %dma_start3A_337 = arith.constant 1 : i32
        %dma_start3A_338 = arith.constant 0 : i32
        %dma_start3A_339 = arith.constant 1 : i32
        %dma_start3A_340 = arith.constant 0 : i32
        %dma_start3A_341 = arith.constant 0 : i32
        %dma_start3A_342 = arith.constant 0 : i32
        %dma_start3A_343 = tpu.memref_slice %arg8[%dma_start3A_337, %dma_start3A_338, %dma_start3A_341, %dma_start3A_342] : memref<2x2x512x16xf32, #tpu.memory_space<vmem>> -> memref<1x1x512x16xf32, #tpu.memory_space<vmem>>
        %dma_start3A_344 = tpu.memref_squeeze %dma_start3A_343 : memref<1x1x512x16xf32, #tpu.memory_space<vmem>> -> memref<512x16xf32, #tpu.memory_space<vmem>>
        %dma_start3A_345 = arith.constant 0 : i32
        %dma_start3A_346 = tpu.memref_slice %arg10[%dma_start3A_339, %dma_start3A_340, %dma_start3A_345] : memref<2x2x512xi32, #tpu.memory_space<vmem>> -> memref<1x1x512xi32, #tpu.memory_space<vmem>>
        %dma_start3A_347 = tpu.memref_squeeze %dma_start3A_346 : memref<1x1x512xi32, #tpu.memory_space<vmem>> -> memref<512xi32, #tpu.memory_space<vmem>>
        %dma_start3A_348 = arith.constant 0 : i32
        %dma_start3A_349 = arith.constant 0 : i32
        %dma_start3A_350 = tpu.memref_slice %arg11[%dma_start3A_348, %dma_start3A_349] : memref<50008x16xf32, #tpu.memory_space<vmem_shared>> -> memref<50008x16xf32, #tpu.memory_space<vmem_shared>>
        tpu.enqueue_indirect_dma source(%dma_start3A_344 : memref<512x16xf32, #tpu.memory_space<vmem>>) target(%dma_start3A_350 : memref<50008x16xf32, #tpu.memory_space<vmem_shared>>) offsets(%dma_start3A_347 : memref<512xi32, #tpu.memory_space<vmem>>) semaphore(%arg15 : memref<!tpu.dma_semaphore, #tpu.memory_space<semaphore_mem>>) {add = true}
        %dma_start3A_351 = arith.constant 1 : i32
        %dma_start3A_352 = arith.constant 1 : i32
        %dma_start3A_353 = arith.constant 1 : i32
        %dma_start3A_354 = arith.constant 1 : i32
        %dma_start3A_355 = arith.constant 0 : i32
        %dma_start3A_356 = arith.constant 0 : i32
        %dma_start3A_357 = tpu.memref_slice %arg8[%dma_start3A_351, %dma_start3A_352, %dma_start3A_355, %dma_start3A_356] : memref<2x2x512x16xf32, #tpu.memory_space<vmem>> -> memref<1x1x512x16xf32, #tpu.memory_space<vmem>>
        %dma_start3A_358 = tpu.memref_squeeze %dma_start3A_357 : memref<1x1x512x16xf32, #tpu.memory_space<vmem>> -> memref<512x16xf32, #tpu.memory_space<vmem>>
        %dma_start3A_359 = arith.constant 0 : i32
        %dma_start3A_360 = tpu.memref_slice %arg10[%dma_start3A_353, %dma_start3A_354, %dma_start3A_359] : memref<2x2x512xi32, #tpu.memory_space<vmem>> -> memref<1x1x512xi32, #tpu.memory_space<vmem>>
        %dma_start3A_361 = tpu.memref_squeeze %dma_start3A_360 : memref<1x1x512xi32, #tpu.memory_space<vmem>> -> memref<512xi32, #tpu.memory_space<vmem>>
        %dma_start3A_362 = arith.constant 0 : i32
        %dma_start3A_363 = arith.constant 0 : i32
        %dma_start3A_364 = tpu.memref_slice %arg11[%dma_start3A_362, %dma_start3A_363] : memref<50008x16xf32, #tpu.memory_space<vmem_shared>> -> memref<50008x16xf32, #tpu.memory_space<vmem_shared>>
        tpu.enqueue_indirect_dma source(%dma_start3A_358 : memref<512x16xf32, #tpu.memory_space<vmem>>) target(%dma_start3A_364 : memref<50008x16xf32, #tpu.memory_space<vmem_shared>>) offsets(%dma_start3A_361 : memref<512xi32, #tpu.memory_space<vmem>>) semaphore(%arg15 : memref<!tpu.dma_semaphore, #tpu.memory_space<semaphore_mem>>) {add = true}
        %dma_wait3A_365 = arith.constant 0 : i32
        %dma_wait3A_366 = arith.constant 0 : i32
        %dma_wait3A_367 = arith.constant 0 : i32
        %dma_wait3A_368 = arith.constant 0 : i32
        %dma_wait3A_369 = arith.constant 0 : i32
        %dma_wait3A_370 = arith.constant 0 : i32
        %dma_wait3A_371 = tpu.memref_slice %arg8[%dma_wait3A_365, %dma_wait3A_366, %dma_wait3A_369, %dma_wait3A_370] : memref<2x2x512x16xf32, #tpu.memory_space<vmem>> -> memref<1x1x512x16xf32, #tpu.memory_space<vmem>>
        %dma_wait3A_372 = tpu.memref_squeeze %dma_wait3A_371 : memref<1x1x512x16xf32, #tpu.memory_space<vmem>> -> memref<512x16xf32, #tpu.memory_space<vmem>>
        %dma_wait3A_373 = arith.constant 0 : i32
        %dma_wait3A_374 = tpu.memref_slice %arg10[%dma_wait3A_367, %dma_wait3A_368, %dma_wait3A_373] : memref<2x2x512xi32, #tpu.memory_space<vmem>> -> memref<1x1x512xi32, #tpu.memory_space<vmem>>
        %dma_wait3A_375 = tpu.memref_squeeze %dma_wait3A_374 : memref<1x1x512xi32, #tpu.memory_space<vmem>> -> memref<512xi32, #tpu.memory_space<vmem>>
        %dma_wait3A_376 = arith.constant 0 : i32
        %dma_wait3A_377 = arith.constant 0 : i32
        %dma_wait3A_378 = tpu.memref_slice %arg11[%dma_wait3A_376, %dma_wait3A_377] : memref<50008x16xf32, #tpu.memory_space<vmem_shared>> -> memref<50008x16xf32, #tpu.memory_space<vmem_shared>>
        tpu.wait_indirect_dma semaphore(%arg14 : memref<!tpu.dma_semaphore, #tpu.memory_space<semaphore_mem>>) src(%dma_wait3A_372 : memref<512x16xf32, #tpu.memory_space<vmem>>) dst(%dma_wait3A_378 : memref<50008x16xf32, #tpu.memory_space<vmem_shared>>)
        %dma_wait3A_379 = arith.constant 0 : i32
        %dma_wait3A_380 = arith.constant 1 : i32
        %dma_wait3A_381 = arith.constant 0 : i32
        %dma_wait3A_382 = arith.constant 1 : i32
        %dma_wait3A_383 = arith.constant 0 : i32
        %dma_wait3A_384 = arith.constant 0 : i32
        %dma_wait3A_385 = tpu.memref_slice %arg8[%dma_wait3A_379, %dma_wait3A_380, %dma_wait3A_383, %dma_wait3A_384] : memref<2x2x512x16xf32, #tpu.memory_space<vmem>> -> memref<1x1x512x16xf32, #tpu.memory_space<vmem>>
        %dma_wait3A_386 = tpu.memref_squeeze %dma_wait3A_385 : memref<1x1x512x16xf32, #tpu.memory_space<vmem>> -> memref<512x16xf32, #tpu.memory_space<vmem>>
        %dma_wait3A_387 = arith.constant 0 : i32
        %dma_wait3A_388 = tpu.memref_slice %arg10[%dma_wait3A_381, %dma_wait3A_382, %dma_wait3A_387] : memref<2x2x512xi32, #tpu.memory_space<vmem>> -> memref<1x1x512xi32, #tpu.memory_space<vmem>>
        %dma_wait3A_389 = tpu.memref_squeeze %dma_wait3A_388 : memref<1x1x512xi32, #tpu.memory_space<vmem>> -> memref<512xi32, #tpu.memory_space<vmem>>
        %dma_wait3A_390 = arith.constant 0 : i32
        %dma_wait3A_391 = arith.constant 0 : i32
        %dma_wait3A_392 = tpu.memref_slice %arg11[%dma_wait3A_390, %dma_wait3A_391] : memref<50008x16xf32, #tpu.memory_space<vmem_shared>> -> memref<50008x16xf32, #tpu.memory_space<vmem_shared>>
        tpu.wait_indirect_dma semaphore(%arg14 : memref<!tpu.dma_semaphore, #tpu.memory_space<semaphore_mem>>) src(%dma_wait3A_386 : memref<512x16xf32, #tpu.memory_space<vmem>>) dst(%dma_wait3A_392 : memref<50008x16xf32, #tpu.memory_space<vmem_shared>>)
        %dma_wait3A_393 = arith.constant 1 : i32
        %dma_wait3A_394 = arith.constant 0 : i32
        %dma_wait3A_395 = arith.constant 1 : i32
        %dma_wait3A_396 = arith.constant 0 : i32
        %dma_wait3A_397 = arith.constant 0 : i32
        %dma_wait3A_398 = arith.constant 0 : i32
        %dma_wait3A_399 = tpu.memref_slice %arg8[%dma_wait3A_393, %dma_wait3A_394, %dma_wait3A_397, %dma_wait3A_398] : memref<2x2x512x16xf32, #tpu.memory_space<vmem>> -> memref<1x1x512x16xf32, #tpu.memory_space<vmem>>
        %dma_wait3A_400 = tpu.memref_squeeze %dma_wait3A_399 : memref<1x1x512x16xf32, #tpu.memory_space<vmem>> -> memref<512x16xf32, #tpu.memory_space<vmem>>
        %dma_wait3A_401 = arith.constant 0 : i32
        %dma_wait3A_402 = tpu.memref_slice %arg10[%dma_wait3A_395, %dma_wait3A_396, %dma_wait3A_401] : memref<2x2x512xi32, #tpu.memory_space<vmem>> -> memref<1x1x512xi32, #tpu.memory_space<vmem>>
        %dma_wait3A_403 = tpu.memref_squeeze %dma_wait3A_402 : memref<1x1x512xi32, #tpu.memory_space<vmem>> -> memref<512xi32, #tpu.memory_space<vmem>>
        %dma_wait3A_404 = arith.constant 0 : i32
        %dma_wait3A_405 = arith.constant 0 : i32
        %dma_wait3A_406 = tpu.memref_slice %arg11[%dma_wait3A_404, %dma_wait3A_405] : memref<50008x16xf32, #tpu.memory_space<vmem_shared>> -> memref<50008x16xf32, #tpu.memory_space<vmem_shared>>
        tpu.wait_indirect_dma semaphore(%arg15 : memref<!tpu.dma_semaphore, #tpu.memory_space<semaphore_mem>>) src(%dma_wait3A_400 : memref<512x16xf32, #tpu.memory_space<vmem>>) dst(%dma_wait3A_406 : memref<50008x16xf32, #tpu.memory_space<vmem_shared>>)
        %dma_wait3A_407 = arith.constant 1 : i32
        %dma_wait3A_408 = arith.constant 1 : i32
        %dma_wait3A_409 = arith.constant 1 : i32
        %dma_wait3A_410 = arith.constant 1 : i32
        %dma_wait3A_411 = arith.constant 0 : i32
        %dma_wait3A_412 = arith.constant 0 : i32
        %dma_wait3A_413 = tpu.memref_slice %arg8[%dma_wait3A_407, %dma_wait3A_408, %dma_wait3A_411, %dma_wait3A_412] : memref<2x2x512x16xf32, #tpu.memory_space<vmem>> -> memref<1x1x512x16xf32, #tpu.memory_space<vmem>>
        %dma_wait3A_414 = tpu.memref_squeeze %dma_wait3A_413 : memref<1x1x512x16xf32, #tpu.memory_space<vmem>> -> memref<512x16xf32, #tpu.memory_space<vmem>>
        %dma_wait3A_415 = arith.constant 0 : i32
        %dma_wait3A_416 = tpu.memref_slice %arg10[%dma_wait3A_409, %dma_wait3A_410, %dma_wait3A_415] : memref<2x2x512xi32, #tpu.memory_space<vmem>> -> memref<1x1x512xi32, #tpu.memory_space<vmem>>
        %dma_wait3A_417 = tpu.memref_squeeze %dma_wait3A_416 : memref<1x1x512xi32, #tpu.memory_space<vmem>> -> memref<512xi32, #tpu.memory_space<vmem>>
        %dma_wait3A_418 = arith.constant 0 : i32
        %dma_wait3A_419 = arith.constant 0 : i32
        %dma_wait3A_420 = tpu.memref_slice %arg11[%dma_wait3A_418, %dma_wait3A_419] : memref<50008x16xf32, #tpu.memory_space<vmem_shared>> -> memref<50008x16xf32, #tpu.memory_space<vmem_shared>>
        tpu.wait_indirect_dma semaphore(%arg15 : memref<!tpu.dma_semaphore, #tpu.memory_space<semaphore_mem>>) src(%dma_wait3A_414 : memref<512x16xf32, #tpu.memory_space<vmem>>) dst(%dma_wait3A_420 : memref<50008x16xf32, #tpu.memory_space<vmem_shared>>)
      }
      %scan3A_14 = arith.constant 13 : i32
      %barrier3A_15 = arith.constant 0 : index
      tpu.barrier barrier_id(%barrier3A_15)
      "tpu.region"() ({
        %run_scoped3A = tpu.sem_alloc : memref<!tpu.dma_semaphore, #tpu.memory_space<semaphore_mem>>
        %dma_start3A = arith.constant 0 : i32
        %dma_start3A_16 = tpu.memref_slice %arg7[%mul3A_2, %dma_start3A] : memref<50000x16xf32, #tpu.memory_space<hbm>> -> memref<3125x16xf32, #tpu.memory_space<hbm>>
        %dma_start3A_17 = arith.constant 0 : i32
        %dma_start3A_18 = tpu.memref_slice %arg11[%mul3A_2, %dma_start3A_17] : memref<50008x16xf32, #tpu.memory_space<vmem_shared>> -> memref<3125x16xf32, #tpu.memory_space<vmem_shared>>
        tpu.enqueue_dma source(%dma_start3A_18 : memref<3125x16xf32, #tpu.memory_space<vmem_shared>>) target(%dma_start3A_16 : memref<3125x16xf32, #tpu.memory_space<hbm>>) target_semaphore(%run_scoped3A : memref<!tpu.dma_semaphore, #tpu.memory_space<semaphore_mem>>)
        %dma_wait3A = arith.constant 0 : i32
        %dma_wait3A_19 = tpu.memref_slice %arg7[%mul3A_2, %dma_wait3A] : memref<50000x16xf32, #tpu.memory_space<hbm>> -> memref<3125x16xf32, #tpu.memory_space<hbm>>
        %dma_wait3A_20 = arith.constant 0 : i32
        %dma_wait3A_21 = tpu.memref_slice %arg11[%mul3A_2, %dma_wait3A_20] : memref<50008x16xf32, #tpu.memory_space<vmem_shared>> -> memref<3125x16xf32, #tpu.memory_space<vmem_shared>>
        tpu.wait_dma2 semaphore(%run_scoped3A : memref<!tpu.dma_semaphore, #tpu.memory_space<semaphore_mem>>) src(%dma_wait3A_21 : memref<3125x16xf32, #tpu.memory_space<vmem_shared>>) dst(%dma_wait3A_19 : memref<3125x16xf32, #tpu.memory_space<hbm>>)
        tpu.yield
      }) : () -> ()
    } else {
    }
    return
  }
}

#map = affine_map<(d0, d1) -> (0, 0, 0)>
module attributes {stable_mosaic.version = 14 : i64} {
  func.func @k(%arg0: i32, %arg1: i32, %arg2: memref<8x50000x16xf32, #tpu.memory_space<hbm>>, %arg3: memref<16x100x512xi32, #tpu.memory_space<hbm>>, %arg4: memref<16x100x512xi32, #tpu.memory_space<hbm>>, %arg5: memref<8x50000x16xf32, #tpu.memory_space<hbm>>, %arg6: memref<2x2x512x16xf32, #tpu.memory_space<vmem>>, %arg7: memref<2x2x512xi32, #tpu.memory_space<vmem>>, %arg8: memref<2x2x512xi32, #tpu.memory_space<vmem>>, %arg9: memref<50008x16xf32, #tpu.memory_space<vmem_shared>>, %arg10: memref<!tpu.dma_semaphore, #tpu.memory_space<semaphore_mem>>, %arg11: memref<!tpu.dma_semaphore, #tpu.memory_space<semaphore_mem>>, %arg12: memref<!tpu.dma_semaphore, #tpu.memory_space<semaphore_mem>>, %arg13: memref<!tpu.dma_semaphore, #tpu.memory_space<semaphore_mem>>, %arg14: memref<!tpu.dma_semaphore, #tpu.memory_space<semaphore_mem>>, %arg15: memref<!tpu.dma_semaphore, #tpu.memory_space<semaphore_mem>>, %arg16: memref<!tpu.dma_semaphore, #tpu.memory_space<semaphore_mem>>, %arg17: memref<!tpu.dma_semaphore, #tpu.memory_space<semaphore_mem>>) attributes {dimension_semantics = [#tpu.dimension_semantics<core_parallel>, #tpu.dimension_semantics<subcore_parallel>], iteration_bounds = array<i64: 2, 16>, scalar_prefetch = 0 : i64, scratch_operands = 12 : i64, tpu.core_type = #tpu.core_type<sc_vector_subcore>, window_params = [{transform_indices = #map}, {transform_indices = #map}, {transform_indices = #map}, {transform_indices = #map}]} {
    %mul3A = arith.constant 3125 : i32
    %mul3A_0 = arith.muli %arg1, %mul3A : i32
    %scan3A = arith.constant 0 : i32
    %scan3A_1 = arith.constant 0 : i32
    %scan3A_2 = arith.constant 4 : i32
    %scan3A_3 = arith.addi %scan3A_1, %scan3A_2 : i32
    %scan3A_4 = arith.constant 1 : i32
    scf.for %scan3A_6 = %scan3A_1 to %scan3A_3 step %scan3A_4  : i32 {
      %mul3A_7 = arith.constant 2 : i32
      %mul3A_8 = arith.muli %mul3A_7, %scan3A_6 : i32
      %add3A = arith.addi %mul3A_8, %arg0 : i32
      "tpu.region"() ({
        %run_scoped3A = tpu.sem_alloc : memref<!tpu.dma_semaphore, #tpu.memory_space<semaphore_mem>>
        %dma_start3A = arith.constant 0 : i32
        %dma_start3A_17 = tpu.memref_slice %arg9[%mul3A_0, %dma_start3A] : memref<50008x16xf32, #tpu.memory_space<vmem_shared>> -> memref<3125x16xf32, #tpu.memory_space<vmem_shared>>
        %dma_start3A_18 = arith.constant 0 : i32
        %dma_start3A_19 = arith.constant 0 : i32
        %dma_start3A_20 = tpu.memref_slice %arg2[%add3A, %dma_start3A_18, %dma_start3A_19] : memref<8x50000x16xf32, #tpu.memory_space<hbm>> -> memref<1x50000x16xf32, #tpu.memory_space<hbm>>
        %dma_start3A_21 = tpu.memref_squeeze %dma_start3A_20 : memref<1x50000x16xf32, #tpu.memory_space<hbm>> -> memref<50000x16xf32, #tpu.memory_space<hbm>>
        %dma_start3A_22 = arith.constant 0 : i32
        %dma_start3A_23 = tpu.memref_slice %dma_start3A_21[%mul3A_0, %dma_start3A_22] : memref<50000x16xf32, #tpu.memory_space<hbm>> -> memref<3125x16xf32, #tpu.memory_space<hbm>>
        tpu.enqueue_dma source(%dma_start3A_23 : memref<3125x16xf32, #tpu.memory_space<hbm>>) target(%dma_start3A_17 : memref<3125x16xf32, #tpu.memory_space<vmem_shared>>) target_semaphore(%run_scoped3A : memref<!tpu.dma_semaphore, #tpu.memory_space<semaphore_mem>>)
        %dma_wait3A = arith.constant 0 : i32
        %dma_wait3A_24 = tpu.memref_slice %arg9[%mul3A_0, %dma_wait3A] : memref<50008x16xf32, #tpu.memory_space<vmem_shared>> -> memref<3125x16xf32, #tpu.memory_space<vmem_shared>>
        %dma_wait3A_25 = arith.constant 0 : i32
        %dma_wait3A_26 = arith.constant 0 : i32
        %dma_wait3A_27 = tpu.memref_slice %arg2[%add3A, %dma_wait3A_25, %dma_wait3A_26] : memref<8x50000x16xf32, #tpu.memory_space<hbm>> -> memref<1x50000x16xf32, #tpu.memory_space<hbm>>
        %dma_wait3A_28 = tpu.memref_squeeze %dma_wait3A_27 : memref<1x50000x16xf32, #tpu.memory_space<hbm>> -> memref<50000x16xf32, #tpu.memory_space<hbm>>
        %dma_wait3A_29 = arith.constant 0 : i32
        %dma_wait3A_30 = tpu.memref_slice %dma_wait3A_28[%mul3A_0, %dma_wait3A_29] : memref<50000x16xf32, #tpu.memory_space<hbm>> -> memref<3125x16xf32, #tpu.memory_space<hbm>>
        tpu.wait_dma2 semaphore(%run_scoped3A : memref<!tpu.dma_semaphore, #tpu.memory_space<semaphore_mem>>) src(%dma_wait3A_30 : memref<3125x16xf32, #tpu.memory_space<hbm>>) dst(%dma_wait3A_24 : memref<3125x16xf32, #tpu.memory_space<vmem_shared>>)
        tpu.yield
      }) : () -> ()
      %barrier3A = arith.constant 0 : index
      tpu.barrier barrier_id(%barrier3A)
      %scan3A_9 = arith.constant 0 : i32
      %scan3A_10 = arith.constant 0 : i32
      %scan3A_11 = arith.constant 25 : i32
      %scan3A_12 = arith.addi %scan3A_10, %scan3A_11 : i32
      %scan3A_13 = arith.constant 1 : i32
      scf.for %scan3A_17 = %scan3A_10 to %scan3A_12 step %scan3A_13  : i32 {
        %mul3A_18 = arith.constant 2 : i32
        %mul3A_19 = arith.muli %scan3A_17, %mul3A_18 : i32
        %mul3A_20 = arith.constant 2 : i32
        %mul3A_21 = arith.muli %mul3A_19, %mul3A_20 : i32
        %dma_start3A = arith.constant 0 : i32
        %dma_start3A_22 = arith.constant 0 : i32
        %dma_start3A_23 = arith.constant 0 : i32
        %dma_start3A_24 = tpu.memref_slice %arg7[%dma_start3A, %dma_start3A_22, %dma_start3A_23] : memref<2x2x512xi32, #tpu.memory_space<vmem>> -> memref<1x2x512xi32, #tpu.memory_space<vmem>>
        %dma_start3A_25 = tpu.memref_squeeze %dma_start3A_24 : memref<1x2x512xi32, #tpu.memory_space<vmem>> -> memref<2x512xi32, #tpu.memory_space<vmem>>
        %dma_start3A_26 = arith.constant 0 : i32
        %dma_start3A_27 = arith.constant 0 : i32
        %dma_start3A_28 = tpu.memref_slice %arg3[%arg1, %dma_start3A_26, %dma_start3A_27] : memref<16x100x512xi32, #tpu.memory_space<hbm>> -> memref<1x100x512xi32, #tpu.memory_space<hbm>>
        %dma_start3A_29 = tpu.memref_squeeze %dma_start3A_28 : memref<1x100x512xi32, #tpu.memory_space<hbm>> -> memref<100x512xi32, #tpu.memory_space<hbm>>
        %dma_start3A_30 = arith.constant 0 : i32
        %dma_start3A_31 = tpu.memref_slice %dma_start3A_29[%mul3A_21, %dma_start3A_30] : memref<100x512xi32, #tpu.memory_space<hbm>> -> memref<2x512xi32, #tpu.memory_space<hbm>>
        %dma_start3A_32 = arith.constant 0 : i32
        %dma_start3A_33 = arith.constant 0 : i32
        %dma_start3A_34 = tpu.memref_slice %arg7[%dma_start3A, %dma_start3A_32, %dma_start3A_33] : memref<2x2x512xi32, #tpu.memory_space<vmem>> -> memref<1x2x512xi32, #tpu.memory_space<vmem>>
        %dma_start3A_35 = tpu.memref_squeeze %dma_start3A_34 : memref<1x2x512xi32, #tpu.memory_space<vmem>> -> memref<2x512xi32, #tpu.memory_space<vmem>>
        %dma_start3A_36 = arith.constant 0 : i32
        %dma_start3A_37 = arith.constant 0 : i32
        %dma_start3A_38 = tpu.memref_slice %arg3[%arg1, %dma_start3A_36, %dma_start3A_37] : memref<16x100x512xi32, #tpu.memory_space<hbm>> -> memref<1x100x512xi32, #tpu.memory_space<hbm>>
        %dma_start3A_39 = tpu.memref_squeeze %dma_start3A_38 : memref<1x100x512xi32, #tpu.memory_space<hbm>> -> memref<100x512xi32, #tpu.memory_space<hbm>>
        %dma_start3A_40 = arith.constant 0 : i32
        %dma_start3A_41 = tpu.memref_slice %dma_start3A_39[%mul3A_21, %dma_start3A_40] : memref<100x512xi32, #tpu.memory_space<hbm>> -> memref<2x512xi32, #tpu.memory_space<hbm>>
        tpu.enqueue_dma source(%dma_start3A_41 : memref<2x512xi32, #tpu.memory_space<hbm>>) target(%dma_start3A_35 : memref<2x512xi32, #tpu.memory_space<vmem>>) target_semaphore(%arg14 : memref<!tpu.dma_semaphore, #tpu.memory_space<semaphore_mem>>)
        %add3A_42 = arith.constant 1 : i32
        %add3A_43 = arith.addi %mul3A_19, %add3A_42 : i32
        %mul3A_44 = arith.constant 2 : i32
        %mul3A_45 = arith.muli %add3A_43, %mul3A_44 : i32
        %dma_start3A_46 = arith.constant 1 : i32
        %dma_start3A_47 = arith.constant 0 : i32
        %dma_start3A_48 = arith.constant 0 : i32
        %dma_start3A_49 = tpu.memref_slice %arg7[%dma_start3A_46, %dma_start3A_47, %dma_start3A_48] : memref<2x2x512xi32, #tpu.memory_space<vmem>> -> memref<1x2x512xi32, #tpu.memory_space<vmem>>
        %dma_start3A_50 = tpu.memref_squeeze %dma_start3A_49 : memref<1x2x512xi32, #tpu.memory_space<vmem>> -> memref<2x512xi32, #tpu.memory_space<vmem>>
        %dma_start3A_51 = arith.constant 0 : i32
        %dma_start3A_52 = arith.constant 0 : i32
        %dma_start3A_53 = tpu.memref_slice %arg3[%arg1, %dma_start3A_51, %dma_start3A_52] : memref<16x100x512xi32, #tpu.memory_space<hbm>> -> memref<1x100x512xi32, #tpu.memory_space<hbm>>
        %dma_start3A_54 = tpu.memref_squeeze %dma_start3A_53 : memref<1x100x512xi32, #tpu.memory_space<hbm>> -> memref<100x512xi32, #tpu.memory_space<hbm>>
        %dma_start3A_55 = arith.constant 0 : i32
        %dma_start3A_56 = tpu.memref_slice %dma_start3A_54[%mul3A_45, %dma_start3A_55] : memref<100x512xi32, #tpu.memory_space<hbm>> -> memref<2x512xi32, #tpu.memory_space<hbm>>
        %dma_start3A_57 = arith.constant 0 : i32
        %dma_start3A_58 = arith.constant 0 : i32
        %dma_start3A_59 = tpu.memref_slice %arg7[%dma_start3A_46, %dma_start3A_57, %dma_start3A_58] : memref<2x2x512xi32, #tpu.memory_space<vmem>> -> memref<1x2x512xi32, #tpu.memory_space<vmem>>
        %dma_start3A_60 = tpu.memref_squeeze %dma_start3A_59 : memref<1x2x512xi32, #tpu.memory_space<vmem>> -> memref<2x512xi32, #tpu.memory_space<vmem>>
        %dma_start3A_61 = arith.constant 0 : i32
        %dma_start3A_62 = arith.constant 0 : i32
        %dma_start3A_63 = tpu.memref_slice %arg3[%arg1, %dma_start3A_61, %dma_start3A_62] : memref<16x100x512xi32, #tpu.memory_space<hbm>> -> memref<1x100x512xi32, #tpu.memory_space<hbm>>
        %dma_start3A_64 = tpu.memref_squeeze %dma_start3A_63 : memref<1x100x512xi32, #tpu.memory_space<hbm>> -> memref<100x512xi32, #tpu.memory_space<hbm>>
        %dma_start3A_65 = arith.constant 0 : i32
        %dma_start3A_66 = tpu.memref_slice %dma_start3A_64[%mul3A_45, %dma_start3A_65] : memref<100x512xi32, #tpu.memory_space<hbm>> -> memref<2x512xi32, #tpu.memory_space<hbm>>
        tpu.enqueue_dma source(%dma_start3A_66 : memref<2x512xi32, #tpu.memory_space<hbm>>) target(%dma_start3A_60 : memref<2x512xi32, #tpu.memory_space<vmem>>) target_semaphore(%arg14 : memref<!tpu.dma_semaphore, #tpu.memory_space<semaphore_mem>>)
        %mul3A_67 = arith.constant 2 : i32
        %mul3A_68 = arith.muli %mul3A_19, %mul3A_67 : i32
        %dma_start3A_69 = arith.constant 0 : i32
        %dma_start3A_70 = arith.constant 0 : i32
        %dma_start3A_71 = arith.constant 0 : i32
        %dma_start3A_72 = tpu.memref_slice %arg8[%dma_start3A_69, %dma_start3A_70, %dma_start3A_71] : memref<2x2x512xi32, #tpu.memory_space<vmem>> -> memref<1x2x512xi32, #tpu.memory_space<vmem>>
        %dma_start3A_73 = tpu.memref_squeeze %dma_start3A_72 : memref<1x2x512xi32, #tpu.memory_space<vmem>> -> memref<2x512xi32, #tpu.memory_space<vmem>>
        %dma_start3A_74 = arith.constant 0 : i32
        %dma_start3A_75 = arith.constant 0 : i32
        %dma_start3A_76 = tpu.memref_slice %arg4[%arg1, %dma_start3A_74, %dma_start3A_75] : memref<16x100x512xi32, #tpu.memory_space<hbm>> -> memref<1x100x512xi32, #tpu.memory_space<hbm>>
        %dma_start3A_77 = tpu.memref_squeeze %dma_start3A_76 : memref<1x100x512xi32, #tpu.memory_space<hbm>> -> memref<100x512xi32, #tpu.memory_space<hbm>>
        %dma_start3A_78 = arith.constant 0 : i32
        %dma_start3A_79 = tpu.memref_slice %dma_start3A_77[%mul3A_68, %dma_start3A_78] : memref<100x512xi32, #tpu.memory_space<hbm>> -> memref<2x512xi32, #tpu.memory_space<hbm>>
        %dma_start3A_80 = arith.constant 0 : i32
        %dma_start3A_81 = arith.constant 0 : i32
        %dma_start3A_82 = tpu.memref_slice %arg8[%dma_start3A_69, %dma_start3A_80, %dma_start3A_81] : memref<2x2x512xi32, #tpu.memory_space<vmem>> -> memref<1x2x512xi32, #tpu.memory_space<vmem>>
        %dma_start3A_83 = tpu.memref_squeeze %dma_start3A_82 : memref<1x2x512xi32, #tpu.memory_space<vmem>> -> memref<2x512xi32, #tpu.memory_space<vmem>>
        %dma_start3A_84 = arith.constant 0 : i32
        %dma_start3A_85 = arith.constant 0 : i32
        %dma_start3A_86 = tpu.memref_slice %arg4[%arg1, %dma_start3A_84, %dma_start3A_85] : memref<16x100x512xi32, #tpu.memory_space<hbm>> -> memref<1x100x512xi32, #tpu.memory_space<hbm>>
        %dma_start3A_87 = tpu.memref_squeeze %dma_start3A_86 : memref<1x100x512xi32, #tpu.memory_space<hbm>> -> memref<100x512xi32, #tpu.memory_space<hbm>>
        %dma_start3A_88 = arith.constant 0 : i32
        %dma_start3A_89 = tpu.memref_slice %dma_start3A_87[%mul3A_68, %dma_start3A_88] : memref<100x512xi32, #tpu.memory_space<hbm>> -> memref<2x512xi32, #tpu.memory_space<hbm>>
        tpu.enqueue_dma source(%dma_start3A_89 : memref<2x512xi32, #tpu.memory_space<hbm>>) target(%dma_start3A_83 : memref<2x512xi32, #tpu.memory_space<vmem>>) target_semaphore(%arg14 : memref<!tpu.dma_semaphore, #tpu.memory_space<semaphore_mem>>)
        %add3A_90 = arith.constant 1 : i32
        %add3A_91 = arith.addi %mul3A_19, %add3A_90 : i32
        %mul3A_92 = arith.constant 2 : i32
        %mul3A_93 = arith.muli %add3A_91, %mul3A_92 : i32
        %dma_start3A_94 = arith.constant 1 : i32
        %dma_start3A_95 = arith.constant 0 : i32
        %dma_start3A_96 = arith.constant 0 : i32
        %dma_start3A_97 = tpu.memref_slice %arg8[%dma_start3A_94, %dma_start3A_95, %dma_start3A_96] : memref<2x2x512xi32, #tpu.memory_space<vmem>> -> memref<1x2x512xi32, #tpu.memory_space<vmem>>
        %dma_start3A_98 = tpu.memref_squeeze %dma_start3A_97 : memref<1x2x512xi32, #tpu.memory_space<vmem>> -> memref<2x512xi32, #tpu.memory_space<vmem>>
        %dma_start3A_99 = arith.constant 0 : i32
        %dma_start3A_100 = arith.constant 0 : i32
        %dma_start3A_101 = tpu.memref_slice %arg4[%arg1, %dma_start3A_99, %dma_start3A_100] : memref<16x100x512xi32, #tpu.memory_space<hbm>> -> memref<1x100x512xi32, #tpu.memory_space<hbm>>
        %dma_start3A_102 = tpu.memref_squeeze %dma_start3A_101 : memref<1x100x512xi32, #tpu.memory_space<hbm>> -> memref<100x512xi32, #tpu.memory_space<hbm>>
        %dma_start3A_103 = arith.constant 0 : i32
        %dma_start3A_104 = tpu.memref_slice %dma_start3A_102[%mul3A_93, %dma_start3A_103] : memref<100x512xi32, #tpu.memory_space<hbm>> -> memref<2x512xi32, #tpu.memory_space<hbm>>
        %dma_start3A_105 = arith.constant 0 : i32
        %dma_start3A_106 = arith.constant 0 : i32
        %dma_start3A_107 = tpu.memref_slice %arg8[%dma_start3A_94, %dma_start3A_105, %dma_start3A_106] : memref<2x2x512xi32, #tpu.memory_space<vmem>> -> memref<1x2x512xi32, #tpu.memory_space<vmem>>
        %dma_start3A_108 = tpu.memref_squeeze %dma_start3A_107 : memref<1x2x512xi32, #tpu.memory_space<vmem>> -> memref<2x512xi32, #tpu.memory_space<vmem>>
        %dma_start3A_109 = arith.constant 0 : i32
        %dma_start3A_110 = arith.constant 0 : i32
        %dma_start3A_111 = tpu.memref_slice %arg4[%arg1, %dma_start3A_109, %dma_start3A_110] : memref<16x100x512xi32, #tpu.memory_space<hbm>> -> memref<1x100x512xi32, #tpu.memory_space<hbm>>
        %dma_start3A_112 = tpu.memref_squeeze %dma_start3A_111 : memref<1x100x512xi32, #tpu.memory_space<hbm>> -> memref<100x512xi32, #tpu.memory_space<hbm>>
        %dma_start3A_113 = arith.constant 0 : i32
        %dma_start3A_114 = tpu.memref_slice %dma_start3A_112[%mul3A_93, %dma_start3A_113] : memref<100x512xi32, #tpu.memory_space<hbm>> -> memref<2x512xi32, #tpu.memory_space<hbm>>
        tpu.enqueue_dma source(%dma_start3A_114 : memref<2x512xi32, #tpu.memory_space<hbm>>) target(%dma_start3A_108 : memref<2x512xi32, #tpu.memory_space<vmem>>) target_semaphore(%arg14 : memref<!tpu.dma_semaphore, #tpu.memory_space<semaphore_mem>>)
        %dma_wait3A = arith.constant 0 : i32
        %dma_wait3A_115 = arith.constant 0 : i32
        %dma_wait3A_116 = arith.constant 0 : i32
        %dma_wait3A_117 = tpu.memref_slice %arg7[%dma_wait3A, %dma_wait3A_115, %dma_wait3A_116] : memref<2x2x512xi32, #tpu.memory_space<vmem>> -> memref<1x2x512xi32, #tpu.memory_space<vmem>>
        %dma_wait3A_118 = tpu.memref_squeeze %dma_wait3A_117 : memref<1x2x512xi32, #tpu.memory_space<vmem>> -> memref<2x512xi32, #tpu.memory_space<vmem>>
        %dma_wait3A_119 = arith.constant 0 : i32
        %dma_wait3A_120 = arith.constant 0 : i32
        %dma_wait3A_121 = tpu.memref_slice %arg3[%arg1, %dma_wait3A_119, %dma_wait3A_120] : memref<16x100x512xi32, #tpu.memory_space<hbm>> -> memref<1x100x512xi32, #tpu.memory_space<hbm>>
        %dma_wait3A_122 = tpu.memref_squeeze %dma_wait3A_121 : memref<1x100x512xi32, #tpu.memory_space<hbm>> -> memref<100x512xi32, #tpu.memory_space<hbm>>
        %dma_wait3A_123 = arith.constant 0 : i32
        %dma_wait3A_124 = tpu.memref_slice %dma_wait3A_122[%mul3A_21, %dma_wait3A_123] : memref<100x512xi32, #tpu.memory_space<hbm>> -> memref<2x512xi32, #tpu.memory_space<hbm>>
        %dma_wait3A_125 = arith.constant 0 : i32
        %dma_wait3A_126 = arith.constant 0 : i32
        %dma_wait3A_127 = tpu.memref_slice %arg7[%dma_wait3A, %dma_wait3A_125, %dma_wait3A_126] : memref<2x2x512xi32, #tpu.memory_space<vmem>> -> memref<1x2x512xi32, #tpu.memory_space<vmem>>
        %dma_wait3A_128 = tpu.memref_squeeze %dma_wait3A_127 : memref<1x2x512xi32, #tpu.memory_space<vmem>> -> memref<2x512xi32, #tpu.memory_space<vmem>>
        %dma_wait3A_129 = arith.constant 0 : i32
        %dma_wait3A_130 = arith.constant 0 : i32
        %dma_wait3A_131 = tpu.memref_slice %arg3[%arg1, %dma_wait3A_129, %dma_wait3A_130] : memref<16x100x512xi32, #tpu.memory_space<hbm>> -> memref<1x100x512xi32, #tpu.memory_space<hbm>>
        %dma_wait3A_132 = tpu.memref_squeeze %dma_wait3A_131 : memref<1x100x512xi32, #tpu.memory_space<hbm>> -> memref<100x512xi32, #tpu.memory_space<hbm>>
        %dma_wait3A_133 = arith.constant 0 : i32
        %dma_wait3A_134 = tpu.memref_slice %dma_wait3A_132[%mul3A_21, %dma_wait3A_133] : memref<100x512xi32, #tpu.memory_space<hbm>> -> memref<2x512xi32, #tpu.memory_space<hbm>>
        tpu.wait_dma2 semaphore(%arg14 : memref<!tpu.dma_semaphore, #tpu.memory_space<semaphore_mem>>) src(%dma_wait3A_134 : memref<2x512xi32, #tpu.memory_space<hbm>>) dst(%dma_wait3A_128 : memref<2x512xi32, #tpu.memory_space<vmem>>)
        %dma_wait3A_135 = arith.constant 1 : i32
        %dma_wait3A_136 = arith.constant 0 : i32
        %dma_wait3A_137 = arith.constant 0 : i32
        %dma_wait3A_138 = tpu.memref_slice %arg7[%dma_wait3A_135, %dma_wait3A_136, %dma_wait3A_137] : memref<2x2x512xi32, #tpu.memory_space<vmem>> -> memref<1x2x512xi32, #tpu.memory_space<vmem>>
        %dma_wait3A_139 = tpu.memref_squeeze %dma_wait3A_138 : memref<1x2x512xi32, #tpu.memory_space<vmem>> -> memref<2x512xi32, #tpu.memory_space<vmem>>
        %dma_wait3A_140 = arith.constant 0 : i32
        %dma_wait3A_141 = arith.constant 0 : i32
        %dma_wait3A_142 = tpu.memref_slice %arg3[%arg1, %dma_wait3A_140, %dma_wait3A_141] : memref<16x100x512xi32, #tpu.memory_space<hbm>> -> memref<1x100x512xi32, #tpu.memory_space<hbm>>
        %dma_wait3A_143 = tpu.memref_squeeze %dma_wait3A_142 : memref<1x100x512xi32, #tpu.memory_space<hbm>> -> memref<100x512xi32, #tpu.memory_space<hbm>>
        %dma_wait3A_144 = arith.constant 0 : i32
        %dma_wait3A_145 = tpu.memref_slice %dma_wait3A_143[%mul3A_45, %dma_wait3A_144] : memref<100x512xi32, #tpu.memory_space<hbm>> -> memref<2x512xi32, #tpu.memory_space<hbm>>
        %dma_wait3A_146 = arith.constant 0 : i32
        %dma_wait3A_147 = arith.constant 0 : i32
        %dma_wait3A_148 = tpu.memref_slice %arg7[%dma_wait3A_135, %dma_wait3A_146, %dma_wait3A_147] : memref<2x2x512xi32, #tpu.memory_space<vmem>> -> memref<1x2x512xi32, #tpu.memory_space<vmem>>
        %dma_wait3A_149 = tpu.memref_squeeze %dma_wait3A_148 : memref<1x2x512xi32, #tpu.memory_space<vmem>> -> memref<2x512xi32, #tpu.memory_space<vmem>>
        %dma_wait3A_150 = arith.constant 0 : i32
        %dma_wait3A_151 = arith.constant 0 : i32
        %dma_wait3A_152 = tpu.memref_slice %arg3[%arg1, %dma_wait3A_150, %dma_wait3A_151] : memref<16x100x512xi32, #tpu.memory_space<hbm>> -> memref<1x100x512xi32, #tpu.memory_space<hbm>>
        %dma_wait3A_153 = tpu.memref_squeeze %dma_wait3A_152 : memref<1x100x512xi32, #tpu.memory_space<hbm>> -> memref<100x512xi32, #tpu.memory_space<hbm>>
        %dma_wait3A_154 = arith.constant 0 : i32
        %dma_wait3A_155 = tpu.memref_slice %dma_wait3A_153[%mul3A_45, %dma_wait3A_154] : memref<100x512xi32, #tpu.memory_space<hbm>> -> memref<2x512xi32, #tpu.memory_space<hbm>>
        tpu.wait_dma2 semaphore(%arg14 : memref<!tpu.dma_semaphore, #tpu.memory_space<semaphore_mem>>) src(%dma_wait3A_155 : memref<2x512xi32, #tpu.memory_space<hbm>>) dst(%dma_wait3A_149 : memref<2x512xi32, #tpu.memory_space<vmem>>)
        %dma_wait3A_156 = arith.constant 0 : i32
        %dma_wait3A_157 = arith.constant 0 : i32
        %dma_wait3A_158 = arith.constant 0 : i32
        %dma_wait3A_159 = tpu.memref_slice %arg8[%dma_wait3A_156, %dma_wait3A_157, %dma_wait3A_158] : memref<2x2x512xi32, #tpu.memory_space<vmem>> -> memref<1x2x512xi32, #tpu.memory_space<vmem>>
        %dma_wait3A_160 = tpu.memref_squeeze %dma_wait3A_159 : memref<1x2x512xi32, #tpu.memory_space<vmem>> -> memref<2x512xi32, #tpu.memory_space<vmem>>
        %dma_wait3A_161 = arith.constant 0 : i32
        %dma_wait3A_162 = arith.constant 0 : i32
        %dma_wait3A_163 = tpu.memref_slice %arg4[%arg1, %dma_wait3A_161, %dma_wait3A_162] : memref<16x100x512xi32, #tpu.memory_space<hbm>> -> memref<1x100x512xi32, #tpu.memory_space<hbm>>
        %dma_wait3A_164 = tpu.memref_squeeze %dma_wait3A_163 : memref<1x100x512xi32, #tpu.memory_space<hbm>> -> memref<100x512xi32, #tpu.memory_space<hbm>>
        %dma_wait3A_165 = arith.constant 0 : i32
        %dma_wait3A_166 = tpu.memref_slice %dma_wait3A_164[%mul3A_68, %dma_wait3A_165] : memref<100x512xi32, #tpu.memory_space<hbm>> -> memref<2x512xi32, #tpu.memory_space<hbm>>
        %dma_wait3A_167 = arith.constant 0 : i32
        %dma_wait3A_168 = arith.constant 0 : i32
        %dma_wait3A_169 = tpu.memref_slice %arg8[%dma_wait3A_156, %dma_wait3A_167, %dma_wait3A_168] : memref<2x2x512xi32, #tpu.memory_space<vmem>> -> memref<1x2x512xi32, #tpu.memory_space<vmem>>
        %dma_wait3A_170 = tpu.memref_squeeze %dma_wait3A_169 : memref<1x2x512xi32, #tpu.memory_space<vmem>> -> memref<2x512xi32, #tpu.memory_space<vmem>>
        %dma_wait3A_171 = arith.constant 0 : i32
        %dma_wait3A_172 = arith.constant 0 : i32
        %dma_wait3A_173 = tpu.memref_slice %arg4[%arg1, %dma_wait3A_171, %dma_wait3A_172] : memref<16x100x512xi32, #tpu.memory_space<hbm>> -> memref<1x100x512xi32, #tpu.memory_space<hbm>>
        %dma_wait3A_174 = tpu.memref_squeeze %dma_wait3A_173 : memref<1x100x512xi32, #tpu.memory_space<hbm>> -> memref<100x512xi32, #tpu.memory_space<hbm>>
        %dma_wait3A_175 = arith.constant 0 : i32
        %dma_wait3A_176 = tpu.memref_slice %dma_wait3A_174[%mul3A_68, %dma_wait3A_175] : memref<100x512xi32, #tpu.memory_space<hbm>> -> memref<2x512xi32, #tpu.memory_space<hbm>>
        tpu.wait_dma2 semaphore(%arg14 : memref<!tpu.dma_semaphore, #tpu.memory_space<semaphore_mem>>) src(%dma_wait3A_176 : memref<2x512xi32, #tpu.memory_space<hbm>>) dst(%dma_wait3A_170 : memref<2x512xi32, #tpu.memory_space<vmem>>)
        %dma_wait3A_177 = arith.constant 1 : i32
        %dma_wait3A_178 = arith.constant 0 : i32
        %dma_wait3A_179 = arith.constant 0 : i32
        %dma_wait3A_180 = tpu.memref_slice %arg8[%dma_wait3A_177, %dma_wait3A_178, %dma_wait3A_179] : memref<2x2x512xi32, #tpu.memory_space<vmem>> -> memref<1x2x512xi32, #tpu.memory_space<vmem>>
        %dma_wait3A_181 = tpu.memref_squeeze %dma_wait3A_180 : memref<1x2x512xi32, #tpu.memory_space<vmem>> -> memref<2x512xi32, #tpu.memory_space<vmem>>
        %dma_wait3A_182 = arith.constant 0 : i32
        %dma_wait3A_183 = arith.constant 0 : i32
        %dma_wait3A_184 = tpu.memref_slice %arg4[%arg1, %dma_wait3A_182, %dma_wait3A_183] : memref<16x100x512xi32, #tpu.memory_space<hbm>> -> memref<1x100x512xi32, #tpu.memory_space<hbm>>
        %dma_wait3A_185 = tpu.memref_squeeze %dma_wait3A_184 : memref<1x100x512xi32, #tpu.memory_space<hbm>> -> memref<100x512xi32, #tpu.memory_space<hbm>>
        %dma_wait3A_186 = arith.constant 0 : i32
        %dma_wait3A_187 = tpu.memref_slice %dma_wait3A_185[%mul3A_93, %dma_wait3A_186] : memref<100x512xi32, #tpu.memory_space<hbm>> -> memref<2x512xi32, #tpu.memory_space<hbm>>
        %dma_wait3A_188 = arith.constant 0 : i32
        %dma_wait3A_189 = arith.constant 0 : i32
        %dma_wait3A_190 = tpu.memref_slice %arg8[%dma_wait3A_177, %dma_wait3A_188, %dma_wait3A_189] : memref<2x2x512xi32, #tpu.memory_space<vmem>> -> memref<1x2x512xi32, #tpu.memory_space<vmem>>
        %dma_wait3A_191 = tpu.memref_squeeze %dma_wait3A_190 : memref<1x2x512xi32, #tpu.memory_space<vmem>> -> memref<2x512xi32, #tpu.memory_space<vmem>>
        %dma_wait3A_192 = arith.constant 0 : i32
        %dma_wait3A_193 = arith.constant 0 : i32
        %dma_wait3A_194 = tpu.memref_slice %arg4[%arg1, %dma_wait3A_192, %dma_wait3A_193] : memref<16x100x512xi32, #tpu.memory_space<hbm>> -> memref<1x100x512xi32, #tpu.memory_space<hbm>>
        %dma_wait3A_195 = tpu.memref_squeeze %dma_wait3A_194 : memref<1x100x512xi32, #tpu.memory_space<hbm>> -> memref<100x512xi32, #tpu.memory_space<hbm>>
        %dma_wait3A_196 = arith.constant 0 : i32
        %dma_wait3A_197 = tpu.memref_slice %dma_wait3A_195[%mul3A_93, %dma_wait3A_196] : memref<100x512xi32, #tpu.memory_space<hbm>> -> memref<2x512xi32, #tpu.memory_space<hbm>>
        tpu.wait_dma2 semaphore(%arg14 : memref<!tpu.dma_semaphore, #tpu.memory_space<semaphore_mem>>) src(%dma_wait3A_197 : memref<2x512xi32, #tpu.memory_space<hbm>>) dst(%dma_wait3A_191 : memref<2x512xi32, #tpu.memory_space<vmem>>)
        %dma_start3A_198 = arith.constant 0 : i32
        %dma_start3A_199 = arith.constant 0 : i32
        %dma_start3A_200 = arith.constant 0 : i32
        %dma_start3A_201 = arith.constant 0 : i32
        %dma_start3A_202 = arith.constant 0 : i32
        %dma_start3A_203 = arith.constant 0 : i32
        %dma_start3A_204 = tpu.memref_slice %arg6[%dma_start3A_200, %dma_start3A_201, %dma_start3A_202, %dma_start3A_203] : memref<2x2x512x16xf32, #tpu.memory_space<vmem>> -> memref<1x1x512x16xf32, #tpu.memory_space<vmem>>
        %dma_start3A_205 = tpu.memref_squeeze %dma_start3A_204 : memref<1x1x512x16xf32, #tpu.memory_space<vmem>> -> memref<512x16xf32, #tpu.memory_space<vmem>>
        %dma_start3A_206 = arith.constant 0 : i32
        %dma_start3A_207 = tpu.memref_slice %arg7[%dma_start3A_198, %dma_start3A_199, %dma_start3A_206] : memref<2x2x512xi32, #tpu.memory_space<vmem>> -> memref<1x1x512xi32, #tpu.memory_space<vmem>>
        %dma_start3A_208 = tpu.memref_squeeze %dma_start3A_207 : memref<1x1x512xi32, #tpu.memory_space<vmem>> -> memref<512xi32, #tpu.memory_space<vmem>>
        %dma_start3A_209 = arith.constant 0 : i32
        %dma_start3A_210 = arith.constant 0 : i32
        %dma_start3A_211 = tpu.memref_slice %arg2[%add3A, %dma_start3A_209, %dma_start3A_210] : memref<8x50000x16xf32, #tpu.memory_space<hbm>> -> memref<1x50000x16xf32, #tpu.memory_space<hbm>>
        %dma_start3A_212 = tpu.memref_squeeze %dma_start3A_211 : memref<1x50000x16xf32, #tpu.memory_space<hbm>> -> memref<50000x16xf32, #tpu.memory_space<hbm>>
        %dma_start3A_213 = arith.constant 0 : i32
        %dma_start3A_214 = arith.constant 0 : i32
        %dma_start3A_215 = tpu.memref_slice %dma_start3A_212[%dma_start3A_213, %dma_start3A_214] : memref<50000x16xf32, #tpu.memory_space<hbm>> -> memref<50000x16xf32, #tpu.memory_space<hbm>>
        tpu.enqueue_indirect_dma source(%dma_start3A_215 : memref<50000x16xf32, #tpu.memory_space<hbm>>) target(%dma_start3A_205 : memref<512x16xf32, #tpu.memory_space<vmem>>) offsets(%dma_start3A_208 : memref<512xi32, #tpu.memory_space<vmem>>) semaphore(%arg10 : memref<!tpu.dma_semaphore, #tpu.memory_space<semaphore_mem>>)
        %dma_start3A_216 = arith.constant 0 : i32
        %dma_start3A_217 = arith.constant 1 : i32
        %dma_start3A_218 = arith.constant 0 : i32
        %dma_start3A_219 = arith.constant 1 : i32
        %dma_start3A_220 = arith.constant 0 : i32
        %dma_start3A_221 = arith.constant 0 : i32
        %dma_start3A_222 = tpu.memref_slice %arg6[%dma_start3A_218, %dma_start3A_219, %dma_start3A_220, %dma_start3A_221] : memref<2x2x512x16xf32, #tpu.memory_space<vmem>> -> memref<1x1x512x16xf32, #tpu.memory_space<vmem>>
        %dma_start3A_223 = tpu.memref_squeeze %dma_start3A_222 : memref<1x1x512x16xf32, #tpu.memory_space<vmem>> -> memref<512x16xf32, #tpu.memory_space<vmem>>
        %dma_start3A_224 = arith.constant 0 : i32
        %dma_start3A_225 = tpu.memref_slice %arg7[%dma_start3A_216, %dma_start3A_217, %dma_start3A_224] : memref<2x2x512xi32, #tpu.memory_space<vmem>> -> memref<1x1x512xi32, #tpu.memory_space<vmem>>
        %dma_start3A_226 = tpu.memref_squeeze %dma_start3A_225 : memref<1x1x512xi32, #tpu.memory_space<vmem>> -> memref<512xi32, #tpu.memory_space<vmem>>
        %dma_start3A_227 = arith.constant 0 : i32
        %dma_start3A_228 = arith.constant 0 : i32
        %dma_start3A_229 = tpu.memref_slice %arg2[%add3A, %dma_start3A_227, %dma_start3A_228] : memref<8x50000x16xf32, #tpu.memory_space<hbm>> -> memref<1x50000x16xf32, #tpu.memory_space<hbm>>
        %dma_start3A_230 = tpu.memref_squeeze %dma_start3A_229 : memref<1x50000x16xf32, #tpu.memory_space<hbm>> -> memref<50000x16xf32, #tpu.memory_space<hbm>>
        %dma_start3A_231 = arith.constant 0 : i32
        %dma_start3A_232 = arith.constant 0 : i32
        %dma_start3A_233 = tpu.memref_slice %dma_start3A_230[%dma_start3A_231, %dma_start3A_232] : memref<50000x16xf32, #tpu.memory_space<hbm>> -> memref<50000x16xf32, #tpu.memory_space<hbm>>
        tpu.enqueue_indirect_dma source(%dma_start3A_233 : memref<50000x16xf32, #tpu.memory_space<hbm>>) target(%dma_start3A_223 : memref<512x16xf32, #tpu.memory_space<vmem>>) offsets(%dma_start3A_226 : memref<512xi32, #tpu.memory_space<vmem>>) semaphore(%arg10 : memref<!tpu.dma_semaphore, #tpu.memory_space<semaphore_mem>>)
        %dma_start3A_234 = arith.constant 1 : i32
        %dma_start3A_235 = arith.constant 0 : i32
        %dma_start3A_236 = arith.constant 1 : i32
        %dma_start3A_237 = arith.constant 0 : i32
        %dma_start3A_238 = arith.constant 0 : i32
        %dma_start3A_239 = arith.constant 0 : i32
        %dma_start3A_240 = tpu.memref_slice %arg6[%dma_start3A_236, %dma_start3A_237, %dma_start3A_238, %dma_start3A_239] : memref<2x2x512x16xf32, #tpu.memory_space<vmem>> -> memref<1x1x512x16xf32, #tpu.memory_space<vmem>>
        %dma_start3A_241 = tpu.memref_squeeze %dma_start3A_240 : memref<1x1x512x16xf32, #tpu.memory_space<vmem>> -> memref<512x16xf32, #tpu.memory_space<vmem>>
        %dma_start3A_242 = arith.constant 0 : i32
        %dma_start3A_243 = tpu.memref_slice %arg7[%dma_start3A_234, %dma_start3A_235, %dma_start3A_242] : memref<2x2x512xi32, #tpu.memory_space<vmem>> -> memref<1x1x512xi32, #tpu.memory_space<vmem>>
        %dma_start3A_244 = tpu.memref_squeeze %dma_start3A_243 : memref<1x1x512xi32, #tpu.memory_space<vmem>> -> memref<512xi32, #tpu.memory_space<vmem>>
        %dma_start3A_245 = arith.constant 0 : i32
        %dma_start3A_246 = arith.constant 0 : i32
        %dma_start3A_247 = tpu.memref_slice %arg2[%add3A, %dma_start3A_245, %dma_start3A_246] : memref<8x50000x16xf32, #tpu.memory_space<hbm>> -> memref<1x50000x16xf32, #tpu.memory_space<hbm>>
        %dma_start3A_248 = tpu.memref_squeeze %dma_start3A_247 : memref<1x50000x16xf32, #tpu.memory_space<hbm>> -> memref<50000x16xf32, #tpu.memory_space<hbm>>
        %dma_start3A_249 = arith.constant 0 : i32
        %dma_start3A_250 = arith.constant 0 : i32
        %dma_start3A_251 = tpu.memref_slice %dma_start3A_248[%dma_start3A_249, %dma_start3A_250] : memref<50000x16xf32, #tpu.memory_space<hbm>> -> memref<50000x16xf32, #tpu.memory_space<hbm>>
        tpu.enqueue_indirect_dma source(%dma_start3A_251 : memref<50000x16xf32, #tpu.memory_space<hbm>>) target(%dma_start3A_241 : memref<512x16xf32, #tpu.memory_space<vmem>>) offsets(%dma_start3A_244 : memref<512xi32, #tpu.memory_space<vmem>>) semaphore(%arg11 : memref<!tpu.dma_semaphore, #tpu.memory_space<semaphore_mem>>)
        %dma_start3A_252 = arith.constant 1 : i32
        %dma_start3A_253 = arith.constant 1 : i32
        %dma_start3A_254 = arith.constant 1 : i32
        %dma_start3A_255 = arith.constant 1 : i32
        %dma_start3A_256 = arith.constant 0 : i32
        %dma_start3A_257 = arith.constant 0 : i32
        %dma_start3A_258 = tpu.memref_slice %arg6[%dma_start3A_254, %dma_start3A_255, %dma_start3A_256, %dma_start3A_257] : memref<2x2x512x16xf32, #tpu.memory_space<vmem>> -> memref<1x1x512x16xf32, #tpu.memory_space<vmem>>
        %dma_start3A_259 = tpu.memref_squeeze %dma_start3A_258 : memref<1x1x512x16xf32, #tpu.memory_space<vmem>> -> memref<512x16xf32, #tpu.memory_space<vmem>>
        %dma_start3A_260 = arith.constant 0 : i32
        %dma_start3A_261 = tpu.memref_slice %arg7[%dma_start3A_252, %dma_start3A_253, %dma_start3A_260] : memref<2x2x512xi32, #tpu.memory_space<vmem>> -> memref<1x1x512xi32, #tpu.memory_space<vmem>>
        %dma_start3A_262 = tpu.memref_squeeze %dma_start3A_261 : memref<1x1x512xi32, #tpu.memory_space<vmem>> -> memref<512xi32, #tpu.memory_space<vmem>>
        %dma_start3A_263 = arith.constant 0 : i32
        %dma_start3A_264 = arith.constant 0 : i32
        %dma_start3A_265 = tpu.memref_slice %arg2[%add3A, %dma_start3A_263, %dma_start3A_264] : memref<8x50000x16xf32, #tpu.memory_space<hbm>> -> memref<1x50000x16xf32, #tpu.memory_space<hbm>>
        %dma_start3A_266 = tpu.memref_squeeze %dma_start3A_265 : memref<1x50000x16xf32, #tpu.memory_space<hbm>> -> memref<50000x16xf32, #tpu.memory_space<hbm>>
        %dma_start3A_267 = arith.constant 0 : i32
        %dma_start3A_268 = arith.constant 0 : i32
        %dma_start3A_269 = tpu.memref_slice %dma_start3A_266[%dma_start3A_267, %dma_start3A_268] : memref<50000x16xf32, #tpu.memory_space<hbm>> -> memref<50000x16xf32, #tpu.memory_space<hbm>>
        tpu.enqueue_indirect_dma source(%dma_start3A_269 : memref<50000x16xf32, #tpu.memory_space<hbm>>) target(%dma_start3A_259 : memref<512x16xf32, #tpu.memory_space<vmem>>) offsets(%dma_start3A_262 : memref<512xi32, #tpu.memory_space<vmem>>) semaphore(%arg11 : memref<!tpu.dma_semaphore, #tpu.memory_space<semaphore_mem>>)
        %dma_wait3A_270 = arith.constant 0 : i32
        %dma_wait3A_271 = arith.constant 0 : i32
        %dma_wait3A_272 = arith.constant 0 : i32
        %dma_wait3A_273 = arith.constant 0 : i32
        %dma_wait3A_274 = arith.constant 0 : i32
        %dma_wait3A_275 = arith.constant 0 : i32
        %dma_wait3A_276 = tpu.memref_slice %arg6[%dma_wait3A_272, %dma_wait3A_273, %dma_wait3A_274, %dma_wait3A_275] : memref<2x2x512x16xf32, #tpu.memory_space<vmem>> -> memref<1x1x512x16xf32, #tpu.memory_space<vmem>>
        %dma_wait3A_277 = tpu.memref_squeeze %dma_wait3A_276 : memref<1x1x512x16xf32, #tpu.memory_space<vmem>> -> memref<512x16xf32, #tpu.memory_space<vmem>>
        %dma_wait3A_278 = arith.constant 0 : i32
        %dma_wait3A_279 = tpu.memref_slice %arg7[%dma_wait3A_270, %dma_wait3A_271, %dma_wait3A_278] : memref<2x2x512xi32, #tpu.memory_space<vmem>> -> memref<1x1x512xi32, #tpu.memory_space<vmem>>
        %dma_wait3A_280 = tpu.memref_squeeze %dma_wait3A_279 : memref<1x1x512xi32, #tpu.memory_space<vmem>> -> memref<512xi32, #tpu.memory_space<vmem>>
        %dma_wait3A_281 = arith.constant 0 : i32
        %dma_wait3A_282 = arith.constant 0 : i32
        %dma_wait3A_283 = tpu.memref_slice %arg2[%add3A, %dma_wait3A_281, %dma_wait3A_282] : memref<8x50000x16xf32, #tpu.memory_space<hbm>> -> memref<1x50000x16xf32, #tpu.memory_space<hbm>>
        %dma_wait3A_284 = tpu.memref_squeeze %dma_wait3A_283 : memref<1x50000x16xf32, #tpu.memory_space<hbm>> -> memref<50000x16xf32, #tpu.memory_space<hbm>>
        %dma_wait3A_285 = arith.constant 0 : i32
        %dma_wait3A_286 = arith.constant 0 : i32
        %dma_wait3A_287 = tpu.memref_slice %dma_wait3A_284[%dma_wait3A_285, %dma_wait3A_286] : memref<50000x16xf32, #tpu.memory_space<hbm>> -> memref<50000x16xf32, #tpu.memory_space<hbm>>
        tpu.wait_indirect_dma semaphore(%arg10 : memref<!tpu.dma_semaphore, #tpu.memory_space<semaphore_mem>>) src(%dma_wait3A_287 : memref<50000x16xf32, #tpu.memory_space<hbm>>) dst(%dma_wait3A_277 : memref<512x16xf32, #tpu.memory_space<vmem>>)
        %dma_wait3A_288 = arith.constant 0 : i32
        %dma_wait3A_289 = arith.constant 1 : i32
        %dma_wait3A_290 = arith.constant 0 : i32
        %dma_wait3A_291 = arith.constant 1 : i32
        %dma_wait3A_292 = arith.constant 0 : i32
        %dma_wait3A_293 = arith.constant 0 : i32
        %dma_wait3A_294 = tpu.memref_slice %arg6[%dma_wait3A_290, %dma_wait3A_291, %dma_wait3A_292, %dma_wait3A_293] : memref<2x2x512x16xf32, #tpu.memory_space<vmem>> -> memref<1x1x512x16xf32, #tpu.memory_space<vmem>>
        %dma_wait3A_295 = tpu.memref_squeeze %dma_wait3A_294 : memref<1x1x512x16xf32, #tpu.memory_space<vmem>> -> memref<512x16xf32, #tpu.memory_space<vmem>>
        %dma_wait3A_296 = arith.constant 0 : i32
        %dma_wait3A_297 = tpu.memref_slice %arg7[%dma_wait3A_288, %dma_wait3A_289, %dma_wait3A_296] : memref<2x2x512xi32, #tpu.memory_space<vmem>> -> memref<1x1x512xi32, #tpu.memory_space<vmem>>
        %dma_wait3A_298 = tpu.memref_squeeze %dma_wait3A_297 : memref<1x1x512xi32, #tpu.memory_space<vmem>> -> memref<512xi32, #tpu.memory_space<vmem>>
        %dma_wait3A_299 = arith.constant 0 : i32
        %dma_wait3A_300 = arith.constant 0 : i32
        %dma_wait3A_301 = tpu.memref_slice %arg2[%add3A, %dma_wait3A_299, %dma_wait3A_300] : memref<8x50000x16xf32, #tpu.memory_space<hbm>> -> memref<1x50000x16xf32, #tpu.memory_space<hbm>>
        %dma_wait3A_302 = tpu.memref_squeeze %dma_wait3A_301 : memref<1x50000x16xf32, #tpu.memory_space<hbm>> -> memref<50000x16xf32, #tpu.memory_space<hbm>>
        %dma_wait3A_303 = arith.constant 0 : i32
        %dma_wait3A_304 = arith.constant 0 : i32
        %dma_wait3A_305 = tpu.memref_slice %dma_wait3A_302[%dma_wait3A_303, %dma_wait3A_304] : memref<50000x16xf32, #tpu.memory_space<hbm>> -> memref<50000x16xf32, #tpu.memory_space<hbm>>
        tpu.wait_indirect_dma semaphore(%arg10 : memref<!tpu.dma_semaphore, #tpu.memory_space<semaphore_mem>>) src(%dma_wait3A_305 : memref<50000x16xf32, #tpu.memory_space<hbm>>) dst(%dma_wait3A_295 : memref<512x16xf32, #tpu.memory_space<vmem>>)
        %dma_start3A_306 = arith.constant 0 : i32
        %dma_start3A_307 = arith.constant 0 : i32
        %dma_start3A_308 = arith.constant 0 : i32
        %dma_start3A_309 = arith.constant 0 : i32
        %dma_start3A_310 = arith.constant 0 : i32
        %dma_start3A_311 = arith.constant 0 : i32
        %dma_start3A_312 = tpu.memref_slice %arg6[%dma_start3A_306, %dma_start3A_307, %dma_start3A_310, %dma_start3A_311] : memref<2x2x512x16xf32, #tpu.memory_space<vmem>> -> memref<1x1x512x16xf32, #tpu.memory_space<vmem>>
        %dma_start3A_313 = tpu.memref_squeeze %dma_start3A_312 : memref<1x1x512x16xf32, #tpu.memory_space<vmem>> -> memref<512x16xf32, #tpu.memory_space<vmem>>
        %dma_start3A_314 = arith.constant 0 : i32
        %dma_start3A_315 = tpu.memref_slice %arg8[%dma_start3A_308, %dma_start3A_309, %dma_start3A_314] : memref<2x2x512xi32, #tpu.memory_space<vmem>> -> memref<1x1x512xi32, #tpu.memory_space<vmem>>
        %dma_start3A_316 = tpu.memref_squeeze %dma_start3A_315 : memref<1x1x512xi32, #tpu.memory_space<vmem>> -> memref<512xi32, #tpu.memory_space<vmem>>
        %dma_start3A_317 = arith.constant 0 : i32
        %dma_start3A_318 = arith.constant 0 : i32
        %dma_start3A_319 = tpu.memref_slice %arg9[%dma_start3A_317, %dma_start3A_318] : memref<50008x16xf32, #tpu.memory_space<vmem_shared>> -> memref<50008x16xf32, #tpu.memory_space<vmem_shared>>
        tpu.enqueue_indirect_dma source(%dma_start3A_313 : memref<512x16xf32, #tpu.memory_space<vmem>>) target(%dma_start3A_319 : memref<50008x16xf32, #tpu.memory_space<vmem_shared>>) offsets(%dma_start3A_316 : memref<512xi32, #tpu.memory_space<vmem>>) semaphore(%arg12 : memref<!tpu.dma_semaphore, #tpu.memory_space<semaphore_mem>>) {add = true}
        %dma_start3A_320 = arith.constant 0 : i32
        %dma_start3A_321 = arith.constant 1 : i32
        %dma_start3A_322 = arith.constant 0 : i32
        %dma_start3A_323 = arith.constant 1 : i32
        %dma_start3A_324 = arith.constant 0 : i32
        %dma_start3A_325 = arith.constant 0 : i32
        %dma_start3A_326 = tpu.memref_slice %arg6[%dma_start3A_320, %dma_start3A_321, %dma_start3A_324, %dma_start3A_325] : memref<2x2x512x16xf32, #tpu.memory_space<vmem>> -> memref<1x1x512x16xf32, #tpu.memory_space<vmem>>
        %dma_start3A_327 = tpu.memref_squeeze %dma_start3A_326 : memref<1x1x512x16xf32, #tpu.memory_space<vmem>> -> memref<512x16xf32, #tpu.memory_space<vmem>>
        %dma_start3A_328 = arith.constant 0 : i32
        %dma_start3A_329 = tpu.memref_slice %arg8[%dma_start3A_322, %dma_start3A_323, %dma_start3A_328] : memref<2x2x512xi32, #tpu.memory_space<vmem>> -> memref<1x1x512xi32, #tpu.memory_space<vmem>>
        %dma_start3A_330 = tpu.memref_squeeze %dma_start3A_329 : memref<1x1x512xi32, #tpu.memory_space<vmem>> -> memref<512xi32, #tpu.memory_space<vmem>>
        %dma_start3A_331 = arith.constant 0 : i32
        %dma_start3A_332 = arith.constant 0 : i32
        %dma_start3A_333 = tpu.memref_slice %arg9[%dma_start3A_331, %dma_start3A_332] : memref<50008x16xf32, #tpu.memory_space<vmem_shared>> -> memref<50008x16xf32, #tpu.memory_space<vmem_shared>>
        tpu.enqueue_indirect_dma source(%dma_start3A_327 : memref<512x16xf32, #tpu.memory_space<vmem>>) target(%dma_start3A_333 : memref<50008x16xf32, #tpu.memory_space<vmem_shared>>) offsets(%dma_start3A_330 : memref<512xi32, #tpu.memory_space<vmem>>) semaphore(%arg12 : memref<!tpu.dma_semaphore, #tpu.memory_space<semaphore_mem>>) {add = true}
        %dma_wait3A_334 = arith.constant 1 : i32
        %dma_wait3A_335 = arith.constant 0 : i32
        %dma_wait3A_336 = arith.constant 1 : i32
        %dma_wait3A_337 = arith.constant 0 : i32
        %dma_wait3A_338 = arith.constant 0 : i32
        %dma_wait3A_339 = arith.constant 0 : i32
        %dma_wait3A_340 = tpu.memref_slice %arg6[%dma_wait3A_336, %dma_wait3A_337, %dma_wait3A_338, %dma_wait3A_339] : memref<2x2x512x16xf32, #tpu.memory_space<vmem>> -> memref<1x1x512x16xf32, #tpu.memory_space<vmem>>
        %dma_wait3A_341 = tpu.memref_squeeze %dma_wait3A_340 : memref<1x1x512x16xf32, #tpu.memory_space<vmem>> -> memref<512x16xf32, #tpu.memory_space<vmem>>
        %dma_wait3A_342 = arith.constant 0 : i32
        %dma_wait3A_343 = tpu.memref_slice %arg7[%dma_wait3A_334, %dma_wait3A_335, %dma_wait3A_342] : memref<2x2x512xi32, #tpu.memory_space<vmem>> -> memref<1x1x512xi32, #tpu.memory_space<vmem>>
        %dma_wait3A_344 = tpu.memref_squeeze %dma_wait3A_343 : memref<1x1x512xi32, #tpu.memory_space<vmem>> -> memref<512xi32, #tpu.memory_space<vmem>>
        %dma_wait3A_345 = arith.constant 0 : i32
        %dma_wait3A_346 = arith.constant 0 : i32
        %dma_wait3A_347 = tpu.memref_slice %arg2[%add3A, %dma_wait3A_345, %dma_wait3A_346] : memref<8x50000x16xf32, #tpu.memory_space<hbm>> -> memref<1x50000x16xf32, #tpu.memory_space<hbm>>
        %dma_wait3A_348 = tpu.memref_squeeze %dma_wait3A_347 : memref<1x50000x16xf32, #tpu.memory_space<hbm>> -> memref<50000x16xf32, #tpu.memory_space<hbm>>
        %dma_wait3A_349 = arith.constant 0 : i32
        %dma_wait3A_350 = arith.constant 0 : i32
        %dma_wait3A_351 = tpu.memref_slice %dma_wait3A_348[%dma_wait3A_349, %dma_wait3A_350] : memref<50000x16xf32, #tpu.memory_space<hbm>> -> memref<50000x16xf32, #tpu.memory_space<hbm>>
        tpu.wait_indirect_dma semaphore(%arg11 : memref<!tpu.dma_semaphore, #tpu.memory_space<semaphore_mem>>) src(%dma_wait3A_351 : memref<50000x16xf32, #tpu.memory_space<hbm>>) dst(%dma_wait3A_341 : memref<512x16xf32, #tpu.memory_space<vmem>>)
        %dma_wait3A_352 = arith.constant 1 : i32
        %dma_wait3A_353 = arith.constant 1 : i32
        %dma_wait3A_354 = arith.constant 1 : i32
        %dma_wait3A_355 = arith.constant 1 : i32
        %dma_wait3A_356 = arith.constant 0 : i32
        %dma_wait3A_357 = arith.constant 0 : i32
        %dma_wait3A_358 = tpu.memref_slice %arg6[%dma_wait3A_354, %dma_wait3A_355, %dma_wait3A_356, %dma_wait3A_357] : memref<2x2x512x16xf32, #tpu.memory_space<vmem>> -> memref<1x1x512x16xf32, #tpu.memory_space<vmem>>
        %dma_wait3A_359 = tpu.memref_squeeze %dma_wait3A_358 : memref<1x1x512x16xf32, #tpu.memory_space<vmem>> -> memref<512x16xf32, #tpu.memory_space<vmem>>
        %dma_wait3A_360 = arith.constant 0 : i32
        %dma_wait3A_361 = tpu.memref_slice %arg7[%dma_wait3A_352, %dma_wait3A_353, %dma_wait3A_360] : memref<2x2x512xi32, #tpu.memory_space<vmem>> -> memref<1x1x512xi32, #tpu.memory_space<vmem>>
        %dma_wait3A_362 = tpu.memref_squeeze %dma_wait3A_361 : memref<1x1x512xi32, #tpu.memory_space<vmem>> -> memref<512xi32, #tpu.memory_space<vmem>>
        %dma_wait3A_363 = arith.constant 0 : i32
        %dma_wait3A_364 = arith.constant 0 : i32
        %dma_wait3A_365 = tpu.memref_slice %arg2[%add3A, %dma_wait3A_363, %dma_wait3A_364] : memref<8x50000x16xf32, #tpu.memory_space<hbm>> -> memref<1x50000x16xf32, #tpu.memory_space<hbm>>
        %dma_wait3A_366 = tpu.memref_squeeze %dma_wait3A_365 : memref<1x50000x16xf32, #tpu.memory_space<hbm>> -> memref<50000x16xf32, #tpu.memory_space<hbm>>
        %dma_wait3A_367 = arith.constant 0 : i32
        %dma_wait3A_368 = arith.constant 0 : i32
        %dma_wait3A_369 = tpu.memref_slice %dma_wait3A_366[%dma_wait3A_367, %dma_wait3A_368] : memref<50000x16xf32, #tpu.memory_space<hbm>> -> memref<50000x16xf32, #tpu.memory_space<hbm>>
        tpu.wait_indirect_dma semaphore(%arg11 : memref<!tpu.dma_semaphore, #tpu.memory_space<semaphore_mem>>) src(%dma_wait3A_369 : memref<50000x16xf32, #tpu.memory_space<hbm>>) dst(%dma_wait3A_359 : memref<512x16xf32, #tpu.memory_space<vmem>>)
        %dma_start3A_370 = arith.constant 1 : i32
        %dma_start3A_371 = arith.constant 0 : i32
        %dma_start3A_372 = arith.constant 1 : i32
        %dma_start3A_373 = arith.constant 0 : i32
        %dma_start3A_374 = arith.constant 0 : i32
        %dma_start3A_375 = arith.constant 0 : i32
        %dma_start3A_376 = tpu.memref_slice %arg6[%dma_start3A_370, %dma_start3A_371, %dma_start3A_374, %dma_start3A_375] : memref<2x2x512x16xf32, #tpu.memory_space<vmem>> -> memref<1x1x512x16xf32, #tpu.memory_space<vmem>>
        %dma_start3A_377 = tpu.memref_squeeze %dma_start3A_376 : memref<1x1x512x16xf32, #tpu.memory_space<vmem>> -> memref<512x16xf32, #tpu.memory_space<vmem>>
        %dma_start3A_378 = arith.constant 0 : i32
        %dma_start3A_379 = tpu.memref_slice %arg8[%dma_start3A_372, %dma_start3A_373, %dma_start3A_378] : memref<2x2x512xi32, #tpu.memory_space<vmem>> -> memref<1x1x512xi32, #tpu.memory_space<vmem>>
        %dma_start3A_380 = tpu.memref_squeeze %dma_start3A_379 : memref<1x1x512xi32, #tpu.memory_space<vmem>> -> memref<512xi32, #tpu.memory_space<vmem>>
        %dma_start3A_381 = arith.constant 0 : i32
        %dma_start3A_382 = arith.constant 0 : i32
        %dma_start3A_383 = tpu.memref_slice %arg9[%dma_start3A_381, %dma_start3A_382] : memref<50008x16xf32, #tpu.memory_space<vmem_shared>> -> memref<50008x16xf32, #tpu.memory_space<vmem_shared>>
        tpu.enqueue_indirect_dma source(%dma_start3A_377 : memref<512x16xf32, #tpu.memory_space<vmem>>) target(%dma_start3A_383 : memref<50008x16xf32, #tpu.memory_space<vmem_shared>>) offsets(%dma_start3A_380 : memref<512xi32, #tpu.memory_space<vmem>>) semaphore(%arg13 : memref<!tpu.dma_semaphore, #tpu.memory_space<semaphore_mem>>) {add = true}
        %dma_start3A_384 = arith.constant 1 : i32
        %dma_start3A_385 = arith.constant 1 : i32
        %dma_start3A_386 = arith.constant 1 : i32
        %dma_start3A_387 = arith.constant 1 : i32
        %dma_start3A_388 = arith.constant 0 : i32
        %dma_start3A_389 = arith.constant 0 : i32
        %dma_start3A_390 = tpu.memref_slice %arg6[%dma_start3A_384, %dma_start3A_385, %dma_start3A_388, %dma_start3A_389] : memref<2x2x512x16xf32, #tpu.memory_space<vmem>> -> memref<1x1x512x16xf32, #tpu.memory_space<vmem>>
        %dma_start3A_391 = tpu.memref_squeeze %dma_start3A_390 : memref<1x1x512x16xf32, #tpu.memory_space<vmem>> -> memref<512x16xf32, #tpu.memory_space<vmem>>
        %dma_start3A_392 = arith.constant 0 : i32
        %dma_start3A_393 = tpu.memref_slice %arg8[%dma_start3A_386, %dma_start3A_387, %dma_start3A_392] : memref<2x2x512xi32, #tpu.memory_space<vmem>> -> memref<1x1x512xi32, #tpu.memory_space<vmem>>
        %dma_start3A_394 = tpu.memref_squeeze %dma_start3A_393 : memref<1x1x512xi32, #tpu.memory_space<vmem>> -> memref<512xi32, #tpu.memory_space<vmem>>
        %dma_start3A_395 = arith.constant 0 : i32
        %dma_start3A_396 = arith.constant 0 : i32
        %dma_start3A_397 = tpu.memref_slice %arg9[%dma_start3A_395, %dma_start3A_396] : memref<50008x16xf32, #tpu.memory_space<vmem_shared>> -> memref<50008x16xf32, #tpu.memory_space<vmem_shared>>
        tpu.enqueue_indirect_dma source(%dma_start3A_391 : memref<512x16xf32, #tpu.memory_space<vmem>>) target(%dma_start3A_397 : memref<50008x16xf32, #tpu.memory_space<vmem_shared>>) offsets(%dma_start3A_394 : memref<512xi32, #tpu.memory_space<vmem>>) semaphore(%arg13 : memref<!tpu.dma_semaphore, #tpu.memory_space<semaphore_mem>>) {add = true}
        %dma_wait3A_398 = arith.constant 0 : i32
        %dma_wait3A_399 = arith.constant 0 : i32
        %dma_wait3A_400 = arith.constant 0 : i32
        %dma_wait3A_401 = arith.constant 0 : i32
        %dma_wait3A_402 = arith.constant 0 : i32
        %dma_wait3A_403 = arith.constant 0 : i32
        %dma_wait3A_404 = tpu.memref_slice %arg6[%dma_wait3A_398, %dma_wait3A_399, %dma_wait3A_402, %dma_wait3A_403] : memref<2x2x512x16xf32, #tpu.memory_space<vmem>> -> memref<1x1x512x16xf32, #tpu.memory_space<vmem>>
        %dma_wait3A_405 = tpu.memref_squeeze %dma_wait3A_404 : memref<1x1x512x16xf32, #tpu.memory_space<vmem>> -> memref<512x16xf32, #tpu.memory_space<vmem>>
        %dma_wait3A_406 = arith.constant 0 : i32
        %dma_wait3A_407 = tpu.memref_slice %arg8[%dma_wait3A_400, %dma_wait3A_401, %dma_wait3A_406] : memref<2x2x512xi32, #tpu.memory_space<vmem>> -> memref<1x1x512xi32, #tpu.memory_space<vmem>>
        %dma_wait3A_408 = tpu.memref_squeeze %dma_wait3A_407 : memref<1x1x512xi32, #tpu.memory_space<vmem>> -> memref<512xi32, #tpu.memory_space<vmem>>
        %dma_wait3A_409 = arith.constant 0 : i32
        %dma_wait3A_410 = arith.constant 0 : i32
        %dma_wait3A_411 = tpu.memref_slice %arg9[%dma_wait3A_409, %dma_wait3A_410] : memref<50008x16xf32, #tpu.memory_space<vmem_shared>> -> memref<50008x16xf32, #tpu.memory_space<vmem_shared>>
        tpu.wait_indirect_dma semaphore(%arg12 : memref<!tpu.dma_semaphore, #tpu.memory_space<semaphore_mem>>) src(%dma_wait3A_405 : memref<512x16xf32, #tpu.memory_space<vmem>>) dst(%dma_wait3A_411 : memref<50008x16xf32, #tpu.memory_space<vmem_shared>>)
        %dma_wait3A_412 = arith.constant 0 : i32
        %dma_wait3A_413 = arith.constant 1 : i32
        %dma_wait3A_414 = arith.constant 0 : i32
        %dma_wait3A_415 = arith.constant 1 : i32
        %dma_wait3A_416 = arith.constant 0 : i32
        %dma_wait3A_417 = arith.constant 0 : i32
        %dma_wait3A_418 = tpu.memref_slice %arg6[%dma_wait3A_412, %dma_wait3A_413, %dma_wait3A_416, %dma_wait3A_417] : memref<2x2x512x16xf32, #tpu.memory_space<vmem>> -> memref<1x1x512x16xf32, #tpu.memory_space<vmem>>
        %dma_wait3A_419 = tpu.memref_squeeze %dma_wait3A_418 : memref<1x1x512x16xf32, #tpu.memory_space<vmem>> -> memref<512x16xf32, #tpu.memory_space<vmem>>
        %dma_wait3A_420 = arith.constant 0 : i32
        %dma_wait3A_421 = tpu.memref_slice %arg8[%dma_wait3A_414, %dma_wait3A_415, %dma_wait3A_420] : memref<2x2x512xi32, #tpu.memory_space<vmem>> -> memref<1x1x512xi32, #tpu.memory_space<vmem>>
        %dma_wait3A_422 = tpu.memref_squeeze %dma_wait3A_421 : memref<1x1x512xi32, #tpu.memory_space<vmem>> -> memref<512xi32, #tpu.memory_space<vmem>>
        %dma_wait3A_423 = arith.constant 0 : i32
        %dma_wait3A_424 = arith.constant 0 : i32
        %dma_wait3A_425 = tpu.memref_slice %arg9[%dma_wait3A_423, %dma_wait3A_424] : memref<50008x16xf32, #tpu.memory_space<vmem_shared>> -> memref<50008x16xf32, #tpu.memory_space<vmem_shared>>
        tpu.wait_indirect_dma semaphore(%arg12 : memref<!tpu.dma_semaphore, #tpu.memory_space<semaphore_mem>>) src(%dma_wait3A_419 : memref<512x16xf32, #tpu.memory_space<vmem>>) dst(%dma_wait3A_425 : memref<50008x16xf32, #tpu.memory_space<vmem_shared>>)
        %dma_wait3A_426 = arith.constant 1 : i32
        %dma_wait3A_427 = arith.constant 0 : i32
        %dma_wait3A_428 = arith.constant 1 : i32
        %dma_wait3A_429 = arith.constant 0 : i32
        %dma_wait3A_430 = arith.constant 0 : i32
        %dma_wait3A_431 = arith.constant 0 : i32
        %dma_wait3A_432 = tpu.memref_slice %arg6[%dma_wait3A_426, %dma_wait3A_427, %dma_wait3A_430, %dma_wait3A_431] : memref<2x2x512x16xf32, #tpu.memory_space<vmem>> -> memref<1x1x512x16xf32, #tpu.memory_space<vmem>>
        %dma_wait3A_433 = tpu.memref_squeeze %dma_wait3A_432 : memref<1x1x512x16xf32, #tpu.memory_space<vmem>> -> memref<512x16xf32, #tpu.memory_space<vmem>>
        %dma_wait3A_434 = arith.constant 0 : i32
        %dma_wait3A_435 = tpu.memref_slice %arg8[%dma_wait3A_428, %dma_wait3A_429, %dma_wait3A_434] : memref<2x2x512xi32, #tpu.memory_space<vmem>> -> memref<1x1x512xi32, #tpu.memory_space<vmem>>
        %dma_wait3A_436 = tpu.memref_squeeze %dma_wait3A_435 : memref<1x1x512xi32, #tpu.memory_space<vmem>> -> memref<512xi32, #tpu.memory_space<vmem>>
        %dma_wait3A_437 = arith.constant 0 : i32
        %dma_wait3A_438 = arith.constant 0 : i32
        %dma_wait3A_439 = tpu.memref_slice %arg9[%dma_wait3A_437, %dma_wait3A_438] : memref<50008x16xf32, #tpu.memory_space<vmem_shared>> -> memref<50008x16xf32, #tpu.memory_space<vmem_shared>>
        tpu.wait_indirect_dma semaphore(%arg13 : memref<!tpu.dma_semaphore, #tpu.memory_space<semaphore_mem>>) src(%dma_wait3A_433 : memref<512x16xf32, #tpu.memory_space<vmem>>) dst(%dma_wait3A_439 : memref<50008x16xf32, #tpu.memory_space<vmem_shared>>)
        %dma_wait3A_440 = arith.constant 1 : i32
        %dma_wait3A_441 = arith.constant 1 : i32
        %dma_wait3A_442 = arith.constant 1 : i32
        %dma_wait3A_443 = arith.constant 1 : i32
        %dma_wait3A_444 = arith.constant 0 : i32
        %dma_wait3A_445 = arith.constant 0 : i32
        %dma_wait3A_446 = tpu.memref_slice %arg6[%dma_wait3A_440, %dma_wait3A_441, %dma_wait3A_444, %dma_wait3A_445] : memref<2x2x512x16xf32, #tpu.memory_space<vmem>> -> memref<1x1x512x16xf32, #tpu.memory_space<vmem>>
        %dma_wait3A_447 = tpu.memref_squeeze %dma_wait3A_446 : memref<1x1x512x16xf32, #tpu.memory_space<vmem>> -> memref<512x16xf32, #tpu.memory_space<vmem>>
        %dma_wait3A_448 = arith.constant 0 : i32
        %dma_wait3A_449 = tpu.memref_slice %arg8[%dma_wait3A_442, %dma_wait3A_443, %dma_wait3A_448] : memref<2x2x512xi32, #tpu.memory_space<vmem>> -> memref<1x1x512xi32, #tpu.memory_space<vmem>>
        %dma_wait3A_450 = tpu.memref_squeeze %dma_wait3A_449 : memref<1x1x512xi32, #tpu.memory_space<vmem>> -> memref<512xi32, #tpu.memory_space<vmem>>
        %dma_wait3A_451 = arith.constant 0 : i32
        %dma_wait3A_452 = arith.constant 0 : i32
        %dma_wait3A_453 = tpu.memref_slice %arg9[%dma_wait3A_451, %dma_wait3A_452] : memref<50008x16xf32, #tpu.memory_space<vmem_shared>> -> memref<50008x16xf32, #tpu.memory_space<vmem_shared>>
        tpu.wait_indirect_dma semaphore(%arg13 : memref<!tpu.dma_semaphore, #tpu.memory_space<semaphore_mem>>) src(%dma_wait3A_447 : memref<512x16xf32, #tpu.memory_space<vmem>>) dst(%dma_wait3A_453 : memref<50008x16xf32, #tpu.memory_space<vmem_shared>>)
      }
      %scan3A_14 = arith.constant 25 : i32
      %barrier3A_15 = arith.constant 0 : index
      tpu.barrier barrier_id(%barrier3A_15)
      "tpu.region"() ({
        %run_scoped3A = tpu.sem_alloc : memref<!tpu.dma_semaphore, #tpu.memory_space<semaphore_mem>>
        %dma_start3A = arith.constant 0 : i32
        %dma_start3A_17 = arith.constant 0 : i32
        %dma_start3A_18 = tpu.memref_slice %arg5[%add3A, %dma_start3A, %dma_start3A_17] : memref<8x50000x16xf32, #tpu.memory_space<hbm>> -> memref<1x50000x16xf32, #tpu.memory_space<hbm>>
        %dma_start3A_19 = tpu.memref_squeeze %dma_start3A_18 : memref<1x50000x16xf32, #tpu.memory_space<hbm>> -> memref<50000x16xf32, #tpu.memory_space<hbm>>
        %dma_start3A_20 = arith.constant 0 : i32
        %dma_start3A_21 = tpu.memref_slice %dma_start3A_19[%mul3A_0, %dma_start3A_20] : memref<50000x16xf32, #tpu.memory_space<hbm>> -> memref<3125x16xf32, #tpu.memory_space<hbm>>
        %dma_start3A_22 = arith.constant 0 : i32
        %dma_start3A_23 = tpu.memref_slice %arg9[%mul3A_0, %dma_start3A_22] : memref<50008x16xf32, #tpu.memory_space<vmem_shared>> -> memref<3125x16xf32, #tpu.memory_space<vmem_shared>>
        tpu.enqueue_dma source(%dma_start3A_23 : memref<3125x16xf32, #tpu.memory_space<vmem_shared>>) target(%dma_start3A_21 : memref<3125x16xf32, #tpu.memory_space<hbm>>) target_semaphore(%run_scoped3A : memref<!tpu.dma_semaphore, #tpu.memory_space<semaphore_mem>>)
        %dma_wait3A = arith.constant 0 : i32
        %dma_wait3A_24 = arith.constant 0 : i32
        %dma_wait3A_25 = tpu.memref_slice %arg5[%add3A, %dma_wait3A, %dma_wait3A_24] : memref<8x50000x16xf32, #tpu.memory_space<hbm>> -> memref<1x50000x16xf32, #tpu.memory_space<hbm>>
        %dma_wait3A_26 = tpu.memref_squeeze %dma_wait3A_25 : memref<1x50000x16xf32, #tpu.memory_space<hbm>> -> memref<50000x16xf32, #tpu.memory_space<hbm>>
        %dma_wait3A_27 = arith.constant 0 : i32
        %dma_wait3A_28 = tpu.memref_slice %dma_wait3A_26[%mul3A_0, %dma_wait3A_27] : memref<50000x16xf32, #tpu.memory_space<hbm>> -> memref<3125x16xf32, #tpu.memory_space<hbm>>
        %dma_wait3A_29 = arith.constant 0 : i32
        %dma_wait3A_30 = tpu.memref_slice %arg9[%mul3A_0, %dma_wait3A_29] : memref<50008x16xf32, #tpu.memory_space<vmem_shared>> -> memref<3125x16xf32, #tpu.memory_space<vmem_shared>>
        tpu.wait_dma2 semaphore(%run_scoped3A : memref<!tpu.dma_semaphore, #tpu.memory_space<semaphore_mem>>) src(%dma_wait3A_30 : memref<3125x16xf32, #tpu.memory_space<vmem_shared>>) dst(%dma_wait3A_28 : memref<3125x16xf32, #tpu.memory_space<hbm>>)
        tpu.yield
      }) : () -> ()
      %barrier3A_16 = arith.constant 0 : index
      tpu.barrier barrier_id(%barrier3A_16)
    }
    %scan3A_5 = arith.constant 4 : i32
    return
  }
}

module attributes {stable_mosaic.version = 14 : i64} {
  func.func @body(%arg0: i32, %arg1: memref<1000x16xf32, #tpu.memory_space<vmem>>, %arg2: memref<1000x16xf32, #tpu.memory_space<vmem>>, %arg3: memref<16x128xf32, #tpu.memory_space<vmem>>, %arg4: memref<1x128xf32, #tpu.memory_space<vmem>>, %arg5: memref<8x128xf32, #tpu.memory_space<vmem>>) attributes {dimension_semantics = [#tpu.dimension_semantics<arbitrary>], iteration_bounds = array<i64: 50>, scalar_prefetch = 0 : i64, scratch_operands = 0 : i64, tpu.core_type = #tpu.core_type<tc>, window_params = [{transform_indices = @transform_0, window_bounds = array<i64: 1000, 16>}, {transform_indices = @transform_1, window_bounds = array<i64: 1000, 16>}, {pipeline_mode = #tpu.pipeline_mode<synchronous>, transform_indices = @transform_2, window_bounds = array<i64: 16, 128>}, {pipeline_mode = #tpu.pipeline_mode<synchronous>, transform_indices = @transform_3, window_bounds = array<i64: 1, 128>}, {pipeline_mode = #tpu.pipeline_mode<synchronous>, transform_indices = @transform_4, window_bounds = array<i64: 8, 128>}]} {
    %get3A = arith.constant 0 : index
    %get3A_0 = arith.constant 0 : index
    %get3A_1 = vector.load %arg1[%get3A, %get3A_0] : memref<1000x16xf32, #tpu.memory_space<vmem>>, vector<1000x16xf32>
    %get3A_2 = arith.constant 0 : index
    %get3A_3 = arith.constant 0 : index
    %get3A_4 = vector.load %arg2[%get3A_2, %get3A_3] : memref<1000x16xf32, #tpu.memory_space<vmem>>, vector<1000x16xf32>
    %add3A = arith.addf %get3A_1, %get3A_4 : vector<1000x16xf32>
    %get3A_5 = arith.constant 0 : index
    %get3A_6 = arith.constant 0 : index
    %get3A_7 = vector.load %arg3[%get3A_5, %get3A_6] : memref<16x128xf32, #tpu.memory_space<vmem>>, vector<16x128xf32>
    %dot_general3A = arith.constant dense<0.000000e+00> : vector<1000x128xf32>
    %dot_general3A_8 = tpu.matmul %add3A, %get3A_7, %dot_general3A {dimension_numbers = #tpu.dot_dimension_numbers<[1], [0], [0], [1], [0, 0, 1, 1], [], []>, transpose_lhs_hint = false} : vector<1000x16xf32>, vector<16x128xf32>, vector<1000x128xf32> -> vector<1000x128xf32>
    %get3A_9 = arith.constant 0 : index
    %get3A_10 = arith.constant 0 : index
    %get3A_11 = vector.load %arg4[%get3A_9, %get3A_10] : memref<1x128xf32, #tpu.memory_space<vmem>>, vector<1x128xf32>
    %add3A_12 = vector.broadcast %get3A_11 : vector<1x128xf32> to vector<1000x128xf32>
    %add3A_13 = arith.addf %dot_general3A_8, %add3A_12 : vector<1000x128xf32>
    %reduce_sum3A = arith.constant dense<0.000000e+00> : vector<128xf32>
    %reduce_sum3A_14 = vector.multi_reduction <add>, %add3A_13, %reduce_sum3A [0] : vector<1000x128xf32> to vector<128xf32>
    %broadcast_in_dim3A = vector.shape_cast %reduce_sum3A_14 : vector<128xf32> to vector<1x128xf32>
    %mul3A = arith.mulf %add3A_13, %add3A_13 : vector<1000x128xf32>
    %reduce_sum3A_15 = arith.constant dense<0.000000e+00> : vector<128xf32>
    %reduce_sum3A_16 = vector.multi_reduction <add>, %mul3A, %reduce_sum3A_15 [0] : vector<1000x128xf32> to vector<128xf32>
    %broadcast_in_dim3A_17 = vector.shape_cast %reduce_sum3A_16 : vector<128xf32> to vector<1x128xf32>
    %eq3A = arith.constant 0 : i32
    %eq3A_18 = arith.cmpi eq, %arg0, %eq3A : i32
    %convert_element_type3A = arith.extui %eq3A_18 : i1 to i32
    %cond3A = arith.constant 0 : i32
    %cond3A_19 = arith.cmpi ne, %convert_element_type3A, %cond3A : i32
    scf.if %cond3A_19 {
      %broadcast_in_dim3A_28 = arith.constant 0.000000e+00 : f32
      %broadcast_in_dim3A_29 = vector.broadcast %broadcast_in_dim3A_28 : f32 to vector<8x128xf32>
      %swap3A_30 = arith.constant 0 : index
      %swap3A_31 = arith.constant 0 : index
      %swap3A_32 = vector.load %arg5[%swap3A_30, %swap3A_31] : memref<8x128xf32, #tpu.memory_space<vmem>>, vector<8x128xf32>
      tpu.vector_store %arg5[%swap3A_30, %swap3A_31], %broadcast_in_dim3A_29 {strides = array<i32>} : memref<8x128xf32, #tpu.memory_space<vmem>>, vector<8x128xf32>,
    } else {
    }
    %get3A_20 = arith.constant 0 : index
    %get3A_21 = arith.constant 0 : index
    %get3A_22 = vector.load %arg5[%get3A_20, %get3A_21] : memref<8x128xf32, #tpu.memory_space<vmem>>, vector<8x128xf32>
    %broadcast_in_dim3A_23 = arith.constant 0.000000e+00 : f32
    %broadcast_in_dim3A_24 = vector.broadcast %broadcast_in_dim3A_23 : f32 to vector<6x128xf32>
    %concatenate3A = tpu.concatenate %broadcast_in_dim3A, %broadcast_in_dim3A_17, %broadcast_in_dim3A_24 in 0 : vector<1x128xf32>, vector<1x128xf32>, vector<6x128xf32> -> vector<8x128xf32>
    %add3A_25 = arith.addf %get3A_22, %concatenate3A : vector<8x128xf32>
    %swap3A = arith.constant 0 : index
    %swap3A_26 = arith.constant 0 : index
    %swap3A_27 = vector.load %arg5[%swap3A, %swap3A_26] : memref<8x128xf32, #tpu.memory_space<vmem>>, vector<8x128xf32>
    tpu.vector_store %arg5[%swap3A, %swap3A_26], %add3A_25 {strides = array<i32>} : memref<8x128xf32, #tpu.memory_space<vmem>>, vector<8x128xf32>,
    return
  }
  func.func @transform_0(%arg0: i32) -> (i32, i32) {
    %c0_i32 = arith.constant 0 : i32
    %c0_i32_0 = arith.constant 0 : i32
    return %arg0, %c0_i32 : i32, i32
  }
  func.func @transform_1(%arg0: i32) -> (i32, i32) {
    %c0_i32 = arith.constant 0 : i32
    %c0_i32_0 = arith.constant 0 : i32
    return %arg0, %c0_i32 : i32, i32
  }
  func.func @transform_2(%arg0: i32) -> (i32, i32) {
    %c0_i32 = arith.constant 0 : i32
    %c0_i32_0 = arith.constant 0 : i32
    %c0_i32_1 = arith.constant 0 : i32
    return %c0_i32, %c0_i32_0 : i32, i32
  }
  func.func @transform_3(%arg0: i32) -> (i32, i32) {
    %c0_i32 = arith.constant 0 : i32
    %c0_i32_0 = arith.constant 0 : i32
    %c0_i32_1 = arith.constant 0 : i32
    return %c0_i32, %c0_i32_0 : i32, i32
  }
  func.func @transform_4(%arg0: i32) -> (i32, i32) {
    %c0_i32 = arith.constant 0 : i32
    %c0_i32_0 = arith.constant 0 : i32
    %c0_i32_1 = arith.constant 0 : i32
    return %c0_i32, %c0_i32_0 : i32, i32
  }
}

module attributes {stable_mosaic.version = 14 : i64} {
  func.func @body(%arg0: i32, %arg1: memref<1000x16xf32, #tpu.memory_space<vmem>>, %arg2: memref<1000x16xf32, #tpu.memory_space<vmem>>, %arg3: memref<8x128xf32, #tpu.memory_space<vmem>>, %arg4: memref<16x128xf32, #tpu.memory_space<vmem>>, %arg5: memref<1x128xf32, #tpu.memory_space<vmem>>, %arg6: memref<1x128xf32, #tpu.memory_space<vmem>>, %arg7: memref<1x128xf32, #tpu.memory_space<vmem>>, %arg8: memref<128x128xf32, #tpu.memory_space<vmem>>, %arg9: memref<1x128xf32, #tpu.memory_space<vmem>>, %arg10: memref<8x1000x16xf32, #tpu.memory_space<vmem>>) attributes {dimension_semantics = [#tpu.dimension_semantics<arbitrary>], iteration_bounds = array<i64: 50>, scalar_prefetch = 0 : i64, scratch_operands = 0 : i64, tpu.core_type = #tpu.core_type<tc>, window_params = [{transform_indices = @transform_0, window_bounds = array<i64: 1000, 16>}, {transform_indices = @transform_1, window_bounds = array<i64: 1000, 16>}, {pipeline_mode = #tpu.pipeline_mode<synchronous>, transform_indices = @transform_2, window_bounds = array<i64: 8, 128>}, {pipeline_mode = #tpu.pipeline_mode<synchronous>, transform_indices = @transform_3, window_bounds = array<i64: 16, 128>}, {pipeline_mode = #tpu.pipeline_mode<synchronous>, transform_indices = @transform_4, window_bounds = array<i64: 1, 128>}, {pipeline_mode = #tpu.pipeline_mode<synchronous>, transform_indices = @transform_5, window_bounds = array<i64: 1, 128>}, {pipeline_mode = #tpu.pipeline_mode<synchronous>, transform_indices = @transform_6, window_bounds = array<i64: 1, 128>}, {pipeline_mode = #tpu.pipeline_mode<synchronous>, transform_indices = @transform_7, window_bounds = array<i64: 128, 128>}, {pipeline_mode = #tpu.pipeline_mode<synchronous>, transform_indices = @transform_8, window_bounds = array<i64: 1, 128>}, {transform_indices = @transform_9, window_bounds = array<i64: 8, 1000, 16>}]} {
    %get3A = arith.constant 0 : index
    %get3A_0 = arith.constant 0 : index
    %get3A_1 = vector.load %arg1[%get3A, %get3A_0] : memref<1000x16xf32, #tpu.memory_space<vmem>>, vector<1000x16xf32>
    %get3A_2 = arith.constant 0 : index
    %get3A_3 = arith.constant 0 : index
    %get3A_4 = vector.load %arg2[%get3A_2, %get3A_3] : memref<1000x16xf32, #tpu.memory_space<vmem>>, vector<1000x16xf32>
    %add3A = arith.addf %get3A_1, %get3A_4 : vector<1000x16xf32>
    %get3A_5 = arith.constant 0 : index
    %get3A_6 = arith.constant 0 : index
    %get3A_7 = vector.load %arg3[%get3A_5, %get3A_6] : memref<8x128xf32, #tpu.memory_space<vmem>>, vector<8x128xf32>
    %slice3A = vector.extract_strided_slice %get3A_7 {offsets = [0, 0], sizes = [1, 128], strides = [1, 1]} : vector<8x128xf32> to vector<1x128xf32>
    %mul3A = arith.constant 2.000000e-05 : f32
    %mul3A_8 = vector.broadcast %mul3A : f32 to vector<1x128xf32>
    %mul3A_9 = arith.mulf %slice3A, %mul3A_8 : vector<1x128xf32>
    %slice3A_10 = vector.extract_strided_slice %get3A_7 {offsets = [1, 0], sizes = [1, 128], strides = [1, 1]} : vector<8x128xf32> to vector<1x128xf32>
    %mul3A_11 = arith.constant 2.000000e-05 : f32
    %mul3A_12 = vector.broadcast %mul3A_11 : f32 to vector<1x128xf32>
    %mul3A_13 = arith.mulf %slice3A_10, %mul3A_12 : vector<1x128xf32>
    %mul3A_14 = arith.mulf %mul3A_9, %mul3A_9 : vector<1x128xf32>
    %sub3A = arith.subf %mul3A_13, %mul3A_14 : vector<1x128xf32>
    %get3A_15 = arith.constant 0 : index
    %get3A_16 = arith.constant 0 : index
    %get3A_17 = vector.load %arg6[%get3A_15, %get3A_16] : memref<1x128xf32, #tpu.memory_space<vmem>>, vector<1x128xf32>
    %add3A_18 = arith.constant 9.99999974E-6 : f32
    %add3A_19 = vector.broadcast %add3A_18 : f32 to vector<1x128xf32>
    %add3A_20 = arith.addf %sub3A, %add3A_19 : vector<1x128xf32>
    %rsqrt3A = math.rsqrt %add3A_20 : vector<1x128xf32>
    %mul3A_21 = arith.mulf %get3A_17, %rsqrt3A : vector<1x128xf32>
    %get3A_22 = arith.constant 0 : index
    %get3A_23 = arith.constant 0 : index
    %get3A_24 = vector.load %arg7[%get3A_22, %get3A_23] : memref<1x128xf32, #tpu.memory_space<vmem>>, vector<1x128xf32>
    %mul3A_25 = arith.mulf %mul3A_9, %mul3A_21 : vector<1x128xf32>
    %sub3A_26 = arith.subf %get3A_24, %mul3A_25 : vector<1x128xf32>
    %get3A_27 = arith.constant 0 : index
    %get3A_28 = arith.constant 0 : index
    %get3A_29 = vector.load %arg4[%get3A_27, %get3A_28] : memref<16x128xf32, #tpu.memory_space<vmem>>, vector<16x128xf32>
    %dot_general3A = arith.constant dense<0.000000e+00> : vector<1000x128xf32>
    %dot_general3A_30 = tpu.matmul %add3A, %get3A_29, %dot_general3A {dimension_numbers = #tpu.dot_dimension_numbers<[1], [0], [0], [1], [0, 0, 1, 1], [], []>, transpose_lhs_hint = false} : vector<1000x16xf32>, vector<16x128xf32>, vector<1000x128xf32> -> vector<1000x128xf32>
    %get3A_31 = arith.constant 0 : index
    %get3A_32 = arith.constant 0 : index
    %get3A_33 = vector.load %arg5[%get3A_31, %get3A_32] : memref<1x128xf32, #tpu.memory_space<vmem>>, vector<1x128xf32>
    %add3A_34 = vector.broadcast %get3A_33 : vector<1x128xf32> to vector<1000x128xf32>
    %add3A_35 = arith.addf %dot_general3A_30, %add3A_34 : vector<1000x128xf32>
    %mul3A_36 = vector.broadcast %mul3A_21 : vector<1x128xf32> to vector<1000x128xf32>
    %mul3A_37 = arith.mulf %add3A_35, %mul3A_36 : vector<1000x128xf32>
    %add3A_38 = vector.broadcast %sub3A_26 : vector<1x128xf32> to vector<1000x128xf32>
    %add3A_39 = arith.addf %mul3A_37, %add3A_38 : vector<1000x128xf32>
    %max3A = arith.constant 0.000000e+00 : f32
    %max3A_40 = vector.broadcast %max3A : f32 to vector<1000x128xf32>
    %max3A_41 = arith.maximumf %add3A_39, %max3A_40 : vector<1000x128xf32>
    %get3A_42 = arith.constant 0 : index
    %get3A_43 = arith.constant 0 : index
    %get3A_44 = vector.load %arg8[%get3A_42, %get3A_43] : memref<128x128xf32, #tpu.memory_space<vmem>>, vector<128x128xf32>
    %dot_general3A_45 = arith.constant dense<0.000000e+00> : vector<1000x128xf32>
    %dot_general3A_46 = tpu.matmul %max3A_41, %get3A_44, %dot_general3A_45 {dimension_numbers = #tpu.dot_dimension_numbers<[1], [0], [0], [1], [0, 0, 1, 1], [], []>, transpose_lhs_hint = false} : vector<1000x128xf32>, vector<128x128xf32>, vector<1000x128xf32> -> vector<1000x128xf32>
    %get3A_47 = arith.constant 0 : index
    %get3A_48 = arith.constant 0 : index
    %get3A_49 = vector.load %arg9[%get3A_47, %get3A_48] : memref<1x128xf32, #tpu.memory_space<vmem>>, vector<1x128xf32>
    %add3A_50 = vector.broadcast %get3A_49 : vector<1x128xf32> to vector<1000x128xf32>
    %add3A_51 = arith.addf %dot_general3A_46, %add3A_50 : vector<1000x128xf32>
    %max3A_52 = arith.constant 0.000000e+00 : f32
    %max3A_53 = vector.broadcast %max3A_52 : f32 to vector<1000x128xf32>
    %max3A_54 = arith.maximumf %add3A_51, %max3A_53 : vector<1000x128xf32>
    %slice3A_55 = vector.extract_strided_slice %max3A_54 {offsets = [0, 0], sizes = [1000, 16], strides = [1, 1]} : vector<1000x128xf32> to vector<1000x16xf32>
    %swap3A = arith.constant 0 : index
    %swap3A_56 = arith.constant 0 : index
    %swap3A_57 = arith.constant 0 : index
    %swap3A_58 = vector.load %arg10[%swap3A, %swap3A_56, %swap3A_57] : memref<8x1000x16xf32, #tpu.memory_space<vmem>>, vector<1x1000x16xf32>
    %swap3A_59 = vector.shape_cast %swap3A_58 : vector<1x1000x16xf32> to vector<1000x16xf32>
    %swap3A_60 = vector.shape_cast %slice3A_55 : vector<1000x16xf32> to vector<1x1000x16xf32>
    tpu.vector_store %arg10[%swap3A, %swap3A_56, %swap3A_57], %swap3A_60 {strides = array<i32>} : memref<8x1000x16xf32, #tpu.memory_space<vmem>>, vector<1x1000x16xf32>,
    %slice3A_61 = vector.extract_strided_slice %max3A_54 {offsets = [0, 16], sizes = [1000, 16], strides = [1, 1]} : vector<1000x128xf32> to vector<1000x16xf32>
    %swap3A_62 = arith.constant 1 : index
    %swap3A_63 = arith.constant 0 : index
    %swap3A_64 = arith.constant 0 : index
    %swap3A_65 = vector.load %arg10[%swap3A_62, %swap3A_63, %swap3A_64] : memref<8x1000x16xf32, #tpu.memory_space<vmem>>, vector<1x1000x16xf32>
    %swap3A_66 = vector.shape_cast %swap3A_65 : vector<1x1000x16xf32> to vector<1000x16xf32>
    %swap3A_67 = vector.shape_cast %slice3A_61 : vector<1000x16xf32> to vector<1x1000x16xf32>
    tpu.vector_store %arg10[%swap3A_62, %swap3A_63, %swap3A_64], %swap3A_67 {strides = array<i32>} : memref<8x1000x16xf32, #tpu.memory_space<vmem>>, vector<1x1000x16xf32>,
    %slice3A_68 = vector.extract_strided_slice %max3A_54 {offsets = [0, 32], sizes = [1000, 16], strides = [1, 1]} : vector<1000x128xf32> to vector<1000x16xf32>
    %swap3A_69 = arith.constant 2 : index
    %swap3A_70 = arith.constant 0 : index
    %swap3A_71 = arith.constant 0 : index
    %swap3A_72 = vector.load %arg10[%swap3A_69, %swap3A_70, %swap3A_71] : memref<8x1000x16xf32, #tpu.memory_space<vmem>>, vector<1x1000x16xf32>
    %swap3A_73 = vector.shape_cast %swap3A_72 : vector<1x1000x16xf32> to vector<1000x16xf32>
    %swap3A_74 = vector.shape_cast %slice3A_68 : vector<1000x16xf32> to vector<1x1000x16xf32>
    tpu.vector_store %arg10[%swap3A_69, %swap3A_70, %swap3A_71], %swap3A_74 {strides = array<i32>} : memref<8x1000x16xf32, #tpu.memory_space<vmem>>, vector<1x1000x16xf32>,
    %slice3A_75 = vector.extract_strided_slice %max3A_54 {offsets = [0, 48], sizes = [1000, 16], strides = [1, 1]} : vector<1000x128xf32> to vector<1000x16xf32>
    %swap3A_76 = arith.constant 3 : index
    %swap3A_77 = arith.constant 0 : index
    %swap3A_78 = arith.constant 0 : index
    %swap3A_79 = vector.load %arg10[%swap3A_76, %swap3A_77, %swap3A_78] : memref<8x1000x16xf32, #tpu.memory_space<vmem>>, vector<1x1000x16xf32>
    %swap3A_80 = vector.shape_cast %swap3A_79 : vector<1x1000x16xf32> to vector<1000x16xf32>
    %swap3A_81 = vector.shape_cast %slice3A_75 : vector<1000x16xf32> to vector<1x1000x16xf32>
    tpu.vector_store %arg10[%swap3A_76, %swap3A_77, %swap3A_78], %swap3A_81 {strides = array<i32>} : memref<8x1000x16xf32, #tpu.memory_space<vmem>>, vector<1x1000x16xf32>,
    %slice3A_82 = vector.extract_strided_slice %max3A_54 {offsets = [0, 64], sizes = [1000, 16], strides = [1, 1]} : vector<1000x128xf32> to vector<1000x16xf32>
    %swap3A_83 = arith.constant 4 : index
    %swap3A_84 = arith.constant 0 : index
    %swap3A_85 = arith.constant 0 : index
    %swap3A_86 = vector.load %arg10[%swap3A_83, %swap3A_84, %swap3A_85] : memref<8x1000x16xf32, #tpu.memory_space<vmem>>, vector<1x1000x16xf32>
    %swap3A_87 = vector.shape_cast %swap3A_86 : vector<1x1000x16xf32> to vector<1000x16xf32>
    %swap3A_88 = vector.shape_cast %slice3A_82 : vector<1000x16xf32> to vector<1x1000x16xf32>
    tpu.vector_store %arg10[%swap3A_83, %swap3A_84, %swap3A_85], %swap3A_88 {strides = array<i32>} : memref<8x1000x16xf32, #tpu.memory_space<vmem>>, vector<1x1000x16xf32>,
    %slice3A_89 = vector.extract_strided_slice %max3A_54 {offsets = [0, 80], sizes = [1000, 16], strides = [1, 1]} : vector<1000x128xf32> to vector<1000x16xf32>
    %swap3A_90 = arith.constant 5 : index
    %swap3A_91 = arith.constant 0 : index
    %swap3A_92 = arith.constant 0 : index
    %swap3A_93 = vector.load %arg10[%swap3A_90, %swap3A_91, %swap3A_92] : memref<8x1000x16xf32, #tpu.memory_space<vmem>>, vector<1x1000x16xf32>
    %swap3A_94 = vector.shape_cast %swap3A_93 : vector<1x1000x16xf32> to vector<1000x16xf32>
    %swap3A_95 = vector.shape_cast %slice3A_89 : vector<1000x16xf32> to vector<1x1000x16xf32>
    tpu.vector_store %arg10[%swap3A_90, %swap3A_91, %swap3A_92], %swap3A_95 {strides = array<i32>} : memref<8x1000x16xf32, #tpu.memory_space<vmem>>, vector<1x1000x16xf32>,
    %slice3A_96 = vector.extract_strided_slice %max3A_54 {offsets = [0, 96], sizes = [1000, 16], strides = [1, 1]} : vector<1000x128xf32> to vector<1000x16xf32>
    %swap3A_97 = arith.constant 6 : index
    %swap3A_98 = arith.constant 0 : index
    %swap3A_99 = arith.constant 0 : index
    %swap3A_100 = vector.load %arg10[%swap3A_97, %swap3A_98, %swap3A_99] : memref<8x1000x16xf32, #tpu.memory_space<vmem>>, vector<1x1000x16xf32>
    %swap3A_101 = vector.shape_cast %swap3A_100 : vector<1x1000x16xf32> to vector<1000x16xf32>
    %swap3A_102 = vector.shape_cast %slice3A_96 : vector<1000x16xf32> to vector<1x1000x16xf32>
    tpu.vector_store %arg10[%swap3A_97, %swap3A_98, %swap3A_99], %swap3A_102 {strides = array<i32>} : memref<8x1000x16xf32, #tpu.memory_space<vmem>>, vector<1x1000x16xf32>,
    %slice3A_103 = vector.extract_strided_slice %max3A_54 {offsets = [0, 112], sizes = [1000, 16], strides = [1, 1]} : vector<1000x128xf32> to vector<1000x16xf32>
    %swap3A_104 = arith.constant 7 : index
    %swap3A_105 = arith.constant 0 : index
    %swap3A_106 = arith.constant 0 : index
    %swap3A_107 = vector.load %arg10[%swap3A_104, %swap3A_105, %swap3A_106] : memref<8x1000x16xf32, #tpu.memory_space<vmem>>, vector<1x1000x16xf32>
    %swap3A_108 = vector.shape_cast %swap3A_107 : vector<1x1000x16xf32> to vector<1000x16xf32>
    %swap3A_109 = vector.shape_cast %slice3A_103 : vector<1000x16xf32> to vector<1x1000x16xf32>
    tpu.vector_store %arg10[%swap3A_104, %swap3A_105, %swap3A_106], %swap3A_109 {strides = array<i32>} : memref<8x1000x16xf32, #tpu.memory_space<vmem>>, vector<1x1000x16xf32>,
    return
  }
  func.func @transform_0(%arg0: i32) -> (i32, i32) {
    %c0_i32 = arith.constant 0 : i32
    %c0_i32_0 = arith.constant 0 : i32
    return %arg0, %c0_i32 : i32, i32
  }
  func.func @transform_1(%arg0: i32) -> (i32, i32) {
    %c0_i32 = arith.constant 0 : i32
    %c0_i32_0 = arith.constant 0 : i32
    return %arg0, %c0_i32 : i32, i32
  }
  func.func @transform_2(%arg0: i32) -> (i32, i32) {
    %c0_i32 = arith.constant 0 : i32
    %c0_i32_0 = arith.constant 0 : i32
    %c0_i32_1 = arith.constant 0 : i32
    return %c0_i32, %c0_i32_0 : i32, i32
  }
  func.func @transform_3(%arg0: i32) -> (i32, i32) {
    %c0_i32 = arith.constant 0 : i32
    %c0_i32_0 = arith.constant 0 : i32
    %c0_i32_1 = arith.constant 0 : i32
    return %c0_i32, %c0_i32_0 : i32, i32
  }
  func.func @transform_4(%arg0: i32) -> (i32, i32) {
    %c0_i32 = arith.constant 0 : i32
    %c0_i32_0 = arith.constant 0 : i32
    %c0_i32_1 = arith.constant 0 : i32
    return %c0_i32, %c0_i32_0 : i32, i32
  }
  func.func @transform_5(%arg0: i32) -> (i32, i32) {
    %c0_i32 = arith.constant 0 : i32
    %c0_i32_0 = arith.constant 0 : i32
    %c0_i32_1 = arith.constant 0 : i32
    return %c0_i32, %c0_i32_0 : i32, i32
  }
  func.func @transform_6(%arg0: i32) -> (i32, i32) {
    %c0_i32 = arith.constant 0 : i32
    %c0_i32_0 = arith.constant 0 : i32
    %c0_i32_1 = arith.constant 0 : i32
    return %c0_i32, %c0_i32_0 : i32, i32
  }
  func.func @transform_7(%arg0: i32) -> (i32, i32) {
    %c0_i32 = arith.constant 0 : i32
    %c0_i32_0 = arith.constant 0 : i32
    %c0_i32_1 = arith.constant 0 : i32
    return %c0_i32, %c0_i32_0 : i32, i32
  }
  func.func @transform_8(%arg0: i32) -> (i32, i32) {
    %c0_i32 = arith.constant 0 : i32
    %c0_i32_0 = arith.constant 0 : i32
    %c0_i32_1 = arith.constant 0 : i32
    return %c0_i32, %c0_i32_0 : i32, i32
  }
  func.func @transform_9(%arg0: i32) -> (i32, i32, i32) {
    %c0_i32 = arith.constant 0 : i32
    %c0_i32_0 = arith.constant 0 : i32
    %c0_i32_1 = arith.constant 0 : i32
    return %c0_i32, %arg0, %c0_i32_0 : i32, i32, i32
  }
}

module attributes {stable_mosaic.version = 14 : i64} {
  func.func @body(%arg0: i32, %arg1: memref<8x1000x16xf32, #tpu.memory_space<vmem>>, %arg2: memref<128x128xf32, #tpu.memory_space<vmem>>, %arg3: memref<1x128xf32, #tpu.memory_space<vmem>>, %arg4: memref<8x128xf32, #tpu.memory_space<vmem>>) attributes {dimension_semantics = [#tpu.dimension_semantics<arbitrary>], iteration_bounds = array<i64: 50>, scalar_prefetch = 0 : i64, scratch_operands = 0 : i64, tpu.core_type = #tpu.core_type<tc>, window_params = [{transform_indices = @transform_0, window_bounds = array<i64: 8, 1000, 16>}, {pipeline_mode = #tpu.pipeline_mode<synchronous>, transform_indices = @transform_1, window_bounds = array<i64: 128, 128>}, {pipeline_mode = #tpu.pipeline_mode<synchronous>, transform_indices = @transform_2, window_bounds = array<i64: 1, 128>}, {pipeline_mode = #tpu.pipeline_mode<synchronous>, transform_indices = @transform_3, window_bounds = array<i64: 8, 128>}]} {
    %get3A = arith.constant 0 : index
    %get3A_0 = arith.constant 0 : index
    %get3A_1 = arith.constant 0 : index
    %get3A_2 = vector.load %arg1[%get3A, %get3A_0, %get3A_1] : memref<8x1000x16xf32, #tpu.memory_space<vmem>>, vector<1x1000x16xf32>
    %get3A_3 = vector.shape_cast %get3A_2 : vector<1x1000x16xf32> to vector<1000x16xf32>
    %get3A_4 = arith.constant 1 : index
    %get3A_5 = arith.constant 0 : index
    %get3A_6 = arith.constant 0 : index
    %get3A_7 = vector.load %arg1[%get3A_4, %get3A_5, %get3A_6] : memref<8x1000x16xf32, #tpu.memory_space<vmem>>, vector<1x1000x16xf32>
    %get3A_8 = vector.shape_cast %get3A_7 : vector<1x1000x16xf32> to vector<1000x16xf32>
    %get3A_9 = arith.constant 2 : index
    %get3A_10 = arith.constant 0 : index
    %get3A_11 = arith.constant 0 : index
    %get3A_12 = vector.load %arg1[%get3A_9, %get3A_10, %get3A_11] : memref<8x1000x16xf32, #tpu.memory_space<vmem>>, vector<1x1000x16xf32>
    %get3A_13 = vector.shape_cast %get3A_12 : vector<1x1000x16xf32> to vector<1000x16xf32>
    %get3A_14 = arith.constant 3 : index
    %get3A_15 = arith.constant 0 : index
    %get3A_16 = arith.constant 0 : index
    %get3A_17 = vector.load %arg1[%get3A_14, %get3A_15, %get3A_16] : memref<8x1000x16xf32, #tpu.memory_space<vmem>>, vector<1x1000x16xf32>
    %get3A_18 = vector.shape_cast %get3A_17 : vector<1x1000x16xf32> to vector<1000x16xf32>
    %get3A_19 = arith.constant 4 : index
    %get3A_20 = arith.constant 0 : index
    %get3A_21 = arith.constant 0 : index
    %get3A_22 = vector.load %arg1[%get3A_19, %get3A_20, %get3A_21] : memref<8x1000x16xf32, #tpu.memory_space<vmem>>, vector<1x1000x16xf32>
    %get3A_23 = vector.shape_cast %get3A_22 : vector<1x1000x16xf32> to vector<1000x16xf32>
    %get3A_24 = arith.constant 5 : index
    %get3A_25 = arith.constant 0 : index
    %get3A_26 = arith.constant 0 : index
    %get3A_27 = vector.load %arg1[%get3A_24, %get3A_25, %get3A_26] : memref<8x1000x16xf32, #tpu.memory_space<vmem>>, vector<1x1000x16xf32>
    %get3A_28 = vector.shape_cast %get3A_27 : vector<1x1000x16xf32> to vector<1000x16xf32>
    %get3A_29 = arith.constant 6 : index
    %get3A_30 = arith.constant 0 : index
    %get3A_31 = arith.constant 0 : index
    %get3A_32 = vector.load %arg1[%get3A_29, %get3A_30, %get3A_31] : memref<8x1000x16xf32, #tpu.memory_space<vmem>>, vector<1x1000x16xf32>
    %get3A_33 = vector.shape_cast %get3A_32 : vector<1x1000x16xf32> to vector<1000x16xf32>
    %get3A_34 = arith.constant 7 : index
    %get3A_35 = arith.constant 0 : index
    %get3A_36 = arith.constant 0 : index
    %get3A_37 = vector.load %arg1[%get3A_34, %get3A_35, %get3A_36] : memref<8x1000x16xf32, #tpu.memory_space<vmem>>, vector<1x1000x16xf32>
    %get3A_38 = vector.shape_cast %get3A_37 : vector<1x1000x16xf32> to vector<1000x16xf32>
    %concatenate3A = tpu.concatenate %get3A_3, %get3A_8, %get3A_13, %get3A_18, %get3A_23, %get3A_28, %get3A_33, %get3A_38 in 1 : vector<1000x16xf32>, vector<1000x16xf32>, vector<1000x16xf32>, vector<1000x16xf32>, vector<1000x16xf32>, vector<1000x16xf32>, vector<1000x16xf32>, vector<1000x16xf32> -> vector<1000x128xf32>
    %get3A_39 = arith.constant 0 : index
    %get3A_40 = arith.constant 0 : index
    %get3A_41 = vector.load %arg2[%get3A_39, %get3A_40] : memref<128x128xf32, #tpu.memory_space<vmem>>, vector<128x128xf32>
    %dot_general3A = arith.constant dense<0.000000e+00> : vector<1000x128xf32>
    %dot_general3A_42 = tpu.matmul %concatenate3A, %get3A_41, %dot_general3A {dimension_numbers = #tpu.dot_dimension_numbers<[1], [0], [0], [1], [0, 0, 1, 1], [], []>, transpose_lhs_hint = false} : vector<1000x128xf32>, vector<128x128xf32>, vector<1000x128xf32> -> vector<1000x128xf32>
    %get3A_43 = arith.constant 0 : index
    %get3A_44 = arith.constant 0 : index
    %get3A_45 = vector.load %arg3[%get3A_43, %get3A_44] : memref<1x128xf32, #tpu.memory_space<vmem>>, vector<1x128xf32>
    %add3A = vector.broadcast %get3A_45 : vector<1x128xf32> to vector<1000x128xf32>
    %add3A_46 = arith.addf %dot_general3A_42, %add3A : vector<1000x128xf32>
    %reduce_sum3A = arith.constant dense<0.000000e+00> : vector<128xf32>
    %reduce_sum3A_47 = vector.multi_reduction <add>, %add3A_46, %reduce_sum3A [0] : vector<1000x128xf32> to vector<128xf32>
    %broadcast_in_dim3A = vector.shape_cast %reduce_sum3A_47 : vector<128xf32> to vector<1x128xf32>
    %mul3A = arith.mulf %add3A_46, %add3A_46 : vector<1000x128xf32>
    %reduce_sum3A_48 = arith.constant dense<0.000000e+00> : vector<128xf32>
    %reduce_sum3A_49 = vector.multi_reduction <add>, %mul3A, %reduce_sum3A_48 [0] : vector<1000x128xf32> to vector<128xf32>
    %broadcast_in_dim3A_50 = vector.shape_cast %reduce_sum3A_49 : vector<128xf32> to vector<1x128xf32>
    %eq3A = arith.constant 0 : i32
    %eq3A_51 = arith.cmpi eq, %arg0, %eq3A : i32
    %convert_element_type3A = arith.extui %eq3A_51 : i1 to i32
    %cond3A = arith.constant 0 : i32
    %cond3A_52 = arith.cmpi ne, %convert_element_type3A, %cond3A : i32
    scf.if %cond3A_52 {
      %broadcast_in_dim3A_62 = arith.constant 0.000000e+00 : f32
      %broadcast_in_dim3A_63 = vector.broadcast %broadcast_in_dim3A_62 : f32 to vector<8x128xf32>
      %swap3A_64 = arith.constant 0 : index
      %swap3A_65 = arith.constant 0 : index
      %swap3A_66 = vector.load %arg4[%swap3A_64, %swap3A_65] : memref<8x128xf32, #tpu.memory_space<vmem>>, vector<8x128xf32>
      tpu.vector_store %arg4[%swap3A_64, %swap3A_65], %broadcast_in_dim3A_63 {strides = array<i32>} : memref<8x128xf32, #tpu.memory_space<vmem>>, vector<8x128xf32>,
    } else {
    }
    %get3A_53 = arith.constant 0 : index
    %get3A_54 = arith.constant 0 : index
    %get3A_55 = vector.load %arg4[%get3A_53, %get3A_54] : memref<8x128xf32, #tpu.memory_space<vmem>>, vector<8x128xf32>
    %broadcast_in_dim3A_56 = arith.constant 0.000000e+00 : f32
    %broadcast_in_dim3A_57 = vector.broadcast %broadcast_in_dim3A_56 : f32 to vector<6x128xf32>
    %concatenate3A_58 = tpu.concatenate %broadcast_in_dim3A, %broadcast_in_dim3A_50, %broadcast_in_dim3A_57 in 0 : vector<1x128xf32>, vector<1x128xf32>, vector<6x128xf32> -> vector<8x128xf32>
    %add3A_59 = arith.addf %get3A_55, %concatenate3A_58 : vector<8x128xf32>
    %swap3A = arith.constant 0 : index
    %swap3A_60 = arith.constant 0 : index
    %swap3A_61 = vector.load %arg4[%swap3A, %swap3A_60] : memref<8x128xf32, #tpu.memory_space<vmem>>, vector<8x128xf32>
    tpu.vector_store %arg4[%swap3A, %swap3A_60], %add3A_59 {strides = array<i32>} : memref<8x128xf32, #tpu.memory_space<vmem>>, vector<8x128xf32>,
    return
  }
  func.func @transform_0(%arg0: i32) -> (i32, i32, i32) {
    %c0_i32 = arith.constant 0 : i32
    %c0_i32_0 = arith.constant 0 : i32
    %c0_i32_1 = arith.constant 0 : i32
    return %c0_i32, %arg0, %c0_i32_0 : i32, i32, i32
  }
  func.func @transform_1(%arg0: i32) -> (i32, i32) {
    %c0_i32 = arith.constant 0 : i32
    %c0_i32_0 = arith.constant 0 : i32
    %c0_i32_1 = arith.constant 0 : i32
    return %c0_i32, %c0_i32_0 : i32, i32
  }
  func.func @transform_2(%arg0: i32) -> (i32, i32) {
    %c0_i32 = arith.constant 0 : i32
    %c0_i32_0 = arith.constant 0 : i32
    %c0_i32_1 = arith.constant 0 : i32
    return %c0_i32, %c0_i32_0 : i32, i32
  }
  func.func @transform_3(%arg0: i32) -> (i32, i32) {
    %c0_i32 = arith.constant 0 : i32
    %c0_i32_0 = arith.constant 0 : i32
    %c0_i32_1 = arith.constant 0 : i32
    return %c0_i32, %c0_i32_0 : i32, i32
  }
}

module attributes {stable_mosaic.version = 14 : i64} {
  func.func @body(%arg0: i32, %arg1: memref<8x1000x16xf32, #tpu.memory_space<vmem>>, %arg2: memref<8x128xf32, #tpu.memory_space<vmem>>, %arg3: memref<128x128xf32, #tpu.memory_space<vmem>>, %arg4: memref<1x128xf32, #tpu.memory_space<vmem>>, %arg5: memref<1x128xf32, #tpu.memory_space<vmem>>, %arg6: memref<1x128xf32, #tpu.memory_space<vmem>>, %arg7: memref<128x128xf32, #tpu.memory_space<vmem>>, %arg8: memref<1x128xf32, #tpu.memory_space<vmem>>, %arg9: memref<8x1000x16xf32, #tpu.memory_space<vmem>>) attributes {dimension_semantics = [#tpu.dimension_semantics<arbitrary>], iteration_bounds = array<i64: 50>, scalar_prefetch = 0 : i64, scratch_operands = 0 : i64, tpu.core_type = #tpu.core_type<tc>, window_params = [{transform_indices = @transform_0, window_bounds = array<i64: 8, 1000, 16>}, {pipeline_mode = #tpu.pipeline_mode<synchronous>, transform_indices = @transform_1, window_bounds = array<i64: 8, 128>}, {pipeline_mode = #tpu.pipeline_mode<synchronous>, transform_indices = @transform_2, window_bounds = array<i64: 128, 128>}, {pipeline_mode = #tpu.pipeline_mode<synchronous>, transform_indices = @transform_3, window_bounds = array<i64: 1, 128>}, {pipeline_mode = #tpu.pipeline_mode<synchronous>, transform_indices = @transform_4, window_bounds = array<i64: 1, 128>}, {pipeline_mode = #tpu.pipeline_mode<synchronous>, transform_indices = @transform_5, window_bounds = array<i64: 1, 128>}, {pipeline_mode = #tpu.pipeline_mode<synchronous>, transform_indices = @transform_6, window_bounds = array<i64: 128, 128>}, {pipeline_mode = #tpu.pipeline_mode<synchronous>, transform_indices = @transform_7, window_bounds = array<i64: 1, 128>}, {transform_indices = @transform_8, window_bounds = array<i64: 8, 1000, 16>}]} {
    %get3A = arith.constant 0 : index
    %get3A_0 = arith.constant 0 : index
    %get3A_1 = arith.constant 0 : index
    %get3A_2 = vector.load %arg1[%get3A, %get3A_0, %get3A_1] : memref<8x1000x16xf32, #tpu.memory_space<vmem>>, vector<1x1000x16xf32>
    %get3A_3 = vector.shape_cast %get3A_2 : vector<1x1000x16xf32> to vector<1000x16xf32>
    %get3A_4 = arith.constant 1 : index
    %get3A_5 = arith.constant 0 : index
    %get3A_6 = arith.constant 0 : index
    %get3A_7 = vector.load %arg1[%get3A_4, %get3A_5, %get3A_6] : memref<8x1000x16xf32, #tpu.memory_space<vmem>>, vector<1x1000x16xf32>
    %get3A_8 = vector.shape_cast %get3A_7 : vector<1x1000x16xf32> to vector<1000x16xf32>
    %get3A_9 = arith.constant 2 : index
    %get3A_10 = arith.constant 0 : index
    %get3A_11 = arith.constant 0 : index
    %get3A_12 = vector.load %arg1[%get3A_9, %get3A_10, %get3A_11] : memref<8x1000x16xf32, #tpu.memory_space<vmem>>, vector<1x1000x16xf32>
    %get3A_13 = vector.shape_cast %get3A_12 : vector<1x1000x16xf32> to vector<1000x16xf32>
    %get3A_14 = arith.constant 3 : index
    %get3A_15 = arith.constant 0 : index
    %get3A_16 = arith.constant 0 : index
    %get3A_17 = vector.load %arg1[%get3A_14, %get3A_15, %get3A_16] : memref<8x1000x16xf32, #tpu.memory_space<vmem>>, vector<1x1000x16xf32>
    %get3A_18 = vector.shape_cast %get3A_17 : vector<1x1000x16xf32> to vector<1000x16xf32>
    %get3A_19 = arith.constant 4 : index
    %get3A_20 = arith.constant 0 : index
    %get3A_21 = arith.constant 0 : index
    %get3A_22 = vector.load %arg1[%get3A_19, %get3A_20, %get3A_21] : memref<8x1000x16xf32, #tpu.memory_space<vmem>>, vector<1x1000x16xf32>
    %get3A_23 = vector.shape_cast %get3A_22 : vector<1x1000x16xf32> to vector<1000x16xf32>
    %get3A_24 = arith.constant 5 : index
    %get3A_25 = arith.constant 0 : index
    %get3A_26 = arith.constant 0 : index
    %get3A_27 = vector.load %arg1[%get3A_24, %get3A_25, %get3A_26] : memref<8x1000x16xf32, #tpu.memory_space<vmem>>, vector<1x1000x16xf32>
    %get3A_28 = vector.shape_cast %get3A_27 : vector<1x1000x16xf32> to vector<1000x16xf32>
    %get3A_29 = arith.constant 6 : index
    %get3A_30 = arith.constant 0 : index
    %get3A_31 = arith.constant 0 : index
    %get3A_32 = vector.load %arg1[%get3A_29, %get3A_30, %get3A_31] : memref<8x1000x16xf32, #tpu.memory_space<vmem>>, vector<1x1000x16xf32>
    %get3A_33 = vector.shape_cast %get3A_32 : vector<1x1000x16xf32> to vector<1000x16xf32>
    %get3A_34 = arith.constant 7 : index
    %get3A_35 = arith.constant 0 : index
    %get3A_36 = arith.constant 0 : index
    %get3A_37 = vector.load %arg1[%get3A_34, %get3A_35, %get3A_36] : memref<8x1000x16xf32, #tpu.memory_space<vmem>>, vector<1x1000x16xf32>
    %get3A_38 = vector.shape_cast %get3A_37 : vector<1x1000x16xf32> to vector<1000x16xf32>
    %concatenate3A = tpu.concatenate %get3A_3, %get3A_8, %get3A_13, %get3A_18, %get3A_23, %get3A_28, %get3A_33, %get3A_38 in 1 : vector<1000x16xf32>, vector<1000x16xf32>, vector<1000x16xf32>, vector<1000x16xf32>, vector<1000x16xf32>, vector<1000x16xf32>, vector<1000x16xf32>, vector<1000x16xf32> -> vector<1000x128xf32>
    %get3A_39 = arith.constant 0 : index
    %get3A_40 = arith.constant 0 : index
    %get3A_41 = vector.load %arg2[%get3A_39, %get3A_40] : memref<8x128xf32, #tpu.memory_space<vmem>>, vector<8x128xf32>
    %slice3A = vector.extract_strided_slice %get3A_41 {offsets = [0, 0], sizes = [1, 128], strides = [1, 1]} : vector<8x128xf32> to vector<1x128xf32>
    %mul3A = arith.constant 2.000000e-05 : f32
    %mul3A_42 = vector.broadcast %mul3A : f32 to vector<1x128xf32>
    %mul3A_43 = arith.mulf %slice3A, %mul3A_42 : vector<1x128xf32>
    %slice3A_44 = vector.extract_strided_slice %get3A_41 {offsets = [1, 0], sizes = [1, 128], strides = [1, 1]} : vector<8x128xf32> to vector<1x128xf32>
    %mul3A_45 = arith.constant 2.000000e-05 : f32
    %mul3A_46 = vector.broadcast %mul3A_45 : f32 to vector<1x128xf32>
    %mul3A_47 = arith.mulf %slice3A_44, %mul3A_46 : vector<1x128xf32>
    %mul3A_48 = arith.mulf %mul3A_43, %mul3A_43 : vector<1x128xf32>
    %sub3A = arith.subf %mul3A_47, %mul3A_48 : vector<1x128xf32>
    %get3A_49 = arith.constant 0 : index
    %get3A_50 = arith.constant 0 : index
    %get3A_51 = vector.load %arg5[%get3A_49, %get3A_50] : memref<1x128xf32, #tpu.memory_space<vmem>>, vector<1x128xf32>
    %add3A = arith.constant 9.99999974E-6 : f32
    %add3A_52 = vector.broadcast %add3A : f32 to vector<1x128xf32>
    %add3A_53 = arith.addf %sub3A, %add3A_52 : vector<1x128xf32>
    %rsqrt3A = math.rsqrt %add3A_53 : vector<1x128xf32>
    %mul3A_54 = arith.mulf %get3A_51, %rsqrt3A : vector<1x128xf32>
    %get3A_55 = arith.constant 0 : index
    %get3A_56 = arith.constant 0 : index
    %get3A_57 = vector.load %arg6[%get3A_55, %get3A_56] : memref<1x128xf32, #tpu.memory_space<vmem>>, vector<1x128xf32>
    %mul3A_58 = arith.mulf %mul3A_43, %mul3A_54 : vector<1x128xf32>
    %sub3A_59 = arith.subf %get3A_57, %mul3A_58 : vector<1x128xf32>
    %get3A_60 = arith.constant 0 : index
    %get3A_61 = arith.constant 0 : index
    %get3A_62 = vector.load %arg3[%get3A_60, %get3A_61] : memref<128x128xf32, #tpu.memory_space<vmem>>, vector<128x128xf32>
    %dot_general3A = arith.constant dense<0.000000e+00> : vector<1000x128xf32>
    %dot_general3A_63 = tpu.matmul %concatenate3A, %get3A_62, %dot_general3A {dimension_numbers = #tpu.dot_dimension_numbers<[1], [0], [0], [1], [0, 0, 1, 1], [], []>, transpose_lhs_hint = false} : vector<1000x128xf32>, vector<128x128xf32>, vector<1000x128xf32> -> vector<1000x128xf32>
    %get3A_64 = arith.constant 0 : index
    %get3A_65 = arith.constant 0 : index
    %get3A_66 = vector.load %arg4[%get3A_64, %get3A_65] : memref<1x128xf32, #tpu.memory_space<vmem>>, vector<1x128xf32>
    %add3A_67 = vector.broadcast %get3A_66 : vector<1x128xf32> to vector<1000x128xf32>
    %add3A_68 = arith.addf %dot_general3A_63, %add3A_67 : vector<1000x128xf32>
    %mul3A_69 = vector.broadcast %mul3A_54 : vector<1x128xf32> to vector<1000x128xf32>
    %mul3A_70 = arith.mulf %add3A_68, %mul3A_69 : vector<1000x128xf32>
    %add3A_71 = vector.broadcast %sub3A_59 : vector<1x128xf32> to vector<1000x128xf32>
    %add3A_72 = arith.addf %mul3A_70, %add3A_71 : vector<1000x128xf32>
    %max3A = arith.constant 0.000000e+00 : f32
    %max3A_73 = vector.broadcast %max3A : f32 to vector<1000x128xf32>
    %max3A_74 = arith.maximumf %add3A_72, %max3A_73 : vector<1000x128xf32>
    %get3A_75 = arith.constant 0 : index
    %get3A_76 = arith.constant 0 : index
    %get3A_77 = vector.load %arg7[%get3A_75, %get3A_76] : memref<128x128xf32, #tpu.memory_space<vmem>>, vector<128x128xf32>
    %dot_general3A_78 = arith.constant dense<0.000000e+00> : vector<1000x128xf32>
    %dot_general3A_79 = tpu.matmul %max3A_74, %get3A_77, %dot_general3A_78 {dimension_numbers = #tpu.dot_dimension_numbers<[1], [0], [0], [1], [0, 0, 1, 1], [], []>, transpose_lhs_hint = false} : vector<1000x128xf32>, vector<128x128xf32>, vector<1000x128xf32> -> vector<1000x128xf32>
    %get3A_80 = arith.constant 0 : index
    %get3A_81 = arith.constant 0 : index
    %get3A_82 = vector.load %arg8[%get3A_80, %get3A_81] : memref<1x128xf32, #tpu.memory_space<vmem>>, vector<1x128xf32>
    %add3A_83 = vector.broadcast %get3A_82 : vector<1x128xf32> to vector<1000x128xf32>
    %add3A_84 = arith.addf %dot_general3A_79, %add3A_83 : vector<1000x128xf32>
    %max3A_85 = arith.constant 0.000000e+00 : f32
    %max3A_86 = vector.broadcast %max3A_85 : f32 to vector<1000x128xf32>
    %max3A_87 = arith.maximumf %add3A_84, %max3A_86 : vector<1000x128xf32>
    %slice3A_88 = vector.extract_strided_slice %max3A_87 {offsets = [0, 0], sizes = [1000, 16], strides = [1, 1]} : vector<1000x128xf32> to vector<1000x16xf32>
    %swap3A = arith.constant 0 : index
    %swap3A_89 = arith.constant 0 : index
    %swap3A_90 = arith.constant 0 : index
    %swap3A_91 = vector.load %arg9[%swap3A, %swap3A_89, %swap3A_90] : memref<8x1000x16xf32, #tpu.memory_space<vmem>>, vector<1x1000x16xf32>
    %swap3A_92 = vector.shape_cast %swap3A_91 : vector<1x1000x16xf32> to vector<1000x16xf32>
    %swap3A_93 = vector.shape_cast %slice3A_88 : vector<1000x16xf32> to vector<1x1000x16xf32>
    tpu.vector_store %arg9[%swap3A, %swap3A_89, %swap3A_90], %swap3A_93 {strides = array<i32>} : memref<8x1000x16xf32, #tpu.memory_space<vmem>>, vector<1x1000x16xf32>,
    %slice3A_94 = vector.extract_strided_slice %max3A_87 {offsets = [0, 16], sizes = [1000, 16], strides = [1, 1]} : vector<1000x128xf32> to vector<1000x16xf32>
    %swap3A_95 = arith.constant 1 : index
    %swap3A_96 = arith.constant 0 : index
    %swap3A_97 = arith.constant 0 : index
    %swap3A_98 = vector.load %arg9[%swap3A_95, %swap3A_96, %swap3A_97] : memref<8x1000x16xf32, #tpu.memory_space<vmem>>, vector<1x1000x16xf32>
    %swap3A_99 = vector.shape_cast %swap3A_98 : vector<1x1000x16xf32> to vector<1000x16xf32>
    %swap3A_100 = vector.shape_cast %slice3A_94 : vector<1000x16xf32> to vector<1x1000x16xf32>
    tpu.vector_store %arg9[%swap3A_95, %swap3A_96, %swap3A_97], %swap3A_100 {strides = array<i32>} : memref<8x1000x16xf32, #tpu.memory_space<vmem>>, vector<1x1000x16xf32>,
    %slice3A_101 = vector.extract_strided_slice %max3A_87 {offsets = [0, 32], sizes = [1000, 16], strides = [1, 1]} : vector<1000x128xf32> to vector<1000x16xf32>
    %swap3A_102 = arith.constant 2 : index
    %swap3A_103 = arith.constant 0 : index
    %swap3A_104 = arith.constant 0 : index
    %swap3A_105 = vector.load %arg9[%swap3A_102, %swap3A_103, %swap3A_104] : memref<8x1000x16xf32, #tpu.memory_space<vmem>>, vector<1x1000x16xf32>
    %swap3A_106 = vector.shape_cast %swap3A_105 : vector<1x1000x16xf32> to vector<1000x16xf32>
    %swap3A_107 = vector.shape_cast %slice3A_101 : vector<1000x16xf32> to vector<1x1000x16xf32>
    tpu.vector_store %arg9[%swap3A_102, %swap3A_103, %swap3A_104], %swap3A_107 {strides = array<i32>} : memref<8x1000x16xf32, #tpu.memory_space<vmem>>, vector<1x1000x16xf32>,
    %slice3A_108 = vector.extract_strided_slice %max3A_87 {offsets = [0, 48], sizes = [1000, 16], strides = [1, 1]} : vector<1000x128xf32> to vector<1000x16xf32>
    %swap3A_109 = arith.constant 3 : index
    %swap3A_110 = arith.constant 0 : index
    %swap3A_111 = arith.constant 0 : index
    %swap3A_112 = vector.load %arg9[%swap3A_109, %swap3A_110, %swap3A_111] : memref<8x1000x16xf32, #tpu.memory_space<vmem>>, vector<1x1000x16xf32>
    %swap3A_113 = vector.shape_cast %swap3A_112 : vector<1x1000x16xf32> to vector<1000x16xf32>
    %swap3A_114 = vector.shape_cast %slice3A_108 : vector<1000x16xf32> to vector<1x1000x16xf32>
    tpu.vector_store %arg9[%swap3A_109, %swap3A_110, %swap3A_111], %swap3A_114 {strides = array<i32>} : memref<8x1000x16xf32, #tpu.memory_space<vmem>>, vector<1x1000x16xf32>,
    %slice3A_115 = vector.extract_strided_slice %max3A_87 {offsets = [0, 64], sizes = [1000, 16], strides = [1, 1]} : vector<1000x128xf32> to vector<1000x16xf32>
    %swap3A_116 = arith.constant 4 : index
    %swap3A_117 = arith.constant 0 : index
    %swap3A_118 = arith.constant 0 : index
    %swap3A_119 = vector.load %arg9[%swap3A_116, %swap3A_117, %swap3A_118] : memref<8x1000x16xf32, #tpu.memory_space<vmem>>, vector<1x1000x16xf32>
    %swap3A_120 = vector.shape_cast %swap3A_119 : vector<1x1000x16xf32> to vector<1000x16xf32>
    %swap3A_121 = vector.shape_cast %slice3A_115 : vector<1000x16xf32> to vector<1x1000x16xf32>
    tpu.vector_store %arg9[%swap3A_116, %swap3A_117, %swap3A_118], %swap3A_121 {strides = array<i32>} : memref<8x1000x16xf32, #tpu.memory_space<vmem>>, vector<1x1000x16xf32>,
    %slice3A_122 = vector.extract_strided_slice %max3A_87 {offsets = [0, 80], sizes = [1000, 16], strides = [1, 1]} : vector<1000x128xf32> to vector<1000x16xf32>
    %swap3A_123 = arith.constant 5 : index
    %swap3A_124 = arith.constant 0 : index
    %swap3A_125 = arith.constant 0 : index
    %swap3A_126 = vector.load %arg9[%swap3A_123, %swap3A_124, %swap3A_125] : memref<8x1000x16xf32, #tpu.memory_space<vmem>>, vector<1x1000x16xf32>
    %swap3A_127 = vector.shape_cast %swap3A_126 : vector<1x1000x16xf32> to vector<1000x16xf32>
    %swap3A_128 = vector.shape_cast %slice3A_122 : vector<1000x16xf32> to vector<1x1000x16xf32>
    tpu.vector_store %arg9[%swap3A_123, %swap3A_124, %swap3A_125], %swap3A_128 {strides = array<i32>} : memref<8x1000x16xf32, #tpu.memory_space<vmem>>, vector<1x1000x16xf32>,
    %slice3A_129 = vector.extract_strided_slice %max3A_87 {offsets = [0, 96], sizes = [1000, 16], strides = [1, 1]} : vector<1000x128xf32> to vector<1000x16xf32>
    %swap3A_130 = arith.constant 6 : index
    %swap3A_131 = arith.constant 0 : index
    %swap3A_132 = arith.constant 0 : index
    %swap3A_133 = vector.load %arg9[%swap3A_130, %swap3A_131, %swap3A_132] : memref<8x1000x16xf32, #tpu.memory_space<vmem>>, vector<1x1000x16xf32>
    %swap3A_134 = vector.shape_cast %swap3A_133 : vector<1x1000x16xf32> to vector<1000x16xf32>
    %swap3A_135 = vector.shape_cast %slice3A_129 : vector<1000x16xf32> to vector<1x1000x16xf32>
    tpu.vector_store %arg9[%swap3A_130, %swap3A_131, %swap3A_132], %swap3A_135 {strides = array<i32>} : memref<8x1000x16xf32, #tpu.memory_space<vmem>>, vector<1x1000x16xf32>,
    %slice3A_136 = vector.extract_strided_slice %max3A_87 {offsets = [0, 112], sizes = [1000, 16], strides = [1, 1]} : vector<1000x128xf32> to vector<1000x16xf32>
    %swap3A_137 = arith.constant 7 : index
    %swap3A_138 = arith.constant 0 : index
    %swap3A_139 = arith.constant 0 : index
    %swap3A_140 = vector.load %arg9[%swap3A_137, %swap3A_138, %swap3A_139] : memref<8x1000x16xf32, #tpu.memory_space<vmem>>, vector<1x1000x16xf32>
    %swap3A_141 = vector.shape_cast %swap3A_140 : vector<1x1000x16xf32> to vector<1000x16xf32>
    %swap3A_142 = vector.shape_cast %slice3A_136 : vector<1000x16xf32> to vector<1x1000x16xf32>
    tpu.vector_store %arg9[%swap3A_137, %swap3A_138, %swap3A_139], %swap3A_142 {strides = array<i32>} : memref<8x1000x16xf32, #tpu.memory_space<vmem>>, vector<1x1000x16xf32>,
    return
  }
  func.func @transform_0(%arg0: i32) -> (i32, i32, i32) {
    %c0_i32 = arith.constant 0 : i32
    %c0_i32_0 = arith.constant 0 : i32
    %c0_i32_1 = arith.constant 0 : i32
    return %c0_i32, %arg0, %c0_i32_0 : i32, i32, i32
  }
  func.func @transform_1(%arg0: i32) -> (i32, i32) {
    %c0_i32 = arith.constant 0 : i32
    %c0_i32_0 = arith.constant 0 : i32
    %c0_i32_1 = arith.constant 0 : i32
    return %c0_i32, %c0_i32_0 : i32, i32
  }
  func.func @transform_2(%arg0: i32) -> (i32, i32) {
    %c0_i32 = arith.constant 0 : i32
    %c0_i32_0 = arith.constant 0 : i32
    %c0_i32_1 = arith.constant 0 : i32
    return %c0_i32, %c0_i32_0 : i32, i32
  }
  func.func @transform_3(%arg0: i32) -> (i32, i32) {
    %c0_i32 = arith.constant 0 : i32
    %c0_i32_0 = arith.constant 0 : i32
    %c0_i32_1 = arith.constant 0 : i32
    return %c0_i32, %c0_i32_0 : i32, i32
  }
  func.func @transform_4(%arg0: i32) -> (i32, i32) {
    %c0_i32 = arith.constant 0 : i32
    %c0_i32_0 = arith.constant 0 : i32
    %c0_i32_1 = arith.constant 0 : i32
    return %c0_i32, %c0_i32_0 : i32, i32
  }
  func.func @transform_5(%arg0: i32) -> (i32, i32) {
    %c0_i32 = arith.constant 0 : i32
    %c0_i32_0 = arith.constant 0 : i32
    %c0_i32_1 = arith.constant 0 : i32
    return %c0_i32, %c0_i32_0 : i32, i32
  }
  func.func @transform_6(%arg0: i32) -> (i32, i32) {
    %c0_i32 = arith.constant 0 : i32
    %c0_i32_0 = arith.constant 0 : i32
    %c0_i32_1 = arith.constant 0 : i32
    return %c0_i32, %c0_i32_0 : i32, i32
  }
  func.func @transform_7(%arg0: i32) -> (i32, i32) {
    %c0_i32 = arith.constant 0 : i32
    %c0_i32_0 = arith.constant 0 : i32
    %c0_i32_1 = arith.constant 0 : i32
    return %c0_i32, %c0_i32_0 : i32, i32
  }
  func.func @transform_8(%arg0: i32) -> (i32, i32, i32) {
    %c0_i32 = arith.constant 0 : i32
    %c0_i32_0 = arith.constant 0 : i32
    %c0_i32_1 = arith.constant 0 : i32
    return %c0_i32, %arg0, %c0_i32_0 : i32, i32, i32
  }
}

module attributes {stable_mosaic.version = 14 : i64} {
  func.func @body(%arg0: i32, %arg1: memref<8x1000x16xf32, #tpu.memory_space<vmem>>, %arg2: memref<8x128xf32, #tpu.memory_space<vmem>>, %arg3: memref<128x128xf32, #tpu.memory_space<vmem>>, %arg4: memref<1x128xf32, #tpu.memory_space<vmem>>, %arg5: memref<1x128xf32, #tpu.memory_space<vmem>>, %arg6: memref<1x128xf32, #tpu.memory_space<vmem>>, %arg7: memref<128x128xf32, #tpu.memory_space<vmem>>, %arg8: memref<1x128xf32, #tpu.memory_space<vmem>>, %arg9: memref<1x1x1000xi32, #tpu.memory_space<vmem>>, %arg10: memref<128x1xf32, #tpu.memory_space<vmem>>, %arg11: memref<1x1xf32, #tpu.memory_space<vmem>>, %arg12: memref<512x1xf32, #tpu.memory_space<vmem>>, %arg13: memref<512x128xf32, #tpu.memory_space<vmem>>) attributes {dimension_semantics = [#tpu.dimension_semantics<arbitrary>], iteration_bounds = array<i64: 50>, scalar_prefetch = 0 : i64, scratch_operands = 1 : i64, tpu.core_type = #tpu.core_type<tc>, window_params = [{transform_indices = @transform_0, window_bounds = array<i64: 8, 1000, 16>}, {pipeline_mode = #tpu.pipeline_mode<synchronous>, transform_indices = @transform_1, window_bounds = array<i64: 8, 128>}, {pipeline_mode = #tpu.pipeline_mode<synchronous>, transform_indices = @transform_2, window_bounds = array<i64: 128, 128>}, {pipeline_mode = #tpu.pipeline_mode<synchronous>, transform_indices = @transform_3, window_bounds = array<i64: 1, 128>}, {pipeline_mode = #tpu.pipeline_mode<synchronous>, transform_indices = @transform_4, window_bounds = array<i64: 1, 128>}, {pipeline_mode = #tpu.pipeline_mode<synchronous>, transform_indices = @transform_5, window_bounds = array<i64: 1, 128>}, {pipeline_mode = #tpu.pipeline_mode<synchronous>, transform_indices = @transform_6, window_bounds = array<i64: 128, 128>}, {pipeline_mode = #tpu.pipeline_mode<synchronous>, transform_indices = @transform_7, window_bounds = array<i64: 1, 128>}, {transform_indices = @transform_8, window_bounds = array<i64: 1, 1, 1000>}, {pipeline_mode = #tpu.pipeline_mode<synchronous>, transform_indices = @transform_9, window_bounds = array<i64: 128, 1>}, {pipeline_mode = #tpu.pipeline_mode<synchronous>, transform_indices = @transform_10, window_bounds = array<i64: 1, 1>}, {pipeline_mode = #tpu.pipeline_mode<synchronous>, transform_indices = @transform_11, window_bounds = array<i64: 512, 1>}]} {
    %get3A = arith.constant 0 : index
    %get3A_0 = arith.constant 0 : index
    %get3A_1 = arith.constant 0 : index
    %get3A_2 = vector.load %arg1[%get3A, %get3A_0, %get3A_1] : memref<8x1000x16xf32, #tpu.memory_space<vmem>>, vector<1x1000x16xf32>
    %get3A_3 = vector.shape_cast %get3A_2 : vector<1x1000x16xf32> to vector<1000x16xf32>
    %get3A_4 = arith.constant 1 : index
    %get3A_5 = arith.constant 0 : index
    %get3A_6 = arith.constant 0 : index
    %get3A_7 = vector.load %arg1[%get3A_4, %get3A_5, %get3A_6] : memref<8x1000x16xf32, #tpu.memory_space<vmem>>, vector<1x1000x16xf32>
    %get3A_8 = vector.shape_cast %get3A_7 : vector<1x1000x16xf32> to vector<1000x16xf32>
    %get3A_9 = arith.constant 2 : index
    %get3A_10 = arith.constant 0 : index
    %get3A_11 = arith.constant 0 : index
    %get3A_12 = vector.load %arg1[%get3A_9, %get3A_10, %get3A_11] : memref<8x1000x16xf32, #tpu.memory_space<vmem>>, vector<1x1000x16xf32>
    %get3A_13 = vector.shape_cast %get3A_12 : vector<1x1000x16xf32> to vector<1000x16xf32>
    %get3A_14 = arith.constant 3 : index
    %get3A_15 = arith.constant 0 : index
    %get3A_16 = arith.constant 0 : index
    %get3A_17 = vector.load %arg1[%get3A_14, %get3A_15, %get3A_16] : memref<8x1000x16xf32, #tpu.memory_space<vmem>>, vector<1x1000x16xf32>
    %get3A_18 = vector.shape_cast %get3A_17 : vector<1x1000x16xf32> to vector<1000x16xf32>
    %get3A_19 = arith.constant 4 : index
    %get3A_20 = arith.constant 0 : index
    %get3A_21 = arith.constant 0 : index
    %get3A_22 = vector.load %arg1[%get3A_19, %get3A_20, %get3A_21] : memref<8x1000x16xf32, #tpu.memory_space<vmem>>, vector<1x1000x16xf32>
    %get3A_23 = vector.shape_cast %get3A_22 : vector<1x1000x16xf32> to vector<1000x16xf32>
    %get3A_24 = arith.constant 5 : index
    %get3A_25 = arith.constant 0 : index
    %get3A_26 = arith.constant 0 : index
    %get3A_27 = vector.load %arg1[%get3A_24, %get3A_25, %get3A_26] : memref<8x1000x16xf32, #tpu.memory_space<vmem>>, vector<1x1000x16xf32>
    %get3A_28 = vector.shape_cast %get3A_27 : vector<1x1000x16xf32> to vector<1000x16xf32>
    %get3A_29 = arith.constant 6 : index
    %get3A_30 = arith.constant 0 : index
    %get3A_31 = arith.constant 0 : index
    %get3A_32 = vector.load %arg1[%get3A_29, %get3A_30, %get3A_31] : memref<8x1000x16xf32, #tpu.memory_space<vmem>>, vector<1x1000x16xf32>
    %get3A_33 = vector.shape_cast %get3A_32 : vector<1x1000x16xf32> to vector<1000x16xf32>
    %get3A_34 = arith.constant 7 : index
    %get3A_35 = arith.constant 0 : index
    %get3A_36 = arith.constant 0 : index
    %get3A_37 = vector.load %arg1[%get3A_34, %get3A_35, %get3A_36] : memref<8x1000x16xf32, #tpu.memory_space<vmem>>, vector<1x1000x16xf32>
    %get3A_38 = vector.shape_cast %get3A_37 : vector<1x1000x16xf32> to vector<1000x16xf32>
    %concatenate3A = tpu.concatenate %get3A_3, %get3A_8, %get3A_13, %get3A_18, %get3A_23, %get3A_28, %get3A_33, %get3A_38 in 1 : vector<1000x16xf32>, vector<1000x16xf32>, vector<1000x16xf32>, vector<1000x16xf32>, vector<1000x16xf32>, vector<1000x16xf32>, vector<1000x16xf32>, vector<1000x16xf32> -> vector<1000x128xf32>
    %get3A_39 = arith.constant 0 : index
    %get3A_40 = arith.constant 0 : index
    %get3A_41 = vector.load %arg2[%get3A_39, %get3A_40] : memref<8x128xf32, #tpu.memory_space<vmem>>, vector<8x128xf32>
    %slice3A = vector.extract_strided_slice %get3A_41 {offsets = [0, 0], sizes = [1, 128], strides = [1, 1]} : vector<8x128xf32> to vector<1x128xf32>
    %mul3A = arith.constant 2.000000e-05 : f32
    %mul3A_42 = vector.broadcast %mul3A : f32 to vector<1x128xf32>
    %mul3A_43 = arith.mulf %slice3A, %mul3A_42 : vector<1x128xf32>
    %slice3A_44 = vector.extract_strided_slice %get3A_41 {offsets = [1, 0], sizes = [1, 128], strides = [1, 1]} : vector<8x128xf32> to vector<1x128xf32>
    %mul3A_45 = arith.constant 2.000000e-05 : f32
    %mul3A_46 = vector.broadcast %mul3A_45 : f32 to vector<1x128xf32>
    %mul3A_47 = arith.mulf %slice3A_44, %mul3A_46 : vector<1x128xf32>
    %mul3A_48 = arith.mulf %mul3A_43, %mul3A_43 : vector<1x128xf32>
    %sub3A = arith.subf %mul3A_47, %mul3A_48 : vector<1x128xf32>
    %get3A_49 = arith.constant 0 : index
    %get3A_50 = arith.constant 0 : index
    %get3A_51 = vector.load %arg5[%get3A_49, %get3A_50] : memref<1x128xf32, #tpu.memory_space<vmem>>, vector<1x128xf32>
    %add3A = arith.constant 9.99999974E-6 : f32
    %add3A_52 = vector.broadcast %add3A : f32 to vector<1x128xf32>
    %add3A_53 = arith.addf %sub3A, %add3A_52 : vector<1x128xf32>
    %rsqrt3A = math.rsqrt %add3A_53 : vector<1x128xf32>
    %mul3A_54 = arith.mulf %get3A_51, %rsqrt3A : vector<1x128xf32>
    %get3A_55 = arith.constant 0 : index
    %get3A_56 = arith.constant 0 : index
    %get3A_57 = vector.load %arg6[%get3A_55, %get3A_56] : memref<1x128xf32, #tpu.memory_space<vmem>>, vector<1x128xf32>
    %mul3A_58 = arith.mulf %mul3A_43, %mul3A_54 : vector<1x128xf32>
    %sub3A_59 = arith.subf %get3A_57, %mul3A_58 : vector<1x128xf32>
    %get3A_60 = arith.constant 0 : index
    %get3A_61 = arith.constant 0 : index
    %get3A_62 = vector.load %arg3[%get3A_60, %get3A_61] : memref<128x128xf32, #tpu.memory_space<vmem>>, vector<128x128xf32>
    %dot_general3A = arith.constant dense<0.000000e+00> : vector<1000x128xf32>
    %dot_general3A_63 = tpu.matmul %concatenate3A, %get3A_62, %dot_general3A {dimension_numbers = #tpu.dot_dimension_numbers<[1], [0], [0], [1], [0, 0, 1, 1], [], []>, transpose_lhs_hint = false} : vector<1000x128xf32>, vector<128x128xf32>, vector<1000x128xf32> -> vector<1000x128xf32>
    %get3A_64 = arith.constant 0 : index
    %get3A_65 = arith.constant 0 : index
    %get3A_66 = vector.load %arg4[%get3A_64, %get3A_65] : memref<1x128xf32, #tpu.memory_space<vmem>>, vector<1x128xf32>
    %add3A_67 = vector.broadcast %get3A_66 : vector<1x128xf32> to vector<1000x128xf32>
    %add3A_68 = arith.addf %dot_general3A_63, %add3A_67 : vector<1000x128xf32>
    %mul3A_69 = vector.broadcast %mul3A_54 : vector<1x128xf32> to vector<1000x128xf32>
    %mul3A_70 = arith.mulf %add3A_68, %mul3A_69 : vector<1000x128xf32>
    %add3A_71 = vector.broadcast %sub3A_59 : vector<1x128xf32> to vector<1000x128xf32>
    %add3A_72 = arith.addf %mul3A_70, %add3A_71 : vector<1000x128xf32>
    %max3A = arith.constant 0.000000e+00 : f32
    %max3A_73 = vector.broadcast %max3A : f32 to vector<1000x128xf32>
    %max3A_74 = arith.maximumf %add3A_72, %max3A_73 : vector<1000x128xf32>
    %get3A_75 = arith.constant 0 : index
    %get3A_76 = arith.constant 0 : index
    %get3A_77 = vector.load %arg7[%get3A_75, %get3A_76] : memref<128x128xf32, #tpu.memory_space<vmem>>, vector<128x128xf32>
    %dot_general3A_78 = arith.constant dense<0.000000e+00> : vector<1000x128xf32>
    %dot_general3A_79 = tpu.matmul %max3A_74, %get3A_77, %dot_general3A_78 {dimension_numbers = #tpu.dot_dimension_numbers<[1], [0], [0], [1], [0, 0, 1, 1], [], []>, transpose_lhs_hint = false} : vector<1000x128xf32>, vector<128x128xf32>, vector<1000x128xf32> -> vector<1000x128xf32>
    %get3A_80 = arith.constant 0 : index
    %get3A_81 = arith.constant 0 : index
    %get3A_82 = vector.load %arg8[%get3A_80, %get3A_81] : memref<1x128xf32, #tpu.memory_space<vmem>>, vector<1x128xf32>
    %add3A_83 = vector.broadcast %get3A_82 : vector<1x128xf32> to vector<1000x128xf32>
    %add3A_84 = arith.addf %dot_general3A_79, %add3A_83 : vector<1000x128xf32>
    %max3A_85 = arith.constant 0.000000e+00 : f32
    %max3A_86 = vector.broadcast %max3A_85 : f32 to vector<1000x128xf32>
    %max3A_87 = arith.maximumf %add3A_84, %max3A_86 : vector<1000x128xf32>
    %get3A_88 = arith.constant 0 : index
    %get3A_89 = arith.constant 0 : index
    %get3A_90 = arith.constant 0 : index
    %get3A_91 = vector.load %arg9[%get3A_88, %get3A_89, %get3A_90] : memref<1x1x1000xi32, #tpu.memory_space<vmem>>, vector<1x1x1000xi32>
    %get3A_92 = vector.shape_cast %get3A_91 : vector<1x1x1000xi32> to vector<1000xi32>
    %broadcast_in_dim3A = vector.shape_cast %get3A_92 : vector<1000xi32> to vector<1000x1xi32>
    %iota3A = tpu.iota {dimensions = array<i32: 1>} : vector<1000x512xi32>
    %eq3A = vector.broadcast %broadcast_in_dim3A : vector<1000x1xi32> to vector<1000x512xi32>
    %eq3A_93 = arith.cmpi eq, %eq3A, %iota3A : vector<1000x512xi32>
    %convert_element_type3A = arith.extui %eq3A_93 : vector<1000x512xi1> to vector<1000x512xi32>
    %convert_element_type3A_94 = arith.sitofp %convert_element_type3A : vector<1000x512xi32> to vector<1000x512xf32>
    %dot_general3A_95 = arith.constant dense<0.000000e+00> : vector<512x128xf32>
    %dot_general3A_96 = tpu.matmul %convert_element_type3A_94, %max3A_87, %dot_general3A_95 {dimension_numbers = #tpu.dot_dimension_numbers<[0], [0], [1], [1], [0, 1, 1, 1], [], []>, transpose_lhs_hint = false} : vector<1000x512xf32>, vector<1000x128xf32>, vector<512x128xf32> -> vector<512x128xf32>
    %eq3A_97 = arith.constant 0 : i32
    %eq3A_98 = arith.cmpi eq, %arg0, %eq3A_97 : i32
    %convert_element_type3A_99 = arith.extui %eq3A_98 : i1 to i32
    %cond3A = arith.constant 0 : i32
    %cond3A_100 = arith.cmpi ne, %convert_element_type3A_99, %cond3A : i32
    scf.if %cond3A_100 {
      %broadcast_in_dim3A_123 = arith.constant 0.000000e+00 : f32
      %broadcast_in_dim3A_124 = vector.broadcast %broadcast_in_dim3A_123 : f32 to vector<512x128xf32>
      %swap3A_125 = arith.constant 0 : index
      %swap3A_126 = arith.constant 0 : index
      %swap3A_127 = vector.load %arg13[%swap3A_125, %swap3A_126] : memref<512x128xf32, #tpu.memory_space<vmem>>, vector<512x128xf32>
      tpu.vector_store %arg13[%swap3A_125, %swap3A_126], %broadcast_in_dim3A_124 {strides = array<i32>} : memref<512x128xf32, #tpu.memory_space<vmem>>, vector<512x128xf32>,
    } else {
    }
    %get3A_101 = arith.constant 0 : index
    %get3A_102 = arith.constant 0 : index
    %get3A_103 = vector.load %arg13[%get3A_101, %get3A_102] : memref<512x128xf32, #tpu.memory_space<vmem>>, vector<512x128xf32>
    %add3A_104 = arith.addf %get3A_103, %dot_general3A_96 : vector<512x128xf32>
    %swap3A = arith.constant 0 : index
    %swap3A_105 = arith.constant 0 : index
    %swap3A_106 = vector.load %arg13[%swap3A, %swap3A_105] : memref<512x128xf32, #tpu.memory_space<vmem>>, vector<512x128xf32>
    tpu.vector_store %arg13[%swap3A, %swap3A_105], %add3A_104 {strides = array<i32>} : memref<512x128xf32, #tpu.memory_space<vmem>>, vector<512x128xf32>,
    %get3A_107 = arith.constant 0 : index
    %get3A_108 = arith.constant 0 : index
    %get3A_109 = vector.load %arg13[%get3A_107, %get3A_108] : memref<512x128xf32, #tpu.memory_space<vmem>>, vector<512x128xf32>
    %get3A_110 = arith.constant 0 : index
    %get3A_111 = arith.constant 0 : index
    %get3A_112 = vector.load %arg10[%get3A_110, %get3A_111] : memref<128x1xf32, #tpu.memory_space<vmem>>, vector<128x1xf32>
    %dot_general3A_113 = arith.constant dense<0.000000e+00> : vector<512x1xf32>
    %dot_general3A_114 = tpu.matmul %get3A_109, %get3A_112, %dot_general3A_113 {dimension_numbers = #tpu.dot_dimension_numbers<[1], [0], [0], [1], [0, 0, 1, 1], [], []>, transpose_lhs_hint = false} : vector<512x128xf32>, vector<128x1xf32>, vector<512x1xf32> -> vector<512x1xf32>
    %get3A_115 = arith.constant 0 : index
    %get3A_116 = arith.constant 0 : index
    %get3A_117 = vector.load %arg11[%get3A_115, %get3A_116] : memref<1x1xf32, #tpu.memory_space<vmem>>, vector<1x1xf32>
    %add3A_118 = vector.broadcast %get3A_117 : vector<1x1xf32> to vector<512x1xf32>
    %add3A_119 = arith.addf %dot_general3A_114, %add3A_118 : vector<512x1xf32>
    %swap3A_120 = arith.constant 0 : index
    %swap3A_121 = arith.constant 0 : index
    %swap3A_122 = vector.load %arg12[%swap3A_120, %swap3A_121] : memref<512x1xf32, #tpu.memory_space<vmem>>, vector<512x1xf32>
    tpu.vector_store %arg12[%swap3A_120, %swap3A_121], %add3A_119 {strides = array<i32>} : memref<512x1xf32, #tpu.memory_space<vmem>>, vector<512x1xf32>,
    return
  }
  func.func @transform_0(%arg0: i32) -> (i32, i32, i32) {
    %c0_i32 = arith.constant 0 : i32
    %c0_i32_0 = arith.constant 0 : i32
    %c0_i32_1 = arith.constant 0 : i32
    return %c0_i32, %arg0, %c0_i32_0 : i32, i32, i32
  }
  func.func @transform_1(%arg0: i32) -> (i32, i32) {
    %c0_i32 = arith.constant 0 : i32
    %c0_i32_0 = arith.constant 0 : i32
    %c0_i32_1 = arith.constant 0 : i32
    return %c0_i32, %c0_i32_0 : i32, i32
  }
  func.func @transform_2(%arg0: i32) -> (i32, i32) {
    %c0_i32 = arith.constant 0 : i32
    %c0_i32_0 = arith.constant 0 : i32
    %c0_i32_1 = arith.constant 0 : i32
    return %c0_i32, %c0_i32_0 : i32, i32
  }
  func.func @transform_3(%arg0: i32) -> (i32, i32) {
    %c0_i32 = arith.constant 0 : i32
    %c0_i32_0 = arith.constant 0 : i32
    %c0_i32_1 = arith.constant 0 : i32
    return %c0_i32, %c0_i32_0 : i32, i32
  }
  func.func @transform_4(%arg0: i32) -> (i32, i32) {
    %c0_i32 = arith.constant 0 : i32
    %c0_i32_0 = arith.constant 0 : i32
    %c0_i32_1 = arith.constant 0 : i32
    return %c0_i32, %c0_i32_0 : i32, i32
  }
  func.func @transform_5(%arg0: i32) -> (i32, i32) {
    %c0_i32 = arith.constant 0 : i32
    %c0_i32_0 = arith.constant 0 : i32
    %c0_i32_1 = arith.constant 0 : i32
    return %c0_i32, %c0_i32_0 : i32, i32
  }
  func.func @transform_6(%arg0: i32) -> (i32, i32) {
    %c0_i32 = arith.constant 0 : i32
    %c0_i32_0 = arith.constant 0 : i32
    %c0_i32_1 = arith.constant 0 : i32
    return %c0_i32, %c0_i32_0 : i32, i32
  }
  func.func @transform_7(%arg0: i32) -> (i32, i32) {
    %c0_i32 = arith.constant 0 : i32
    %c0_i32_0 = arith.constant 0 : i32
    %c0_i32_1 = arith.constant 0 : i32
    return %c0_i32, %c0_i32_0 : i32, i32
  }
  func.func @transform_8(%arg0: i32) -> (i32, i32, i32) {
    %c0_i32 = arith.constant 0 : i32
    %c0_i32_0 = arith.constant 0 : i32
    %c0_i32_1 = arith.constant 0 : i32
    return %arg0, %c0_i32, %c0_i32_0 : i32, i32, i32
  }
  func.func @transform_9(%arg0: i32) -> (i32, i32) {
    %c0_i32 = arith.constant 0 : i32
    %c0_i32_0 = arith.constant 0 : i32
    %c0_i32_1 = arith.constant 0 : i32
    return %c0_i32, %c0_i32_0 : i32, i32
  }
  func.func @transform_10(%arg0: i32) -> (i32, i32) {
    %c0_i32 = arith.constant 0 : i32
    %c0_i32_0 = arith.constant 0 : i32
    %c0_i32_1 = arith.constant 0 : i32
    return %c0_i32, %c0_i32_0 : i32, i32
  }
  func.func @transform_11(%arg0: i32) -> (i32, i32) {
    %c0_i32 = arith.constant 0 : i32
    %c0_i32_0 = arith.constant 0 : i32
    %c0_i32_1 = arith.constant 0 : i32
    return %c0_i32, %c0_i32_0 : i32, i32
  }
}

</mosaic_0001>

<sc_bundles>
// kernel: kernel.11.cloned.1.call-start
scs
__scs_entry_jumppad:
0x0: {  	(pc) =	sbr.rel $0x88, $3  }
0x1: {  	(tag) =	ssettag $0x0;
	lr =	simm.s32 $0x1  }
0x2: {  	[smem:$0x3F8A] =	sst lr;
	_ =	strace $0xD0000000  }
0x3: {  	_ = 	snop  }
0x4: {  	_ = 	snop  }
0x5: {  	_ = 	snop  }
0x6: {  	_ = 	snop  }
0x7: {  	_ = 	snop  }
__scs_overlays_trampoline_lowered:
0x8: {  	[smem:$0x3F99] =	sst s0  }
0x9: {  	[smem:$0x3F9A] =	sst s1  }
0xa: {  	[smem:$0x3F9B] =	sst s2  }
0xb: {  	[smem:$0x3F9C] =	sst s3  }
0xc: {  	[smem:$0x3F9D] =	sst s4  }
0xd: {  	[smem:$0x3F9E] =	sst s5  }
0xe: {  	[smem:$0x3F9F] =	sst s6  }
0xf: {  	[smem:$0x3FA0] =	sst s7  }
0x10: {  	[smem:$0x3FA1] =	sst s8  }
0x11: {  	[smem:$0x3FA2] =	sst s9;
	s0 =	simm.s32 @!p0 $0x0  }
0x12: {  	s1 =	sld [smem:$0x3F88];
	s0 =	simm.s32 @p0 $0x1  }
0x13: {  	[smem:$0x3FA3] =	sst s0;
	s0 =	simm.s32 @!p1 $0x0  }
0x14: {  	s2 =	sld [smem:$0x3F87];
	s0 =	simm.s32 @p1 $0x1  }
0x15: {  	[smem:$0x3FA4] =	sst s0;
	s0 =	simm.s32 @!p2 $0x0  }
0x16: {  	s3 =	sld [smem:$0x3FDB];
	s0 =	simm.s32 @p2 $0x1  }
0x17: {  	s4 =	simm.s32 $0x1BF5;
	[smem:$0x3FA6] =	sst s0  }
0x18: {  	s0 =	sld [smem:$0x3F89];
	_ =	swait.ge [sflag:s4], $0x0  }
0x19: {  	s7 =	sld [smem:$0x3F8A]  }
0x1a: {  	s8 =	sadd.s32 $0xFFFFE003, lr  }
0x1b: {  	s9 =	sadd.s32 $0xFFFFFEF7, lr;
	s5 =	simm.s32 $0xFFFFFFFF;
	p2 =	slt.u32 s8, $0xFFFFF086  }
0x1c: {  	p1 =	slt.u32 s9, $0xF7A;
	s5 =	simm.s32 @!p2 $0x0  }
0x1d: {  	s5 =	simm.s32 @p1 $0x1;
	p0 =	seq.s32 s7, s2  }
0x1e: {  	s7 =	smul.u32 @!p0 $0xF7A, s2;
	p2 =	seq.s32 @!p0 s5, $0x0  }
0x1f: {  	s9 =	smul.u32 $0xF7A, s1;
	s8 =	simm.s32 @!p0 $0x1BF5;
	p2 =	por !p2, p0  }
0x20: {  	[sflag:s8] =	ssyncset.s32 @!p0 $0xFFFFF086;
	s6 =	sadd.s32 @!p0 s3, s7;
	s7 =	simm.s32 @!p0 $0x108  }
0x21: {  	s3 =	sadd.s32 s3, s9;
	s6 =	sadd.s32 @!p0 $0x88, s6;
	s7 =	simm.s32 @p2 $0x1082  }
0x22: {  	[simem:s7], [sflag:s8] =	dma.local @!p0 [hbm:s6], $0xF7A  }
0x23: {  	s9 =	sor.u32 $0xD0000000, s2;
	s6 =	simm.s32 $0x108;
	_ =	swait.ge @!p0 [sflag:s8], $0x0  }
0x24: {  	s3 =	sadd.s32 $0x88, s3;
	s6 =	simm.s32 @!p1 $0x1082;
	[sflag:s4] =	ssyncset.s32 $0xFFFFF086  }
0x25: {  	[simem:s6], [sflag:s4] =	dma.local [hbm:s3], $0xF7A  }
0x26: {  	[smem:$0x3F8A] =	sst s1;
	(tag) =	ssettag s2;
	_ =	strace s9  }
0x27: {  	s1 =	sld [smem:$0x3F9A]  }
0x28: {  	s2 =	sld [smem:$0x3F9B]  }
0x29: {  	s4 =	sld [smem:$0x3F9D]  }
0x2a: {  	p0 =	seq.s32 s5, $0x0;
	s5 =	sld [smem:$0x3F9E]  }
0x2b: {  	s6 =	sld [smem:$0x3F9F]  }
0x2c: {  	s7 =	sld [smem:$0x3FA0]  }
0x2d: {  	s3 =	simm.s32 $0x108;
	s8 =	sld [smem:$0x3FA1]  }
0x2e: {  	s3 =	simm.s32 @!p0 $0x1082;
	s9 =	sld [smem:$0x3FA2]  }
0x2f: {  	lr =	sadd.s32 s0, s3;
	s0 =	sld [smem:$0x3F99]  }
0x30: {  	s3 =	sld [smem:$0x3F9C]  }
0x31: {  	[smem:$0x3FA5] =	sst s10  }
0x32: {  	s10 =	sld [smem:$0x3FA3];
	_ =	sdelay $0x3  }
0x33: {  	p0 =	seq.s32 s10, $0x1;
	s10 =	sld [smem:$0x3FA5];
	_ =	sdelay $0x3  }
0x34: {  	[smem:$0x3FA5] =	sst s10  }
0x35: {  	s10 =	sld [smem:$0x3FA4];
	_ =	sdelay $0x3  }
0x36: {  	p1 =	seq.s32 s10, $0x1;
	s10 =	sld [smem:$0x3FA5];
	_ =	sdelay $0x3  }
0x37: {  	[smem:$0x3FA5] =	sst s10  }
0x38: {  	s10 =	sld [smem:$0x3FA6]  }
0x39: {  	_ = 	snop;
	(pc) =	sbr.ind lr, $3  }
0x3a: {  	_ = 	snop  }
0x3b: {  	_ = 	snop  }
0x3c: {  	p2 =	seq.s32 s10, $0x1;
	s10 =	sld [smem:$0x3FA5]  }
0x3d: {  	_ =	shalt  }
0x3e: {  	_ =	shalt  }
0x3f: {  	_ =	shalt  }
0x40: {  	_ =	shalt  }
0x41: {  	_ =	shalt  }
0x42: {  	_ =	shalt  }
0x43: {  	_ =	shalt  }
0x44: {  	_ =	shalt  }
0x45: {  	_ =	shalt  }
0x46: {  	_ =	shalt  }
0x47: {  	_ =	shalt  }
0x48: {  	_ =	shalt  }
0x49: {  	_ =	shalt  }
0x4a: {  	_ =	shalt  }
0x4b: {  	_ =	shalt  }
0x4c: {  	_ =	shalt  }
0x4d: {  	_ =	shalt  }
0x4e: {  	_ =	shalt  }
0x4f: {  	_ =	shalt  }
0x50: {  	_ =	shalt  }
0x51: {  	_ =	shalt  }
0x52: {  	_ =	shalt  }
0x53: {  	_ =	shalt  }
0x54: {  	_ =	shalt  }
0x55: {  	_ =	shalt  }
0x56: {  	_ =	shalt  }
0x57: {  	_ =	shalt  }
0x58: {  	_ =	shalt  }
0x59: {  	_ =	shalt  }
0x5a: {  	_ =	shalt  }
0x5b: {  	_ =	shalt  }
0x5c: {  	_ =	shalt  }
0x5d: {  	_ =	shalt  }
0x5e: {  	_ =	shalt  }
0x5f: {  	_ =	shalt  }
0x60: {  	_ =	shalt  }
0x61: {  	_ =	shalt  }
0x62: {  	_ =	shalt  }
0x63: {  	_ =	shalt  }
0x64: {  	_ =	shalt  }
0x65: {  	_ =	shalt  }
0x66: {  	_ =	shalt  }
0x67: {  	_ =	shalt  }
0x68: {  	_ =	shalt  }
0x69: {  	_ =	shalt  }
0x6a: {  	_ =	shalt  }
0x6b: {  	_ =	shalt  }
0x6c: {  	_ =	shalt  }
0x6d: {  	_ =	shalt  }
0x6e: {  	_ =	shalt  }
0x6f: {  	_ =	shalt  }
0x70: {  	_ =	shalt  }
0x71: {  	_ =	shalt  }
0x72: {  	_ =	shalt  }
0x73: {  	_ =	shalt  }
0x74: {  	_ =	shalt  }
0x75: {  	_ =	shalt  }
0x76: {  	_ =	shalt  }
0x77: {  	_ =	shalt  }
0x78: {  	_ =	shalt  }
0x79: {  	_ =	shalt  }
0x7a: {  	_ =	shalt  }
0x7b: {  	_ =	shalt  }
0x7c: {  	_ =	shalt  }
0x7d: {  	_ =	shalt  }
0x7e: {  	_ =	shalt  }
0x7f: {  	_ =	shalt  }
0x80: {  	_ =	shalt  }
0x81: {  	_ =	shalt  }
0x82: {  	_ =	shalt  }
0x83: {  	_ =	shalt  }
0x84: {  	_ =	shalt  }
0x85: {  	_ =	shalt  }
0x86: {  	_ =	shalt  }
0x87: {  	_ =	shalt  }
.Lfunc_end0:
.L_simem_size_0:
called_computation_lowered:
.L_overlay_start_0:
0x88: {  	s2 =	sld [smem:$0x3FD9]  }
0x89: {  	s3 =	sld [smem:$0x3FFE];
	_ =	sdelay $0x1  }
0x8a: {  	s1 =	srdreg.scid  }
0x8b: {  	s0 =	sand.u32 $0x1, s1  }
0x8c: {  	s16 =	sshll.u32 s0, $0xA;
	s2 =	sadd.s32 s3, s2  }
0x8d: {  	s2 =	sadd.s32 s2, s16  }
0x8e: {  	[smem:$0x3FB1] =	sst s2  }
0x8f: {  	_ = 	snop  }
0x90: {  	(tm) =	ssettm $0x1  }
0x91: {  	s17 =	sld [smem:$0x3FFB];
	_ =	sdelay $0x3  }
0x92: {  	_ =	strace s17  }
0x93: {  	s2 =	sld [smem:$0x3FFC];
	_ =	sdelay $0x3  }
0x94: {  	_ =	strace s2  }
0x95: {  	s2 =	sld [smem:$0x3FFD];
	_ =	sdelay $0x3  }
0x96: {  	_ =	strace s2  }
0x97: {  	_ =	strace $0x8FFFFFFF  }
0x98: {  	s18 =	sld [smem:$0x3FDB];
	_ =	sdelay $0x1  }
0x99: {  	s19 =	simm.s32 $_scs_section_size  }
0x9a: {  	s4 =	simm.s32 $_size__tile_overlayer_lowered;
	s5 =	simm.s32 $_tile_overlayer_lowered  }
0x9b: {  	s22 =	simm.s32 $0x1BFF;
	s21 =	sshll.u32 s5, $0x1;
	s2 =	sadd.s32 s19, s18  }
0x9c: {  	s6 =	simm.s32 $0x0;
	s20 =	sshll.u32 s4, $0x1;
	s4 =	sadd.s32 s21, s2  }
0x9d: {  	[timem:s6], [sflag:s22] =	dma.local [hbm:s4], s20  }
0x9e: {  	_ =	swait.ge [sflag:s22], s20  }
0x9f: {  	s3 =	ssub.s32 $0x0, s20;
	[sflag:s22] =	ssyncset.done $0x0  }
0xa0: {  	[sflag:s22] =	ssyncadd.s32 s3;
	_ =	sdelay $0x1  }
0xa1: {  	s23 =	simm.s32 $0x1B8B  }
0xa2: {  	_ =	swait.ge [sflag:s23], $0x1  }
0xa3: {  	[sflag:s23] =	ssyncset.done $0x0  }
0xa4: {  	s25 =	simm.s32 $0x1B8E;
	s24 =	sld [smem:$0x3FFE];
	[sflag:s23] =	ssyncadd.s32 $0xFFFFFFFF  }
0xa5: {  	s26 =	simm.s32 $execute0_lowered;
	[smem:$0x3FD2] =	sst s25  }
0xa6: {  	s4 =	sshll.u32 s26, $0x1;
	_ =	strace $0x80000046;
	[dreg:$0x1] =	wrdreg $0xFFFFFFFF  }
0xa7: {  	s28 =	simm.s32 $_size_execute0_lowered;
	s2 =	sadd.s32 s2, s4;
	[dreg:$0x0] =	wrdreg $0x0  }
0xa8: {  	s4 =	sshll.u32 s28, $0x1;
	[dreg:$0x2] =	wrdreg s2  }
0xa9: {  	[dreg:$0x3] =	wrdreg s4  }
0xaa: {  	[dreg:$0x4] =	wrdreg $0xC0  }
0xab: {  	_ =	task [dreg:s6], $0x5FFFF  }
0xac: {  	[dreg:$0x1] =	wrdreg $0xFFFFFFFF  }
0xad: {  	[dreg:$0x0] =	wrdreg $0x60  }
0xae: {  	[dreg:$0x2] =	wrdreg s24  }
0xaf: {  	[dreg:$0x3] =	wrdreg $0x90000  }
0xb0: {  	[dreg:$0x4] =	wrdreg $0x9  }
0xb1: {  	_ =	task.clear_ibuf [dreg:s6], $0x5FFFF;
	_ =	strace $0x90000046  }
0xb2: {  	s29 =	simm.s32 $0x9;
	_ =	strace $0x80000048  }
0xb3: {  	_ =	swait.ge [sflag:s29], $0x1  }
0xb4: {  	[sflag:s29] =	ssyncadd.s32 $0xFFFFFFFF  }
0xb5: {  	_ =	strace $0x90000048  }
0xb6: {  	_ =	sfence  }
0xb7: {  	s30 =	sld [smem:$0x0];
	_ =	sdelay $0x2  }
0xb8: {  	s31 =	sshll.u32 s1, $0xD;
	s1 =	sshrl.u32 s1, $0x2  }
0xb9: {  	s3 =	sand.u32 $0x4000, s31;
	s1 =	sadd.s32 s1, s30  }
0xba: {  	s0 =	sor.u32 s3, s0;
	s1 =	sshll.u32 s1, $0x11  }
0xbb: {  	s0 =	sor.u32 s1, s0  }
0xbc: {  	s0 =	sadd.s32 $0x8F2B, s0  }
0xbd: {  	[sflag:s0] =	ssyncadd.remote.s32 $0x1  }
0xbe: {  	_ =	sfence.sel $0xFFFF  }
0xbf: {  	[dreg:$0x0] =	wrdreg $0xFFFFFFFF;
	(pc) =	sbr.abs _section_cstart, $3  }
0xc0: {  	[dreg:$0x1] =	wrdreg $0xFFFFFFFF  }
0xc1: {  	_ =	task.clear_ibuf [dreg:s6], $0x2FFFF;
	_ =	strace $0x9FFFFFFF  }
0xc2: {  	(tm) =	ssettm $0x7FFFFFFF  }
0xc3: {  	_ =	shalt  }
tec
execute0_lowered:
.L_overlay_start_1:
0x0: {  	(tag) =	ssettag $0x1  }
0x1: {  	s0 =	rddreg [dreg:$0x0];
	s1 =	srdreg.scid  }
0x2: {  	s2 =	rddreg [dreg:$0x1];
	s5 =	stileid.u32;
	s3 =	simm.s32 $0x0  }
0x3: {  	s16 =	simm.s32 $0x6;
	s17 =	simm.s32 $0x8000;
	s18 =	simm.s32 $0x8400  }
0x4: {  	s19 =	simm.s32 $0x8800;
	s20 =	simm.s32 $0x8C00;
	s21 =	simm.s32 $0x5  }
0x5: {  	s28 =	simm.s32 $0x6000;
	s29 =	simm.s32 $0x1;
	s30 =	simm.s32 $0x8A00  }
0x6: {  	s31 =	simm.s32 $0x2;
	s1 =	sand.u32 $0x1, s1;
	s6 =	smul.u32 $0xC350, s5  }
0x7: {  	[smem:$0x7FF] =	sst s3;
	s11 =	sadd.s32 $0x80600, s0;
	s26 =	sshll.u32 s5, $0x6  }
0x8: {  	s4 =	sshll.u32 s1, $0x4;
	_ =	strace $0x80000047;
	[dreg:$0x4] =	wrdreg s11  }
0x9: {  	s9 =	ssub.s32 $0x2, s1;
	p0 =	seq.s32 s1, $0x1;
	[dreg:$0x9] =	wrdreg s26  }
0xa: {  	s1 =	simm.s32 $0x3;
	s4 =	sor.u32 s5, s4;
	s10 =	sshrl.u32 s6, $0x3  }
0xb: {  	s22 =	sshrl.u32 s9, $0x1;
	s23 =	sadd.s32 s6, s2;
	s6 =	simm.s32 $0x4  }
0xc: {  	s7 =	smul.u32 $0xD00, s4;
	s4 =	sadd.s32 $0x2E00, s0;
	s8 =	sadd.s32 s10, s0  }
0xd: {  	[dreg:$0x3] =	wrdreg s10;
	s15 =	sshrl.u32 s23, $0x3;
	s23 =	simm.s32 $0x8200  }
0xe: {  	s24 =	sadd.s32 s4, s10;
	s25 =	sadd.s32 $0x4F600, s8;
	s8 =	simm.s32 $0x0  }
0xf: {  	s7 =	sadd.s32 s7, s0;
	s0 =	sadd.s32 $0x67E00, s0;
	[dreg:$0x6] =	wrdreg s24  }
.Ltmp0:
0x10: {  	[dreg:$0x7] =	wrdreg s25;
	s24 =	simm.s32 $0x2000;
	(pc) =	sbr.rel .LBB2_1-.Ltmp0, $4  }
0x11: {  	s25 =	simm.s32 $0x4000;
	[dreg:$0x5] =	wrdreg s0;
	s0 =	ssub.s32 s9, s22  }
0x12: {  	s9 =	sadd.s32 $0x35600, s7;
	s10 =	sadd.s32 $0x1B600, s7;
	s0 =	smax.u32 s0, $0x1  }
0x13: {  	s22 =	simm.s32 $0x200;
	[dreg:$0x8] =	wrdreg s0;
	s0 =	sor.u32 $0x1C06, s26  }
0x14: {  	s26 =	simm.s32 $0x8600;
	[dreg:$0xa] =	wrdreg s0;
	s0 =	simm.s32 $0x8E00  }
.LBB2_7:
0x15: {  	s5 =	sadd.s32 s11, s9;
	[sflag:s6] =	ssyncadd.s32 $0xFFFFE000  }
0x16: {  	[tilespmem:s17], [sflag:$0x5] =	stream.linear.gather [hbm4b:s5+s3], $0x400, $0x38;
	[tilespmem:$0x15358] =	vst v63  }
0x17: {  	s5 =	sadd.s32 $0x80, s5  }
0x18: {  	[tilespmem:s18], [sflag:$0x5] =	stream.linear.gather [hbm4b:s5+s3], $0x400, $0x38;
	[tilespmem:$0x15358] =	vst v63  }
0x19: {  	s14 =	sadd.s32 s11, s10  }
0x1a: {  	[tilespmem:s19], [sflag:$0x5] =	stream.linear.gather [hbm4b:s14+s3], $0x400, $0x38;
	[tilespmem:$0x15358] =	vst v63  }
0x1b: {  	s5 =	sadd.s32 $0x80, s14  }
0x1c: {  	[tilespmem:s20], [sflag:$0x5] =	stream.linear.gather [hbm4b:s5+s3], $0x400, $0x38;
	[tilespmem:$0x15358] =	vst v63  }
0x1d: {  	_ =	swait.ge [sflag:s21], $0x400  }
0x1e: {  	[sflag:s21] =	ssyncset.done $0x0  }
0x1f: {  	[sflag:s21] =	ssyncadd.s32 $0xFFFFFC00  }
0x20: {  	_ =	swait.ge [sflag:s21], $0x400  }
0x21: {  	[sflag:s21] =	ssyncset.done $0x0  }
0x22: {  	[sflag:s21] =	ssyncadd.s32 $0xFFFFFC00  }
0x23: {  	_ =	swait.ge [sflag:s21], $0x400  }
0x24: {  	[sflag:s21] =	ssyncset.done $0x0  }
0x25: {  	[sflag:s21] =	ssyncadd.s32 $0xFFFFFC00  }
0x26: {  	_ =	swait.ge [sflag:s21], $0x400  }
0x27: {  	[sflag:s21] =	ssyncset.done $0x0  }
0x28: {  	[sflag:s21] =	ssyncadd.s32 $0xFFFFFC00  }
0x29: {  	[tilespmem:s3], [sflag:$0x1] =	stream.indirect.gather [hbm4b:s4+s22], $0x10, s17, s22, $0xb8;
	[tilespmem:$0x15358] =	vst v63  }
0x2a: {  	_ = 	snop  }
0x2b: {  	[tilespmem:s24], [sflag:$0x1] =	stream.indirect.gather [hbm4b:s4+s22], $0x10, s23, s22, $0xb8;
	[tilespmem:$0x15358] =	vst v63  }
0x2c: {  	_ = 	snop  }
0x2d: {  	[tilespmem:s25], [sflag:$0x2] =	stream.indirect.gather [hbm4b:s4+s22], $0x10, s18, s22, $0xb8;
	[tilespmem:$0x15358] =	vst v63  }
0x2e: {  	_ = 	snop  }
0x2f: {  	[tilespmem:s28], [sflag:$0x2] =	stream.indirect.gather [hbm4b:s4+s22], $0x10, s26, s22, $0xb8;
	[tilespmem:$0x15358] =	vst v63  }
0x30: {  	_ =	swait.ge [sflag:s29], $0x2000  }
0x31: {  	[sflag:s29] =	ssyncset.done $0x0  }
0x32: {  	[sflag:s29] =	ssyncadd.s32 $0xFFFFE000  }
0x33: {  	_ =	swait.ge [sflag:s29], $0x2000  }
0x34: {  	[sflag:s29] =	ssyncset.done $0x0  }
0x35: {  	[sflag:s29] =	ssyncadd.s32 $0xFFFFE000  }
0x36: {  	[spmem:s2] =	stream.indirect.scatter.add.f32 [tilespmem:s3], [sflag:$0x3], $0x10, s19, s22, $0xb8;
	[tilespmem:$0x15358] =	vst v63  }
0x37: {  	_ = 	snop  }
0x38: {  	[spmem:s2] =	stream.indirect.scatter.add.f32 [tilespmem:s24], [sflag:$0x3], $0x10, s30, s22, $0xb8;
	[tilespmem:$0x15358] =	vst v63  }
0x39: {  	_ =	swait.ge [sflag:s31], $0x2000  }
0x3a: {  	[sflag:s31] =	ssyncset.done $0x0  }
0x3b: {  	[sflag:s31] =	ssyncadd.s32 $0xFFFFE000  }
0x3c: {  	_ =	swait.ge [sflag:s31], $0x2000  }
0x3d: {  	[sflag:s31] =	ssyncset.done $0x0  }
0x3e: {  	[sflag:s31] =	ssyncadd.s32 $0xFFFFE000  }
0x3f: {  	[spmem:s2] =	stream.indirect.scatter.add.f32 [tilespmem:s25], [sflag:$0x4], $0x10, s20, s22, $0xb8;
	[tilespmem:$0x15358] =	vst v63  }
0x40: {  	_ = 	snop  }
0x41: {  	[spmem:s2] =	stream.indirect.scatter.add.f32 [tilespmem:s28], [sflag:$0x4], $0x10, s0, s22, $0xb8;
	[tilespmem:$0x15358] =	vst v63  }
0x42: {  	_ =	swait.ge [sflag:s1], $0x2000  }
0x43: {  	[sflag:s1] =	ssyncset.done $0x0  }
0x44: {  	[sflag:s1] =	ssyncadd.s32 $0xFFFFE000  }
0x45: {  	_ =	swait.ge [sflag:s1], $0x2000  }
0x46: {  	[sflag:s1] =	ssyncset.done $0x0  }
0x47: {  	[sflag:s1] =	ssyncadd.s32 $0xFFFFE000  }
0x48: {  	_ =	swait.ge [sflag:s6], $0x2000  }
0x49: {  	[sflag:s6] =	ssyncset.done $0x0  }
0x4a: {  	[sflag:s6] =	ssyncadd.s32 $0xFFFFE000  }
0x4b: {  	_ =	swait.ge [sflag:s6], $0x2000  }
0x4c: {  	[sflag:s6] =	ssyncset.done $0x0;
	s11 =	rddreg [dreg:$0x5]  }
0x4d: {  	s14 =	rddreg [dreg:$0xa];
	[sflag:s6] =	ssyncadd.s32 $0xFFFFE000  }
.LBB2_8:
0x4e: {  	s5 =	rddreg [dreg:$0x3]  }
0x4f: {  	[bflag:$0x0] =	sbarrier.arrive $0xFFFF;
	s5 =	sadd.s32 s11, s5  }
0x50: {  	[hbm:s5], [sflag:s14] =	dma.local [spmem:s15], $0x186A  }
0x51: {  	_ =	swait.ge [sflag:s16], $0x186A  }
0x52: {  	s8 =	sadd.s32 $0x1, s8;
	s14 =	rddreg [dreg:$0x8]  }
0x53: {  	p1 =	sne.s32 s8, s14  }
.Ltmp1:
0x54: {  	_ = 	snop;
	(pc) =	sbr.rel @!p1 .LBB2_9-.Ltmp1, $3  }
0x55: {  	_ =	sdelay $0x1  }
0x56: {  	[sflag:s16] =	ssyncset.done $0x0  }
0x57: {  	[sflag:s16] =	ssyncadd.s32 $0xFFFFE796  }
.LBB2_1:
.Ltmp2:
0x58: {  	(pc) =	sbr.rel @!p0 .LBB2_2-.Ltmp2, $1  }
0x59: {  	_ =	sdelay $0x3  }
0x5a: {  	s5 =	rddreg [dreg:$0x7]  }
0x5b: {  	s7 =	rddreg [dreg:$0xa]  }
0x5c: {  	[spmem:s15], [sflag:s7] =	dma.local [hbm:s5], $0x186A  }
0x5d: {  	_ =	swait.ge [sflag:s16], $0x186A  }
0x5e: {  	[sflag:s16] =	ssyncset.done $0x0  }
0x5f: {  	[sflag:s16] =	ssyncadd.s32 $0xFFFFE796  }
0x60: {  	s13 =	sadd.s32 $0x0, s9;
	[bflag:$0x0] =	sbarrier.arrive $0xFFFF  }
0x61: {  	[tilespmem:s17], [sflag:$0x5] =	stream.linear.gather [hbm4b:s13+s3], $0x400, $0x38;
	[tilespmem:$0x15358] =	vst v63  }
0x62: {  	s5 =	sadd.s32 $0x80, s13  }
0x63: {  	[tilespmem:s18], [sflag:$0x5] =	stream.linear.gather [hbm4b:s5+s3], $0x400, $0x38;
	[tilespmem:$0x15358] =	vst v63  }
0x64: {  	s14 =	sadd.s32 $0x0, s10  }
0x65: {  	[tilespmem:s19], [sflag:$0x5] =	stream.linear.gather [hbm4b:s14+s3], $0x400, $0x38;
	[tilespmem:$0x15358] =	vst v63  }
0x66: {  	s5 =	sadd.s32 $0x80, s14  }
0x67: {  	[tilespmem:s20], [sflag:$0x5] =	stream.linear.gather [hbm4b:s5+s3], $0x400, $0x38;
	[tilespmem:$0x15358] =	vst v63  }
0x68: {  	_ =	swait.ge [sflag:s21], $0x400  }
0x69: {  	[sflag:s21] =	ssyncset.done $0x0  }
0x6a: {  	[sflag:s21] =	ssyncadd.s32 $0xFFFFFC00  }
0x6b: {  	_ =	swait.ge [sflag:s21], $0x400  }
0x6c: {  	[sflag:s21] =	ssyncset.done $0x0  }
0x6d: {  	[sflag:s21] =	ssyncadd.s32 $0xFFFFFC00  }
0x6e: {  	_ =	swait.ge [sflag:s21], $0x400  }
0x6f: {  	[sflag:s21] =	ssyncset.done $0x0  }
0x70: {  	[sflag:s21] =	ssyncadd.s32 $0xFFFFFC00  }
0x71: {  	_ =	swait.ge [sflag:s21], $0x400  }
0x72: {  	[sflag:s21] =	ssyncset.done $0x0  }
0x73: {  	[sflag:s21] =	ssyncadd.s32 $0xFFFFFC00  }
0x74: {  	[tilespmem:s3], [sflag:$0x1] =	stream.indirect.gather [hbm4b:s4+s22], $0x10, s17, s22, $0xb8;
	[tilespmem:$0x15358] =	vst v63  }
0x75: {  	_ = 	snop  }
0x76: {  	[tilespmem:s24], [sflag:$0x1] =	stream.indirect.gather [hbm4b:s4+s22], $0x10, s23, s22, $0xb8;
	[tilespmem:$0x15358] =	vst v63  }
0x77: {  	_ = 	snop  }
0x78: {  	[tilespmem:s25], [sflag:$0x2] =	stream.indirect.gather [hbm4b:s4+s22], $0x10, s18, s22, $0xb8;
	[tilespmem:$0x15358] =	vst v63  }
0x79: {  	_ = 	snop  }
0x7a: {  	[tilespmem:s28], [sflag:$0x2] =	stream.indirect.gather [hbm4b:s4+s22], $0x10, s26, s22, $0xb8;
	[tilespmem:$0x15358] =	vst v63  }
0x7b: {  	_ =	swait.ge [sflag:s29], $0x2000  }
0x7c: {  	[sflag:s29] =	ssyncset.done $0x0  }
0x7d: {  	[sflag:s29] =	ssyncadd.s32 $0xFFFFE000  }
0x7e: {  	_ =	swait.ge [sflag:s29], $0x2000  }
0x7f: {  	[sflag:s29] =	ssyncset.done $0x0  }
0x80: {  	[sflag:s29] =	ssyncadd.s32 $0xFFFFE000  }
0x81: {  	[spmem:s2] =	stream.indirect.scatter.add.f32 [tilespmem:s3], [sflag:$0x3], $0x10, s19, s22, $0xb8;
	[tilespmem:$0x15358] =	vst v63  }
0x82: {  	_ = 	snop  }
0x83: {  	[spmem:s2] =	stream.indirect.scatter.add.f32 [tilespmem:s24], [sflag:$0x3], $0x10, s30, s22, $0xb8;
	[tilespmem:$0x15358] =	vst v63  }
0x84: {  	_ =	swait.ge [sflag:s31], $0x2000  }
0x85: {  	[sflag:s31] =	ssyncset.done $0x0  }
0x86: {  	[sflag:s31] =	ssyncadd.s32 $0xFFFFE000  }
0x87: {  	_ =	swait.ge [sflag:s31], $0x2000  }
0x88: {  	[sflag:s31] =	ssyncset.done $0x0  }
0x89: {  	[sflag:s31] =	ssyncadd.s32 $0xFFFFE000  }
0x8a: {  	[spmem:s2] =	stream.indirect.scatter.add.f32 [tilespmem:s25], [sflag:$0x4], $0x10, s20, s22, $0xb8;
	[tilespmem:$0x15358] =	vst v63  }
0x8b: {  	_ = 	snop  }
0x8c: {  	[spmem:s2] =	stream.indirect.scatter.add.f32 [tilespmem:s28], [sflag:$0x4], $0x10, s0, s22, $0xb8;
	[tilespmem:$0x15358] =	vst v63  }
0x8d: {  	_ =	swait.ge [sflag:s1], $0x2000  }
0x8e: {  	[sflag:s1] =	ssyncset.done $0x0  }
0x8f: {  	[sflag:s1] =	ssyncadd.s32 $0xFFFFE000  }
0x90: {  	_ =	swait.ge [sflag:s1], $0x2000  }
0x91: {  	[sflag:s1] =	ssyncset.done $0x0  }
0x92: {  	[sflag:s1] =	ssyncadd.s32 $0xFFFFE000  }
0x93: {  	_ =	swait.ge [sflag:s6], $0x2000  }
0x94: {  	[sflag:s6] =	ssyncset.done $0x0  }
0x95: {  	[sflag:s6] =	ssyncadd.s32 $0xFFFFE000  }
0x96: {  	_ =	swait.ge [sflag:s6], $0x2000  }
0x97: {  	s11 =	simm.s32 $0x100;
	s12 =	simm.s32 $0x200;
	[sflag:s6] =	ssyncset.done $0x0  }
.LBB2_6:
0x98: {  	s5 =	sadd.s32 s11, s9  }
0x99: {  	[sflag:s6] =	ssyncadd.s32 $0xFFFFE000;
	s7 =	smov.u32 s12;
	s13 =	sadd.s32 $0x100, s12  }
0x9a: {  	[tilespmem:s17], [sflag:$0x5] =	stream.linear.gather [hbm4b:s5+s3], $0x400, $0x38;
	[tilespmem:$0x15358] =	vst v63  }
0x9b: {  	p1 =	sne.s32 s12, $0xC00;
	s5 =	sadd.s32 $0x80, s5  }
0x9c: {  	[tilespmem:s18], [sflag:$0x5] =	stream.linear.gather [hbm4b:s5+s3], $0x400, $0x38;
	[tilespmem:$0x15358] =	vst v63  }
0x9d: {  	s5 =	sadd.s32 s11, s10;
	s11 =	smov.u32 s7  }
0x9e: {  	[tilespmem:s19], [sflag:$0x5] =	stream.linear.gather [hbm4b:s5+s3], $0x400, $0x38;
	[tilespmem:$0x15358] =	vst v63  }
0x9f: {  	s5 =	sadd.s32 $0x80, s5  }
0xa0: {  	[tilespmem:s20], [sflag:$0x5] =	stream.linear.gather [hbm4b:s5+s3], $0x400, $0x38;
	[tilespmem:$0x15358] =	vst v63  }
0xa1: {  	_ =	swait.ge [sflag:s21], $0x400  }
0xa2: {  	[sflag:s21] =	ssyncset.done $0x0  }
0xa3: {  	[sflag:s21] =	ssyncadd.s32 $0xFFFFFC00  }
0xa4: {  	_ =	swait.ge [sflag:s21], $0x400  }
0xa5: {  	[sflag:s21] =	ssyncset.done $0x0  }
0xa6: {  	[sflag:s21] =	ssyncadd.s32 $0xFFFFFC00  }
0xa7: {  	_ =	swait.ge [sflag:s21], $0x400  }
0xa8: {  	[sflag:s21] =	ssyncset.done $0x0  }
0xa9: {  	[sflag:s21] =	ssyncadd.s32 $0xFFFFFC00  }
0xaa: {  	_ =	swait.ge [sflag:s21], $0x400  }
0xab: {  	[sflag:s21] =	ssyncset.done $0x0  }
0xac: {  	[sflag:s21] =	ssyncadd.s32 $0xFFFFFC00  }
0xad: {  	[tilespmem:s3], [sflag:$0x1] =	stream.indirect.gather [hbm4b:s4+s22], $0x10, s17, s22, $0xb8;
	[tilespmem:$0x15358] =	vst v63  }
0xae: {  	_ = 	snop  }
0xaf: {  	[tilespmem:s24], [sflag:$0x1] =	stream.indirect.gather [hbm4b:s4+s22], $0x10, s23, s22, $0xb8;
	[tilespmem:$0x15358] =	vst v63  }
0xb0: {  	_ = 	snop  }
0xb1: {  	[tilespmem:s25], [sflag:$0x2] =	stream.indirect.gather [hbm4b:s4+s22], $0x10, s18, s22, $0xb8;
	[tilespmem:$0x15358] =	vst v63  }
0xb2: {  	_ = 	snop  }
0xb3: {  	[tilespmem:s28], [sflag:$0x2] =	stream.indirect.gather [hbm4b:s4+s22], $0x10, s26, s22, $0xb8;
	[tilespmem:$0x15358] =	vst v63  }
0xb4: {  	_ =	swait.ge [sflag:s29], $0x2000  }
0xb5: {  	[sflag:s29] =	ssyncset.done $0x0  }
0xb6: {  	[sflag:s29] =	ssyncadd.s32 $0xFFFFE000  }
0xb7: {  	_ =	swait.ge [sflag:s29], $0x2000  }
0xb8: {  	[sflag:s29] =	ssyncset.done $0x0  }
0xb9: {  	[sflag:s29] =	ssyncadd.s32 $0xFFFFE000  }
0xba: {  	[spmem:s2] =	stream.indirect.scatter.add.f32 [tilespmem:s3], [sflag:$0x3], $0x10, s19, s22, $0xb8;
	[tilespmem:$0x15358] =	vst v63  }
0xbb: {  	_ = 	snop  }
0xbc: {  	[spmem:s2] =	stream.indirect.scatter.add.f32 [tilespmem:s24], [sflag:$0x3], $0x10, s30, s22, $0xb8;
	[tilespmem:$0x15358] =	vst v63  }
0xbd: {  	_ =	swait.ge [sflag:s31], $0x2000  }
0xbe: {  	[sflag:s31] =	ssyncset.done $0x0  }
0xbf: {  	[sflag:s31] =	ssyncadd.s32 $0xFFFFE000  }
0xc0: {  	_ =	swait.ge [sflag:s31], $0x2000  }
0xc1: {  	[sflag:s31] =	ssyncset.done $0x0  }
0xc2: {  	[sflag:s31] =	ssyncadd.s32 $0xFFFFE000  }
0xc3: {  	[spmem:s2] =	stream.indirect.scatter.add.f32 [tilespmem:s25], [sflag:$0x4], $0x10, s20, s22, $0xb8;
	[tilespmem:$0x15358] =	vst v63  }
0xc4: {  	_ = 	snop  }
0xc5: {  	[spmem:s2] =	stream.indirect.scatter.add.f32 [tilespmem:s28], [sflag:$0x4], $0x10, s0, s22, $0xb8;
	[tilespmem:$0x15358] =	vst v63  }
0xc6: {  	_ =	swait.ge [sflag:s1], $0x2000  }
0xc7: {  	[sflag:s1] =	ssyncset.done $0x0  }
0xc8: {  	[sflag:s1] =	ssyncadd.s32 $0xFFFFE000  }
0xc9: {  	_ =	swait.ge [sflag:s1], $0x2000  }
0xca: {  	[sflag:s1] =	ssyncset.done $0x0  }
0xcb: {  	[sflag:s1] =	ssyncadd.s32 $0xFFFFE000  }
.Ltmp3:
0xcc: {  	_ =	swait.ge [sflag:s6], $0x2000;
	(pc) =	sbr.rel @p1 .LBB2_6-.Ltmp3, $4  }
0xcd: {  	[sflag:s6] =	ssyncset.done $0x0  }
0xce: {  	[sflag:s6] =	ssyncadd.s32 $0xFFFFE000  }
0xcf: {  	_ =	swait.ge [sflag:s6], $0x2000  }
0xd0: {  	s12 =	smov.u32 s13;
	[sflag:s6] =	ssyncset.done $0x0  }
.Ltmp4:
0xd1: {  	_ = 	snop;
	(pc) =	sbr.rel .LBB2_7-.Ltmp4, $1  }
0xd2: {  	_ =	sdelay $0x3  }
.LBB2_2:
0xd3: {  	s5 =	rddreg [dreg:$0x9]  }
0xd4: {  	s12 =	rddreg [dreg:$0x6];
	s14 =	sor.u32 $0x1C06, s5  }
0xd5: {  	[spmem:s15], [sflag:s14] =	dma.local [hbm:s12], $0x186A  }
0xd6: {  	_ =	swait.ge [sflag:s16], $0x186A  }
0xd7: {  	[sflag:s16] =	ssyncset.done $0x0  }
0xd8: {  	[sflag:s16] =	ssyncadd.s32 $0xFFFFE796  }
0xd9: {  	s11 =	sadd.s32 $0x0, s9;
	[bflag:$0x0] =	sbarrier.arrive $0xFFFF  }
0xda: {  	[tilespmem:s17], [sflag:$0x5] =	stream.linear.gather [hbm4b:s11+s3], $0x400, $0x38;
	[tilespmem:$0x15358] =	vst v63  }
0xdb: {  	s11 =	sadd.s32 $0x80, s11  }
0xdc: {  	[tilespmem:s18], [sflag:$0x5] =	stream.linear.gather [hbm4b:s11+s3], $0x400, $0x38;
	[tilespmem:$0x15358] =	vst v63  }
0xdd: {  	s13 =	sadd.s32 $0x0, s10  }
0xde: {  	[tilespmem:s19], [sflag:$0x5] =	stream.linear.gather [hbm4b:s13+s3], $0x400, $0x38;
	[tilespmem:$0x15358] =	vst v63  }
0xdf: {  	s11 =	sadd.s32 $0x80, s13  }
0xe0: {  	[tilespmem:s20], [sflag:$0x5] =	stream.linear.gather [hbm4b:s11+s3], $0x400, $0x38;
	[tilespmem:$0x15358] =	vst v63  }
0xe1: {  	_ =	swait.ge [sflag:s21], $0x400  }
0xe2: {  	[sflag:s21] =	ssyncset.done $0x0  }
0xe3: {  	[sflag:s21] =	ssyncadd.s32 $0xFFFFFC00  }
0xe4: {  	_ =	swait.ge [sflag:s21], $0x400  }
0xe5: {  	[sflag:s21] =	ssyncset.done $0x0  }
0xe6: {  	[sflag:s21] =	ssyncadd.s32 $0xFFFFFC00  }
0xe7: {  	_ =	swait.ge [sflag:s21], $0x400  }
0xe8: {  	[sflag:s21] =	ssyncset.done $0x0  }
0xe9: {  	[sflag:s21] =	ssyncadd.s32 $0xFFFFFC00  }
0xea: {  	_ =	swait.ge [sflag:s21], $0x400  }
0xeb: {  	[sflag:s21] =	ssyncset.done $0x0  }
0xec: {  	[sflag:s21] =	ssyncadd.s32 $0xFFFFFC00  }
0xed: {  	[tilespmem:s3], [sflag:$0x1] =	stream.indirect.gather [hbm4b:s4+s22], $0x10, s17, s22, $0xb8;
	[tilespmem:$0x15358] =	vst v63  }
0xee: {  	_ = 	snop  }
0xef: {  	[tilespmem:s24], [sflag:$0x1] =	stream.indirect.gather [hbm4b:s4+s22], $0x10, s23, s22, $0xb8;
	[tilespmem:$0x15358] =	vst v63  }
0xf0: {  	_ = 	snop  }
0xf1: {  	[tilespmem:s25], [sflag:$0x2] =	stream.indirect.gather [hbm4b:s4+s22], $0x10, s18, s22, $0xb8;
	[tilespmem:$0x15358] =	vst v63  }
0xf2: {  	_ = 	snop  }
0xf3: {  	[tilespmem:s28], [sflag:$0x2] =	stream.indirect.gather [hbm4b:s4+s22], $0x10, s26, s22, $0xb8;
	[tilespmem:$0x15358] =	vst v63  }
0xf4: {  	_ =	swait.ge [sflag:s29], $0x2000  }
0xf5: {  	[sflag:s29] =	ssyncset.done $0x0  }
0xf6: {  	[sflag:s29] =	ssyncadd.s32 $0xFFFFE000  }
0xf7: {  	_ =	swait.ge [sflag:s29], $0x2000  }
0xf8: {  	[sflag:s29] =	ssyncset.done $0x0  }
0xf9: {  	[sflag:s29] =	ssyncadd.s32 $0xFFFFE000  }
0xfa: {  	[spmem:s2] =	stream.indirect.scatter.add.f32 [tilespmem:s3], [sflag:$0x3], $0x10, s19, s22, $0xb8;
	[tilespmem:$0x15358] =	vst v63  }
0xfb: {  	_ = 	snop  }
0xfc: {  	[spmem:s2] =	stream.indirect.scatter.add.f32 [tilespmem:s24], [sflag:$0x3], $0x10, s30, s22, $0xb8;
	[tilespmem:$0x15358] =	vst v63  }
0xfd: {  	_ =	swait.ge [sflag:s31], $0x2000  }
0xfe: {  	[sflag:s31] =	ssyncset.done $0x0  }
0xff: {  	[sflag:s31] =	ssyncadd.s32 $0xFFFFE000  }
0x100: {  	_ =	swait.ge [sflag:s31], $0x2000  }
0x101: {  	[sflag:s31] =	ssyncset.done $0x0  }
0x102: {  	[sflag:s31] =	ssyncadd.s32 $0xFFFFE000  }
0x103: {  	[spmem:s2] =	stream.indirect.scatter.add.f32 [tilespmem:s25], [sflag:$0x4], $0x10, s20, s22, $0xb8;
	[tilespmem:$0x15358] =	vst v63  }
0x104: {  	_ = 	snop  }
0x105: {  	[spmem:s2] =	stream.indirect.scatter.add.f32 [tilespmem:s28], [sflag:$0x4], $0x10, s0, s22, $0xb8;
	[tilespmem:$0x15358] =	vst v63  }
0x106: {  	_ =	swait.ge [sflag:s1], $0x2000  }
0x107: {  	[sflag:s1] =	ssyncset.done $0x0  }
0x108: {  	[sflag:s1] =	ssyncadd.s32 $0xFFFFE000  }
0x109: {  	_ =	swait.ge [sflag:s1], $0x2000  }
0x10a: {  	[sflag:s1] =	ssyncset.done $0x0  }
0x10b: {  	[sflag:s1] =	ssyncadd.s32 $0xFFFFE000  }
0x10c: {  	_ =	swait.ge [sflag:s6], $0x2000  }
0x10d: {  	[sflag:s6] =	ssyncset.done $0x0  }
0x10e: {  	[sflag:s6] =	ssyncadd.s32 $0xFFFFE000  }
0x10f: {  	_ =	swait.ge [sflag:s6], $0x2000  }
0x110: {  	s13 =	simm.s32 $0x200;
	s11 =	simm.s32 $0x100;
	[sflag:s6] =	ssyncset.done $0x0  }
.LBB2_3:
0x111: {  	s7 =	sadd.s32 s11, s9  }
0x112: {  	[sflag:s6] =	ssyncadd.s32 $0xFFFFE000;
	s5 =	smov.u32 s13;
	s12 =	sadd.s32 $0x100, s13  }
0x113: {  	[tilespmem:s17], [sflag:$0x5] =	stream.linear.gather [hbm4b:s7+s3], $0x400, $0x38;
	[tilespmem:$0x15358] =	vst v63  }
0x114: {  	p1 =	seq.s32 s13, $0xC00;
	s7 =	sadd.s32 $0x80, s7  }
0x115: {  	[tilespmem:s18], [sflag:$0x5] =	stream.linear.gather [hbm4b:s7+s3], $0x400, $0x38;
	[tilespmem:$0x15358] =	vst v63  }
0x116: {  	s7 =	sadd.s32 s11, s10;
	s11 =	smov.u32 s5  }
0x117: {  	[tilespmem:s19], [sflag:$0x5] =	stream.linear.gather [hbm4b:s7+s3], $0x400, $0x38;
	[tilespmem:$0x15358] =	vst v63  }
0x118: {  	s5 =	sadd.s32 $0x80, s7  }
0x119: {  	[tilespmem:s20], [sflag:$0x5] =	stream.linear.gather [hbm4b:s5+s3], $0x400, $0x38;
	[tilespmem:$0x15358] =	vst v63  }
0x11a: {  	_ =	swait.ge [sflag:s21], $0x400  }
0x11b: {  	[sflag:s21] =	ssyncset.done $0x0  }
0x11c: {  	[sflag:s21] =	ssyncadd.s32 $0xFFFFFC00  }
0x11d: {  	_ =	swait.ge [sflag:s21], $0x400  }
0x11e: {  	[sflag:s21] =	ssyncset.done $0x0  }
0x11f: {  	[sflag:s21] =	ssyncadd.s32 $0xFFFFFC00  }
0x120: {  	_ =	swait.ge [sflag:s21], $0x400  }
0x121: {  	[sflag:s21] =	ssyncset.done $0x0  }
0x122: {  	[sflag:s21] =	ssyncadd.s32 $0xFFFFFC00  }
0x123: {  	_ =	swait.ge [sflag:s21], $0x400  }
0x124: {  	[sflag:s21] =	ssyncset.done $0x0  }
0x125: {  	[sflag:s21] =	ssyncadd.s32 $0xFFFFFC00  }
0x126: {  	[tilespmem:s3], [sflag:$0x1] =	stream.indirect.gather [hbm4b:s4+s22], $0x10, s17, s22, $0xb8;
	[tilespmem:$0x15358] =	vst v63  }
0x127: {  	_ = 	snop  }
0x128: {  	[tilespmem:s24], [sflag:$0x1] =	stream.indirect.gather [hbm4b:s4+s22], $0x10, s23, s22, $0xb8;
	[tilespmem:$0x15358] =	vst v63  }
0x129: {  	_ = 	snop  }
0x12a: {  	[tilespmem:s25], [sflag:$0x2] =	stream.indirect.gather [hbm4b:s4+s22], $0x10, s18, s22, $0xb8;
	[tilespmem:$0x15358] =	vst v63  }
0x12b: {  	_ = 	snop  }
0x12c: {  	[tilespmem:s28], [sflag:$0x2] =	stream.indirect.gather [hbm4b:s4+s22], $0x10, s26, s22, $0xb8;
	[tilespmem:$0x15358] =	vst v63  }
0x12d: {  	_ =	swait.ge [sflag:s29], $0x2000  }
0x12e: {  	[sflag:s29] =	ssyncset.done $0x0  }
0x12f: {  	[sflag:s29] =	ssyncadd.s32 $0xFFFFE000  }
0x130: {  	_ =	swait.ge [sflag:s29], $0x2000  }
0x131: {  	[sflag:s29] =	ssyncset.done $0x0  }
0x132: {  	[sflag:s29] =	ssyncadd.s32 $0xFFFFE000  }
0x133: {  	[spmem:s2] =	stream.indirect.scatter.add.f32 [tilespmem:s3], [sflag:$0x3], $0x10, s19, s22, $0xb8;
	[tilespmem:$0x15358] =	vst v63  }
0x134: {  	_ = 	snop  }
0x135: {  	[spmem:s2] =	stream.indirect.scatter.add.f32 [tilespmem:s24], [sflag:$0x3], $0x10, s30, s22, $0xb8;
	[tilespmem:$0x15358] =	vst v63  }
0x136: {  	_ =	swait.ge [sflag:s31], $0x2000  }
0x137: {  	[sflag:s31] =	ssyncset.done $0x0  }
0x138: {  	[sflag:s31] =	ssyncadd.s32 $0xFFFFE000  }
0x139: {  	_ =	swait.ge [sflag:s31], $0x2000  }
0x13a: {  	[sflag:s31] =	ssyncset.done $0x0  }
0x13b: {  	[sflag:s31] =	ssyncadd.s32 $0xFFFFE000  }
0x13c: {  	[spmem:s2] =	stream.indirect.scatter.add.f32 [tilespmem:s25], [sflag:$0x4], $0x10, s20, s22, $0xb8;
	[tilespmem:$0x15358] =	vst v63  }
0x13d: {  	_ = 	snop  }
0x13e: {  	[spmem:s2] =	stream.indirect.scatter.add.f32 [tilespmem:s28], [sflag:$0x4], $0x10, s0, s22, $0xb8;
	[tilespmem:$0x15358] =	vst v63  }
0x13f: {  	_ =	swait.ge [sflag:s1], $0x2000  }
0x140: {  	[sflag:s1] =	ssyncset.done $0x0  }
0x141: {  	[sflag:s1] =	ssyncadd.s32 $0xFFFFE000  }
0x142: {  	_ =	swait.ge [sflag:s1], $0x2000  }
0x143: {  	[sflag:s1] =	ssyncset.done $0x0  }
0x144: {  	[sflag:s1] =	ssyncadd.s32 $0xFFFFE000  }
.Ltmp5:
0x145: {  	_ =	swait.ge [sflag:s6], $0x2000;
	(pc) =	sbr.rel @!p1 .LBB2_3-.Ltmp5, $4  }
0x146: {  	[sflag:s6] =	ssyncset.done $0x0  }
0x147: {  	[sflag:s6] =	ssyncadd.s32 $0xFFFFE000  }
0x148: {  	_ =	swait.ge [sflag:s6], $0x2000  }
0x149: {  	s13 =	smov.u32 s12;
	[sflag:s6] =	ssyncset.done $0x0  }
0x14a: {  	s5 =	sadd.s32 s11, s9;
	[sflag:s6] =	ssyncadd.s32 $0xFFFFE000  }
0x14b: {  	[tilespmem:s17], [sflag:$0x5] =	stream.linear.gather [hbm4b:s5+s3], $0x400, $0x38;
	[tilespmem:$0x15358] =	vst v63  }
0x14c: {  	s5 =	sadd.s32 $0x80, s5  }
0x14d: {  	[tilespmem:s18], [sflag:$0x5] =	stream.linear.gather [hbm4b:s5+s3], $0x400, $0x38;
	[tilespmem:$0x15358] =	vst v63  }
0x14e: {  	s13 =	sadd.s32 s11, s10  }
0x14f: {  	[tilespmem:s19], [sflag:$0x5] =	stream.linear.gather [hbm4b:s13+s3], $0x400, $0x38;
	[tilespmem:$0x15358] =	vst v63  }
0x150: {  	s5 =	sadd.s32 $0x80, s13  }
0x151: {  	[tilespmem:s20], [sflag:$0x5] =	stream.linear.gather [hbm4b:s5+s3], $0x400, $0x38;
	[tilespmem:$0x15358] =	vst v63  }
0x152: {  	_ =	swait.ge [sflag:s21], $0x400  }
0x153: {  	[sflag:s21] =	ssyncset.done $0x0  }
0x154: {  	[sflag:s21] =	ssyncadd.s32 $0xFFFFFC00  }
0x155: {  	_ =	swait.ge [sflag:s21], $0x400  }
0x156: {  	[sflag:s21] =	ssyncset.done $0x0  }
0x157: {  	[sflag:s21] =	ssyncadd.s32 $0xFFFFFC00  }
0x158: {  	_ =	swait.ge [sflag:s21], $0x400  }
0x159: {  	[sflag:s21] =	ssyncset.done $0x0  }
0x15a: {  	[sflag:s21] =	ssyncadd.s32 $0xFFFFFC00  }
0x15b: {  	_ =	swait.ge [sflag:s21], $0x400  }
0x15c: {  	[sflag:s21] =	ssyncset.done $0x0  }
0x15d: {  	[sflag:s21] =	ssyncadd.s32 $0xFFFFFC00  }
0x15e: {  	[tilespmem:s3], [sflag:$0x1] =	stream.indirect.gather [hbm4b:s4+s22], $0x10, s17, s22, $0xb8;
	[tilespmem:$0x15358] =	vst v63  }
0x15f: {  	_ = 	snop  }
0x160: {  	[tilespmem:s24], [sflag:$0x1] =	stream.indirect.gather [hbm4b:s4+s22], $0x10, s23, s22, $0xb8;
	[tilespmem:$0x15358] =	vst v63  }
0x161: {  	_ = 	snop  }
0x162: {  	[tilespmem:s25], [sflag:$0x2] =	stream.indirect.gather [hbm4b:s4+s22], $0x10, s18, s22, $0xb8;
	[tilespmem:$0x15358] =	vst v63  }
0x163: {  	_ = 	snop  }
0x164: {  	[tilespmem:s28], [sflag:$0x2] =	stream.indirect.gather [hbm4b:s4+s22], $0x10, s26, s22, $0xb8;
	[tilespmem:$0x15358] =	vst v63  }
0x165: {  	_ =	swait.ge [sflag:s29], $0x2000  }
0x166: {  	[sflag:s29] =	ssyncset.done $0x0  }
0x167: {  	[sflag:s29] =	ssyncadd.s32 $0xFFFFE000  }
0x168: {  	_ =	swait.ge [sflag:s29], $0x2000  }
0x169: {  	[sflag:s29] =	ssyncset.done $0x0  }
0x16a: {  	[sflag:s29] =	ssyncadd.s32 $0xFFFFE000  }
0x16b: {  	[spmem:s2] =	stream.indirect.scatter.add.f32 [tilespmem:s3], [sflag:$0x3], $0x10, s19, s22, $0xb8;
	[tilespmem:$0x15358] =	vst v63  }
0x16c: {  	_ = 	snop  }
0x16d: {  	[spmem:s2] =	stream.indirect.scatter.add.f32 [tilespmem:s24], [sflag:$0x3], $0x10, s30, s22, $0xb8;
	[tilespmem:$0x15358] =	vst v63  }
0x16e: {  	_ =	swait.ge [sflag:s31], $0x2000  }
0x16f: {  	[sflag:s31] =	ssyncset.done $0x0  }
0x170: {  	[sflag:s31] =	ssyncadd.s32 $0xFFFFE000  }
0x171: {  	_ =	swait.ge [sflag:s31], $0x2000  }
0x172: {  	[sflag:s31] =	ssyncset.done $0x0  }
0x173: {  	[sflag:s31] =	ssyncadd.s32 $0xFFFFE000  }
0x174: {  	[spmem:s2] =	stream.indirect.scatter.add.f32 [tilespmem:s25], [sflag:$0x4], $0x10, s20, s22, $0xb8;
	[tilespmem:$0x15358] =	vst v63  }
0x175: {  	_ = 	snop  }
0x176: {  	[spmem:s2] =	stream.indirect.scatter.add.f32 [tilespmem:s28], [sflag:$0x4], $0x10, s0, s22, $0xb8;
	[tilespmem:$0x15358] =	vst v63  }
0x177: {  	_ =	swait.ge [sflag:s1], $0x2000  }
0x178: {  	[sflag:s1] =	ssyncset.done $0x0  }
0x179: {  	[sflag:s1] =	ssyncadd.s32 $0xFFFFE000  }
0x17a: {  	_ =	swait.ge [sflag:s1], $0x2000  }
0x17b: {  	[sflag:s1] =	ssyncset.done $0x0  }
0x17c: {  	[sflag:s1] =	ssyncadd.s32 $0xFFFFE000  }
0x17d: {  	_ =	swait.ge [sflag:s6], $0x2000  }
.Ltmp6:
0x17e: {  	[sflag:s6] =	ssyncset.done $0x0;
	(pc) =	sbr.rel .LBB2_8-.Ltmp6, $4  }
0x17f: {  	[sflag:s6] =	ssyncadd.s32 $0xFFFFE000  }
0x180: {  	_ =	swait.ge [sflag:s6], $0x2000  }
0x181: {  	[sflag:s6] =	ssyncset.done $0x0  }
0x182: {  	s11 =	rddreg [dreg:$0x4];
	[sflag:s6] =	ssyncadd.s32 $0xFFFFE000  }
.LBB2_9:
0x183: {  	_ =	sfence.sel $0x180000  }
0x184: {  	[bflag:$0x0] =	sbarrier.arrive $0xFFFF  }
0x185: {  	_ =	strace $0x90000047  }
0x186: {  	s0 =	stileid.u32;
	[bflag:$0x2] =	sbarrier.arrive $0xFFFF  }
0x187: {  	p0 =	sne.s32 s0, $0x0;
	s0 =	rddreg [dreg:$0x2]  }
0x188: {  	s0 =	sadd.s32 @!p0 $0x100000, s0  }
0x189: {  	[sflag:s0] =	ssyncadd.tile.s32 @!p0 $0x1;
	_ =	shalt  }
.Lfunc_end2:
_tile_overlayer_lowered:
.L_overlay_start_2:
0x18a: {  	(tag) =	ssettag $0x2  }
0x18b: {  	s0 =	rddreg [dreg:$0x0];
	s2 =	stileid.u32  }
0x18c: {  	s1 =	rddreg [dreg:$0x1];
	p0 =	sne.s32 s2, $0x0  }
0x18d: {  	s3 =	rddreg [dreg:$0x2];
	[bflag:$0x3] =	sbarrier.arrive $0xFFFF;
	s2 =	simm.s32 @!p0 $0x1C06  }
0x18e: {  	[timem:s3], [sflag:s2] =	dma.local @!p0 [hbm:s0], s1  }
0x18f: {  	s0 =	simm.s32 @!p0 $0x6  }
0x190: {  	_ =	swait.ge @!p0 [sflag:s0], s1  }
0x191: {  	s1 =	ssub.s32 @!p0 $0x0, s1;
	[sflag:s0] =	ssyncset.done @!p0 $0x0  }
0x192: {  	[sflag:s0] =	ssyncadd.s32 @!p0 s1  }
0x193: {  	[bflag:$0x3] =	sbarrier.arrive $0xFFFF  }
0x194: {  	_ =	shalt  }

// kernel: kernel.14.cloned.1.call-start
scs
__scs_entry_jumppad:
0x0: {  	(pc) =	sbr.rel $0x88, $3  }
0x1: {  	(tag) =	ssettag $0x0;
	lr =	simm.s32 $0x1  }
0x2: {  	[smem:$0x3F8A] =	sst lr;
	_ =	strace $0xD0000000  }
0x3: {  	_ = 	snop  }
0x4: {  	_ = 	snop  }
0x5: {  	_ = 	snop  }
0x6: {  	_ = 	snop  }
0x7: {  	_ = 	snop  }
__scs_overlays_trampoline_lowered:
0x8: {  	[smem:$0x3F99] =	sst s0  }
0x9: {  	[smem:$0x3F9A] =	sst s1  }
0xa: {  	[smem:$0x3F9B] =	sst s2  }
0xb: {  	[smem:$0x3F9C] =	sst s3  }
0xc: {  	[smem:$0x3F9D] =	sst s4  }
0xd: {  	[smem:$0x3F9E] =	sst s5  }
0xe: {  	[smem:$0x3F9F] =	sst s6  }
0xf: {  	[smem:$0x3FA0] =	sst s7  }
0x10: {  	[smem:$0x3FA1] =	sst s8  }
0x11: {  	[smem:$0x3FA2] =	sst s9;
	s0 =	simm.s32 @!p0 $0x0  }
0x12: {  	s1 =	sld [smem:$0x3F88];
	s0 =	simm.s32 @p0 $0x1  }
0x13: {  	[smem:$0x3FA3] =	sst s0;
	s0 =	simm.s32 @!p1 $0x0  }
0x14: {  	s2 =	sld [smem:$0x3F87];
	s0 =	simm.s32 @p1 $0x1  }
0x15: {  	[smem:$0x3FA4] =	sst s0;
	s0 =	simm.s32 @!p2 $0x0  }
0x16: {  	s3 =	sld [smem:$0x3FDB];
	s0 =	simm.s32 @p2 $0x1  }
0x17: {  	s4 =	simm.s32 $0x1BF5;
	[smem:$0x3FA6] =	sst s0  }
0x18: {  	s0 =	sld [smem:$0x3F89];
	_ =	swait.ge [sflag:s4], $0x0  }
0x19: {  	s7 =	sld [smem:$0x3F8A]  }
0x1a: {  	s8 =	sadd.s32 $0xFFFFE003, lr  }
0x1b: {  	s9 =	sadd.s32 $0xFFFFFEF7, lr;
	s5 =	simm.s32 $0xFFFFFFFF;
	p2 =	slt.u32 s8, $0xFFFFF086  }
0x1c: {  	p1 =	slt.u32 s9, $0xF7A;
	s5 =	simm.s32 @!p2 $0x0  }
0x1d: {  	s5 =	simm.s32 @p1 $0x1;
	p0 =	seq.s32 s7, s2  }
0x1e: {  	s7 =	smul.u32 @!p0 $0xF7A, s2;
	p2 =	seq.s32 @!p0 s5, $0x0  }
0x1f: {  	s9 =	smul.u32 $0xF7A, s1;
	s8 =	simm.s32 @!p0 $0x1BF5;
	p2 =	por !p2, p0  }
0x20: {  	[sflag:s8] =	ssyncset.s32 @!p0 $0xFFFFF086;
	s6 =	sadd.s32 @!p0 s3, s7;
	s7 =	simm.s32 @!p0 $0x108  }
0x21: {  	s3 =	sadd.s32 s3, s9;
	s6 =	sadd.s32 @!p0 $0x88, s6;
	s7 =	simm.s32 @p2 $0x1082  }
0x22: {  	[simem:s7], [sflag:s8] =	dma.local @!p0 [hbm:s6], $0xF7A  }
0x23: {  	s9 =	sor.u32 $0xD0000000, s2;
	s6 =	simm.s32 $0x108;
	_ =	swait.ge @!p0 [sflag:s8], $0x0  }
0x24: {  	s3 =	sadd.s32 $0x88, s3;
	s6 =	simm.s32 @!p1 $0x1082;
	[sflag:s4] =	ssyncset.s32 $0xFFFFF086  }
0x25: {  	[simem:s6], [sflag:s4] =	dma.local [hbm:s3], $0xF7A  }
0x26: {  	[smem:$0x3F8A] =	sst s1;
	(tag) =	ssettag s2;
	_ =	strace s9  }
0x27: {  	s1 =	sld [smem:$0x3F9A]  }
0x28: {  	s2 =	sld [smem:$0x3F9B]  }
0x29: {  	s4 =	sld [smem:$0x3F9D]  }
0x2a: {  	p0 =	seq.s32 s5, $0x0;
	s5 =	sld [smem:$0x3F9E]  }
0x2b: {  	s6 =	sld [smem:$0x3F9F]  }
0x2c: {  	s7 =	sld [smem:$0x3FA0]  }
0x2d: {  	s3 =	simm.s32 $0x108;
	s8 =	sld [smem:$0x3FA1]  }
0x2e: {  	s3 =	simm.s32 @!p0 $0x1082;
	s9 =	sld [smem:$0x3FA2]  }
0x2f: {  	lr =	sadd.s32 s0, s3;
	s0 =	sld [smem:$0x3F99]  }
0x30: {  	s3 =	sld [smem:$0x3F9C]  }
0x31: {  	[smem:$0x3FA5] =	sst s10  }
0x32: {  	s10 =	sld [smem:$0x3FA3];
	_ =	sdelay $0x3  }
0x33: {  	p0 =	seq.s32 s10, $0x1;
	s10 =	sld [smem:$0x3FA5];
	_ =	sdelay $0x3  }
0x34: {  	[smem:$0x3FA5] =	sst s10  }
0x35: {  	s10 =	sld [smem:$0x3FA4];
	_ =	sdelay $0x3  }
0x36: {  	p1 =	seq.s32 s10, $0x1;
	s10 =	sld [smem:$0x3FA5];
	_ =	sdelay $0x3  }
0x37: {  	[smem:$0x3FA5] =	sst s10  }
0x38: {  	s10 =	sld [smem:$0x3FA6]  }
0x39: {  	_ = 	snop;
	(pc) =	sbr.ind lr, $3  }
0x3a: {  	_ = 	snop  }
0x3b: {  	_ = 	snop  }
0x3c: {  	p2 =	seq.s32 s10, $0x1;
	s10 =	sld [smem:$0x3FA5]  }
0x3d: {  	_ =	shalt  }
0x3e: {  	_ =	shalt  }
0x3f: {  	_ =	shalt  }
0x40: {  	_ =	shalt  }
0x41: {  	_ =	shalt  }
0x42: {  	_ =	shalt  }
0x43: {  	_ =	shalt  }
0x44: {  	_ =	shalt  }
0x45: {  	_ =	shalt  }
0x46: {  	_ =	shalt  }
0x47: {  	_ =	shalt  }
0x48: {  	_ =	shalt  }
0x49: {  	_ =	shalt  }
0x4a: {  	_ =	shalt  }
0x4b: {  	_ =	shalt  }
0x4c: {  	_ =	shalt  }
0x4d: {  	_ =	shalt  }
0x4e: {  	_ =	shalt  }
0x4f: {  	_ =	shalt  }
0x50: {  	_ =	shalt  }
0x51: {  	_ =	shalt  }
0x52: {  	_ =	shalt  }
0x53: {  	_ =	shalt  }
0x54: {  	_ =	shalt  }
0x55: {  	_ =	shalt  }
0x56: {  	_ =	shalt  }
0x57: {  	_ =	shalt  }
0x58: {  	_ =	shalt  }
0x59: {  	_ =	shalt  }
0x5a: {  	_ =	shalt  }
0x5b: {  	_ =	shalt  }
0x5c: {  	_ =	shalt  }
0x5d: {  	_ =	shalt  }
0x5e: {  	_ =	shalt  }
0x5f: {  	_ =	shalt  }
0x60: {  	_ =	shalt  }
0x61: {  	_ =	shalt  }
0x62: {  	_ =	shalt  }
0x63: {  	_ =	shalt  }
0x64: {  	_ =	shalt  }
0x65: {  	_ =	shalt  }
0x66: {  	_ =	shalt  }
0x67: {  	_ =	shalt  }
0x68: {  	_ =	shalt  }
0x69: {  	_ =	shalt  }
0x6a: {  	_ =	shalt  }
0x6b: {  	_ =	shalt  }
0x6c: {  	_ =	shalt  }
0x6d: {  	_ =	shalt  }
0x6e: {  	_ =	shalt  }
0x6f: {  	_ =	shalt  }
0x70: {  	_ =	shalt  }
0x71: {  	_ =	shalt  }
0x72: {  	_ =	shalt  }
0x73: {  	_ =	shalt  }
0x74: {  	_ =	shalt  }
0x75: {  	_ =	shalt  }
0x76: {  	_ =	shalt  }
0x77: {  	_ =	shalt  }
0x78: {  	_ =	shalt  }
0x79: {  	_ =	shalt  }
0x7a: {  	_ =	shalt  }
0x7b: {  	_ =	shalt  }
0x7c: {  	_ =	shalt  }
0x7d: {  	_ =	shalt  }
0x7e: {  	_ =	shalt  }
0x7f: {  	_ =	shalt  }
0x80: {  	_ =	shalt  }
0x81: {  	_ =	shalt  }
0x82: {  	_ =	shalt  }
0x83: {  	_ =	shalt  }
0x84: {  	_ =	shalt  }
0x85: {  	_ =	shalt  }
0x86: {  	_ =	shalt  }
0x87: {  	_ =	shalt  }
.Lfunc_end0:
.L_simem_size_0:
called_computation.1_lowered:
.L_overlay_start_0:
0x88: {  	s2 =	sld [smem:$0x3FD9]  }
0x89: {  	s3 =	sld [smem:$0x3FFE];
	_ =	sdelay $0x1  }
0x8a: {  	s1 =	srdreg.scid  }
0x8b: {  	s0 =	sand.u32 $0x1, s1  }
0x8c: {  	s16 =	sshll.u32 s0, $0xA;
	s2 =	sadd.s32 s3, s2  }
0x8d: {  	s2 =	sadd.s32 s2, s16  }
0x8e: {  	[smem:$0x3FB1] =	sst s2  }
0x8f: {  	_ = 	snop  }
0x90: {  	(tm) =	ssettm $0x1  }
0x91: {  	s17 =	sld [smem:$0x3FFB];
	_ =	sdelay $0x3  }
0x92: {  	_ =	strace s17  }
0x93: {  	s2 =	sld [smem:$0x3FFC];
	_ =	sdelay $0x3  }
0x94: {  	_ =	strace s2  }
0x95: {  	s2 =	sld [smem:$0x3FFD];
	_ =	sdelay $0x3  }
0x96: {  	_ =	strace s2  }
0x97: {  	_ =	strace $0x8FFFFFFF  }
0x98: {  	s18 =	sld [smem:$0x3FDB];
	_ =	sdelay $0x1  }
0x99: {  	s19 =	simm.s32 $_scs_section_size  }
0x9a: {  	s4 =	simm.s32 $_size__tile_overlayer_lowered;
	s5 =	simm.s32 $_tile_overlayer_lowered  }
0x9b: {  	s22 =	simm.s32 $0x1BFF;
	s21 =	sshll.u32 s5, $0x1;
	s2 =	sadd.s32 s19, s18  }
0x9c: {  	s6 =	simm.s32 $0x0;
	s20 =	sshll.u32 s4, $0x1;
	s4 =	sadd.s32 s21, s2  }
0x9d: {  	[timem:s6], [sflag:s22] =	dma.local [hbm:s4], s20  }
0x9e: {  	_ =	swait.ge [sflag:s22], s20  }
0x9f: {  	s3 =	ssub.s32 $0x0, s20;
	[sflag:s22] =	ssyncset.done $0x0  }
0xa0: {  	[sflag:s22] =	ssyncadd.s32 s3;
	_ =	sdelay $0x1  }
0xa1: {  	s23 =	simm.s32 $0x1B8B  }
0xa2: {  	_ =	swait.ge [sflag:s23], $0x1  }
0xa3: {  	[sflag:s23] =	ssyncset.done $0x0  }
0xa4: {  	s25 =	simm.s32 $0x1B8E;
	s24 =	sld [smem:$0x3FFE];
	[sflag:s23] =	ssyncadd.s32 $0xFFFFFFFF  }
0xa5: {  	s26 =	simm.s32 $execute0_lowered;
	[smem:$0x3FD2] =	sst s25  }
0xa6: {  	s4 =	sshll.u32 s26, $0x1;
	_ =	strace $0x80000049;
	[dreg:$0x1] =	wrdreg $0xFFFFFFFF  }
0xa7: {  	s28 =	simm.s32 $_size_execute0_lowered;
	s2 =	sadd.s32 s2, s4;
	[dreg:$0x0] =	wrdreg $0x0  }
0xa8: {  	s4 =	sshll.u32 s28, $0x1;
	[dreg:$0x2] =	wrdreg s2  }
0xa9: {  	[dreg:$0x3] =	wrdreg s4  }
0xaa: {  	[dreg:$0x4] =	wrdreg $0xC0  }
0xab: {  	_ =	task [dreg:s6], $0x5FFFF  }
0xac: {  	[dreg:$0x1] =	wrdreg $0xFFFFFFFF  }
0xad: {  	[dreg:$0x0] =	wrdreg $0x60  }
0xae: {  	[dreg:$0x2] =	wrdreg s24  }
0xaf: {  	[dreg:$0x3] =	wrdreg $0x90000  }
0xb0: {  	[dreg:$0x4] =	wrdreg $0x9  }
0xb1: {  	_ =	task.clear_ibuf [dreg:s6], $0x5FFFF;
	_ =	strace $0x90000049  }
0xb2: {  	s29 =	simm.s32 $0x9;
	_ =	strace $0x8000004B  }
0xb3: {  	_ =	swait.ge [sflag:s29], $0x1  }
0xb4: {  	[sflag:s29] =	ssyncadd.s32 $0xFFFFFFFF  }
0xb5: {  	_ =	strace $0x9000004B  }
0xb6: {  	_ =	sfence  }
0xb7: {  	s30 =	sld [smem:$0x0];
	_ =	sdelay $0x2  }
0xb8: {  	s31 =	sshll.u32 s1, $0xD;
	s1 =	sshrl.u32 s1, $0x2  }
0xb9: {  	s3 =	sand.u32 $0x4000, s31;
	s1 =	sadd.s32 s1, s30  }
0xba: {  	s0 =	sor.u32 s3, s0;
	s1 =	sshll.u32 s1, $0x11  }
0xbb: {  	s0 =	sor.u32 s1, s0  }
0xbc: {  	s0 =	sadd.s32 $0x8F2B, s0  }
0xbd: {  	[sflag:s0] =	ssyncadd.remote.s32 $0x1  }
0xbe: {  	_ =	sfence.sel $0xFFFF  }
0xbf: {  	[dreg:$0x0] =	wrdreg $0xFFFFFFFF;
	(pc) =	sbr.abs _section_cstart, $3  }
0xc0: {  	[dreg:$0x1] =	wrdreg $0xFFFFFFFF  }
0xc1: {  	_ =	task.clear_ibuf [dreg:s6], $0x2FFFF;
	_ =	strace $0x9FFFFFFF  }
0xc2: {  	(tm) =	ssettm $0x7FFFFFFF  }
0xc3: {  	_ =	shalt  }
tec
execute0_lowered:
.L_overlay_start_1:
0x0: {  	(tag) =	ssettag $0x1  }
0x1: {  	s0 =	rddreg [dreg:$0x0]  }
0x2: {  	s1 =	rddreg [dreg:$0x1];
	s3 =	simm.s32 $0x0;
	s2 =	srdreg.scid  }
0x3: {  	s7 =	stileid.u32;
	s13 =	simm.s32 $0x6;
	s14 =	simm.s32 $0x8000  }
0x4: {  	s15 =	simm.s32 $0x8400;
	s16 =	simm.s32 $0x8800;
	s17 =	simm.s32 $0x8C00  }
0x5: {  	s18 =	simm.s32 $0x5;
	s19 =	simm.s32 $0x200;
	s20 =	simm.s32 $0x8200  }
0x6: {  	s21 =	simm.s32 $0x2000;
	s28 =	simm.s32 $0x2;
	s29 =	simm.s32 $0x8E00  }
0x7: {  	s30 =	simm.s32 $0x3;
	s31 =	simm.s32 $0x4;
	[smem:$0x7FF] =	sst s3  }
0x8: {  	s4 =	sand.u32 $0x1, s2;
	s22 =	smul.u32 $0x1900, s7;
	s5 =	sadd.s32 $0xCAE00, s0  }
0x9: {  	s6 =	smul.u32 $0xC350, s7;
	_ =	strace $0x8000004A;
	[dreg:$0x3] =	wrdreg s4  }
0xa: {  	s26 =	sshll.u32 s7, $0x6;
	s4 =	ssub.s32 $0x2, s4;
	[dreg:$0x4] =	wrdreg s5  }
0xb: {  	s23 =	sshrl.u32 s4, $0x1;
	s2 =	sadd.s32 s22, s0;
	s0 =	sadd.s32 $0x18E400, s0  }
0xc: {  	s25 =	sadd.s32 s6, s1;
	s5 =	sshrl.u32 s6, $0x3;
	s6 =	sor.u32 $0x1C06, s26  }
0xd: {  	s22 =	simm.s32 $0x4000;
	s26 =	simm.s32 $0x8A00;
	[dreg:$0x5] =	wrdreg s0  }
0xe: {  	s24 =	ssub.s32 s4, s23;
	s8 =	sadd.s32 $0xB1E00, s2;
	s9 =	sadd.s32 $0x98E00, s2  }
0xf: {  	s7 =	sshrl.u32 s25, $0x3;
	s23 =	simm.s32 $0x8600;
	[dreg:$0x7] =	wrdreg s6  }
0x10: {  	s25 =	simm.s32 $0x1;
	s0 =	smax.u32 s24, $0x1;
	[dreg:$0x8] =	wrdreg s7  }
0x11: {  	s2 =	simm.s32 $0x0;
	s24 =	simm.s32 $0x6000;
	[dreg:$0x6] =	wrdreg s0  }
.LBB2_1:
0x12: {  	[dreg:$0x9] =	wrdreg s2;
	s2 =	simm.s32 $0x0  }
.LBB2_2:
0x13: {  	s0 =	sshll.u32 s2, $0x1;
	s4 =	rddreg [dreg:$0x3]  }
0x14: {  	s0 =	sor.u32 s4, s0  }
0x15: {  	s10 =	smul.u32 $0x186A0, s0  }
0x16: {  	s4 =	rddreg [dreg:$0x4]  }
0x17: {  	s0 =	sadd.s32 s4, s10  }
0x18: {  	s12 =	smov.u32 s5;
	s5 =	sadd.s32 s5, s0  }
0x19: {  	[spmem:s7], [sflag:s6] =	dma.local [hbm:s5], $0x186A  }
0x1a: {  	_ =	swait.ge [sflag:s13], $0x186A  }
0x1b: {  	[sflag:s13] =	ssyncset.done $0x0  }
0x1c: {  	[sflag:s13] =	ssyncadd.s32 $0xFFFFE796  }
0x1d: {  	s7 =	sadd.s32 $0x0, s8;
	[bflag:$0x0] =	sbarrier.arrive $0xFFFF  }
0x1e: {  	[tilespmem:s14], [sflag:$0x5] =	stream.linear.gather [hbm4b:s7+s3], $0x400, $0x38;
	[tilespmem:$0x15358] =	vst v63  }
0x1f: {  	s4 =	sadd.s32 $0x80, s7  }
0x20: {  	[tilespmem:s15], [sflag:$0x5] =	stream.linear.gather [hbm4b:s4+s3], $0x400, $0x38;
	[tilespmem:$0x15358] =	vst v63  }
0x21: {  	s11 =	sadd.s32 $0x0, s9  }
0x22: {  	[tilespmem:s16], [sflag:$0x5] =	stream.linear.gather [hbm4b:s11+s3], $0x400, $0x38;
	[tilespmem:$0x15358] =	vst v63  }
0x23: {  	s4 =	sadd.s32 $0x80, s11  }
0x24: {  	[tilespmem:s17], [sflag:$0x5] =	stream.linear.gather [hbm4b:s4+s3], $0x400, $0x38;
	[tilespmem:$0x15358] =	vst v63  }
0x25: {  	_ =	swait.ge [sflag:s18], $0x400  }
0x26: {  	[sflag:s18] =	ssyncset.done $0x0  }
0x27: {  	[sflag:s18] =	ssyncadd.s32 $0xFFFFFC00  }
0x28: {  	_ =	swait.ge [sflag:s18], $0x400  }
0x29: {  	[sflag:s18] =	ssyncset.done $0x0  }
0x2a: {  	[sflag:s18] =	ssyncadd.s32 $0xFFFFFC00  }
0x2b: {  	_ =	swait.ge [sflag:s18], $0x400  }
0x2c: {  	[sflag:s18] =	ssyncset.done $0x0  }
0x2d: {  	[sflag:s18] =	ssyncadd.s32 $0xFFFFFC00  }
0x2e: {  	_ =	swait.ge [sflag:s18], $0x400  }
0x2f: {  	[sflag:s18] =	ssyncset.done $0x0  }
0x30: {  	[sflag:s18] =	ssyncadd.s32 $0xFFFFFC00  }
0x31: {  	[tilespmem:s3], [sflag:$0x1] =	stream.indirect.gather [hbm4b:s0+s19], $0x10, s14, s19, $0xb8;
	[tilespmem:$0x15358] =	vst v63  }
0x32: {  	_ = 	snop  }
0x33: {  	[tilespmem:s21], [sflag:$0x1] =	stream.indirect.gather [hbm4b:s0+s19], $0x10, s20, s19, $0xb8;
	[tilespmem:$0x15358] =	vst v63  }
0x34: {  	_ = 	snop  }
0x35: {  	[tilespmem:s22], [sflag:$0x2] =	stream.indirect.gather [hbm4b:s0+s19], $0x10, s15, s19, $0xb8;
	[tilespmem:$0x15358] =	vst v63  }
0x36: {  	_ = 	snop  }
0x37: {  	[tilespmem:s24], [sflag:$0x2] =	stream.indirect.gather [hbm4b:s0+s19], $0x10, s23, s19, $0xb8;
	[tilespmem:$0x15358] =	vst v63  }
0x38: {  	_ =	swait.ge [sflag:s25], $0x2000  }
0x39: {  	[sflag:s25] =	ssyncset.done $0x0  }
0x3a: {  	[sflag:s25] =	ssyncadd.s32 $0xFFFFE000  }
0x3b: {  	_ =	swait.ge [sflag:s25], $0x2000  }
0x3c: {  	[sflag:s25] =	ssyncset.done $0x0  }
0x3d: {  	[sflag:s25] =	ssyncadd.s32 $0xFFFFE000  }
0x3e: {  	[spmem:s1] =	stream.indirect.scatter.add.f32 [tilespmem:s3], [sflag:$0x3], $0x10, s16, s19, $0xb8;
	[tilespmem:$0x15358] =	vst v63  }
0x3f: {  	_ = 	snop  }
0x40: {  	[spmem:s1] =	stream.indirect.scatter.add.f32 [tilespmem:s21], [sflag:$0x3], $0x10, s26, s19, $0xb8;
	[tilespmem:$0x15358] =	vst v63  }
0x41: {  	_ =	swait.ge [sflag:s28], $0x2000  }
0x42: {  	[sflag:s28] =	ssyncset.done $0x0  }
0x43: {  	[sflag:s28] =	ssyncadd.s32 $0xFFFFE000  }
0x44: {  	_ =	swait.ge [sflag:s28], $0x2000  }
0x45: {  	[sflag:s28] =	ssyncset.done $0x0  }
0x46: {  	[sflag:s28] =	ssyncadd.s32 $0xFFFFE000  }
0x47: {  	[spmem:s1] =	stream.indirect.scatter.add.f32 [tilespmem:s22], [sflag:$0x4], $0x10, s17, s19, $0xb8;
	[tilespmem:$0x15358] =	vst v63  }
0x48: {  	_ = 	snop  }
0x49: {  	[spmem:s1] =	stream.indirect.scatter.add.f32 [tilespmem:s24], [sflag:$0x4], $0x10, s29, s19, $0xb8;
	[tilespmem:$0x15358] =	vst v63  }
0x4a: {  	_ =	swait.ge [sflag:s30], $0x2000  }
0x4b: {  	[sflag:s30] =	ssyncset.done $0x0  }
0x4c: {  	[sflag:s30] =	ssyncadd.s32 $0xFFFFE000  }
0x4d: {  	_ =	swait.ge [sflag:s30], $0x2000  }
0x4e: {  	[sflag:s30] =	ssyncset.done $0x0  }
0x4f: {  	[sflag:s30] =	ssyncadd.s32 $0xFFFFE000  }
0x50: {  	_ =	swait.ge [sflag:s31], $0x2000  }
0x51: {  	[sflag:s31] =	ssyncset.done $0x0  }
0x52: {  	[sflag:s31] =	ssyncadd.s32 $0xFFFFE000  }
0x53: {  	_ =	swait.ge [sflag:s31], $0x2000  }
0x54: {  	s5 =	simm.s32 $0x200;
	s4 =	simm.s32 $0x100;
	[sflag:s31] =	ssyncset.done $0x0  }
.LBB2_3:
0x55: {  	s7 =	sadd.s32 s4, s8  }
0x56: {  	[sflag:s31] =	ssyncadd.s32 $0xFFFFE000;
	s11 =	smov.u32 s5;
	s6 =	sadd.s32 $0x100, s5  }
0x57: {  	[tilespmem:s14], [sflag:$0x5] =	stream.linear.gather [hbm4b:s7+s3], $0x400, $0x38;
	[tilespmem:$0x15358] =	vst v63  }
0x58: {  	p0 =	sne.s32 s5, $0x1800;
	s5 =	sadd.s32 $0x80, s7  }
0x59: {  	[tilespmem:s15], [sflag:$0x5] =	stream.linear.gather [hbm4b:s5+s3], $0x400, $0x38;
	[tilespmem:$0x15358] =	vst v63  }
0x5a: {  	s5 =	sadd.s32 s4, s9;
	s4 =	smov.u32 s11  }
0x5b: {  	[tilespmem:s16], [sflag:$0x5] =	stream.linear.gather [hbm4b:s5+s3], $0x400, $0x38;
	[tilespmem:$0x15358] =	vst v63  }
0x5c: {  	s5 =	sadd.s32 $0x80, s5  }
0x5d: {  	[tilespmem:s17], [sflag:$0x5] =	stream.linear.gather [hbm4b:s5+s3], $0x400, $0x38;
	[tilespmem:$0x15358] =	vst v63  }
0x5e: {  	_ =	swait.ge [sflag:s18], $0x400  }
0x5f: {  	[sflag:s18] =	ssyncset.done $0x0  }
0x60: {  	[sflag:s18] =	ssyncadd.s32 $0xFFFFFC00  }
0x61: {  	_ =	swait.ge [sflag:s18], $0x400  }
0x62: {  	[sflag:s18] =	ssyncset.done $0x0  }
0x63: {  	[sflag:s18] =	ssyncadd.s32 $0xFFFFFC00  }
0x64: {  	_ =	swait.ge [sflag:s18], $0x400  }
0x65: {  	[sflag:s18] =	ssyncset.done $0x0  }
0x66: {  	[sflag:s18] =	ssyncadd.s32 $0xFFFFFC00  }
0x67: {  	_ =	swait.ge [sflag:s18], $0x400  }
0x68: {  	[sflag:s18] =	ssyncset.done $0x0  }
0x69: {  	[sflag:s18] =	ssyncadd.s32 $0xFFFFFC00  }
0x6a: {  	[tilespmem:s3], [sflag:$0x1] =	stream.indirect.gather [hbm4b:s0+s19], $0x10, s14, s19, $0xb8;
	[tilespmem:$0x15358] =	vst v63  }
0x6b: {  	_ = 	snop  }
0x6c: {  	[tilespmem:s21], [sflag:$0x1] =	stream.indirect.gather [hbm4b:s0+s19], $0x10, s20, s19, $0xb8;
	[tilespmem:$0x15358] =	vst v63  }
0x6d: {  	_ = 	snop  }
0x6e: {  	[tilespmem:s22], [sflag:$0x2] =	stream.indirect.gather [hbm4b:s0+s19], $0x10, s15, s19, $0xb8;
	[tilespmem:$0x15358] =	vst v63  }
0x6f: {  	_ = 	snop  }
0x70: {  	[tilespmem:s24], [sflag:$0x2] =	stream.indirect.gather [hbm4b:s0+s19], $0x10, s23, s19, $0xb8;
	[tilespmem:$0x15358] =	vst v63  }
0x71: {  	_ =	swait.ge [sflag:s25], $0x2000  }
0x72: {  	[sflag:s25] =	ssyncset.done $0x0  }
0x73: {  	[sflag:s25] =	ssyncadd.s32 $0xFFFFE000  }
0x74: {  	_ =	swait.ge [sflag:s25], $0x2000  }
0x75: {  	[sflag:s25] =	ssyncset.done $0x0  }
0x76: {  	[sflag:s25] =	ssyncadd.s32 $0xFFFFE000  }
0x77: {  	[spmem:s1] =	stream.indirect.scatter.add.f32 [tilespmem:s3], [sflag:$0x3], $0x10, s16, s19, $0xb8;
	[tilespmem:$0x15358] =	vst v63  }
0x78: {  	_ = 	snop  }
0x79: {  	[spmem:s1] =	stream.indirect.scatter.add.f32 [tilespmem:s21], [sflag:$0x3], $0x10, s26, s19, $0xb8;
	[tilespmem:$0x15358] =	vst v63  }
0x7a: {  	_ =	swait.ge [sflag:s28], $0x2000  }
0x7b: {  	[sflag:s28] =	ssyncset.done $0x0  }
0x7c: {  	[sflag:s28] =	ssyncadd.s32 $0xFFFFE000  }
0x7d: {  	_ =	swait.ge [sflag:s28], $0x2000  }
0x7e: {  	[sflag:s28] =	ssyncset.done $0x0  }
0x7f: {  	[sflag:s28] =	ssyncadd.s32 $0xFFFFE000  }
0x80: {  	[spmem:s1] =	stream.indirect.scatter.add.f32 [tilespmem:s22], [sflag:$0x4], $0x10, s17, s19, $0xb8;
	[tilespmem:$0x15358] =	vst v63  }
0x81: {  	_ = 	snop  }
0x82: {  	[spmem:s1] =	stream.indirect.scatter.add.f32 [tilespmem:s24], [sflag:$0x4], $0x10, s29, s19, $0xb8;
	[tilespmem:$0x15358] =	vst v63  }
0x83: {  	_ =	swait.ge [sflag:s30], $0x2000  }
0x84: {  	[sflag:s30] =	ssyncset.done $0x0  }
0x85: {  	[sflag:s30] =	ssyncadd.s32 $0xFFFFE000  }
0x86: {  	_ =	swait.ge [sflag:s30], $0x2000  }
0x87: {  	[sflag:s30] =	ssyncset.done $0x0  }
0x88: {  	[sflag:s30] =	ssyncadd.s32 $0xFFFFE000  }
.Ltmp0:
0x89: {  	_ =	swait.ge [sflag:s31], $0x2000;
	(pc) =	sbr.rel @p0 .LBB2_3-.Ltmp0, $4  }
0x8a: {  	[sflag:s31] =	ssyncset.done $0x0  }
0x8b: {  	[sflag:s31] =	ssyncadd.s32 $0xFFFFE000  }
0x8c: {  	_ =	swait.ge [sflag:s31], $0x2000  }
0x8d: {  	s5 =	smov.u32 s6;
	[sflag:s31] =	ssyncset.done $0x0  }
0x8e: {  	s5 =	sadd.s32 s4, s8;
	[sflag:s31] =	ssyncadd.s32 $0xFFFFE000  }
0x8f: {  	[tilespmem:s14], [sflag:$0x5] =	stream.linear.gather [hbm4b:s5+s3], $0x400, $0x38;
	[tilespmem:$0x15358] =	vst v63  }
0x90: {  	s5 =	sadd.s32 $0x80, s5  }
0x91: {  	[tilespmem:s15], [sflag:$0x5] =	stream.linear.gather [hbm4b:s5+s3], $0x400, $0x38;
	[tilespmem:$0x15358] =	vst v63  }
0x92: {  	s7 =	sadd.s32 s4, s9  }
0x93: {  	[tilespmem:s16], [sflag:$0x5] =	stream.linear.gather [hbm4b:s7+s3], $0x400, $0x38;
	[tilespmem:$0x15358] =	vst v63  }
0x94: {  	s4 =	sadd.s32 $0x80, s7  }
0x95: {  	[tilespmem:s17], [sflag:$0x5] =	stream.linear.gather [hbm4b:s4+s3], $0x400, $0x38;
	[tilespmem:$0x15358] =	vst v63  }
0x96: {  	_ =	swait.ge [sflag:s18], $0x400  }
0x97: {  	[sflag:s18] =	ssyncset.done $0x0  }
0x98: {  	[sflag:s18] =	ssyncadd.s32 $0xFFFFFC00  }
0x99: {  	_ =	swait.ge [sflag:s18], $0x400  }
0x9a: {  	[sflag:s18] =	ssyncset.done $0x0  }
0x9b: {  	[sflag:s18] =	ssyncadd.s32 $0xFFFFFC00  }
0x9c: {  	_ =	swait.ge [sflag:s18], $0x400  }
0x9d: {  	[sflag:s18] =	ssyncset.done $0x0  }
0x9e: {  	[sflag:s18] =	ssyncadd.s32 $0xFFFFFC00  }
0x9f: {  	_ =	swait.ge [sflag:s18], $0x400  }
0xa0: {  	[sflag:s18] =	ssyncset.done $0x0  }
0xa1: {  	[sflag:s18] =	ssyncadd.s32 $0xFFFFFC00  }
0xa2: {  	[tilespmem:s3], [sflag:$0x1] =	stream.indirect.gather [hbm4b:s0+s19], $0x10, s14, s19, $0xb8;
	[tilespmem:$0x15358] =	vst v63  }
0xa3: {  	_ = 	snop  }
0xa4: {  	[tilespmem:s21], [sflag:$0x1] =	stream.indirect.gather [hbm4b:s0+s19], $0x10, s20, s19, $0xb8;
	[tilespmem:$0x15358] =	vst v63  }
0xa5: {  	_ = 	snop  }
0xa6: {  	[tilespmem:s22], [sflag:$0x2] =	stream.indirect.gather [hbm4b:s0+s19], $0x10, s15, s19, $0xb8;
	[tilespmem:$0x15358] =	vst v63  }
0xa7: {  	_ = 	snop  }
0xa8: {  	[tilespmem:s24], [sflag:$0x2] =	stream.indirect.gather [hbm4b:s0+s19], $0x10, s23, s19, $0xb8;
	[tilespmem:$0x15358] =	vst v63  }
0xa9: {  	_ =	swait.ge [sflag:s25], $0x2000  }
0xaa: {  	[sflag:s25] =	ssyncset.done $0x0  }
0xab: {  	[sflag:s25] =	ssyncadd.s32 $0xFFFFE000  }
0xac: {  	_ =	swait.ge [sflag:s25], $0x2000  }
0xad: {  	[sflag:s25] =	ssyncset.done $0x0  }
0xae: {  	[sflag:s25] =	ssyncadd.s32 $0xFFFFE000  }
0xaf: {  	[spmem:s1] =	stream.indirect.scatter.add.f32 [tilespmem:s3], [sflag:$0x3], $0x10, s16, s19, $0xb8;
	[tilespmem:$0x15358] =	vst v63  }
0xb0: {  	_ = 	snop  }
0xb1: {  	[spmem:s1] =	stream.indirect.scatter.add.f32 [tilespmem:s21], [sflag:$0x3], $0x10, s26, s19, $0xb8;
	[tilespmem:$0x15358] =	vst v63  }
0xb2: {  	_ =	swait.ge [sflag:s28], $0x2000  }
0xb3: {  	[sflag:s28] =	ssyncset.done $0x0  }
0xb4: {  	[sflag:s28] =	ssyncadd.s32 $0xFFFFE000  }
0xb5: {  	_ =	swait.ge [sflag:s28], $0x2000  }
0xb6: {  	[sflag:s28] =	ssyncset.done $0x0  }
0xb7: {  	[sflag:s28] =	ssyncadd.s32 $0xFFFFE000  }
0xb8: {  	[spmem:s1] =	stream.indirect.scatter.add.f32 [tilespmem:s22], [sflag:$0x4], $0x10, s17, s19, $0xb8;
	[tilespmem:$0x15358] =	vst v63  }
0xb9: {  	_ = 	snop  }
0xba: {  	[spmem:s1] =	stream.indirect.scatter.add.f32 [tilespmem:s24], [sflag:$0x4], $0x10, s29, s19, $0xb8;
	[tilespmem:$0x15358] =	vst v63  }
0xbb: {  	_ =	swait.ge [sflag:s30], $0x2000  }
0xbc: {  	[sflag:s30] =	ssyncset.done $0x0  }
0xbd: {  	[sflag:s30] =	ssyncadd.s32 $0xFFFFE000  }
0xbe: {  	_ =	swait.ge [sflag:s30], $0x2000  }
0xbf: {  	[sflag:s30] =	ssyncset.done $0x0  }
0xc0: {  	[sflag:s30] =	ssyncadd.s32 $0xFFFFE000  }
0xc1: {  	_ =	swait.ge [sflag:s31], $0x2000  }
0xc2: {  	[sflag:s31] =	ssyncset.done $0x0  }
0xc3: {  	[sflag:s31] =	ssyncadd.s32 $0xFFFFE000  }
0xc4: {  	_ =	swait.ge [sflag:s31], $0x2000  }
0xc5: {  	[sflag:s31] =	ssyncset.done $0x0  }
0xc6: {  	[sflag:s31] =	ssyncadd.s32 $0xFFFFE000  }
0xc7: {  	s11 =	rddreg [dreg:$0x5];
	[bflag:$0x0] =	sbarrier.arrive $0xFFFF  }
0xc8: {  	s2 =	sadd.s32 $0x1, s2;
	s0 =	sadd.s32 s11, s10;
	s6 =	rddreg [dreg:$0x7]  }
0xc9: {  	p0 =	sne.s32 s2, $0x4;
	s0 =	sadd.s32 s12, s0;
	s7 =	rddreg [dreg:$0x8]  }
0xca: {  	[hbm:s0], [sflag:s6] =	dma.local [spmem:s7], $0x186A  }
.Ltmp1:
0xcb: {  	_ =	swait.ge [sflag:s13], $0x186A;
	(pc) =	sbr.rel @p0 .LBB2_2-.Ltmp1, $4  }
0xcc: {  	[sflag:s13] =	ssyncset.done $0x0  }
0xcd: {  	[sflag:s13] =	ssyncadd.s32 $0xFFFFE796  }
0xce: {  	[bflag:$0x0] =	sbarrier.arrive $0xFFFF  }
0xcf: {  	s5 =	smov.u32 s12  }
0xd0: {  	s2 =	rddreg [dreg:$0x9]  }
0xd1: {  	s0 =	rddreg [dreg:$0x6];
	s2 =	sadd.s32 $0x1, s2  }
0xd2: {  	p0 =	sne.s32 s2, s0  }
.Ltmp2:
0xd3: {  	_ = 	snop;
	(pc) =	sbr.rel @p0 .LBB2_1-.Ltmp2, $1  }
0xd4: {  	_ =	sdelay $0x3  }
0xd5: {  	_ =	sfence.sel $0x180000  }
0xd6: {  	[bflag:$0x0] =	sbarrier.arrive $0xFFFF  }
0xd7: {  	_ =	strace $0x9000004A  }
0xd8: {  	s0 =	stileid.u32;
	[bflag:$0x2] =	sbarrier.arrive $0xFFFF  }
0xd9: {  	p0 =	sne.s32 s0, $0x0;
	s0 =	rddreg [dreg:$0x2]  }
0xda: {  	s0 =	sadd.s32 @!p0 $0x100000, s0  }
0xdb: {  	[sflag:s0] =	ssyncadd.tile.s32 @!p0 $0x1;
	_ =	shalt  }
.Lfunc_end2:
_tile_overlayer_lowered:
.L_overlay_start_2:
0xdc: {  	(tag) =	ssettag $0x2  }
0xdd: {  	s0 =	rddreg [dreg:$0x0];
	s2 =	stileid.u32  }
0xde: {  	s1 =	rddreg [dreg:$0x1];
	p0 =	sne.s32 s2, $0x0  }
0xdf: {  	s3 =	rddreg [dreg:$0x2];
	[bflag:$0x3] =	sbarrier.arrive $0xFFFF;
	s2 =	simm.s32 @!p0 $0x1C06  }
0xe0: {  	[timem:s3], [sflag:s2] =	dma.local @!p0 [hbm:s0], s1  }
0xe1: {  	s0 =	simm.s32 @!p0 $0x6  }
0xe2: {  	_ =	swait.ge @!p0 [sflag:s0], s1  }
0xe3: {  	s1 =	ssub.s32 @!p0 $0x0, s1;
	[sflag:s0] =	ssyncset.done @!p0 $0x0  }
0xe4: {  	[sflag:s0] =	ssyncadd.s32 @!p0 s1  }
0xe5: {  	[bflag:$0x3] =	sbarrier.arrive $0xFFFF  }
0xe6: {  	_ =	shalt  }

// kernel: kernel.17.cloned.1.call-start
scs
__scs_entry_jumppad:
0x0: {  	(pc) =	sbr.rel $0x88, $3  }
0x1: {  	(tag) =	ssettag $0x0;
	lr =	simm.s32 $0x1  }
0x2: {  	[smem:$0x3F8A] =	sst lr;
	_ =	strace $0xD0000000  }
0x3: {  	_ = 	snop  }
0x4: {  	_ = 	snop  }
0x5: {  	_ = 	snop  }
0x6: {  	_ = 	snop  }
0x7: {  	_ = 	snop  }
__scs_overlays_trampoline_lowered:
0x8: {  	[smem:$0x3F99] =	sst s0  }
0x9: {  	[smem:$0x3F9A] =	sst s1  }
0xa: {  	[smem:$0x3F9B] =	sst s2  }
0xb: {  	[smem:$0x3F9C] =	sst s3  }
0xc: {  	[smem:$0x3F9D] =	sst s4  }
0xd: {  	[smem:$0x3F9E] =	sst s5  }
0xe: {  	[smem:$0x3F9F] =	sst s6  }
0xf: {  	[smem:$0x3FA0] =	sst s7  }
0x10: {  	[smem:$0x3FA1] =	sst s8  }
0x11: {  	[smem:$0x3FA2] =	sst s9;
	s0 =	simm.s32 @!p0 $0x0  }
0x12: {  	s1 =	sld [smem:$0x3F88];
	s0 =	simm.s32 @p0 $0x1  }
0x13: {  	[smem:$0x3FA3] =	sst s0;
	s0 =	simm.s32 @!p1 $0x0  }
0x14: {  	s2 =	sld [smem:$0x3F87];
	s0 =	simm.s32 @p1 $0x1  }
0x15: {  	[smem:$0x3FA4] =	sst s0;
	s0 =	simm.s32 @!p2 $0x0  }
0x16: {  	s3 =	sld [smem:$0x3FDB];
	s0 =	simm.s32 @p2 $0x1  }
0x17: {  	s4 =	simm.s32 $0x1BF5;
	[smem:$0x3FA6] =	sst s0  }
0x18: {  	s0 =	sld [smem:$0x3F89];
	_ =	swait.ge [sflag:s4], $0x0  }
0x19: {  	s7 =	sld [smem:$0x3F8A]  }
0x1a: {  	s8 =	sadd.s32 $0xFFFFE003, lr  }
0x1b: {  	s9 =	sadd.s32 $0xFFFFFEF7, lr;
	s5 =	simm.s32 $0xFFFFFFFF;
	p2 =	slt.u32 s8, $0xFFFFF086  }
0x1c: {  	p1 =	slt.u32 s9, $0xF7A;
	s5 =	simm.s32 @!p2 $0x0  }
0x1d: {  	s5 =	simm.s32 @p1 $0x1;
	p0 =	seq.s32 s7, s2  }
0x1e: {  	s7 =	smul.u32 @!p0 $0xF7A, s2;
	p2 =	seq.s32 @!p0 s5, $0x0  }
0x1f: {  	s9 =	smul.u32 $0xF7A, s1;
	s8 =	simm.s32 @!p0 $0x1BF5;
	p2 =	por !p2, p0  }
0x20: {  	[sflag:s8] =	ssyncset.s32 @!p0 $0xFFFFF086;
	s6 =	sadd.s32 @!p0 s3, s7;
	s7 =	simm.s32 @!p0 $0x108  }
0x21: {  	s3 =	sadd.s32 s3, s9;
	s6 =	sadd.s32 @!p0 $0x88, s6;
	s7 =	simm.s32 @p2 $0x1082  }
0x22: {  	[simem:s7], [sflag:s8] =	dma.local @!p0 [hbm:s6], $0xF7A  }
0x23: {  	s9 =	sor.u32 $0xD0000000, s2;
	s6 =	simm.s32 $0x108;
	_ =	swait.ge @!p0 [sflag:s8], $0x0  }
0x24: {  	s3 =	sadd.s32 $0x88, s3;
	s6 =	simm.s32 @!p1 $0x1082;
	[sflag:s4] =	ssyncset.s32 $0xFFFFF086  }
0x25: {  	[simem:s6], [sflag:s4] =	dma.local [hbm:s3], $0xF7A  }
0x26: {  	[smem:$0x3F8A] =	sst s1;
	(tag) =	ssettag s2;
	_ =	strace s9  }
0x27: {  	s1 =	sld [smem:$0x3F9A]  }
0x28: {  	s2 =	sld [smem:$0x3F9B]  }
0x29: {  	s4 =	sld [smem:$0x3F9D]  }
0x2a: {  	p0 =	seq.s32 s5, $0x0;
	s5 =	sld [smem:$0x3F9E]  }
0x2b: {  	s6 =	sld [smem:$0x3F9F]  }
0x2c: {  	s7 =	sld [smem:$0x3FA0]  }
0x2d: {  	s3 =	simm.s32 $0x108;
	s8 =	sld [smem:$0x3FA1]  }
0x2e: {  	s3 =	simm.s32 @!p0 $0x1082;
	s9 =	sld [smem:$0x3FA2]  }
0x2f: {  	lr =	sadd.s32 s0, s3;
	s0 =	sld [smem:$0x3F99]  }
0x30: {  	s3 =	sld [smem:$0x3F9C]  }
0x31: {  	[smem:$0x3FA5] =	sst s10  }
0x32: {  	s10 =	sld [smem:$0x3FA3];
	_ =	sdelay $0x3  }
0x33: {  	p0 =	seq.s32 s10, $0x1;
	s10 =	sld [smem:$0x3FA5];
	_ =	sdelay $0x3  }
0x34: {  	[smem:$0x3FA5] =	sst s10  }
0x35: {  	s10 =	sld [smem:$0x3FA4];
	_ =	sdelay $0x3  }
0x36: {  	p1 =	seq.s32 s10, $0x1;
	s10 =	sld [smem:$0x3FA5];
	_ =	sdelay $0x3  }
0x37: {  	[smem:$0x3FA5] =	sst s10  }
0x38: {  	s10 =	sld [smem:$0x3FA6]  }
0x39: {  	_ = 	snop;
	(pc) =	sbr.ind lr, $3  }
0x3a: {  	_ = 	snop  }
0x3b: {  	_ = 	snop  }
0x3c: {  	p2 =	seq.s32 s10, $0x1;
	s10 =	sld [smem:$0x3FA5]  }
0x3d: {  	_ =	shalt  }
0x3e: {  	_ =	shalt  }
0x3f: {  	_ =	shalt  }
0x40: {  	_ =	shalt  }
0x41: {  	_ =	shalt  }
0x42: {  	_ =	shalt  }
0x43: {  	_ =	shalt  }
0x44: {  	_ =	shalt  }
0x45: {  	_ =	shalt  }
0x46: {  	_ =	shalt  }
0x47: {  	_ =	shalt  }
0x48: {  	_ =	shalt  }
0x49: {  	_ =	shalt  }
0x4a: {  	_ =	shalt  }
0x4b: {  	_ =	shalt  }
0x4c: {  	_ =	shalt  }
0x4d: {  	_ =	shalt  }
0x4e: {  	_ =	shalt  }
0x4f: {  	_ =	shalt  }
0x50: {  	_ =	shalt  }
0x51: {  	_ =	shalt  }
0x52: {  	_ =	shalt  }
0x53: {  	_ =	shalt  }
0x54: {  	_ =	shalt  }
0x55: {  	_ =	shalt  }
0x56: {  	_ =	shalt  }
0x57: {  	_ =	shalt  }
0x58: {  	_ =	shalt  }
0x59: {  	_ =	shalt  }
0x5a: {  	_ =	shalt  }
0x5b: {  	_ =	shalt  }
0x5c: {  	_ =	shalt  }
0x5d: {  	_ =	shalt  }
0x5e: {  	_ =	shalt  }
0x5f: {  	_ =	shalt  }
0x60: {  	_ =	shalt  }
0x61: {  	_ =	shalt  }
0x62: {  	_ =	shalt  }
0x63: {  	_ =	shalt  }
0x64: {  	_ =	shalt  }
0x65: {  	_ =	shalt  }
0x66: {  	_ =	shalt  }
0x67: {  	_ =	shalt  }
0x68: {  	_ =	shalt  }
0x69: {  	_ =	shalt  }
0x6a: {  	_ =	shalt  }
0x6b: {  	_ =	shalt  }
0x6c: {  	_ =	shalt  }
0x6d: {  	_ =	shalt  }
0x6e: {  	_ =	shalt  }
0x6f: {  	_ =	shalt  }
0x70: {  	_ =	shalt  }
0x71: {  	_ =	shalt  }
0x72: {  	_ =	shalt  }
0x73: {  	_ =	shalt  }
0x74: {  	_ =	shalt  }
0x75: {  	_ =	shalt  }
0x76: {  	_ =	shalt  }
0x77: {  	_ =	shalt  }
0x78: {  	_ =	shalt  }
0x79: {  	_ =	shalt  }
0x7a: {  	_ =	shalt  }
0x7b: {  	_ =	shalt  }
0x7c: {  	_ =	shalt  }
0x7d: {  	_ =	shalt  }
0x7e: {  	_ =	shalt  }
0x7f: {  	_ =	shalt  }
0x80: {  	_ =	shalt  }
0x81: {  	_ =	shalt  }
0x82: {  	_ =	shalt  }
0x83: {  	_ =	shalt  }
0x84: {  	_ =	shalt  }
0x85: {  	_ =	shalt  }
0x86: {  	_ =	shalt  }
0x87: {  	_ =	shalt  }
.Lfunc_end0:
.L_simem_size_0:
called_computation.2_lowered:
.L_overlay_start_0:
0x88: {  	s2 =	sld [smem:$0x3FD9]  }
0x89: {  	s3 =	sld [smem:$0x3FFE];
	_ =	sdelay $0x1  }
0x8a: {  	s1 =	srdreg.scid  }
0x8b: {  	s0 =	sand.u32 $0x1, s1  }
0x8c: {  	s16 =	sshll.u32 s0, $0xA;
	s2 =	sadd.s32 s3, s2  }
0x8d: {  	s2 =	sadd.s32 s2, s16  }
0x8e: {  	[smem:$0x3FB1] =	sst s2  }
0x8f: {  	_ = 	snop  }
0x90: {  	(tm) =	ssettm $0x1  }
0x91: {  	s17 =	sld [smem:$0x3FFB];
	_ =	sdelay $0x3  }
0x92: {  	_ =	strace s17  }
0x93: {  	s2 =	sld [smem:$0x3FFC];
	_ =	sdelay $0x3  }
0x94: {  	_ =	strace s2  }
0x95: {  	s2 =	sld [smem:$0x3FFD];
	_ =	sdelay $0x3  }
0x96: {  	_ =	strace s2  }
0x97: {  	_ =	strace $0x8FFFFFFF  }
0x98: {  	s18 =	sld [smem:$0x3FDB];
	_ =	sdelay $0x1  }
0x99: {  	s19 =	simm.s32 $_scs_section_size  }
0x9a: {  	s4 =	simm.s32 $_size__tile_overlayer_lowered;
	s5 =	simm.s32 $_tile_overlayer_lowered  }
0x9b: {  	s22 =	simm.s32 $0x1BFF;
	s21 =	sshll.u32 s5, $0x1;
	s2 =	sadd.s32 s19, s18  }
0x9c: {  	s6 =	simm.s32 $0x0;
	s20 =	sshll.u32 s4, $0x1;
	s4 =	sadd.s32 s21, s2  }
0x9d: {  	[timem:s6], [sflag:s22] =	dma.local [hbm:s4], s20  }
0x9e: {  	_ =	swait.ge [sflag:s22], s20  }
0x9f: {  	s3 =	ssub.s32 $0x0, s20;
	[sflag:s22] =	ssyncset.done $0x0  }
0xa0: {  	[sflag:s22] =	ssyncadd.s32 s3;
	_ =	sdelay $0x1  }
0xa1: {  	s23 =	simm.s32 $0x1B8B  }
0xa2: {  	_ =	swait.ge [sflag:s23], $0x1  }
0xa3: {  	[sflag:s23] =	ssyncset.done $0x0  }
0xa4: {  	s25 =	simm.s32 $0x1B8E;
	s24 =	sld [smem:$0x3FFE];
	[sflag:s23] =	ssyncadd.s32 $0xFFFFFFFF  }
0xa5: {  	s26 =	simm.s32 $execute0_lowered;
	[smem:$0x3FD2] =	sst s25  }
0xa6: {  	s4 =	sshll.u32 s26, $0x1;
	_ =	strace $0x8000004C;
	[dreg:$0x1] =	wrdreg $0xFFFFFFFF  }
0xa7: {  	s28 =	simm.s32 $_size_execute0_lowered;
	s2 =	sadd.s32 s2, s4;
	[dreg:$0x0] =	wrdreg $0x0  }
0xa8: {  	s4 =	sshll.u32 s28, $0x1;
	[dreg:$0x2] =	wrdreg s2  }
0xa9: {  	[dreg:$0x3] =	wrdreg s4  }
0xaa: {  	[dreg:$0x4] =	wrdreg $0xC0  }
0xab: {  	_ =	task [dreg:s6], $0x5FFFF  }
0xac: {  	[dreg:$0x1] =	wrdreg $0xFFFFFFFF  }
0xad: {  	[dreg:$0x0] =	wrdreg $0x60  }
0xae: {  	[dreg:$0x2] =	wrdreg s24  }
0xaf: {  	[dreg:$0x3] =	wrdreg $0x90000  }
0xb0: {  	[dreg:$0x4] =	wrdreg $0x9  }
0xb1: {  	_ =	task.clear_ibuf [dreg:s6], $0x5FFFF;
	_ =	strace $0x9000004C  }
0xb2: {  	s29 =	simm.s32 $0x9;
	_ =	strace $0x8000004E  }
0xb3: {  	_ =	swait.ge [sflag:s29], $0x1  }
0xb4: {  	[sflag:s29] =	ssyncadd.s32 $0xFFFFFFFF  }
0xb5: {  	_ =	strace $0x9000004E  }
0xb6: {  	_ =	sfence  }
0xb7: {  	s30 =	sld [smem:$0x0];
	_ =	sdelay $0x2  }
0xb8: {  	s31 =	sshll.u32 s1, $0xD;
	s1 =	sshrl.u32 s1, $0x2  }
0xb9: {  	s3 =	sand.u32 $0x4000, s31;
	s1 =	sadd.s32 s1, s30  }
0xba: {  	s0 =	sor.u32 s3, s0;
	s1 =	sshll.u32 s1, $0x11  }
0xbb: {  	s0 =	sor.u32 s1, s0  }
0xbc: {  	s0 =	sadd.s32 $0x8F2B, s0  }
0xbd: {  	[sflag:s0] =	ssyncadd.remote.s32 $0x1  }
0xbe: {  	_ =	sfence.sel $0xFFFF  }
0xbf: {  	[dreg:$0x0] =	wrdreg $0xFFFFFFFF;
	(pc) =	sbr.abs _section_cstart, $3  }
0xc0: {  	[dreg:$0x1] =	wrdreg $0xFFFFFFFF  }
0xc1: {  	_ =	task.clear_ibuf [dreg:s6], $0x2FFFF;
	_ =	strace $0x9FFFFFFF  }
0xc2: {  	(tm) =	ssettm $0x7FFFFFFF  }
0xc3: {  	_ =	shalt  }
tec
execute0_lowered:
.L_overlay_start_1:
0x0: {  	(tag) =	ssettag $0x1  }
0x1: {  	s0 =	rddreg [dreg:$0x0]  }
0x2: {  	s1 =	rddreg [dreg:$0x1];
	s3 =	simm.s32 $0x0;
	s2 =	srdreg.scid  }
0x3: {  	s7 =	stileid.u32;
	s13 =	simm.s32 $0x6;
	s14 =	simm.s32 $0x8000  }
0x4: {  	s15 =	simm.s32 $0x8400;
	s16 =	simm.s32 $0x8800;
	s17 =	simm.s32 $0x8C00  }
0x5: {  	s18 =	simm.s32 $0x5;
	s19 =	simm.s32 $0x200;
	s20 =	simm.s32 $0x8200  }
0x6: {  	s21 =	simm.s32 $0x2000;
	s28 =	simm.s32 $0x2;
	s29 =	simm.s32 $0x8E00  }
0x7: {  	s30 =	simm.s32 $0x3;
	s31 =	simm.s32 $0x4;
	[smem:$0x7FF] =	sst s3  }
0x8: {  	s4 =	sand.u32 $0x1, s2;
	s22 =	smul.u32 $0x1900, s7;
	s5 =	sadd.s32 $0xCAE00, s0  }
0x9: {  	s6 =	smul.u32 $0xC350, s7;
	_ =	strace $0x8000004D;
	[dreg:$0x3] =	wrdreg s4  }
0xa: {  	s26 =	sshll.u32 s7, $0x6;
	s4 =	ssub.s32 $0x2, s4;
	[dreg:$0x4] =	wrdreg s5  }
0xb: {  	s23 =	sshrl.u32 s4, $0x1;
	s2 =	sadd.s32 s22, s0;
	s0 =	sadd.s32 $0x18E400, s0  }
0xc: {  	s25 =	sadd.s32 s6, s1;
	s5 =	sshrl.u32 s6, $0x3;
	s6 =	sor.u32 $0x1C06, s26  }
0xd: {  	s22 =	simm.s32 $0x4000;
	s26 =	simm.s32 $0x8A00;
	[dreg:$0x5] =	wrdreg s0  }
0xe: {  	s24 =	ssub.s32 s4, s23;
	s8 =	sadd.s32 $0xB1E00, s2;
	s9 =	sadd.s32 $0x98E00, s2  }
0xf: {  	s7 =	sshrl.u32 s25, $0x3;
	s23 =	simm.s32 $0x8600;
	[dreg:$0x7] =	wrdreg s6  }
0x10: {  	s25 =	simm.s32 $0x1;
	s0 =	smax.u32 s24, $0x1;
	[dreg:$0x8] =	wrdreg s7  }
0x11: {  	s2 =	simm.s32 $0x0;
	s24 =	simm.s32 $0x6000;
	[dreg:$0x6] =	wrdreg s0  }
.LBB2_1:
0x12: {  	[dreg:$0x9] =	wrdreg s2;
	s2 =	simm.s32 $0x0  }
.LBB2_2:
0x13: {  	s0 =	sshll.u32 s2, $0x1;
	s4 =	rddreg [dreg:$0x3]  }
0x14: {  	s0 =	sor.u32 s4, s0  }
0x15: {  	s10 =	smul.u32 $0x186A0, s0  }
0x16: {  	s4 =	rddreg [dreg:$0x4]  }
0x17: {  	s0 =	sadd.s32 s4, s10  }
0x18: {  	s12 =	smov.u32 s5;
	s5 =	sadd.s32 s5, s0  }
0x19: {  	[spmem:s7], [sflag:s6] =	dma.local [hbm:s5], $0x186A  }
0x1a: {  	_ =	swait.ge [sflag:s13], $0x186A  }
0x1b: {  	[sflag:s13] =	ssyncset.done $0x0  }
0x1c: {  	[sflag:s13] =	ssyncadd.s32 $0xFFFFE796  }
0x1d: {  	s7 =	sadd.s32 $0x0, s8;
	[bflag:$0x0] =	sbarrier.arrive $0xFFFF  }
0x1e: {  	[tilespmem:s14], [sflag:$0x5] =	stream.linear.gather [hbm4b:s7+s3], $0x400, $0x38;
	[tilespmem:$0x15358] =	vst v63  }
0x1f: {  	s4 =	sadd.s32 $0x80, s7  }
0x20: {  	[tilespmem:s15], [sflag:$0x5] =	stream.linear.gather [hbm4b:s4+s3], $0x400, $0x38;
	[tilespmem:$0x15358] =	vst v63  }
0x21: {  	s11 =	sadd.s32 $0x0, s9  }
0x22: {  	[tilespmem:s16], [sflag:$0x5] =	stream.linear.gather [hbm4b:s11+s3], $0x400, $0x38;
	[tilespmem:$0x15358] =	vst v63  }
0x23: {  	s4 =	sadd.s32 $0x80, s11  }
0x24: {  	[tilespmem:s17], [sflag:$0x5] =	stream.linear.gather [hbm4b:s4+s3], $0x400, $0x38;
	[tilespmem:$0x15358] =	vst v63  }
0x25: {  	_ =	swait.ge [sflag:s18], $0x400  }
0x26: {  	[sflag:s18] =	ssyncset.done $0x0  }
0x27: {  	[sflag:s18] =	ssyncadd.s32 $0xFFFFFC00  }
0x28: {  	_ =	swait.ge [sflag:s18], $0x400  }
0x29: {  	[sflag:s18] =	ssyncset.done $0x0  }
0x2a: {  	[sflag:s18] =	ssyncadd.s32 $0xFFFFFC00  }
0x2b: {  	_ =	swait.ge [sflag:s18], $0x400  }
0x2c: {  	[sflag:s18] =	ssyncset.done $0x0  }
0x2d: {  	[sflag:s18] =	ssyncadd.s32 $0xFFFFFC00  }
0x2e: {  	_ =	swait.ge [sflag:s18], $0x400  }
0x2f: {  	[sflag:s18] =	ssyncset.done $0x0  }
0x30: {  	[sflag:s18] =	ssyncadd.s32 $0xFFFFFC00  }
0x31: {  	[tilespmem:s3], [sflag:$0x1] =	stream.indirect.gather [hbm4b:s0+s19], $0x10, s14, s19, $0xb8;
	[tilespmem:$0x15358] =	vst v63  }
0x32: {  	_ = 	snop  }
0x33: {  	[tilespmem:s21], [sflag:$0x1] =	stream.indirect.gather [hbm4b:s0+s19], $0x10, s20, s19, $0xb8;
	[tilespmem:$0x15358] =	vst v63  }
0x34: {  	_ = 	snop  }
0x35: {  	[tilespmem:s22], [sflag:$0x2] =	stream.indirect.gather [hbm4b:s0+s19], $0x10, s15, s19, $0xb8;
	[tilespmem:$0x15358] =	vst v63  }
0x36: {  	_ = 	snop  }
0x37: {  	[tilespmem:s24], [sflag:$0x2] =	stream.indirect.gather [hbm4b:s0+s19], $0x10, s23, s19, $0xb8;
	[tilespmem:$0x15358] =	vst v63  }
0x38: {  	_ =	swait.ge [sflag:s25], $0x2000  }
0x39: {  	[sflag:s25] =	ssyncset.done $0x0  }
0x3a: {  	[sflag:s25] =	ssyncadd.s32 $0xFFFFE000  }
0x3b: {  	_ =	swait.ge [sflag:s25], $0x2000  }
0x3c: {  	[sflag:s25] =	ssyncset.done $0x0  }
0x3d: {  	[sflag:s25] =	ssyncadd.s32 $0xFFFFE000  }
0x3e: {  	[spmem:s1] =	stream.indirect.scatter.add.f32 [tilespmem:s3], [sflag:$0x3], $0x10, s16, s19, $0xb8;
	[tilespmem:$0x15358] =	vst v63  }
0x3f: {  	_ = 	snop  }
0x40: {  	[spmem:s1] =	stream.indirect.scatter.add.f32 [tilespmem:s21], [sflag:$0x3], $0x10, s26, s19, $0xb8;
	[tilespmem:$0x15358] =	vst v63  }
0x41: {  	_ =	swait.ge [sflag:s28], $0x2000  }
0x42: {  	[sflag:s28] =	ssyncset.done $0x0  }
0x43: {  	[sflag:s28] =	ssyncadd.s32 $0xFFFFE000  }
0x44: {  	_ =	swait.ge [sflag:s28], $0x2000  }
0x45: {  	[sflag:s28] =	ssyncset.done $0x0  }
0x46: {  	[sflag:s28] =	ssyncadd.s32 $0xFFFFE000  }
0x47: {  	[spmem:s1] =	stream.indirect.scatter.add.f32 [tilespmem:s22], [sflag:$0x4], $0x10, s17, s19, $0xb8;
	[tilespmem:$0x15358] =	vst v63  }
0x48: {  	_ = 	snop  }
0x49: {  	[spmem:s1] =	stream.indirect.scatter.add.f32 [tilespmem:s24], [sflag:$0x4], $0x10, s29, s19, $0xb8;
	[tilespmem:$0x15358] =	vst v63  }
0x4a: {  	_ =	swait.ge [sflag:s30], $0x2000  }
0x4b: {  	[sflag:s30] =	ssyncset.done $0x0  }
0x4c: {  	[sflag:s30] =	ssyncadd.s32 $0xFFFFE000  }
0x4d: {  	_ =	swait.ge [sflag:s30], $0x2000  }
0x4e: {  	[sflag:s30] =	ssyncset.done $0x0  }
0x4f: {  	[sflag:s30] =	ssyncadd.s32 $0xFFFFE000  }
0x50: {  	_ =	swait.ge [sflag:s31], $0x2000  }
0x51: {  	[sflag:s31] =	ssyncset.done $0x0  }
0x52: {  	[sflag:s31] =	ssyncadd.s32 $0xFFFFE000  }
0x53: {  	_ =	swait.ge [sflag:s31], $0x2000  }
0x54: {  	s5 =	simm.s32 $0x200;
	s4 =	simm.s32 $0x100;
	[sflag:s31] =	ssyncset.done $0x0  }
.LBB2_3:
0x55: {  	s7 =	sadd.s32 s4, s8  }
0x56: {  	[sflag:s31] =	ssyncadd.s32 $0xFFFFE000;
	s11 =	smov.u32 s5;
	s6 =	sadd.s32 $0x100, s5  }
0x57: {  	[tilespmem:s14], [sflag:$0x5] =	stream.linear.gather [hbm4b:s7+s3], $0x400, $0x38;
	[tilespmem:$0x15358] =	vst v63  }
0x58: {  	p0 =	sne.s32 s5, $0x1800;
	s5 =	sadd.s32 $0x80, s7  }
0x59: {  	[tilespmem:s15], [sflag:$0x5] =	stream.linear.gather [hbm4b:s5+s3], $0x400, $0x38;
	[tilespmem:$0x15358] =	vst v63  }
0x5a: {  	s5 =	sadd.s32 s4, s9;
	s4 =	smov.u32 s11  }
0x5b: {  	[tilespmem:s16], [sflag:$0x5] =	stream.linear.gather [hbm4b:s5+s3], $0x400, $0x38;
	[tilespmem:$0x15358] =	vst v63  }
0x5c: {  	s5 =	sadd.s32 $0x80, s5  }
0x5d: {  	[tilespmem:s17], [sflag:$0x5] =	stream.linear.gather [hbm4b:s5+s3], $0x400, $0x38;
	[tilespmem:$0x15358] =	vst v63  }
0x5e: {  	_ =	swait.ge [sflag:s18], $0x400  }
0x5f: {  	[sflag:s18] =	ssyncset.done $0x0  }
0x60: {  	[sflag:s18] =	ssyncadd.s32 $0xFFFFFC00  }
0x61: {  	_ =	swait.ge [sflag:s18], $0x400  }
0x62: {  	[sflag:s18] =	ssyncset.done $0x0  }
0x63: {  	[sflag:s18] =	ssyncadd.s32 $0xFFFFFC00  }
0x64: {  	_ =	swait.ge [sflag:s18], $0x400  }
0x65: {  	[sflag:s18] =	ssyncset.done $0x0  }
0x66: {  	[sflag:s18] =	ssyncadd.s32 $0xFFFFFC00  }
0x67: {  	_ =	swait.ge [sflag:s18], $0x400  }
0x68: {  	[sflag:s18] =	ssyncset.done $0x0  }
0x69: {  	[sflag:s18] =	ssyncadd.s32 $0xFFFFFC00  }
0x6a: {  	[tilespmem:s3], [sflag:$0x1] =	stream.indirect.gather [hbm4b:s0+s19], $0x10, s14, s19, $0xb8;
	[tilespmem:$0x15358] =	vst v63  }
0x6b: {  	_ = 	snop  }
0x6c: {  	[tilespmem:s21], [sflag:$0x1] =	stream.indirect.gather [hbm4b:s0+s19], $0x10, s20, s19, $0xb8;
	[tilespmem:$0x15358] =	vst v63  }
0x6d: {  	_ = 	snop  }
0x6e: {  	[tilespmem:s22], [sflag:$0x2] =	stream.indirect.gather [hbm4b:s0+s19], $0x10, s15, s19, $0xb8;
	[tilespmem:$0x15358] =	vst v63  }
0x6f: {  	_ = 	snop  }
0x70: {  	[tilespmem:s24], [sflag:$0x2] =	stream.indirect.gather [hbm4b:s0+s19], $0x10, s23, s19, $0xb8;
	[tilespmem:$0x15358] =	vst v63  }
0x71: {  	_ =	swait.ge [sflag:s25], $0x2000  }
0x72: {  	[sflag:s25] =	ssyncset.done $0x0  }
0x73: {  	[sflag:s25] =	ssyncadd.s32 $0xFFFFE000  }
0x74: {  	_ =	swait.ge [sflag:s25], $0x2000  }
0x75: {  	[sflag:s25] =	ssyncset.done $0x0  }
0x76: {  	[sflag:s25] =	ssyncadd.s32 $0xFFFFE000  }
0x77: {  	[spmem:s1] =	stream.indirect.scatter.add.f32 [tilespmem:s3], [sflag:$0x3], $0x10, s16, s19, $0xb8;
	[tilespmem:$0x15358] =	vst v63  }
0x78: {  	_ = 	snop  }
0x79: {  	[spmem:s1] =	stream.indirect.scatter.add.f32 [tilespmem:s21], [sflag:$0x3], $0x10, s26, s19, $0xb8;
	[tilespmem:$0x15358] =	vst v63  }
0x7a: {  	_ =	swait.ge [sflag:s28], $0x2000  }
0x7b: {  	[sflag:s28] =	ssyncset.done $0x0  }
0x7c: {  	[sflag:s28] =	ssyncadd.s32 $0xFFFFE000  }
0x7d: {  	_ =	swait.ge [sflag:s28], $0x2000  }
0x7e: {  	[sflag:s28] =	ssyncset.done $0x0  }
0x7f: {  	[sflag:s28] =	ssyncadd.s32 $0xFFFFE000  }
0x80: {  	[spmem:s1] =	stream.indirect.scatter.add.f32 [tilespmem:s22], [sflag:$0x4], $0x10, s17, s19, $0xb8;
	[tilespmem:$0x15358] =	vst v63  }
0x81: {  	_ = 	snop  }
0x82: {  	[spmem:s1] =	stream.indirect.scatter.add.f32 [tilespmem:s24], [sflag:$0x4], $0x10, s29, s19, $0xb8;
	[tilespmem:$0x15358] =	vst v63  }
0x83: {  	_ =	swait.ge [sflag:s30], $0x2000  }
0x84: {  	[sflag:s30] =	ssyncset.done $0x0  }
0x85: {  	[sflag:s30] =	ssyncadd.s32 $0xFFFFE000  }
0x86: {  	_ =	swait.ge [sflag:s30], $0x2000  }
0x87: {  	[sflag:s30] =	ssyncset.done $0x0  }
0x88: {  	[sflag:s30] =	ssyncadd.s32 $0xFFFFE000  }
.Ltmp0:
0x89: {  	_ =	swait.ge [sflag:s31], $0x2000;
	(pc) =	sbr.rel @p0 .LBB2_3-.Ltmp0, $4  }
0x8a: {  	[sflag:s31] =	ssyncset.done $0x0  }
0x8b: {  	[sflag:s31] =	ssyncadd.s32 $0xFFFFE000  }
0x8c: {  	_ =	swait.ge [sflag:s31], $0x2000  }
0x8d: {  	s5 =	smov.u32 s6;
	[sflag:s31] =	ssyncset.done $0x0  }
0x8e: {  	s5 =	sadd.s32 s4, s8;
	[sflag:s31] =	ssyncadd.s32 $0xFFFFE000  }
0x8f: {  	[tilespmem:s14], [sflag:$0x5] =	stream.linear.gather [hbm4b:s5+s3], $0x400, $0x38;
	[tilespmem:$0x15358] =	vst v63  }
0x90: {  	s5 =	sadd.s32 $0x80, s5  }
0x91: {  	[tilespmem:s15], [sflag:$0x5] =	stream.linear.gather [hbm4b:s5+s3], $0x400, $0x38;
	[tilespmem:$0x15358] =	vst v63  }
0x92: {  	s7 =	sadd.s32 s4, s9  }
0x93: {  	[tilespmem:s16], [sflag:$0x5] =	stream.linear.gather [hbm4b:s7+s3], $0x400, $0x38;
	[tilespmem:$0x15358] =	vst v63  }
0x94: {  	s4 =	sadd.s32 $0x80, s7  }
0x95: {  	[tilespmem:s17], [sflag:$0x5] =	stream.linear.gather [hbm4b:s4+s3], $0x400, $0x38;
	[tilespmem:$0x15358] =	vst v63  }
0x96: {  	_ =	swait.ge [sflag:s18], $0x400  }
0x97: {  	[sflag:s18] =	ssyncset.done $0x0  }
0x98: {  	[sflag:s18] =	ssyncadd.s32 $0xFFFFFC00  }
0x99: {  	_ =	swait.ge [sflag:s18], $0x400  }
0x9a: {  	[sflag:s18] =	ssyncset.done $0x0  }
0x9b: {  	[sflag:s18] =	ssyncadd.s32 $0xFFFFFC00  }
0x9c: {  	_ =	swait.ge [sflag:s18], $0x400  }
0x9d: {  	[sflag:s18] =	ssyncset.done $0x0  }
0x9e: {  	[sflag:s18] =	ssyncadd.s32 $0xFFFFFC00  }
0x9f: {  	_ =	swait.ge [sflag:s18], $0x400  }
0xa0: {  	[sflag:s18] =	ssyncset.done $0x0  }
0xa1: {  	[sflag:s18] =	ssyncadd.s32 $0xFFFFFC00  }
0xa2: {  	[tilespmem:s3], [sflag:$0x1] =	stream.indirect.gather [hbm4b:s0+s19], $0x10, s14, s19, $0xb8;
	[tilespmem:$0x15358] =	vst v63  }
0xa3: {  	_ = 	snop  }
0xa4: {  	[tilespmem:s21], [sflag:$0x1] =	stream.indirect.gather [hbm4b:s0+s19], $0x10, s20, s19, $0xb8;
	[tilespmem:$0x15358] =	vst v63  }
0xa5: {  	_ = 	snop  }
0xa6: {  	[tilespmem:s22], [sflag:$0x2] =	stream.indirect.gather [hbm4b:s0+s19], $0x10, s15, s19, $0xb8;
	[tilespmem:$0x15358] =	vst v63  }
0xa7: {  	_ = 	snop  }
0xa8: {  	[tilespmem:s24], [sflag:$0x2] =	stream.indirect.gather [hbm4b:s0+s19], $0x10, s23, s19, $0xb8;
	[tilespmem:$0x15358] =	vst v63  }
0xa9: {  	_ =	swait.ge [sflag:s25], $0x2000  }
0xaa: {  	[sflag:s25] =	ssyncset.done $0x0  }
0xab: {  	[sflag:s25] =	ssyncadd.s32 $0xFFFFE000  }
0xac: {  	_ =	swait.ge [sflag:s25], $0x2000  }
0xad: {  	[sflag:s25] =	ssyncset.done $0x0  }
0xae: {  	[sflag:s25] =	ssyncadd.s32 $0xFFFFE000  }
0xaf: {  	[spmem:s1] =	stream.indirect.scatter.add.f32 [tilespmem:s3], [sflag:$0x3], $0x10, s16, s19, $0xb8;
	[tilespmem:$0x15358] =	vst v63  }
0xb0: {  	_ = 	snop  }
0xb1: {  	[spmem:s1] =	stream.indirect.scatter.add.f32 [tilespmem:s21], [sflag:$0x3], $0x10, s26, s19, $0xb8;
	[tilespmem:$0x15358] =	vst v63  }
0xb2: {  	_ =	swait.ge [sflag:s28], $0x2000  }
0xb3: {  	[sflag:s28] =	ssyncset.done $0x0  }
0xb4: {  	[sflag:s28] =	ssyncadd.s32 $0xFFFFE000  }
0xb5: {  	_ =	swait.ge [sflag:s28], $0x2000  }
0xb6: {  	[sflag:s28] =	ssyncset.done $0x0  }
0xb7: {  	[sflag:s28] =	ssyncadd.s32 $0xFFFFE000  }
0xb8: {  	[spmem:s1] =	stream.indirect.scatter.add.f32 [tilespmem:s22], [sflag:$0x4], $0x10, s17, s19, $0xb8;
	[tilespmem:$0x15358] =	vst v63  }
0xb9: {  	_ = 	snop  }
0xba: {  	[spmem:s1] =	stream.indirect.scatter.add.f32 [tilespmem:s24], [sflag:$0x4], $0x10, s29, s19, $0xb8;
	[tilespmem:$0x15358] =	vst v63  }
0xbb: {  	_ =	swait.ge [sflag:s30], $0x2000  }
0xbc: {  	[sflag:s30] =	ssyncset.done $0x0  }
0xbd: {  	[sflag:s30] =	ssyncadd.s32 $0xFFFFE000  }
0xbe: {  	_ =	swait.ge [sflag:s30], $0x2000  }
0xbf: {  	[sflag:s30] =	ssyncset.done $0x0  }
0xc0: {  	[sflag:s30] =	ssyncadd.s32 $0xFFFFE000  }
0xc1: {  	_ =	swait.ge [sflag:s31], $0x2000  }
0xc2: {  	[sflag:s31] =	ssyncset.done $0x0  }
0xc3: {  	[sflag:s31] =	ssyncadd.s32 $0xFFFFE000  }
0xc4: {  	_ =	swait.ge [sflag:s31], $0x2000  }
0xc5: {  	[sflag:s31] =	ssyncset.done $0x0  }
0xc6: {  	[sflag:s31] =	ssyncadd.s32 $0xFFFFE000  }
0xc7: {  	s11 =	rddreg [dreg:$0x5];
	[bflag:$0x0] =	sbarrier.arrive $0xFFFF  }
0xc8: {  	s2 =	sadd.s32 $0x1, s2;
	s0 =	sadd.s32 s11, s10;
	s6 =	rddreg [dreg:$0x7]  }
0xc9: {  	p0 =	sne.s32 s2, $0x4;
	s0 =	sadd.s32 s12, s0;
	s7 =	rddreg [dreg:$0x8]  }
0xca: {  	[hbm:s0], [sflag:s6] =	dma.local [spmem:s7], $0x186A  }
.Ltmp1:
0xcb: {  	_ =	swait.ge [sflag:s13], $0x186A;
	(pc) =	sbr.rel @p0 .LBB2_2-.Ltmp1, $4  }
0xcc: {  	[sflag:s13] =	ssyncset.done $0x0  }
0xcd: {  	[sflag:s13] =	ssyncadd.s32 $0xFFFFE796  }
0xce: {  	[bflag:$0x0] =	sbarrier.arrive $0xFFFF  }
0xcf: {  	s5 =	smov.u32 s12  }
0xd0: {  	s2 =	rddreg [dreg:$0x9]  }
0xd1: {  	s0 =	rddreg [dreg:$0x6];
	s2 =	sadd.s32 $0x1, s2  }
0xd2: {  	p0 =	sne.s32 s2, s0  }
.Ltmp2:
0xd3: {  	_ = 	snop;
	(pc) =	sbr.rel @p0 .LBB2_1-.Ltmp2, $1  }
0xd4: {  	_ =	sdelay $0x3  }
0xd5: {  	_ =	sfence.sel $0x180000  }
0xd6: {  	[bflag:$0x0] =	sbarrier.arrive $0xFFFF  }
0xd7: {  	_ =	strace $0x9000004D  }
0xd8: {  	s0 =	stileid.u32;
	[bflag:$0x2] =	sbarrier.arrive $0xFFFF  }
0xd9: {  	p0 =	sne.s32 s0, $0x0;
	s0 =	rddreg [dreg:$0x2]  }
0xda: {  	s0 =	sadd.s32 @!p0 $0x100000, s0  }
0xdb: {  	[sflag:s0] =	ssyncadd.tile.s32 @!p0 $0x1;
	_ =	shalt  }
.Lfunc_end2:
_tile_overlayer_lowered:
.L_overlay_start_2:
0xdc: {  	(tag) =	ssettag $0x2  }
0xdd: {  	s0 =	rddreg [dreg:$0x0];
	s2 =	stileid.u32  }
0xde: {  	s1 =	rddreg [dreg:$0x1];
	p0 =	sne.s32 s2, $0x0  }
0xdf: {  	s3 =	rddreg [dreg:$0x2];
	[bflag:$0x3] =	sbarrier.arrive $0xFFFF;
	s2 =	simm.s32 @!p0 $0x1C06  }
0xe0: {  	[timem:s3], [sflag:s2] =	dma.local @!p0 [hbm:s0], s1  }
0xe1: {  	s0 =	simm.s32 @!p0 $0x6  }
0xe2: {  	_ =	swait.ge @!p0 [sflag:s0], s1  }
0xe3: {  	s1 =	ssub.s32 @!p0 $0x0, s1;
	[sflag:s0] =	ssyncset.done @!p0 $0x0  }
0xe4: {  	[sflag:s0] =	ssyncadd.s32 @!p0 s1  }
0xe5: {  	[bflag:$0x3] =	sbarrier.arrive $0xFFFF  }
0xe6: {  	_ =	shalt  }

</sc_bundles>
